<compile_context>
chip_gen: v7x
topology: tpu7x:2x2x1
jax: 0.10.2.dev20260603
libtpu: 0.0.44.dev20260713+nightly
codegen_flags: <defaults>
</compile_context>

<pallas_src>
import functools

import jax
import jax.numpy as jnp
from jax import lax
from jax.experimental import pallas as pl
from jax.experimental.pallas import tpu as pltpu
from jax.experimental.pallas import tpu_sc as plsc

N = 10000
E = 160000
NSUB = 16
NCORE = 2
BE = 64
NB = 160
EP = NSUB * BE * NB
EPT = EP // (NCORE * NSUB)
NBE = NB * BE
ROWS_PER_TILE = N // NSUB
M_BLK = 2000
M_GRID = N // M_BLK

_mesh = plsc.VectorSubcoreMesh(core_axis_name="c", subcore_axis_name="s")
_sc_params = pltpu.CompilerParams(
    needs_layout_passes=False, use_tc_tiling_on_sc=False)


@functools.partial(
    pl.kernel,
    out_type=(
        jax.ShapeDtypeStruct((NCORE * NSUB * N,), jnp.float32),
        jax.ShapeDtypeStruct((NCORE * NSUB * N,), jnp.float32),
    ),
    mesh=_mesh,
    scratch_types=[
        pltpu.VMEM((EPT,), jnp.int32),
        pltpu.VMEM((EPT,), jnp.float32),
        pltpu.VMEM((EPT,), jnp.float32),
        pltpu.VMEM((N,), jnp.float32),
        pltpu.VMEM((N,), jnp.float32),
    ],
    compiler_params=_sc_params,
)
def _degree_sc(dst1, ew1, ones1, degp, cntp, dst_v, ew_v, on_v, dacc, cacc):
    c = lax.axis_index("c")
    s = lax.axis_index("s")
    wid = s * NCORE + c
    pltpu.sync_copy(dst1.at[pl.ds(wid * EPT, EPT)], dst_v)
    pltpu.sync_copy(ew1.at[pl.ds(wid * EPT, EPT)], ew_v)
    pltpu.sync_copy(ones1.at[pl.ds(wid * EPT, EPT)], on_v)

    @pl.loop(0, N // 16)
    def _zero(i):
        sl = pl.ds(i * 16, 16)
        dacc[sl] = jnp.zeros((16,), jnp.float32)
        cacc[sl] = jnp.zeros((16,), jnp.float32)

    @pl.loop(0, EPT // 16)
    def _edges(b):
        sl = pl.ds(b * 16, 16)
        idx = dst_v[sl]
        plsc.addupdate_scatter(dacc, [idx], ew_v[sl])
        plsc.addupdate_scatter(cacc, [idx], on_v[sl])

    pltpu.sync_copy(dacc, degp.at[pl.ds(wid * N, N)])
    pltpu.sync_copy(cacc, cntp.at[pl.ds(wid * N, N)])


CHW = 128


def _make_agg(nch):
    nch_sc = nch // NCORE

    @functools.partial(
        pl.kernel,
        out_type=jax.ShapeDtypeStruct((nch * N, CHW), jnp.float32),
        mesh=_mesh,
        scratch_types=[
            pltpu.VMEM((NBE,), jnp.int32),
            pltpu.VMEM((NB, BE), jnp.int32),
            pltpu.VMEM((NBE,), jnp.float32),
            pltpu.VMEM((BE, CHW), jnp.float32),
            pltpu.VMEM((BE, CHW), jnp.float32),
            pltpu.VMEM_SHARED((N, CHW), jnp.float32),
            pltpu.SemaphoreType.DMA,
            pltpu.SemaphoreType.DMA,
            pltpu.SemaphoreType.DMA,
            pltpu.SemaphoreType.DMA,
        ],
        compiler_params=_sc_params,
    )
    def _agg(g2d, srcf, dst3, ewf, s_out, gidx_v, dst_v, ew_v, gbuf0,
             gbuf1, acc, gsem0, gsem1, ssem0, ssem1):
        c = lax.axis_index("c")
        s = lax.axis_index("s")
        pltpu.sync_copy(dst3.at[s], dst_v)
        pltpu.sync_copy(ewf.at[s], ew_v)

        def fire_gather(b, buf, sem):
            idx = gidx_v.at[pl.ds(b * BE, BE)]
            pltpu.async_copy(g2d.at[idx], buf, sem)

        def wait_gather(b, buf, sem):
            idx = gidx_v.at[pl.ds(b * BE, BE)]
            pltpu.make_async_copy(g2d.at[idx], buf, sem).wait()

        def fire_scatter(b, buf, sem):
            pltpu.async_copy(buf, acc.at[dst_v.at[b]], sem, add=True)

        def wait_scatter(b, buf, sem):
            pltpu.make_async_copy(buf, acc.at[dst_v.at[b]], sem).wait()

        def scale(b, buf):
            @pl.loop(0, BE)
            def _scale(e):
                i16 = jnp.full((16,), b * BE + e, dtype=jnp.int32)
                w16 = plsc.load_gather(ew_v, [i16])
                for j in range(CHW // 16):
                    sl = pl.ds(j * 16, 16)
                    buf[e, sl] = buf[e, sl] * w16

        for k in range(nch_sc):
            chunk = c * nch_sc + k

            @pl.loop(0, BE)
            def _zb(r):
                for j in range(CHW // 16):
                    gbuf0[r, pl.ds(j * 16, 16)] = jnp.zeros((16,), jnp.float32)

            for p in range(ROWS_PER_TILE // BE):
                pltpu.sync_copy(
                    gbuf0, acc.at[pl.ds(s * ROWS_PER_TILE + p * BE, BE)])
            _rem = ROWS_PER_TILE % BE
            if _rem:
                pltpu.sync_copy(
                    gbuf0.at[pl.ds(0, _rem)],
                    acc.at[pl.ds(s * ROWS_PER_TILE + ROWS_PER_TILE - _rem,
                                 _rem)])

            pltpu.sync_copy(srcf.at[s], gidx_v)

            @pl.loop(0, NBE // 16)
            def _ix(i):
                sl = pl.ds(i * 16, 16)
                gidx_v[sl] = gidx_v[sl] * nch + chunk

            fire_gather(0, gbuf0, gsem0)
            plsc.subcore_barrier()

            @pl.loop(0, NB // 2)
            def _pair(p):
                b0 = p * 2
                b1 = b0 + 1

                @pl.when(p > 0)
                def _():
                    wait_scatter(b0 - 1, gbuf1, ssem1)

                fire_gather(b1, gbuf1, gsem1)
                wait_gather(b0, gbuf0, gsem0)
                scale(b0, gbuf0)
                fire_scatter(b0, gbuf0, ssem0)
                wait_gather(b1, gbuf1, gsem1)
                wait_scatter(b0, gbuf0, ssem0)

                @pl.when(b1 + 1 < NB)
                def _():
                    fire_gather(b1 + 1, gbuf0, gsem0)

                scale(b1, gbuf1)
                fire_scatter(b1, gbuf1, ssem1)

            wait_scatter(NB - 1, gbuf1, ssem1)
            plsc.subcore_barrier()
            pltpu.sync_copy(
                acc.at[pl.ds(s * ROWS_PER_TILE, ROWS_PER_TILE)],
                s_out.at[pl.ds(chunk * N + s * ROWS_PER_TILE, ROWS_PER_TILE)])

    return _agg


_agg2 = _make_agg(2)
_agg4 = _make_agg(4)


def _prep_body(x_ref, degp_ref, cntp_ref, g1_ref, dinv_ref, a_ref):
    deg = jnp.sum(degp_ref[...], axis=1, keepdims=True) + 1.0
    cnt = jnp.sum(cntp_ref[...], axis=1, keepdims=True) + 1.0
    dinv = jnp.where(deg > 0, lax.rsqrt(deg), 0.0)
    dinv_ref[...] = dinv
    a_ref[...] = dinv / cnt
    g1_ref[...] = x_ref[...] * dinv


def _prep(x, degpT, cntpT):
    return pl.pallas_call(
        _prep_body,
        grid=(M_GRID,),
        in_specs=[
            pl.BlockSpec((M_BLK, 256), lambda m: (m, 0)),
            pl.BlockSpec((M_BLK, NCORE * NSUB), lambda m: (m, 0)),
            pl.BlockSpec((M_BLK, NCORE * NSUB), lambda m: (m, 0)),
        ],
        out_specs=[
            pl.BlockSpec((M_BLK, 256), lambda m: (m, 0)),
            pl.BlockSpec((M_BLK, 1), lambda m: (m, 0)),
            pl.BlockSpec((M_BLK, 1), lambda m: (m, 0)),
        ],
        out_shape=[
            jax.ShapeDtypeStruct((N, 256), jnp.float32),
            jax.ShapeDtypeStruct((N, 1), jnp.float32),
            jax.ShapeDtypeStruct((N, 1), jnp.float32),
        ],
    )(x, degpT, cntpT)


def _make_layer(nch, d_out, use_s, prelu, scale_out):

    def body(*refs):
        i = 0
        if use_s:
            s_ref, g_ref, a_ref = refs[0], refs[1], refs[2]
            i = 3
        else:
            g_ref = refs[0]
            i = 1
        w_ref = refs[i]
        i += 1
        if prelu:
            b_ref, al_ref = refs[i], refs[i + 1]
            i += 2
        if scale_out:
            dinv_ref = refs[i]
            i += 1
        out_ref = refs[i]
        k = pl.program_id(1)
        if use_s:
            A = (s_ref[0] + g_ref[...]) * a_ref[...]
        else:
            A = g_ref[...]
        part = jnp.dot(A, w_ref[0], preferred_element_type=jnp.float32)

        @pl.when(k == 0)
        def _():
            out_ref[...] = part

        @pl.when(k > 0)
        def _():
            out_ref[...] += part

        @pl.when(k == nch - 1)
        def _():
            z = out_ref[...]
            if prelu:
                z = z + b_ref[...]
                z = jnp.where(z >= 0, z, al_ref[0, 0] * z)
            if scale_out:
                z = z * dinv_ref[...]
            out_ref[...] = z

    in_specs = []
    if use_s:
        in_specs.append(pl.BlockSpec((1, M_BLK, CHW), lambda m, k: (k, m, 0)))
        in_specs.append(pl.BlockSpec((M_BLK, 128), lambda m, k: (m, k)))
        in_specs.append(pl.BlockSpec((M_BLK, 1), lambda m, k: (m, 0)))
    else:
        in_specs.append(pl.BlockSpec((M_BLK, 128), lambda m, k: (m, k)))
    in_specs.append(pl.BlockSpec((1, 128, d_out), lambda m, k: (k, 0, 0)))
    if prelu:
        in_specs.append(pl.BlockSpec((1, d_out), lambda m, k: (0, 0)))
        in_specs.append(pl.BlockSpec((1, 1), lambda m, k: (0, 0)))
    if scale_out:
        in_specs.append(pl.BlockSpec((M_BLK, 1), lambda m, k: (m, 0)))

    return pl.pallas_call(
        body,
        grid=(M_GRID, nch),
        in_specs=in_specs,
        out_specs=pl.BlockSpec((M_BLK, d_out), lambda m, k: (m, 0)),
        out_shape=jax.ShapeDtypeStruct((N, d_out), jnp.float32),
    )


def _final_body(s_ref, g_ref, a_ref, b_ref, out_ref):
    scat = jnp.concatenate([s_ref[0], s_ref[1]], axis=1)
    z = (scat + g_ref[...]) * a_ref[...] + b_ref[...]
    out_ref[...] = (jax.nn.sigmoid(z) - 0.5) * 2.0


def _final(s3, g3, a_, b3):
    return pl.pallas_call(
        _final_body,
        grid=(M_GRID,),
        in_specs=[
            pl.BlockSpec((2, M_BLK, CHW), lambda m: (0, m, 0)),
            pl.BlockSpec((M_BLK, 256), lambda m: (m, 0)),
            pl.BlockSpec((M_BLK, 1), lambda m: (m, 0)),
            pl.BlockSpec((1, 256), lambda m: (0, 0)),
        ],
        out_specs=pl.BlockSpec((M_BLK, 256), lambda m: (m, 0)),
        out_shape=jax.ShapeDtypeStruct((N, 256), jnp.float32),
    )(s3, g3, a_, b3)


def kernel(x, edge_index, edge_attr, W1, b1, W2, b2, W3, b3, a1, a2):
    src = edge_index[0].astype(jnp.int32)
    dst = edge_index[1].astype(jnp.int32)
    ew = edge_attr.astype(jnp.float32)
    pad = EP - E
    srcp = jnp.pad(src, (0, pad))
    dstp = jnp.pad(dst, (0, pad))
    ewp = jnp.pad(ew, (0, pad))
    onesp = jnp.pad(jnp.ones((E,), jnp.float32), (0, pad))

    degp, cntp = _degree_sc(dstp, ewp, onesp)
    degpT = degp.reshape(NCORE * NSUB, N).T
    cntpT = cntp.reshape(NCORE * NSUB, N).T
    g1, dinv, a_ = _prep(x, degpT, cntpT)

    srcf = srcp.reshape(NSUB, NBE)
    dst3 = dstp.reshape(NSUB, NB, BE)
    ewf = ewp.reshape(NSUB, NBE)

    W1r = W1.reshape(2, 128, 512)
    W2r = W2.reshape(4, 128, 512)
    W3r = W3.reshape(4, 128, 256)

    S1 = _agg2(g1.reshape(2 * N, CHW), srcf, dst3, ewf).reshape(2, N, CHW)
    g2 = _make_layer(2, 512, True, True, True)(
        S1, g1, a_, W1r, b1.reshape(1, 512), a1.reshape(1, 1), dinv)
    S2 = _agg4(g2.reshape(4 * N, CHW), srcf, dst3, ewf).reshape(4, N, CHW)
    h2 = _make_layer(4, 512, True, True, False)(
        S2, g2, a_, W2r, b2.reshape(1, 512), a2.reshape(1, 1))
    g3 = _make_layer(4, 256, False, False, True)(h2, W3r, dinv)
    S3 = _agg2(g3.reshape(2 * N, CHW), srcf, dst3, ewf).reshape(2, N, CHW)
    return _final(S3, g3, a_, b3.reshape(1, 256))

# --- scband reference (transcript-rebuilt; emitter-appended) ---
"""Pipeline reference for scband-gcn-68831145886438 (READ-ONLY COPY).

The authoritative reference and input builder live on the scoring server;
editing this copy changes nothing except your own understanding.
"""

import jax, jax.numpy as jnp
import numpy as np

N_NODES = 10000


def gcn_conv(x, W, b, src, dst, ew, n):
    # gcn_norm with add_self_loops=True, fill_value=1.0
    loop = jnp.arange(n, dtype=src.dtype)
    src2 = jnp.concatenate([src, loop])
    dst2 = jnp.concatenate([dst, loop])
    ew2 = jnp.concatenate([ew, jnp.ones((n,), dtype=ew.dtype)])
    deg = jax.ops.segment_sum(ew2, dst2, num_segments=n)
    dinv = jnp.where(deg > 0, deg ** -0.5, 0.0)
    norm = dinv[src2] * ew2 * dinv[dst2]
    h = x @ W
    msg = norm[:, None] * h[src2]
    summed = jax.ops.segment_sum(msg, dst2, num_segments=n)
    cnt = jax.ops.segment_sum(jnp.ones_like(ew2), dst2, num_segments=n)
    out = summed / jnp.clip(cnt, 1.0, None)[:, None]  # aggr='mean'
    return out + b


def prelu(x, a):
    return jnp.where(x >= 0, x, a * x)


def setup_inputs(seed: int = 0) -> dict:
    key = jax.random.key(seed)
    ks = jax.random.split(key, 12)
    x = jax.random.normal(ks[0], (N_NODES, 256), dtype=jnp.float32)
    edge_index = jax.random.randint(ks[1], (2, 160000), 0, N_NODES, dtype=jnp.int64 if jax.config.jax_enable_x64 else jnp.int32)
    edge_attr = jax.random.uniform(ks[2], (160000,), dtype=jnp.float32)
    W1 = jax.random.normal(ks[3], (256, 512), dtype=jnp.float32) * 0.05
    b1 = jnp.zeros((512,), dtype=jnp.float32)
    W2 = jax.random.normal(ks[4], (512, 512), dtype=jnp.float32) * 0.05
    b2 = jnp.zeros((512,), dtype=jnp.float32)
    W3 = jax.random.normal(ks[5], (512, 256), dtype=jnp.float32) * 0.05
    b3 = jnp.zeros((256,), dtype=jnp.float32)
    a1 = jnp.array(0.25, dtype=jnp.float32)
    a2 = jnp.array(0.25, dtype=jnp.float32)
    return {"x": x, "edge_index": edge_index, "edge_attr": edge_attr,
            "W1": W1, "b1": b1, "W2": W2, "b2": b2, "W3": W3, "b3": b3,
            "a1": a1, "a2": a2}


def reference(x, edge_index, edge_attr, W1, b1, W2, b2, W3, b3, a1, a2):
    src, dst = edge_index[0], edge_index[1]
    n = x.shape[0]
    h = gcn_conv(x, W1, b1, src, dst, edge_attr, n)
    h = prelu(h, a1)
    h = gcn_conv(h, W2, b2, src, dst, edge_attr, n)
    h = prelu(h, a2)
    h = gcn_conv(h, W3, b3, src, dst, edge_attr, n)
    return (jax.nn.sigmoid(h) - 0.5) * 2.0

if __name__ == "__main__":
    import jax
    _d = setup_inputs()
    print(jax.jit(kernel)(*tuple(_d.values())))

</pallas_src>

<mosaic_0001>
#map = affine_map<(d0, d1) -> (0)>
module attributes {stable_mosaic.version = 14 : i64} {
  func.func @_degree_sc(%arg0: i32, %arg1: i32, %arg2: memref<163840xi32, #tpu.memory_space<hbm>>, %arg3: memref<163840xf32, #tpu.memory_space<hbm>>, %arg4: memref<163840xf32, #tpu.memory_space<hbm>>, %arg5: memref<320000xf32, #tpu.memory_space<hbm>>, %arg6: memref<320000xf32, #tpu.memory_space<hbm>>, %arg7: memref<5120xi32, #tpu.memory_space<vmem>>, %arg8: memref<5120xf32, #tpu.memory_space<vmem>>, %arg9: memref<5120xf32, #tpu.memory_space<vmem>>, %arg10: memref<10000xf32, #tpu.memory_space<vmem>>, %arg11: memref<10000xf32, #tpu.memory_space<vmem>>) attributes {dimension_semantics = [#tpu.dimension_semantics<core_parallel>, #tpu.dimension_semantics<subcore_parallel>], iteration_bounds = array<i64: 2, 16>, scalar_prefetch = 0 : i64, scratch_operands = 5 : i64, tpu.core_type = #tpu.core_type<sc_vector_subcore>, window_params = [{transform_indices = #map}, {transform_indices = #map}, {transform_indices = #map}, {transform_indices = #map}, {transform_indices = #map}]} {
    %mul3A = arith.constant 2 : i32
    %mul3A_0 = arith.muli %arg1, %mul3A : i32
    %add3A = arith.addi %mul3A_0, %arg0 : i32
    %mul3A_1 = arith.constant 5120 : i32
    %mul3A_2 = arith.muli %add3A, %mul3A_1 : i32
    "tpu.region"() ({
      %run_scoped3A = tpu.sem_alloc : memref<!tpu.dma_semaphore, #tpu.memory_space<semaphore_mem>>
      %dma_start3A = tpu.memref_slice %arg2[%mul3A_2] : memref<163840xi32, #tpu.memory_space<hbm>> -> memref<5120xi32, #tpu.memory_space<hbm>>
      %dma_start3A_20 = tpu.memref_slice %arg2[%mul3A_2] : memref<163840xi32, #tpu.memory_space<hbm>> -> memref<5120xi32, #tpu.memory_space<hbm>>
      tpu.enqueue_dma source(%dma_start3A_20 : memref<5120xi32, #tpu.memory_space<hbm>>) target(%arg7 : memref<5120xi32, #tpu.memory_space<vmem>>) target_semaphore(%run_scoped3A : memref<!tpu.dma_semaphore, #tpu.memory_space<semaphore_mem>>)
      %dma_wait3A = tpu.memref_slice %arg2[%mul3A_2] : memref<163840xi32, #tpu.memory_space<hbm>> -> memref<5120xi32, #tpu.memory_space<hbm>>
      %dma_wait3A_21 = tpu.memref_slice %arg2[%mul3A_2] : memref<163840xi32, #tpu.memory_space<hbm>> -> memref<5120xi32, #tpu.memory_space<hbm>>
      tpu.wait_dma2 semaphore(%run_scoped3A : memref<!tpu.dma_semaphore, #tpu.memory_space<semaphore_mem>>) src(%dma_wait3A_21 : memref<5120xi32, #tpu.memory_space<hbm>>) dst(%arg7 : memref<5120xi32, #tpu.memory_space<vmem>>)
      tpu.yield
    }) : () -> ()
    %mul3A_3 = arith.constant 5120 : i32
    %mul3A_4 = arith.muli %add3A, %mul3A_3 : i32
    "tpu.region"() ({
      %run_scoped3A = tpu.sem_alloc : memref<!tpu.dma_semaphore, #tpu.memory_space<semaphore_mem>>
      %dma_start3A = tpu.memref_slice %arg3[%mul3A_4] : memref<163840xf32, #tpu.memory_space<hbm>> -> memref<5120xf32, #tpu.memory_space<hbm>>
      %dma_start3A_20 = tpu.memref_slice %arg3[%mul3A_4] : memref<163840xf32, #tpu.memory_space<hbm>> -> memref<5120xf32, #tpu.memory_space<hbm>>
      tpu.enqueue_dma source(%dma_start3A_20 : memref<5120xf32, #tpu.memory_space<hbm>>) target(%arg8 : memref<5120xf32, #tpu.memory_space<vmem>>) target_semaphore(%run_scoped3A : memref<!tpu.dma_semaphore, #tpu.memory_space<semaphore_mem>>)
      %dma_wait3A = tpu.memref_slice %arg3[%mul3A_4] : memref<163840xf32, #tpu.memory_space<hbm>> -> memref<5120xf32, #tpu.memory_space<hbm>>
      %dma_wait3A_21 = tpu.memref_slice %arg3[%mul3A_4] : memref<163840xf32, #tpu.memory_space<hbm>> -> memref<5120xf32, #tpu.memory_space<hbm>>
      tpu.wait_dma2 semaphore(%run_scoped3A : memref<!tpu.dma_semaphore, #tpu.memory_space<semaphore_mem>>) src(%dma_wait3A_21 : memref<5120xf32, #tpu.memory_space<hbm>>) dst(%arg8 : memref<5120xf32, #tpu.memory_space<vmem>>)
      tpu.yield
    }) : () -> ()
    %mul3A_5 = arith.constant 5120 : i32
    %mul3A_6 = arith.muli %add3A, %mul3A_5 : i32
    "tpu.region"() ({
      %run_scoped3A = tpu.sem_alloc : memref<!tpu.dma_semaphore, #tpu.memory_space<semaphore_mem>>
      %dma_start3A = tpu.memref_slice %arg4[%mul3A_6] : memref<163840xf32, #tpu.memory_space<hbm>> -> memref<5120xf32, #tpu.memory_space<hbm>>
      %dma_start3A_20 = tpu.memref_slice %arg4[%mul3A_6] : memref<163840xf32, #tpu.memory_space<hbm>> -> memref<5120xf32, #tpu.memory_space<hbm>>
      tpu.enqueue_dma source(%dma_start3A_20 : memref<5120xf32, #tpu.memory_space<hbm>>) target(%arg9 : memref<5120xf32, #tpu.memory_space<vmem>>) target_semaphore(%run_scoped3A : memref<!tpu.dma_semaphore, #tpu.memory_space<semaphore_mem>>)
      %dma_wait3A = tpu.memref_slice %arg4[%mul3A_6] : memref<163840xf32, #tpu.memory_space<hbm>> -> memref<5120xf32, #tpu.memory_space<hbm>>
      %dma_wait3A_21 = tpu.memref_slice %arg4[%mul3A_6] : memref<163840xf32, #tpu.memory_space<hbm>> -> memref<5120xf32, #tpu.memory_space<hbm>>
      tpu.wait_dma2 semaphore(%run_scoped3A : memref<!tpu.dma_semaphore, #tpu.memory_space<semaphore_mem>>) src(%dma_wait3A_21 : memref<5120xf32, #tpu.memory_space<hbm>>) dst(%arg9 : memref<5120xf32, #tpu.memory_space<vmem>>)
      tpu.yield
    }) : () -> ()
    %scan3A = arith.constant 0 : i32
    %scan3A_7 = arith.constant 625 : i32
    %scan3A_8 = arith.addi %scan3A, %scan3A_7 : i32
    %scan3A_9 = arith.constant 1 : i32
    scf.for %scan3A_20 = %scan3A to %scan3A_8 step %scan3A_9  : i32 {
      %mul3A_21 = arith.constant 1 : i32
      %mul3A_22 = arith.muli %scan3A_20, %mul3A_21 : i32
      %add3A_23 = arith.constant 0 : i32
      %add3A_24 = arith.addi %add3A_23, %mul3A_22 : i32
      %mul3A_25 = arith.constant 16 : i32
      %mul3A_26 = arith.muli %add3A_24, %mul3A_25 : i32
      %broadcast_in_dim3A = arith.constant 0.000000e+00 : f32
      %broadcast_in_dim3A_27 = vector.broadcast %broadcast_in_dim3A : f32 to vector<16xf32>
      %swap3A = arith.index_cast %mul3A_26 : i32 to index
      %swap3A_28 = tpu.vector_load %arg10[%swap3A] {strides = array<i32>} : memref<10000xf32, #tpu.memory_space<vmem>>, vector<16xf32>,
      tpu.vector_store %arg10[%swap3A], %broadcast_in_dim3A_27 {strides = array<i32>} : memref<10000xf32, #tpu.memory_space<vmem>>, vector<16xf32>,
      %broadcast_in_dim3A_29 = arith.constant 0.000000e+00 : f32
      %broadcast_in_dim3A_30 = vector.broadcast %broadcast_in_dim3A_29 : f32 to vector<16xf32>
      %swap3A_31 = arith.index_cast %mul3A_26 : i32 to index
      %swap3A_32 = tpu.vector_load %arg11[%swap3A_31] {strides = array<i32>} : memref<10000xf32, #tpu.memory_space<vmem>>, vector<16xf32>,
      tpu.vector_store %arg11[%swap3A_31], %broadcast_in_dim3A_30 {strides = array<i32>} : memref<10000xf32, #tpu.memory_space<vmem>>, vector<16xf32>,
    }
    %scan3A_10 = arith.constant 625 : i32
    %scan3A_11 = arith.constant 0 : i32
    %scan3A_12 = arith.constant 320 : i32
    %scan3A_13 = arith.addi %scan3A_11, %scan3A_12 : i32
    %scan3A_14 = arith.constant 1 : i32
    scf.for %scan3A_20 = %scan3A_11 to %scan3A_13 step %scan3A_14  : i32 {
      %mul3A_21 = arith.constant 1 : i32
      %mul3A_22 = arith.muli %scan3A_20, %mul3A_21 : i32
      %add3A_23 = arith.constant 0 : i32
      %add3A_24 = arith.addi %add3A_23, %mul3A_22 : i32
      %mul3A_25 = arith.constant 16 : i32
      %mul3A_26 = arith.muli %add3A_24, %mul3A_25 : i32
      %get3A = arith.index_cast %mul3A_26 : i32 to index
      %get3A_27 = tpu.vector_load %arg7[%get3A] {strides = array<i32>} : memref<5120xi32, #tpu.memory_space<vmem>>, vector<16xi32>,
      %get3A_28 = arith.index_cast %mul3A_26 : i32 to index
      %get3A_29 = tpu.vector_load %arg8[%get3A_28] {strides = array<i32>} : memref<5120xf32, #tpu.memory_space<vmem>>, vector<16xf32>,
      tpu.vector_store_idx %arg10[%get3A_27], %get3A_29 {add = true} : memref<10000xf32, #tpu.memory_space<vmem>>[vector<16xi32>], vector<16xf32>,
      %get3A_30 = arith.index_cast %mul3A_26 : i32 to index
      %get3A_31 = tpu.vector_load %arg9[%get3A_30] {strides = array<i32>} : memref<5120xf32, #tpu.memory_space<vmem>>, vector<16xf32>,
      tpu.vector_store_idx %arg11[%get3A_27], %get3A_31 {add = true} : memref<10000xf32, #tpu.memory_space<vmem>>[vector<16xi32>], vector<16xf32>,
    }
    %scan3A_15 = arith.constant 320 : i32
    %mul3A_16 = arith.constant 10000 : i32
    %mul3A_17 = arith.muli %add3A, %mul3A_16 : i32
    "tpu.region"() ({
      %run_scoped3A = tpu.sem_alloc : memref<!tpu.dma_semaphore, #tpu.memory_space<semaphore_mem>>
      %dma_start3A = tpu.memref_slice %arg5[%mul3A_17] : memref<320000xf32, #tpu.memory_space<hbm>> -> memref<10000xf32, #tpu.memory_space<hbm>>
      %dma_start3A_20 = tpu.memref_slice %arg5[%mul3A_17] : memref<320000xf32, #tpu.memory_space<hbm>> -> memref<10000xf32, #tpu.memory_space<hbm>>
      tpu.enqueue_dma source(%arg10 : memref<10000xf32, #tpu.memory_space<vmem>>) target(%dma_start3A_20 : memref<10000xf32, #tpu.memory_space<hbm>>) target_semaphore(%run_scoped3A : memref<!tpu.dma_semaphore, #tpu.memory_space<semaphore_mem>>)
      %dma_wait3A = tpu.memref_slice %arg5[%mul3A_17] : memref<320000xf32, #tpu.memory_space<hbm>> -> memref<10000xf32, #tpu.memory_space<hbm>>
      %dma_wait3A_21 = tpu.memref_slice %arg5[%mul3A_17] : memref<320000xf32, #tpu.memory_space<hbm>> -> memref<10000xf32, #tpu.memory_space<hbm>>
      tpu.wait_dma2 semaphore(%run_scoped3A : memref<!tpu.dma_semaphore, #tpu.memory_space<semaphore_mem>>) src(%arg10 : memref<10000xf32, #tpu.memory_space<vmem>>) dst(%dma_wait3A_21 : memref<10000xf32, #tpu.memory_space<hbm>>)
      tpu.yield
    }) : () -> ()
    %mul3A_18 = arith.constant 10000 : i32
    %mul3A_19 = arith.muli %add3A, %mul3A_18 : i32
    "tpu.region"() ({
      %run_scoped3A = tpu.sem_alloc : memref<!tpu.dma_semaphore, #tpu.memory_space<semaphore_mem>>
      %dma_start3A = tpu.memref_slice %arg6[%mul3A_19] : memref<320000xf32, #tpu.memory_space<hbm>> -> memref<10000xf32, #tpu.memory_space<hbm>>
      %dma_start3A_20 = tpu.memref_slice %arg6[%mul3A_19] : memref<320000xf32, #tpu.memory_space<hbm>> -> memref<10000xf32, #tpu.memory_space<hbm>>
      tpu.enqueue_dma source(%arg11 : memref<10000xf32, #tpu.memory_space<vmem>>) target(%dma_start3A_20 : memref<10000xf32, #tpu.memory_space<hbm>>) target_semaphore(%run_scoped3A : memref<!tpu.dma_semaphore, #tpu.memory_space<semaphore_mem>>)
      %dma_wait3A = tpu.memref_slice %arg6[%mul3A_19] : memref<320000xf32, #tpu.memory_space<hbm>> -> memref<10000xf32, #tpu.memory_space<hbm>>
      %dma_wait3A_21 = tpu.memref_slice %arg6[%mul3A_19] : memref<320000xf32, #tpu.memory_space<hbm>> -> memref<10000xf32, #tpu.memory_space<hbm>>
      tpu.wait_dma2 semaphore(%run_scoped3A : memref<!tpu.dma_semaphore, #tpu.memory_space<semaphore_mem>>) src(%arg11 : memref<10000xf32, #tpu.memory_space<vmem>>) dst(%dma_wait3A_21 : memref<10000xf32, #tpu.memory_space<hbm>>)
      tpu.yield
    }) : () -> ()
    return
  }
}

#map = affine_map<(d0, d1) -> (0, 0)>
#map1 = affine_map<(d0, d1) -> (0, 0, 0)>
module attributes {stable_mosaic.version = 14 : i64} {
  func.func @_agg(%arg0: i32, %arg1: i32, %arg2: memref<20000x128xf32, #tpu.memory_space<hbm>>, %arg3: memref<16x10240xi32, #tpu.memory_space<hbm>>, %arg4: memref<16x160x64xi32, #tpu.memory_space<hbm>>, %arg5: memref<16x10240xf32, #tpu.memory_space<hbm>>, %arg6: memref<20000x128xf32, #tpu.memory_space<hbm>>, %arg7: memref<10240xi32, #tpu.memory_space<vmem>>, %arg8: memref<160x64xi32, #tpu.memory_space<vmem>>, %arg9: memref<10240xf32, #tpu.memory_space<vmem>>, %arg10: memref<64x128xf32, #tpu.memory_space<vmem>>, %arg11: memref<64x128xf32, #tpu.memory_space<vmem>>, %arg12: memref<10000x128xf32, #tpu.memory_space<vmem_shared>>, %arg13: memref<!tpu.dma_semaphore, #tpu.memory_space<semaphore_mem>>, %arg14: memref<!tpu.dma_semaphore, #tpu.memory_space<semaphore_mem>>, %arg15: memref<!tpu.dma_semaphore, #tpu.memory_space<semaphore_mem>>, %arg16: memref<!tpu.dma_semaphore, #tpu.memory_space<semaphore_mem>>) attributes {dimension_semantics = [#tpu.dimension_semantics<core_parallel>, #tpu.dimension_semantics<subcore_parallel>], iteration_bounds = array<i64: 2, 16>, scalar_prefetch = 0 : i64, scratch_operands = 10 : i64, tpu.core_type = #tpu.core_type<sc_vector_subcore>, window_params = [{transform_indices = #map}, {transform_indices = #map}, {transform_indices = #map1}, {transform_indices = #map}, {transform_indices = #map}]} {
    "tpu.region"() ({
      %run_scoped3A = tpu.sem_alloc : memref<!tpu.dma_semaphore, #tpu.memory_space<semaphore_mem>>
      %dma_start3A_75 = arith.constant 0 : i32
      %dma_start3A_76 = arith.constant 0 : i32
      %dma_start3A_77 = tpu.memref_slice %arg4[%arg1, %dma_start3A_75, %dma_start3A_76] : memref<16x160x64xi32, #tpu.memory_space<hbm>> -> memref<1x160x64xi32, #tpu.memory_space<hbm>>
      %dma_start3A_78 = tpu.memref_squeeze %dma_start3A_77 : memref<1x160x64xi32, #tpu.memory_space<hbm>> -> memref<160x64xi32, #tpu.memory_space<hbm>>
      %dma_start3A_79 = arith.constant 0 : i32
      %dma_start3A_80 = arith.constant 0 : i32
      %dma_start3A_81 = tpu.memref_slice %arg4[%arg1, %dma_start3A_79, %dma_start3A_80] : memref<16x160x64xi32, #tpu.memory_space<hbm>> -> memref<1x160x64xi32, #tpu.memory_space<hbm>>
      %dma_start3A_82 = tpu.memref_squeeze %dma_start3A_81 : memref<1x160x64xi32, #tpu.memory_space<hbm>> -> memref<160x64xi32, #tpu.memory_space<hbm>>
      tpu.enqueue_dma source(%dma_start3A_82 : memref<160x64xi32, #tpu.memory_space<hbm>>) target(%arg8 : memref<160x64xi32, #tpu.memory_space<vmem>>) target_semaphore(%run_scoped3A : memref<!tpu.dma_semaphore, #tpu.memory_space<semaphore_mem>>)
      %dma_wait3A_83 = arith.constant 0 : i32
      %dma_wait3A_84 = arith.constant 0 : i32
      %dma_wait3A_85 = tpu.memref_slice %arg4[%arg1, %dma_wait3A_83, %dma_wait3A_84] : memref<16x160x64xi32, #tpu.memory_space<hbm>> -> memref<1x160x64xi32, #tpu.memory_space<hbm>>
      %dma_wait3A_86 = tpu.memref_squeeze %dma_wait3A_85 : memref<1x160x64xi32, #tpu.memory_space<hbm>> -> memref<160x64xi32, #tpu.memory_space<hbm>>
      %dma_wait3A_87 = arith.constant 0 : i32
      %dma_wait3A_88 = arith.constant 0 : i32
      %dma_wait3A_89 = tpu.memref_slice %arg4[%arg1, %dma_wait3A_87, %dma_wait3A_88] : memref<16x160x64xi32, #tpu.memory_space<hbm>> -> memref<1x160x64xi32, #tpu.memory_space<hbm>>
      %dma_wait3A_90 = tpu.memref_squeeze %dma_wait3A_89 : memref<1x160x64xi32, #tpu.memory_space<hbm>> -> memref<160x64xi32, #tpu.memory_space<hbm>>
      tpu.wait_dma2 semaphore(%run_scoped3A : memref<!tpu.dma_semaphore, #tpu.memory_space<semaphore_mem>>) src(%dma_wait3A_90 : memref<160x64xi32, #tpu.memory_space<hbm>>) dst(%arg8 : memref<160x64xi32, #tpu.memory_space<vmem>>)
      tpu.yield
    }) : () -> ()
    "tpu.region"() ({
      %run_scoped3A = tpu.sem_alloc : memref<!tpu.dma_semaphore, #tpu.memory_space<semaphore_mem>>
      %dma_start3A_75 = arith.constant 0 : i32
      %dma_start3A_76 = tpu.memref_slice %arg5[%arg1, %dma_start3A_75] : memref<16x10240xf32, #tpu.memory_space<hbm>> -> memref<1x10240xf32, #tpu.memory_space<hbm>>
      %dma_start3A_77 = tpu.memref_squeeze %dma_start3A_76 : memref<1x10240xf32, #tpu.memory_space<hbm>> -> memref<10240xf32, #tpu.memory_space<hbm>>
      %dma_start3A_78 = arith.constant 0 : i32
      %dma_start3A_79 = tpu.memref_slice %arg5[%arg1, %dma_start3A_78] : memref<16x10240xf32, #tpu.memory_space<hbm>> -> memref<1x10240xf32, #tpu.memory_space<hbm>>
      %dma_start3A_80 = tpu.memref_squeeze %dma_start3A_79 : memref<1x10240xf32, #tpu.memory_space<hbm>> -> memref<10240xf32, #tpu.memory_space<hbm>>
      tpu.enqueue_dma source(%dma_start3A_80 : memref<10240xf32, #tpu.memory_space<hbm>>) target(%arg9 : memref<10240xf32, #tpu.memory_space<vmem>>) target_semaphore(%run_scoped3A : memref<!tpu.dma_semaphore, #tpu.memory_space<semaphore_mem>>)
      %dma_wait3A_81 = arith.constant 0 : i32
      %dma_wait3A_82 = tpu.memref_slice %arg5[%arg1, %dma_wait3A_81] : memref<16x10240xf32, #tpu.memory_space<hbm>> -> memref<1x10240xf32, #tpu.memory_space<hbm>>
      %dma_wait3A_83 = tpu.memref_squeeze %dma_wait3A_82 : memref<1x10240xf32, #tpu.memory_space<hbm>> -> memref<10240xf32, #tpu.memory_space<hbm>>
      %dma_wait3A_84 = arith.constant 0 : i32
      %dma_wait3A_85 = tpu.memref_slice %arg5[%arg1, %dma_wait3A_84] : memref<16x10240xf32, #tpu.memory_space<hbm>> -> memref<1x10240xf32, #tpu.memory_space<hbm>>
      %dma_wait3A_86 = tpu.memref_squeeze %dma_wait3A_85 : memref<1x10240xf32, #tpu.memory_space<hbm>> -> memref<10240xf32, #tpu.memory_space<hbm>>
      tpu.wait_dma2 semaphore(%run_scoped3A : memref<!tpu.dma_semaphore, #tpu.memory_space<semaphore_mem>>) src(%dma_wait3A_86 : memref<10240xf32, #tpu.memory_space<hbm>>) dst(%arg9 : memref<10240xf32, #tpu.memory_space<vmem>>)
      tpu.yield
    }) : () -> ()
    %mul3A = arith.constant 1 : i32
    %mul3A_0 = arith.muli %arg0, %mul3A : i32
    %add3A = arith.constant 0 : i32
    %add3A_1 = arith.addi %mul3A_0, %add3A : i32
    %scan3A = arith.constant 0 : i32
    %scan3A_2 = arith.constant 64 : i32
    %scan3A_3 = arith.addi %scan3A, %scan3A_2 : i32
    %scan3A_4 = arith.constant 1 : i32
    scf.for %scan3A_75 = %scan3A to %scan3A_3 step %scan3A_4  : i32 {
      %mul3A_76 = arith.constant 1 : i32
      %mul3A_77 = arith.muli %scan3A_75, %mul3A_76 : i32
      %add3A_78 = arith.constant 0 : i32
      %add3A_79 = arith.addi %add3A_78, %mul3A_77 : i32
      %broadcast_in_dim3A = arith.constant 0.000000e+00 : f32
      %broadcast_in_dim3A_80 = vector.broadcast %broadcast_in_dim3A : f32 to vector<16xf32>
      %swap3A = arith.index_cast %add3A_79 : i32 to index
      %swap3A_81 = arith.constant 0 : index
      %swap3A_82 = tpu.vector_load %arg10[%swap3A, %swap3A_81] {strides = array<i32>} : memref<64x128xf32, #tpu.memory_space<vmem>>, vector<16xf32>,
      tpu.vector_store %arg10[%swap3A, %swap3A_81], %broadcast_in_dim3A_80 {strides = array<i32>} : memref<64x128xf32, #tpu.memory_space<vmem>>, vector<16xf32>,
      %broadcast_in_dim3A_83 = arith.constant 0.000000e+00 : f32
      %broadcast_in_dim3A_84 = vector.broadcast %broadcast_in_dim3A_83 : f32 to vector<16xf32>
      %swap3A_85 = arith.index_cast %add3A_79 : i32 to index
      %swap3A_86 = arith.constant 16 : index
      %swap3A_87 = tpu.vector_load %arg10[%swap3A_85, %swap3A_86] {strides = array<i32>} : memref<64x128xf32, #tpu.memory_space<vmem>>, vector<16xf32>,
      tpu.vector_store %arg10[%swap3A_85, %swap3A_86], %broadcast_in_dim3A_84 {strides = array<i32>} : memref<64x128xf32, #tpu.memory_space<vmem>>, vector<16xf32>,
      %broadcast_in_dim3A_88 = arith.constant 0.000000e+00 : f32
      %broadcast_in_dim3A_89 = vector.broadcast %broadcast_in_dim3A_88 : f32 to vector<16xf32>
      %swap3A_90 = arith.index_cast %add3A_79 : i32 to index
      %swap3A_91 = arith.constant 32 : index
      %swap3A_92 = tpu.vector_load %arg10[%swap3A_90, %swap3A_91] {strides = array<i32>} : memref<64x128xf32, #tpu.memory_space<vmem>>, vector<16xf32>,
      tpu.vector_store %arg10[%swap3A_90, %swap3A_91], %broadcast_in_dim3A_89 {strides = array<i32>} : memref<64x128xf32, #tpu.memory_space<vmem>>, vector<16xf32>,
      %broadcast_in_dim3A_93 = arith.constant 0.000000e+00 : f32
      %broadcast_in_dim3A_94 = vector.broadcast %broadcast_in_dim3A_93 : f32 to vector<16xf32>
      %swap3A_95 = arith.index_cast %add3A_79 : i32 to index
      %swap3A_96 = arith.constant 48 : index
      %swap3A_97 = tpu.vector_load %arg10[%swap3A_95, %swap3A_96] {strides = array<i32>} : memref<64x128xf32, #tpu.memory_space<vmem>>, vector<16xf32>,
      tpu.vector_store %arg10[%swap3A_95, %swap3A_96], %broadcast_in_dim3A_94 {strides = array<i32>} : memref<64x128xf32, #tpu.memory_space<vmem>>, vector<16xf32>,
      %broadcast_in_dim3A_98 = arith.constant 0.000000e+00 : f32
      %broadcast_in_dim3A_99 = vector.broadcast %broadcast_in_dim3A_98 : f32 to vector<16xf32>
      %swap3A_100 = arith.index_cast %add3A_79 : i32 to index
      %swap3A_101 = arith.constant 64 : index
      %swap3A_102 = tpu.vector_load %arg10[%swap3A_100, %swap3A_101] {strides = array<i32>} : memref<64x128xf32, #tpu.memory_space<vmem>>, vector<16xf32>,
      tpu.vector_store %arg10[%swap3A_100, %swap3A_101], %broadcast_in_dim3A_99 {strides = array<i32>} : memref<64x128xf32, #tpu.memory_space<vmem>>, vector<16xf32>,
      %broadcast_in_dim3A_103 = arith.constant 0.000000e+00 : f32
      %broadcast_in_dim3A_104 = vector.broadcast %broadcast_in_dim3A_103 : f32 to vector<16xf32>
      %swap3A_105 = arith.index_cast %add3A_79 : i32 to index
      %swap3A_106 = arith.constant 80 : index
      %swap3A_107 = tpu.vector_load %arg10[%swap3A_105, %swap3A_106] {strides = array<i32>} : memref<64x128xf32, #tpu.memory_space<vmem>>, vector<16xf32>,
      tpu.vector_store %arg10[%swap3A_105, %swap3A_106], %broadcast_in_dim3A_104 {strides = array<i32>} : memref<64x128xf32, #tpu.memory_space<vmem>>, vector<16xf32>,
      %broadcast_in_dim3A_108 = arith.constant 0.000000e+00 : f32
      %broadcast_in_dim3A_109 = vector.broadcast %broadcast_in_dim3A_108 : f32 to vector<16xf32>
      %swap3A_110 = arith.index_cast %add3A_79 : i32 to index
      %swap3A_111 = arith.constant 96 : index
      %swap3A_112 = tpu.vector_load %arg10[%swap3A_110, %swap3A_111] {strides = array<i32>} : memref<64x128xf32, #tpu.memory_space<vmem>>, vector<16xf32>,
      tpu.vector_store %arg10[%swap3A_110, %swap3A_111], %broadcast_in_dim3A_109 {strides = array<i32>} : memref<64x128xf32, #tpu.memory_space<vmem>>, vector<16xf32>,
      %broadcast_in_dim3A_113 = arith.constant 0.000000e+00 : f32
      %broadcast_in_dim3A_114 = vector.broadcast %broadcast_in_dim3A_113 : f32 to vector<16xf32>
      %swap3A_115 = arith.index_cast %add3A_79 : i32 to index
      %swap3A_116 = arith.constant 112 : index
      %swap3A_117 = tpu.vector_load %arg10[%swap3A_115, %swap3A_116] {strides = array<i32>} : memref<64x128xf32, #tpu.memory_space<vmem>>, vector<16xf32>,
      tpu.vector_store %arg10[%swap3A_115, %swap3A_116], %broadcast_in_dim3A_114 {strides = array<i32>} : memref<64x128xf32, #tpu.memory_space<vmem>>, vector<16xf32>,
    }
    %scan3A_5 = arith.constant 64 : i32
    %mul3A_6 = arith.constant 625 : i32
    %mul3A_7 = arith.muli %arg1, %mul3A_6 : i32
    %add3A_8 = arith.constant 0 : i32
    %add3A_9 = arith.addi %mul3A_7, %add3A_8 : i32
    "tpu.region"() ({
      %run_scoped3A = tpu.sem_alloc : memref<!tpu.dma_semaphore, #tpu.memory_space<semaphore_mem>>
      %dma_start3A_75 = arith.constant 0 : i32
      %dma_start3A_76 = tpu.memref_slice %arg12[%add3A_9, %dma_start3A_75] : memref<10000x128xf32, #tpu.memory_space<vmem_shared>> -> memref<64x128xf32, #tpu.memory_space<vmem_shared>>
      %dma_start3A_77 = arith.constant 0 : i32
      %dma_start3A_78 = tpu.memref_slice %arg12[%add3A_9, %dma_start3A_77] : memref<10000x128xf32, #tpu.memory_space<vmem_shared>> -> memref<64x128xf32, #tpu.memory_space<vmem_shared>>
      tpu.enqueue_dma source(%arg10 : memref<64x128xf32, #tpu.memory_space<vmem>>) target(%dma_start3A_78 : memref<64x128xf32, #tpu.memory_space<vmem_shared>>) target_semaphore(%run_scoped3A : memref<!tpu.dma_semaphore, #tpu.memory_space<semaphore_mem>>)
      %dma_wait3A_79 = arith.constant 0 : i32
      %dma_wait3A_80 = tpu.memref_slice %arg12[%add3A_9, %dma_wait3A_79] : memref<10000x128xf32, #tpu.memory_space<vmem_shared>> -> memref<64x128xf32, #tpu.memory_space<vmem_shared>>
      %dma_wait3A_81 = arith.constant 0 : i32
      %dma_wait3A_82 = tpu.memref_slice %arg12[%add3A_9, %dma_wait3A_81] : memref<10000x128xf32, #tpu.memory_space<vmem_shared>> -> memref<64x128xf32, #tpu.memory_space<vmem_shared>>
      tpu.wait_dma2 semaphore(%run_scoped3A : memref<!tpu.dma_semaphore, #tpu.memory_space<semaphore_mem>>) src(%arg10 : memref<64x128xf32, #tpu.memory_space<vmem>>) dst(%dma_wait3A_82 : memref<64x128xf32, #tpu.memory_space<vmem_shared>>)
      tpu.yield
    }) : () -> ()
    %mul3A_10 = arith.constant 625 : i32
    %mul3A_11 = arith.muli %arg1, %mul3A_10 : i32
    %add3A_12 = arith.constant 64 : i32
    %add3A_13 = arith.addi %mul3A_11, %add3A_12 : i32
    "tpu.region"() ({
      %run_scoped3A = tpu.sem_alloc : memref<!tpu.dma_semaphore, #tpu.memory_space<semaphore_mem>>
      %dma_start3A_75 = arith.constant 0 : i32
      %dma_start3A_76 = tpu.memref_slice %arg12[%add3A_13, %dma_start3A_75] : memref<10000x128xf32, #tpu.memory_space<vmem_shared>> -> memref<64x128xf32, #tpu.memory_space<vmem_shared>>
      %dma_start3A_77 = arith.constant 0 : i32
      %dma_start3A_78 = tpu.memref_slice %arg12[%add3A_13, %dma_start3A_77] : memref<10000x128xf32, #tpu.memory_space<vmem_shared>> -> memref<64x128xf32, #tpu.memory_space<vmem_shared>>
      tpu.enqueue_dma source(%arg10 : memref<64x128xf32, #tpu.memory_space<vmem>>) target(%dma_start3A_78 : memref<64x128xf32, #tpu.memory_space<vmem_shared>>) target_semaphore(%run_scoped3A : memref<!tpu.dma_semaphore, #tpu.memory_space<semaphore_mem>>)
      %dma_wait3A_79 = arith.constant 0 : i32
      %dma_wait3A_80 = tpu.memref_slice %arg12[%add3A_13, %dma_wait3A_79] : memref<10000x128xf32, #tpu.memory_space<vmem_shared>> -> memref<64x128xf32, #tpu.memory_space<vmem_shared>>
      %dma_wait3A_81 = arith.constant 0 : i32
      %dma_wait3A_82 = tpu.memref_slice %arg12[%add3A_13, %dma_wait3A_81] : memref<10000x128xf32, #tpu.memory_space<vmem_shared>> -> memref<64x128xf32, #tpu.memory_space<vmem_shared>>
      tpu.wait_dma2 semaphore(%run_scoped3A : memref<!tpu.dma_semaphore, #tpu.memory_space<semaphore_mem>>) src(%arg10 : memref<64x128xf32, #tpu.memory_space<vmem>>) dst(%dma_wait3A_82 : memref<64x128xf32, #tpu.memory_space<vmem_shared>>)
      tpu.yield
    }) : () -> ()
    %mul3A_14 = arith.constant 625 : i32
    %mul3A_15 = arith.muli %arg1, %mul3A_14 : i32
    %add3A_16 = arith.constant 128 : i32
    %add3A_17 = arith.addi %mul3A_15, %add3A_16 : i32
    "tpu.region"() ({
      %run_scoped3A = tpu.sem_alloc : memref<!tpu.dma_semaphore, #tpu.memory_space<semaphore_mem>>
      %dma_start3A_75 = arith.constant 0 : i32
      %dma_start3A_76 = tpu.memref_slice %arg12[%add3A_17, %dma_start3A_75] : memref<10000x128xf32, #tpu.memory_space<vmem_shared>> -> memref<64x128xf32, #tpu.memory_space<vmem_shared>>
      %dma_start3A_77 = arith.constant 0 : i32
      %dma_start3A_78 = tpu.memref_slice %arg12[%add3A_17, %dma_start3A_77] : memref<10000x128xf32, #tpu.memory_space<vmem_shared>> -> memref<64x128xf32, #tpu.memory_space<vmem_shared>>
      tpu.enqueue_dma source(%arg10 : memref<64x128xf32, #tpu.memory_space<vmem>>) target(%dma_start3A_78 : memref<64x128xf32, #tpu.memory_space<vmem_shared>>) target_semaphore(%run_scoped3A : memref<!tpu.dma_semaphore, #tpu.memory_space<semaphore_mem>>)
      %dma_wait3A_79 = arith.constant 0 : i32
      %dma_wait3A_80 = tpu.memref_slice %arg12[%add3A_17, %dma_wait3A_79] : memref<10000x128xf32, #tpu.memory_space<vmem_shared>> -> memref<64x128xf32, #tpu.memory_space<vmem_shared>>
      %dma_wait3A_81 = arith.constant 0 : i32
      %dma_wait3A_82 = tpu.memref_slice %arg12[%add3A_17, %dma_wait3A_81] : memref<10000x128xf32, #tpu.memory_space<vmem_shared>> -> memref<64x128xf32, #tpu.memory_space<vmem_shared>>
      tpu.wait_dma2 semaphore(%run_scoped3A : memref<!tpu.dma_semaphore, #tpu.memory_space<semaphore_mem>>) src(%arg10 : memref<64x128xf32, #tpu.memory_space<vmem>>) dst(%dma_wait3A_82 : memref<64x128xf32, #tpu.memory_space<vmem_shared>>)
      tpu.yield
    }) : () -> ()
    %mul3A_18 = arith.constant 625 : i32
    %mul3A_19 = arith.muli %arg1, %mul3A_18 : i32
    %add3A_20 = arith.constant 192 : i32
    %add3A_21 = arith.addi %mul3A_19, %add3A_20 : i32
    "tpu.region"() ({
      %run_scoped3A = tpu.sem_alloc : memref<!tpu.dma_semaphore, #tpu.memory_space<semaphore_mem>>
      %dma_start3A_75 = arith.constant 0 : i32
      %dma_start3A_76 = tpu.memref_slice %arg12[%add3A_21, %dma_start3A_75] : memref<10000x128xf32, #tpu.memory_space<vmem_shared>> -> memref<64x128xf32, #tpu.memory_space<vmem_shared>>
      %dma_start3A_77 = arith.constant 0 : i32
      %dma_start3A_78 = tpu.memref_slice %arg12[%add3A_21, %dma_start3A_77] : memref<10000x128xf32, #tpu.memory_space<vmem_shared>> -> memref<64x128xf32, #tpu.memory_space<vmem_shared>>
      tpu.enqueue_dma source(%arg10 : memref<64x128xf32, #tpu.memory_space<vmem>>) target(%dma_start3A_78 : memref<64x128xf32, #tpu.memory_space<vmem_shared>>) target_semaphore(%run_scoped3A : memref<!tpu.dma_semaphore, #tpu.memory_space<semaphore_mem>>)
      %dma_wait3A_79 = arith.constant 0 : i32
      %dma_wait3A_80 = tpu.memref_slice %arg12[%add3A_21, %dma_wait3A_79] : memref<10000x128xf32, #tpu.memory_space<vmem_shared>> -> memref<64x128xf32, #tpu.memory_space<vmem_shared>>
      %dma_wait3A_81 = arith.constant 0 : i32
      %dma_wait3A_82 = tpu.memref_slice %arg12[%add3A_21, %dma_wait3A_81] : memref<10000x128xf32, #tpu.memory_space<vmem_shared>> -> memref<64x128xf32, #tpu.memory_space<vmem_shared>>
      tpu.wait_dma2 semaphore(%run_scoped3A : memref<!tpu.dma_semaphore, #tpu.memory_space<semaphore_mem>>) src(%arg10 : memref<64x128xf32, #tpu.memory_space<vmem>>) dst(%dma_wait3A_82 : memref<64x128xf32, #tpu.memory_space<vmem_shared>>)
      tpu.yield
    }) : () -> ()
    %mul3A_22 = arith.constant 625 : i32
    %mul3A_23 = arith.muli %arg1, %mul3A_22 : i32
    %add3A_24 = arith.constant 256 : i32
    %add3A_25 = arith.addi %mul3A_23, %add3A_24 : i32
    "tpu.region"() ({
      %run_scoped3A = tpu.sem_alloc : memref<!tpu.dma_semaphore, #tpu.memory_space<semaphore_mem>>
      %dma_start3A_75 = arith.constant 0 : i32
      %dma_start3A_76 = tpu.memref_slice %arg12[%add3A_25, %dma_start3A_75] : memref<10000x128xf32, #tpu.memory_space<vmem_shared>> -> memref<64x128xf32, #tpu.memory_space<vmem_shared>>
      %dma_start3A_77 = arith.constant 0 : i32
      %dma_start3A_78 = tpu.memref_slice %arg12[%add3A_25, %dma_start3A_77] : memref<10000x128xf32, #tpu.memory_space<vmem_shared>> -> memref<64x128xf32, #tpu.memory_space<vmem_shared>>
      tpu.enqueue_dma source(%arg10 : memref<64x128xf32, #tpu.memory_space<vmem>>) target(%dma_start3A_78 : memref<64x128xf32, #tpu.memory_space<vmem_shared>>) target_semaphore(%run_scoped3A : memref<!tpu.dma_semaphore, #tpu.memory_space<semaphore_mem>>)
      %dma_wait3A_79 = arith.constant 0 : i32
      %dma_wait3A_80 = tpu.memref_slice %arg12[%add3A_25, %dma_wait3A_79] : memref<10000x128xf32, #tpu.memory_space<vmem_shared>> -> memref<64x128xf32, #tpu.memory_space<vmem_shared>>
      %dma_wait3A_81 = arith.constant 0 : i32
      %dma_wait3A_82 = tpu.memref_slice %arg12[%add3A_25, %dma_wait3A_81] : memref<10000x128xf32, #tpu.memory_space<vmem_shared>> -> memref<64x128xf32, #tpu.memory_space<vmem_shared>>
      tpu.wait_dma2 semaphore(%run_scoped3A : memref<!tpu.dma_semaphore, #tpu.memory_space<semaphore_mem>>) src(%arg10 : memref<64x128xf32, #tpu.memory_space<vmem>>) dst(%dma_wait3A_82 : memref<64x128xf32, #tpu.memory_space<vmem_shared>>)
      tpu.yield
    }) : () -> ()
    %mul3A_26 = arith.constant 625 : i32
    %mul3A_27 = arith.muli %arg1, %mul3A_26 : i32
    %add3A_28 = arith.constant 320 : i32
    %add3A_29 = arith.addi %mul3A_27, %add3A_28 : i32
    "tpu.region"() ({
      %run_scoped3A = tpu.sem_alloc : memref<!tpu.dma_semaphore, #tpu.memory_space<semaphore_mem>>
      %dma_start3A_75 = arith.constant 0 : i32
      %dma_start3A_76 = tpu.memref_slice %arg12[%add3A_29, %dma_start3A_75] : memref<10000x128xf32, #tpu.memory_space<vmem_shared>> -> memref<64x128xf32, #tpu.memory_space<vmem_shared>>
      %dma_start3A_77 = arith.constant 0 : i32
      %dma_start3A_78 = tpu.memref_slice %arg12[%add3A_29, %dma_start3A_77] : memref<10000x128xf32, #tpu.memory_space<vmem_shared>> -> memref<64x128xf32, #tpu.memory_space<vmem_shared>>
      tpu.enqueue_dma source(%arg10 : memref<64x128xf32, #tpu.memory_space<vmem>>) target(%dma_start3A_78 : memref<64x128xf32, #tpu.memory_space<vmem_shared>>) target_semaphore(%run_scoped3A : memref<!tpu.dma_semaphore, #tpu.memory_space<semaphore_mem>>)
      %dma_wait3A_79 = arith.constant 0 : i32
      %dma_wait3A_80 = tpu.memref_slice %arg12[%add3A_29, %dma_wait3A_79] : memref<10000x128xf32, #tpu.memory_space<vmem_shared>> -> memref<64x128xf32, #tpu.memory_space<vmem_shared>>
      %dma_wait3A_81 = arith.constant 0 : i32
      %dma_wait3A_82 = tpu.memref_slice %arg12[%add3A_29, %dma_wait3A_81] : memref<10000x128xf32, #tpu.memory_space<vmem_shared>> -> memref<64x128xf32, #tpu.memory_space<vmem_shared>>
      tpu.wait_dma2 semaphore(%run_scoped3A : memref<!tpu.dma_semaphore, #tpu.memory_space<semaphore_mem>>) src(%arg10 : memref<64x128xf32, #tpu.memory_space<vmem>>) dst(%dma_wait3A_82 : memref<64x128xf32, #tpu.memory_space<vmem_shared>>)
      tpu.yield
    }) : () -> ()
    %mul3A_30 = arith.constant 625 : i32
    %mul3A_31 = arith.muli %arg1, %mul3A_30 : i32
    %add3A_32 = arith.constant 384 : i32
    %add3A_33 = arith.addi %mul3A_31, %add3A_32 : i32
    "tpu.region"() ({
      %run_scoped3A = tpu.sem_alloc : memref<!tpu.dma_semaphore, #tpu.memory_space<semaphore_mem>>
      %dma_start3A_75 = arith.constant 0 : i32
      %dma_start3A_76 = tpu.memref_slice %arg12[%add3A_33, %dma_start3A_75] : memref<10000x128xf32, #tpu.memory_space<vmem_shared>> -> memref<64x128xf32, #tpu.memory_space<vmem_shared>>
      %dma_start3A_77 = arith.constant 0 : i32
      %dma_start3A_78 = tpu.memref_slice %arg12[%add3A_33, %dma_start3A_77] : memref<10000x128xf32, #tpu.memory_space<vmem_shared>> -> memref<64x128xf32, #tpu.memory_space<vmem_shared>>
      tpu.enqueue_dma source(%arg10 : memref<64x128xf32, #tpu.memory_space<vmem>>) target(%dma_start3A_78 : memref<64x128xf32, #tpu.memory_space<vmem_shared>>) target_semaphore(%run_scoped3A : memref<!tpu.dma_semaphore, #tpu.memory_space<semaphore_mem>>)
      %dma_wait3A_79 = arith.constant 0 : i32
      %dma_wait3A_80 = tpu.memref_slice %arg12[%add3A_33, %dma_wait3A_79] : memref<10000x128xf32, #tpu.memory_space<vmem_shared>> -> memref<64x128xf32, #tpu.memory_space<vmem_shared>>
      %dma_wait3A_81 = arith.constant 0 : i32
      %dma_wait3A_82 = tpu.memref_slice %arg12[%add3A_33, %dma_wait3A_81] : memref<10000x128xf32, #tpu.memory_space<vmem_shared>> -> memref<64x128xf32, #tpu.memory_space<vmem_shared>>
      tpu.wait_dma2 semaphore(%run_scoped3A : memref<!tpu.dma_semaphore, #tpu.memory_space<semaphore_mem>>) src(%arg10 : memref<64x128xf32, #tpu.memory_space<vmem>>) dst(%dma_wait3A_82 : memref<64x128xf32, #tpu.memory_space<vmem_shared>>)
      tpu.yield
    }) : () -> ()
    %mul3A_34 = arith.constant 625 : i32
    %mul3A_35 = arith.muli %arg1, %mul3A_34 : i32
    %add3A_36 = arith.constant 448 : i32
    %add3A_37 = arith.addi %mul3A_35, %add3A_36 : i32
    "tpu.region"() ({
      %run_scoped3A = tpu.sem_alloc : memref<!tpu.dma_semaphore, #tpu.memory_space<semaphore_mem>>
      %dma_start3A_75 = arith.constant 0 : i32
      %dma_start3A_76 = tpu.memref_slice %arg12[%add3A_37, %dma_start3A_75] : memref<10000x128xf32, #tpu.memory_space<vmem_shared>> -> memref<64x128xf32, #tpu.memory_space<vmem_shared>>
      %dma_start3A_77 = arith.constant 0 : i32
      %dma_start3A_78 = tpu.memref_slice %arg12[%add3A_37, %dma_start3A_77] : memref<10000x128xf32, #tpu.memory_space<vmem_shared>> -> memref<64x128xf32, #tpu.memory_space<vmem_shared>>
      tpu.enqueue_dma source(%arg10 : memref<64x128xf32, #tpu.memory_space<vmem>>) target(%dma_start3A_78 : memref<64x128xf32, #tpu.memory_space<vmem_shared>>) target_semaphore(%run_scoped3A : memref<!tpu.dma_semaphore, #tpu.memory_space<semaphore_mem>>)
      %dma_wait3A_79 = arith.constant 0 : i32
      %dma_wait3A_80 = tpu.memref_slice %arg12[%add3A_37, %dma_wait3A_79] : memref<10000x128xf32, #tpu.memory_space<vmem_shared>> -> memref<64x128xf32, #tpu.memory_space<vmem_shared>>
      %dma_wait3A_81 = arith.constant 0 : i32
      %dma_wait3A_82 = tpu.memref_slice %arg12[%add3A_37, %dma_wait3A_81] : memref<10000x128xf32, #tpu.memory_space<vmem_shared>> -> memref<64x128xf32, #tpu.memory_space<vmem_shared>>
      tpu.wait_dma2 semaphore(%run_scoped3A : memref<!tpu.dma_semaphore, #tpu.memory_space<semaphore_mem>>) src(%arg10 : memref<64x128xf32, #tpu.memory_space<vmem>>) dst(%dma_wait3A_82 : memref<64x128xf32, #tpu.memory_space<vmem_shared>>)
      tpu.yield
    }) : () -> ()
    %mul3A_38 = arith.constant 625 : i32
    %mul3A_39 = arith.muli %arg1, %mul3A_38 : i32
    %add3A_40 = arith.constant 512 : i32
    %add3A_41 = arith.addi %mul3A_39, %add3A_40 : i32
    "tpu.region"() ({
      %run_scoped3A = tpu.sem_alloc : memref<!tpu.dma_semaphore, #tpu.memory_space<semaphore_mem>>
      %dma_start3A_75 = arith.constant 0 : i32
      %dma_start3A_76 = tpu.memref_slice %arg12[%add3A_41, %dma_start3A_75] : memref<10000x128xf32, #tpu.memory_space<vmem_shared>> -> memref<64x128xf32, #tpu.memory_space<vmem_shared>>
      %dma_start3A_77 = arith.constant 0 : i32
      %dma_start3A_78 = tpu.memref_slice %arg12[%add3A_41, %dma_start3A_77] : memref<10000x128xf32, #tpu.memory_space<vmem_shared>> -> memref<64x128xf32, #tpu.memory_space<vmem_shared>>
      tpu.enqueue_dma source(%arg10 : memref<64x128xf32, #tpu.memory_space<vmem>>) target(%dma_start3A_78 : memref<64x128xf32, #tpu.memory_space<vmem_shared>>) target_semaphore(%run_scoped3A : memref<!tpu.dma_semaphore, #tpu.memory_space<semaphore_mem>>)
      %dma_wait3A_79 = arith.constant 0 : i32
      %dma_wait3A_80 = tpu.memref_slice %arg12[%add3A_41, %dma_wait3A_79] : memref<10000x128xf32, #tpu.memory_space<vmem_shared>> -> memref<64x128xf32, #tpu.memory_space<vmem_shared>>
      %dma_wait3A_81 = arith.constant 0 : i32
      %dma_wait3A_82 = tpu.memref_slice %arg12[%add3A_41, %dma_wait3A_81] : memref<10000x128xf32, #tpu.memory_space<vmem_shared>> -> memref<64x128xf32, #tpu.memory_space<vmem_shared>>
      tpu.wait_dma2 semaphore(%run_scoped3A : memref<!tpu.dma_semaphore, #tpu.memory_space<semaphore_mem>>) src(%arg10 : memref<64x128xf32, #tpu.memory_space<vmem>>) dst(%dma_wait3A_82 : memref<64x128xf32, #tpu.memory_space<vmem_shared>>)
      tpu.yield
    }) : () -> ()
    %mul3A_42 = arith.constant 625 : i32
    %mul3A_43 = arith.muli %arg1, %mul3A_42 : i32
    %add3A_44 = arith.constant 625 : i32
    %add3A_45 = arith.addi %mul3A_43, %add3A_44 : i32
    %sub3A = arith.constant 49 : i32
    %sub3A_46 = arith.subi %add3A_45, %sub3A : i32
    "tpu.region"() ({
      %run_scoped3A = tpu.sem_alloc : memref<!tpu.dma_semaphore, #tpu.memory_space<semaphore_mem>>
      %dma_start3A_75 = arith.constant 0 : i32
      %dma_start3A_76 = arith.constant 0 : i32
      %dma_start3A_77 = tpu.memref_slice %arg10[%dma_start3A_75, %dma_start3A_76] : memref<64x128xf32, #tpu.memory_space<vmem>> -> memref<49x128xf32, #tpu.memory_space<vmem>>
      %dma_start3A_78 = arith.constant 0 : i32
      %dma_start3A_79 = tpu.memref_slice %arg12[%sub3A_46, %dma_start3A_78] : memref<10000x128xf32, #tpu.memory_space<vmem_shared>> -> memref<49x128xf32, #tpu.memory_space<vmem_shared>>
      %dma_start3A_80 = arith.constant 0 : i32
      %dma_start3A_81 = tpu.memref_slice %arg12[%sub3A_46, %dma_start3A_80] : memref<10000x128xf32, #tpu.memory_space<vmem_shared>> -> memref<49x128xf32, #tpu.memory_space<vmem_shared>>
      %dma_start3A_82 = arith.constant 0 : i32
      %dma_start3A_83 = arith.constant 0 : i32
      %dma_start3A_84 = tpu.memref_slice %arg10[%dma_start3A_82, %dma_start3A_83] : memref<64x128xf32, #tpu.memory_space<vmem>> -> memref<49x128xf32, #tpu.memory_space<vmem>>
      tpu.enqueue_dma source(%dma_start3A_84 : memref<49x128xf32, #tpu.memory_space<vmem>>) target(%dma_start3A_81 : memref<49x128xf32, #tpu.memory_space<vmem_shared>>) target_semaphore(%run_scoped3A : memref<!tpu.dma_semaphore, #tpu.memory_space<semaphore_mem>>)
      %dma_wait3A_85 = arith.constant 0 : i32
      %dma_wait3A_86 = arith.constant 0 : i32
      %dma_wait3A_87 = tpu.memref_slice %arg10[%dma_wait3A_85, %dma_wait3A_86] : memref<64x128xf32, #tpu.memory_space<vmem>> -> memref<49x128xf32, #tpu.memory_space<vmem>>
      %dma_wait3A_88 = arith.constant 0 : i32
      %dma_wait3A_89 = tpu.memref_slice %arg12[%sub3A_46, %dma_wait3A_88] : memref<10000x128xf32, #tpu.memory_space<vmem_shared>> -> memref<49x128xf32, #tpu.memory_space<vmem_shared>>
      %dma_wait3A_90 = arith.constant 0 : i32
      %dma_wait3A_91 = tpu.memref_slice %arg12[%sub3A_46, %dma_wait3A_90] : memref<10000x128xf32, #tpu.memory_space<vmem_shared>> -> memref<49x128xf32, #tpu.memory_space<vmem_shared>>
      %dma_wait3A_92 = arith.constant 0 : i32
      %dma_wait3A_93 = arith.constant 0 : i32
      %dma_wait3A_94 = tpu.memref_slice %arg10[%dma_wait3A_92, %dma_wait3A_93] : memref<64x128xf32, #tpu.memory_space<vmem>> -> memref<49x128xf32, #tpu.memory_space<vmem>>
      tpu.wait_dma2 semaphore(%run_scoped3A : memref<!tpu.dma_semaphore, #tpu.memory_space<semaphore_mem>>) src(%dma_wait3A_94 : memref<49x128xf32, #tpu.memory_space<vmem>>) dst(%dma_wait3A_91 : memref<49x128xf32, #tpu.memory_space<vmem_shared>>)
      tpu.yield
    }) : () -> ()
    "tpu.region"() ({
      %run_scoped3A = tpu.sem_alloc : memref<!tpu.dma_semaphore, #tpu.memory_space<semaphore_mem>>
      %dma_start3A_75 = arith.constant 0 : i32
      %dma_start3A_76 = tpu.memref_slice %arg3[%arg1, %dma_start3A_75] : memref<16x10240xi32, #tpu.memory_space<hbm>> -> memref<1x10240xi32, #tpu.memory_space<hbm>>
      %dma_start3A_77 = tpu.memref_squeeze %dma_start3A_76 : memref<1x10240xi32, #tpu.memory_space<hbm>> -> memref<10240xi32, #tpu.memory_space<hbm>>
      %dma_start3A_78 = arith.constant 0 : i32
      %dma_start3A_79 = tpu.memref_slice %arg3[%arg1, %dma_start3A_78] : memref<16x10240xi32, #tpu.memory_space<hbm>> -> memref<1x10240xi32, #tpu.memory_space<hbm>>
      %dma_start3A_80 = tpu.memref_squeeze %dma_start3A_79 : memref<1x10240xi32, #tpu.memory_space<hbm>> -> memref<10240xi32, #tpu.memory_space<hbm>>
      tpu.enqueue_dma source(%dma_start3A_80 : memref<10240xi32, #tpu.memory_space<hbm>>) target(%arg7 : memref<10240xi32, #tpu.memory_space<vmem>>) target_semaphore(%run_scoped3A : memref<!tpu.dma_semaphore, #tpu.memory_space<semaphore_mem>>)
      %dma_wait3A_81 = arith.constant 0 : i32
      %dma_wait3A_82 = tpu.memref_slice %arg3[%arg1, %dma_wait3A_81] : memref<16x10240xi32, #tpu.memory_space<hbm>> -> memref<1x10240xi32, #tpu.memory_space<hbm>>
      %dma_wait3A_83 = tpu.memref_squeeze %dma_wait3A_82 : memref<1x10240xi32, #tpu.memory_space<hbm>> -> memref<10240xi32, #tpu.memory_space<hbm>>
      %dma_wait3A_84 = arith.constant 0 : i32
      %dma_wait3A_85 = tpu.memref_slice %arg3[%arg1, %dma_wait3A_84] : memref<16x10240xi32, #tpu.memory_space<hbm>> -> memref<1x10240xi32, #tpu.memory_space<hbm>>
      %dma_wait3A_86 = tpu.memref_squeeze %dma_wait3A_85 : memref<1x10240xi32, #tpu.memory_space<hbm>> -> memref<10240xi32, #tpu.memory_space<hbm>>
      tpu.wait_dma2 semaphore(%run_scoped3A : memref<!tpu.dma_semaphore, #tpu.memory_space<semaphore_mem>>) src(%dma_wait3A_86 : memref<10240xi32, #tpu.memory_space<hbm>>) dst(%arg7 : memref<10240xi32, #tpu.memory_space<vmem>>)
      tpu.yield
    }) : () -> ()
    %scan3A_47 = arith.constant 0 : i32
    %scan3A_48 = arith.constant 640 : i32
    %scan3A_49 = arith.addi %scan3A_47, %scan3A_48 : i32
    %scan3A_50 = arith.constant 1 : i32
    scf.for %scan3A_75 = %scan3A_47 to %scan3A_49 step %scan3A_50  : i32 {
      %mul3A_76 = arith.constant 1 : i32
      %mul3A_77 = arith.muli %scan3A_75, %mul3A_76 : i32
      %add3A_78 = arith.constant 0 : i32
      %add3A_79 = arith.addi %add3A_78, %mul3A_77 : i32
      %mul3A_80 = arith.constant 16 : i32
      %mul3A_81 = arith.muli %add3A_79, %mul3A_80 : i32
      %get3A = arith.index_cast %mul3A_81 : i32 to index
      %get3A_82 = tpu.vector_load %arg7[%get3A] {strides = array<i32>} : memref<10240xi32, #tpu.memory_space<vmem>>, vector<16xi32>,
      %mul3A_83 = arith.constant 2 : i32
      %mul3A_84 = vector.broadcast %mul3A_83 : i32 to vector<16xi32>
      %mul3A_85 = arith.muli %get3A_82, %mul3A_84 : vector<16xi32>
      %add3A_86 = vector.broadcast %add3A_1 : i32 to vector<16xi32>
      %add3A_87 = arith.addi %mul3A_85, %add3A_86 : vector<16xi32>
      %swap3A = arith.index_cast %mul3A_81 : i32 to index
      %swap3A_88 = tpu.vector_load %arg7[%swap3A] {strides = array<i32>} : memref<10240xi32, #tpu.memory_space<vmem>>, vector<16xi32>,
      tpu.vector_store %arg7[%swap3A], %add3A_87 {strides = array<i32>} : memref<10240xi32, #tpu.memory_space<vmem>>, vector<16xi32>,
    }
    %scan3A_51 = arith.constant 640 : i32
    %dma_start3A = arith.constant 0 : i32
    %dma_start3A_52 = tpu.memref_slice %arg7[%dma_start3A] : memref<10240xi32, #tpu.memory_space<vmem>> -> memref<64xi32, #tpu.memory_space<vmem>>
    %dma_start3A_53 = arith.constant 0 : i32
    %dma_start3A_54 = arith.constant 0 : i32
    %dma_start3A_55 = tpu.memref_slice %arg2[%dma_start3A_53, %dma_start3A_54] : memref<20000x128xf32, #tpu.memory_space<hbm>> -> memref<20000x128xf32, #tpu.memory_space<hbm>>
    tpu.enqueue_indirect_dma source(%dma_start3A_55 : memref<20000x128xf32, #tpu.memory_space<hbm>>) target(%arg10 : memref<64x128xf32, #tpu.memory_space<vmem>>) offsets(%dma_start3A_52 : memref<64xi32, #tpu.memory_space<vmem>>) semaphore(%arg13 : memref<!tpu.dma_semaphore, #tpu.memory_space<semaphore_mem>>)
    %barrier3A = arith.constant 0 : index
    tpu.barrier barrier_id(%barrier3A)
    %scan3A_56 = arith.constant 0 : i32
    %scan3A_57 = arith.constant 80 : i32
    %scan3A_58 = arith.addi %scan3A_56, %scan3A_57 : i32
    %scan3A_59 = arith.constant 1 : i32
    scf.for %scan3A_75 = %scan3A_56 to %scan3A_58 step %scan3A_59  : i32 {
      %mul3A_76 = arith.constant 1 : i32
      %mul3A_77 = arith.muli %scan3A_75, %mul3A_76 : i32
      %add3A_78 = arith.constant 0 : i32
      %add3A_79 = arith.addi %add3A_78, %mul3A_77 : i32
      %mul3A_80 = arith.constant 2 : i32
      %mul3A_81 = arith.muli %add3A_79, %mul3A_80 : i32
      %add3A_82 = arith.constant 1 : i32
      %add3A_83 = arith.addi %mul3A_81, %add3A_82 : i32
      %gt3A = arith.constant 0 : i32
      %gt3A_84 = arith.cmpi sgt, %add3A_79, %gt3A : i32
      %convert_element_type3A = arith.extui %gt3A_84 : i1 to i32
      %cond3A = arith.constant 0 : i32
      %cond3A_85 = arith.cmpi ne, %convert_element_type3A, %cond3A : i32
      scf.if %cond3A_85 {
        %sub3A_138 = arith.constant 1 : i32
        %sub3A_139 = arith.subi %mul3A_81, %sub3A_138 : i32
        %dma_wait3A_140 = arith.constant 0 : i32
        %dma_wait3A_141 = tpu.memref_slice %arg8[%sub3A_139, %dma_wait3A_140] : memref<160x64xi32, #tpu.memory_space<vmem>> -> memref<1x64xi32, #tpu.memory_space<vmem>>
        %dma_wait3A_142 = tpu.memref_squeeze %dma_wait3A_141 : memref<1x64xi32, #tpu.memory_space<vmem>> -> memref<64xi32, #tpu.memory_space<vmem>>
        %dma_wait3A_143 = arith.constant 0 : i32
        %dma_wait3A_144 = arith.constant 0 : i32
        %dma_wait3A_145 = tpu.memref_slice %arg12[%dma_wait3A_143, %dma_wait3A_144] : memref<10000x128xf32, #tpu.memory_space<vmem_shared>> -> memref<10000x128xf32, #tpu.memory_space<vmem_shared>>
        tpu.wait_indirect_dma semaphore(%arg16 : memref<!tpu.dma_semaphore, #tpu.memory_space<semaphore_mem>>) src(%arg11 : memref<64x128xf32, #tpu.memory_space<vmem>>) dst(%dma_wait3A_145 : memref<10000x128xf32, #tpu.memory_space<vmem_shared>>)
      } else {
      }
      %mul3A_86 = arith.constant 64 : i32
      %mul3A_87 = arith.muli %add3A_83, %mul3A_86 : i32
      %dma_start3A_88 = tpu.memref_slice %arg7[%mul3A_87] : memref<10240xi32, #tpu.memory_space<vmem>> -> memref<64xi32, #tpu.memory_space<vmem>>
      %dma_start3A_89 = arith.constant 0 : i32
      %dma_start3A_90 = arith.constant 0 : i32
      %dma_start3A_91 = tpu.memref_slice %arg2[%dma_start3A_89, %dma_start3A_90] : memref<20000x128xf32, #tpu.memory_space<hbm>> -> memref<20000x128xf32, #tpu.memory_space<hbm>>
      tpu.enqueue_indirect_dma source(%dma_start3A_91 : memref<20000x128xf32, #tpu.memory_space<hbm>>) target(%arg11 : memref<64x128xf32, #tpu.memory_space<vmem>>) offsets(%dma_start3A_88 : memref<64xi32, #tpu.memory_space<vmem>>) semaphore(%arg14 : memref<!tpu.dma_semaphore, #tpu.memory_space<semaphore_mem>>)
      %mul3A_92 = arith.constant 64 : i32
      %mul3A_93 = arith.muli %mul3A_81, %mul3A_92 : i32
      %dma_wait3A_94 = tpu.memref_slice %arg7[%mul3A_93] : memref<10240xi32, #tpu.memory_space<vmem>> -> memref<64xi32, #tpu.memory_space<vmem>>
      %dma_wait3A_95 = arith.constant 0 : i32
      %dma_wait3A_96 = arith.constant 0 : i32
      %dma_wait3A_97 = tpu.memref_slice %arg2[%dma_wait3A_95, %dma_wait3A_96] : memref<20000x128xf32, #tpu.memory_space<hbm>> -> memref<20000x128xf32, #tpu.memory_space<hbm>>
      tpu.wait_indirect_dma semaphore(%arg13 : memref<!tpu.dma_semaphore, #tpu.memory_space<semaphore_mem>>) src(%dma_wait3A_97 : memref<20000x128xf32, #tpu.memory_space<hbm>>) dst(%arg10 : memref<64x128xf32, #tpu.memory_space<vmem>>)
      %scan3A_98 = arith.constant 0 : i32
      %scan3A_99 = arith.constant 64 : i32
      %scan3A_100 = arith.addi %scan3A_98, %scan3A_99 : i32
      %scan3A_101 = arith.constant 1 : i32
      scf.for %scan3A_138 = %scan3A_98 to %scan3A_100 step %scan3A_101  : i32 {
        %mul3A_139 = arith.constant 1 : i32
        %mul3A_140 = arith.muli %scan3A_138, %mul3A_139 : i32
        %add3A_141 = arith.constant 0 : i32
        %add3A_142 = arith.addi %add3A_141, %mul3A_140 : i32
        %mul3A_143 = arith.constant 64 : i32
        %mul3A_144 = arith.muli %mul3A_81, %mul3A_143 : i32
        %add3A_145 = arith.addi %mul3A_144, %add3A_142 : i32
        %broadcast_in_dim3A = vector.broadcast %add3A_145 : i32 to vector<16xi32>
        %gather3A = tpu.vector_load_idx %arg9[%broadcast_in_dim3A] : memref<10240xf32, #tpu.memory_space<vmem>>[vector<16xi32>], vector<16xf32>,
        %get3A = arith.index_cast %add3A_142 : i32 to index
        %get3A_146 = arith.constant 0 : index
        %get3A_147 = tpu.vector_load %arg10[%get3A, %get3A_146] {strides = array<i32>} : memref<64x128xf32, #tpu.memory_space<vmem>>, vector<16xf32>,
        %mul3A_148 = arith.mulf %get3A_147, %gather3A : vector<16xf32>
        %swap3A = arith.index_cast %add3A_142 : i32 to index
        %swap3A_149 = arith.constant 0 : index
        %swap3A_150 = tpu.vector_load %arg10[%swap3A, %swap3A_149] {strides = array<i32>} : memref<64x128xf32, #tpu.memory_space<vmem>>, vector<16xf32>,
        tpu.vector_store %arg10[%swap3A, %swap3A_149], %mul3A_148 {strides = array<i32>} : memref<64x128xf32, #tpu.memory_space<vmem>>, vector<16xf32>,
        %get3A_151 = arith.index_cast %add3A_142 : i32 to index
        %get3A_152 = arith.constant 16 : index
        %get3A_153 = tpu.vector_load %arg10[%get3A_151, %get3A_152] {strides = array<i32>} : memref<64x128xf32, #tpu.memory_space<vmem>>, vector<16xf32>,
        %mul3A_154 = arith.mulf %get3A_153, %gather3A : vector<16xf32>
        %swap3A_155 = arith.index_cast %add3A_142 : i32 to index
        %swap3A_156 = arith.constant 16 : index
        %swap3A_157 = tpu.vector_load %arg10[%swap3A_155, %swap3A_156] {strides = array<i32>} : memref<64x128xf32, #tpu.memory_space<vmem>>, vector<16xf32>,
        tpu.vector_store %arg10[%swap3A_155, %swap3A_156], %mul3A_154 {strides = array<i32>} : memref<64x128xf32, #tpu.memory_space<vmem>>, vector<16xf32>,
        %get3A_158 = arith.index_cast %add3A_142 : i32 to index
        %get3A_159 = arith.constant 32 : index
        %get3A_160 = tpu.vector_load %arg10[%get3A_158, %get3A_159] {strides = array<i32>} : memref<64x128xf32, #tpu.memory_space<vmem>>, vector<16xf32>,
        %mul3A_161 = arith.mulf %get3A_160, %gather3A : vector<16xf32>
        %swap3A_162 = arith.index_cast %add3A_142 : i32 to index
        %swap3A_163 = arith.constant 32 : index
        %swap3A_164 = tpu.vector_load %arg10[%swap3A_162, %swap3A_163] {strides = array<i32>} : memref<64x128xf32, #tpu.memory_space<vmem>>, vector<16xf32>,
        tpu.vector_store %arg10[%swap3A_162, %swap3A_163], %mul3A_161 {strides = array<i32>} : memref<64x128xf32, #tpu.memory_space<vmem>>, vector<16xf32>,
        %get3A_165 = arith.index_cast %add3A_142 : i32 to index
        %get3A_166 = arith.constant 48 : index
        %get3A_167 = tpu.vector_load %arg10[%get3A_165, %get3A_166] {strides = array<i32>} : memref<64x128xf32, #tpu.memory_space<vmem>>, vector<16xf32>,
        %mul3A_168 = arith.mulf %get3A_167, %gather3A : vector<16xf32>
        %swap3A_169 = arith.index_cast %add3A_142 : i32 to index
        %swap3A_170 = arith.constant 48 : index
        %swap3A_171 = tpu.vector_load %arg10[%swap3A_169, %swap3A_170] {strides = array<i32>} : memref<64x128xf32, #tpu.memory_space<vmem>>, vector<16xf32>,
        tpu.vector_store %arg10[%swap3A_169, %swap3A_170], %mul3A_168 {strides = array<i32>} : memref<64x128xf32, #tpu.memory_space<vmem>>, vector<16xf32>,
        %get3A_172 = arith.index_cast %add3A_142 : i32 to index
        %get3A_173 = arith.constant 64 : index
        %get3A_174 = tpu.vector_load %arg10[%get3A_172, %get3A_173] {strides = array<i32>} : memref<64x128xf32, #tpu.memory_space<vmem>>, vector<16xf32>,
        %mul3A_175 = arith.mulf %get3A_174, %gather3A : vector<16xf32>
        %swap3A_176 = arith.index_cast %add3A_142 : i32 to index
        %swap3A_177 = arith.constant 64 : index
        %swap3A_178 = tpu.vector_load %arg10[%swap3A_176, %swap3A_177] {strides = array<i32>} : memref<64x128xf32, #tpu.memory_space<vmem>>, vector<16xf32>,
        tpu.vector_store %arg10[%swap3A_176, %swap3A_177], %mul3A_175 {strides = array<i32>} : memref<64x128xf32, #tpu.memory_space<vmem>>, vector<16xf32>,
        %get3A_179 = arith.index_cast %add3A_142 : i32 to index
        %get3A_180 = arith.constant 80 : index
        %get3A_181 = tpu.vector_load %arg10[%get3A_179, %get3A_180] {strides = array<i32>} : memref<64x128xf32, #tpu.memory_space<vmem>>, vector<16xf32>,
        %mul3A_182 = arith.mulf %get3A_181, %gather3A : vector<16xf32>
        %swap3A_183 = arith.index_cast %add3A_142 : i32 to index
        %swap3A_184 = arith.constant 80 : index
        %swap3A_185 = tpu.vector_load %arg10[%swap3A_183, %swap3A_184] {strides = array<i32>} : memref<64x128xf32, #tpu.memory_space<vmem>>, vector<16xf32>,
        tpu.vector_store %arg10[%swap3A_183, %swap3A_184], %mul3A_182 {strides = array<i32>} : memref<64x128xf32, #tpu.memory_space<vmem>>, vector<16xf32>,
        %get3A_186 = arith.index_cast %add3A_142 : i32 to index
        %get3A_187 = arith.constant 96 : index
        %get3A_188 = tpu.vector_load %arg10[%get3A_186, %get3A_187] {strides = array<i32>} : memref<64x128xf32, #tpu.memory_space<vmem>>, vector<16xf32>,
        %mul3A_189 = arith.mulf %get3A_188, %gather3A : vector<16xf32>
        %swap3A_190 = arith.index_cast %add3A_142 : i32 to index
        %swap3A_191 = arith.constant 96 : index
        %swap3A_192 = tpu.vector_load %arg10[%swap3A_190, %swap3A_191] {strides = array<i32>} : memref<64x128xf32, #tpu.memory_space<vmem>>, vector<16xf32>,
        tpu.vector_store %arg10[%swap3A_190, %swap3A_191], %mul3A_189 {strides = array<i32>} : memref<64x128xf32, #tpu.memory_space<vmem>>, vector<16xf32>,
        %get3A_193 = arith.index_cast %add3A_142 : i32 to index
        %get3A_194 = arith.constant 112 : index
        %get3A_195 = tpu.vector_load %arg10[%get3A_193, %get3A_194] {strides = array<i32>} : memref<64x128xf32, #tpu.memory_space<vmem>>, vector<16xf32>,
        %mul3A_196 = arith.mulf %get3A_195, %gather3A : vector<16xf32>
        %swap3A_197 = arith.index_cast %add3A_142 : i32 to index
        %swap3A_198 = arith.constant 112 : index
        %swap3A_199 = tpu.vector_load %arg10[%swap3A_197, %swap3A_198] {strides = array<i32>} : memref<64x128xf32, #tpu.memory_space<vmem>>, vector<16xf32>,
        tpu.vector_store %arg10[%swap3A_197, %swap3A_198], %mul3A_196 {strides = array<i32>} : memref<64x128xf32, #tpu.memory_space<vmem>>, vector<16xf32>,
      }
      %scan3A_102 = arith.constant 64 : i32
      %dma_start3A_103 = arith.constant 0 : i32
      %dma_start3A_104 = tpu.memref_slice %arg8[%mul3A_81, %dma_start3A_103] : memref<160x64xi32, #tpu.memory_space<vmem>> -> memref<1x64xi32, #tpu.memory_space<vmem>>
      %dma_start3A_105 = tpu.memref_squeeze %dma_start3A_104 : memref<1x64xi32, #tpu.memory_space<vmem>> -> memref<64xi32, #tpu.memory_space<vmem>>
      %dma_start3A_106 = arith.constant 0 : i32
      %dma_start3A_107 = arith.constant 0 : i32
      %dma_start3A_108 = tpu.memref_slice %arg12[%dma_start3A_106, %dma_start3A_107] : memref<10000x128xf32, #tpu.memory_space<vmem_shared>> -> memref<10000x128xf32, #tpu.memory_space<vmem_shared>>
      tpu.enqueue_indirect_dma source(%arg10 : memref<64x128xf32, #tpu.memory_space<vmem>>) target(%dma_start3A_108 : memref<10000x128xf32, #tpu.memory_space<vmem_shared>>) offsets(%dma_start3A_105 : memref<64xi32, #tpu.memory_space<vmem>>) semaphore(%arg15 : memref<!tpu.dma_semaphore, #tpu.memory_space<semaphore_mem>>) {add = true}
      %mul3A_109 = arith.constant 64 : i32
      %mul3A_110 = arith.muli %add3A_83, %mul3A_109 : i32
      %dma_wait3A_111 = tpu.memref_slice %arg7[%mul3A_110] : memref<10240xi32, #tpu.memory_space<vmem>> -> memref<64xi32, #tpu.memory_space<vmem>>
      %dma_wait3A_112 = arith.constant 0 : i32
      %dma_wait3A_113 = arith.constant 0 : i32
      %dma_wait3A_114 = tpu.memref_slice %arg2[%dma_wait3A_112, %dma_wait3A_113] : memref<20000x128xf32, #tpu.memory_space<hbm>> -> memref<20000x128xf32, #tpu.memory_space<hbm>>
      tpu.wait_indirect_dma semaphore(%arg14 : memref<!tpu.dma_semaphore, #tpu.memory_space<semaphore_mem>>) src(%dma_wait3A_114 : memref<20000x128xf32, #tpu.memory_space<hbm>>) dst(%arg11 : memref<64x128xf32, #tpu.memory_space<vmem>>)
      %dma_wait3A_115 = arith.constant 0 : i32
      %dma_wait3A_116 = tpu.memref_slice %arg8[%mul3A_81, %dma_wait3A_115] : memref<160x64xi32, #tpu.memory_space<vmem>> -> memref<1x64xi32, #tpu.memory_space<vmem>>
      %dma_wait3A_117 = tpu.memref_squeeze %dma_wait3A_116 : memref<1x64xi32, #tpu.memory_space<vmem>> -> memref<64xi32, #tpu.memory_space<vmem>>
      %dma_wait3A_118 = arith.constant 0 : i32
      %dma_wait3A_119 = arith.constant 0 : i32
      %dma_wait3A_120 = tpu.memref_slice %arg12[%dma_wait3A_118, %dma_wait3A_119] : memref<10000x128xf32, #tpu.memory_space<vmem_shared>> -> memref<10000x128xf32, #tpu.memory_space<vmem_shared>>
      tpu.wait_indirect_dma semaphore(%arg15 : memref<!tpu.dma_semaphore, #tpu.memory_space<semaphore_mem>>) src(%arg10 : memref<64x128xf32, #tpu.memory_space<vmem>>) dst(%dma_wait3A_120 : memref<10000x128xf32, #tpu.memory_space<vmem_shared>>)
      %add3A_121 = arith.constant 1 : i32
      %add3A_122 = arith.addi %add3A_83, %add3A_121 : i32
      %lt3A = arith.constant 160 : i32
      %lt3A_123 = arith.cmpi slt, %add3A_122, %lt3A : i32
      %convert_element_type3A_124 = arith.extui %lt3A_123 : i1 to i32
      %cond3A_125 = arith.constant 0 : i32
      %cond3A_126 = arith.cmpi ne, %convert_element_type3A_124, %cond3A_125 : i32
      scf.if %cond3A_126 {
        %add3A_138 = arith.constant 1 : i32
        %add3A_139 = arith.addi %add3A_83, %add3A_138 : i32
        %mul3A_140 = arith.constant 64 : i32
        %mul3A_141 = arith.muli %add3A_139, %mul3A_140 : i32
        %dma_start3A_142 = tpu.memref_slice %arg7[%mul3A_141] : memref<10240xi32, #tpu.memory_space<vmem>> -> memref<64xi32, #tpu.memory_space<vmem>>
        %dma_start3A_143 = arith.constant 0 : i32
        %dma_start3A_144 = arith.constant 0 : i32
        %dma_start3A_145 = tpu.memref_slice %arg2[%dma_start3A_143, %dma_start3A_144] : memref<20000x128xf32, #tpu.memory_space<hbm>> -> memref<20000x128xf32, #tpu.memory_space<hbm>>
        tpu.enqueue_indirect_dma source(%dma_start3A_145 : memref<20000x128xf32, #tpu.memory_space<hbm>>) target(%arg10 : memref<64x128xf32, #tpu.memory_space<vmem>>) offsets(%dma_start3A_142 : memref<64xi32, #tpu.memory_space<vmem>>) semaphore(%arg13 : memref<!tpu.dma_semaphore, #tpu.memory_space<semaphore_mem>>)
      } else {
      }
      %scan3A_127 = arith.constant 0 : i32
      %scan3A_128 = arith.constant 64 : i32
      %scan3A_129 = arith.addi %scan3A_127, %scan3A_128 : i32
      %scan3A_130 = arith.constant 1 : i32
      scf.for %scan3A_138 = %scan3A_127 to %scan3A_129 step %scan3A_130  : i32 {
        %mul3A_139 = arith.constant 1 : i32
        %mul3A_140 = arith.muli %scan3A_138, %mul3A_139 : i32
        %add3A_141 = arith.constant 0 : i32
        %add3A_142 = arith.addi %add3A_141, %mul3A_140 : i32
        %mul3A_143 = arith.constant 64 : i32
        %mul3A_144 = arith.muli %add3A_83, %mul3A_143 : i32
        %add3A_145 = arith.addi %mul3A_144, %add3A_142 : i32
        %broadcast_in_dim3A = vector.broadcast %add3A_145 : i32 to vector<16xi32>
        %gather3A = tpu.vector_load_idx %arg9[%broadcast_in_dim3A] : memref<10240xf32, #tpu.memory_space<vmem>>[vector<16xi32>], vector<16xf32>,
        %get3A = arith.index_cast %add3A_142 : i32 to index
        %get3A_146 = arith.constant 0 : index
        %get3A_147 = tpu.vector_load %arg11[%get3A, %get3A_146] {strides = array<i32>} : memref<64x128xf32, #tpu.memory_space<vmem>>, vector<16xf32>,
        %mul3A_148 = arith.mulf %get3A_147, %gather3A : vector<16xf32>
        %swap3A = arith.index_cast %add3A_142 : i32 to index
        %swap3A_149 = arith.constant 0 : index
        %swap3A_150 = tpu.vector_load %arg11[%swap3A, %swap3A_149] {strides = array<i32>} : memref<64x128xf32, #tpu.memory_space<vmem>>, vector<16xf32>,
        tpu.vector_store %arg11[%swap3A, %swap3A_149], %mul3A_148 {strides = array<i32>} : memref<64x128xf32, #tpu.memory_space<vmem>>, vector<16xf32>,
        %get3A_151 = arith.index_cast %add3A_142 : i32 to index
        %get3A_152 = arith.constant 16 : index
        %get3A_153 = tpu.vector_load %arg11[%get3A_151, %get3A_152] {strides = array<i32>} : memref<64x128xf32, #tpu.memory_space<vmem>>, vector<16xf32>,
        %mul3A_154 = arith.mulf %get3A_153, %gather3A : vector<16xf32>
        %swap3A_155 = arith.index_cast %add3A_142 : i32 to index
        %swap3A_156 = arith.constant 16 : index
        %swap3A_157 = tpu.vector_load %arg11[%swap3A_155, %swap3A_156] {strides = array<i32>} : memref<64x128xf32, #tpu.memory_space<vmem>>, vector<16xf32>,
        tpu.vector_store %arg11[%swap3A_155, %swap3A_156], %mul3A_154 {strides = array<i32>} : memref<64x128xf32, #tpu.memory_space<vmem>>, vector<16xf32>,
        %get3A_158 = arith.index_cast %add3A_142 : i32 to index
        %get3A_159 = arith.constant 32 : index
        %get3A_160 = tpu.vector_load %arg11[%get3A_158, %get3A_159] {strides = array<i32>} : memref<64x128xf32, #tpu.memory_space<vmem>>, vector<16xf32>,
        %mul3A_161 = arith.mulf %get3A_160, %gather3A : vector<16xf32>
        %swap3A_162 = arith.index_cast %add3A_142 : i32 to index
        %swap3A_163 = arith.constant 32 : index
        %swap3A_164 = tpu.vector_load %arg11[%swap3A_162, %swap3A_163] {strides = array<i32>} : memref<64x128xf32, #tpu.memory_space<vmem>>, vector<16xf32>,
        tpu.vector_store %arg11[%swap3A_162, %swap3A_163], %mul3A_161 {strides = array<i32>} : memref<64x128xf32, #tpu.memory_space<vmem>>, vector<16xf32>,
        %get3A_165 = arith.index_cast %add3A_142 : i32 to index
        %get3A_166 = arith.constant 48 : index
        %get3A_167 = tpu.vector_load %arg11[%get3A_165, %get3A_166] {strides = array<i32>} : memref<64x128xf32, #tpu.memory_space<vmem>>, vector<16xf32>,
        %mul3A_168 = arith.mulf %get3A_167, %gather3A : vector<16xf32>
        %swap3A_169 = arith.index_cast %add3A_142 : i32 to index
        %swap3A_170 = arith.constant 48 : index
        %swap3A_171 = tpu.vector_load %arg11[%swap3A_169, %swap3A_170] {strides = array<i32>} : memref<64x128xf32, #tpu.memory_space<vmem>>, vector<16xf32>,
        tpu.vector_store %arg11[%swap3A_169, %swap3A_170], %mul3A_168 {strides = array<i32>} : memref<64x128xf32, #tpu.memory_space<vmem>>, vector<16xf32>,
        %get3A_172 = arith.index_cast %add3A_142 : i32 to index
        %get3A_173 = arith.constant 64 : index
        %get3A_174 = tpu.vector_load %arg11[%get3A_172, %get3A_173] {strides = array<i32>} : memref<64x128xf32, #tpu.memory_space<vmem>>, vector<16xf32>,
        %mul3A_175 = arith.mulf %get3A_174, %gather3A : vector<16xf32>
        %swap3A_176 = arith.index_cast %add3A_142 : i32 to index
        %swap3A_177 = arith.constant 64 : index
        %swap3A_178 = tpu.vector_load %arg11[%swap3A_176, %swap3A_177] {strides = array<i32>} : memref<64x128xf32, #tpu.memory_space<vmem>>, vector<16xf32>,
        tpu.vector_store %arg11[%swap3A_176, %swap3A_177], %mul3A_175 {strides = array<i32>} : memref<64x128xf32, #tpu.memory_space<vmem>>, vector<16xf32>,
        %get3A_179 = arith.index_cast %add3A_142 : i32 to index
        %get3A_180 = arith.constant 80 : index
        %get3A_181 = tpu.vector_load %arg11[%get3A_179, %get3A_180] {strides = array<i32>} : memref<64x128xf32, #tpu.memory_space<vmem>>, vector<16xf32>,
        %mul3A_182 = arith.mulf %get3A_181, %gather3A : vector<16xf32>
        %swap3A_183 = arith.index_cast %add3A_142 : i32 to index
        %swap3A_184 = arith.constant 80 : index
        %swap3A_185 = tpu.vector_load %arg11[%swap3A_183, %swap3A_184] {strides = array<i32>} : memref<64x128xf32, #tpu.memory_space<vmem>>, vector<16xf32>,
        tpu.vector_store %arg11[%swap3A_183, %swap3A_184], %mul3A_182 {strides = array<i32>} : memref<64x128xf32, #tpu.memory_space<vmem>>, vector<16xf32>,
        %get3A_186 = arith.index_cast %add3A_142 : i32 to index
        %get3A_187 = arith.constant 96 : index
        %get3A_188 = tpu.vector_load %arg11[%get3A_186, %get3A_187] {strides = array<i32>} : memref<64x128xf32, #tpu.memory_space<vmem>>, vector<16xf32>,
        %mul3A_189 = arith.mulf %get3A_188, %gather3A : vector<16xf32>
        %swap3A_190 = arith.index_cast %add3A_142 : i32 to index
        %swap3A_191 = arith.constant 96 : index
        %swap3A_192 = tpu.vector_load %arg11[%swap3A_190, %swap3A_191] {strides = array<i32>} : memref<64x128xf32, #tpu.memory_space<vmem>>, vector<16xf32>,
        tpu.vector_store %arg11[%swap3A_190, %swap3A_191], %mul3A_189 {strides = array<i32>} : memref<64x128xf32, #tpu.memory_space<vmem>>, vector<16xf32>,
        %get3A_193 = arith.index_cast %add3A_142 : i32 to index
        %get3A_194 = arith.constant 112 : index
        %get3A_195 = tpu.vector_load %arg11[%get3A_193, %get3A_194] {strides = array<i32>} : memref<64x128xf32, #tpu.memory_space<vmem>>, vector<16xf32>,
        %mul3A_196 = arith.mulf %get3A_195, %gather3A : vector<16xf32>
        %swap3A_197 = arith.index_cast %add3A_142 : i32 to index
        %swap3A_198 = arith.constant 112 : index
        %swap3A_199 = tpu.vector_load %arg11[%swap3A_197, %swap3A_198] {strides = array<i32>} : memref<64x128xf32, #tpu.memory_space<vmem>>, vector<16xf32>,
        tpu.vector_store %arg11[%swap3A_197, %swap3A_198], %mul3A_196 {strides = array<i32>} : memref<64x128xf32, #tpu.memory_space<vmem>>, vector<16xf32>,
      }
      %scan3A_131 = arith.constant 64 : i32
      %dma_start3A_132 = arith.constant 0 : i32
      %dma_start3A_133 = tpu.memref_slice %arg8[%add3A_83, %dma_start3A_132] : memref<160x64xi32, #tpu.memory_space<vmem>> -> memref<1x64xi32, #tpu.memory_space<vmem>>
      %dma_start3A_134 = tpu.memref_squeeze %dma_start3A_133 : memref<1x64xi32, #tpu.memory_space<vmem>> -> memref<64xi32, #tpu.memory_space<vmem>>
      %dma_start3A_135 = arith.constant 0 : i32
      %dma_start3A_136 = arith.constant 0 : i32
      %dma_start3A_137 = tpu.memref_slice %arg12[%dma_start3A_135, %dma_start3A_136] : memref<10000x128xf32, #tpu.memory_space<vmem_shared>> -> memref<10000x128xf32, #tpu.memory_space<vmem_shared>>
      tpu.enqueue_indirect_dma source(%arg11 : memref<64x128xf32, #tpu.memory_space<vmem>>) target(%dma_start3A_137 : memref<10000x128xf32, #tpu.memory_space<vmem_shared>>) offsets(%dma_start3A_134 : memref<64xi32, #tpu.memory_space<vmem>>) semaphore(%arg16 : memref<!tpu.dma_semaphore, #tpu.memory_space<semaphore_mem>>) {add = true}
    }
    %scan3A_60 = arith.constant 80 : i32
    %dma_wait3A = arith.constant 159 : i32
    %dma_wait3A_61 = arith.constant 0 : i32
    %dma_wait3A_62 = tpu.memref_slice %arg8[%dma_wait3A, %dma_wait3A_61] : memref<160x64xi32, #tpu.memory_space<vmem>> -> memref<1x64xi32, #tpu.memory_space<vmem>>
    %dma_wait3A_63 = tpu.memref_squeeze %dma_wait3A_62 : memref<1x64xi32, #tpu.memory_space<vmem>> -> memref<64xi32, #tpu.memory_space<vmem>>
    %dma_wait3A_64 = arith.constant 0 : i32
    %dma_wait3A_65 = arith.constant 0 : i32
    %dma_wait3A_66 = tpu.memref_slice %arg12[%dma_wait3A_64, %dma_wait3A_65] : memref<10000x128xf32, #tpu.memory_space<vmem_shared>> -> memref<10000x128xf32, #tpu.memory_space<vmem_shared>>
    tpu.wait_indirect_dma semaphore(%arg16 : memref<!tpu.dma_semaphore, #tpu.memory_space<semaphore_mem>>) src(%arg11 : memref<64x128xf32, #tpu.memory_space<vmem>>) dst(%dma_wait3A_66 : memref<10000x128xf32, #tpu.memory_space<vmem_shared>>)
    %barrier3A_67 = arith.constant 0 : index
    tpu.barrier barrier_id(%barrier3A_67)
    %mul3A_68 = arith.constant 625 : i32
    %mul3A_69 = arith.muli %arg1, %mul3A_68 : i32
    %mul3A_70 = arith.constant 10000 : i32
    %mul3A_71 = arith.muli %add3A_1, %mul3A_70 : i32
    %mul3A_72 = arith.constant 625 : i32
    %mul3A_73 = arith.muli %arg1, %mul3A_72 : i32
    %add3A_74 = arith.addi %mul3A_71, %mul3A_73 : i32
    "tpu.region"() ({
      %run_scoped3A = tpu.sem_alloc : memref<!tpu.dma_semaphore, #tpu.memory_space<semaphore_mem>>
      %dma_start3A_75 = arith.constant 0 : i32
      %dma_start3A_76 = tpu.memref_slice %arg6[%add3A_74, %dma_start3A_75] : memref<20000x128xf32, #tpu.memory_space<hbm>> -> memref<625x128xf32, #tpu.memory_space<hbm>>
      %dma_start3A_77 = arith.constant 0 : i32
      %dma_start3A_78 = tpu.memref_slice %arg12[%mul3A_69, %dma_start3A_77] : memref<10000x128xf32, #tpu.memory_space<vmem_shared>> -> memref<625x128xf32, #tpu.memory_space<vmem_shared>>
      tpu.enqueue_dma source(%dma_start3A_78 : memref<625x128xf32, #tpu.memory_space<vmem_shared>>) target(%dma_start3A_76 : memref<625x128xf32, #tpu.memory_space<hbm>>) target_semaphore(%run_scoped3A : memref<!tpu.dma_semaphore, #tpu.memory_space<semaphore_mem>>)
      %dma_wait3A_79 = arith.constant 0 : i32
      %dma_wait3A_80 = tpu.memref_slice %arg6[%add3A_74, %dma_wait3A_79] : memref<20000x128xf32, #tpu.memory_space<hbm>> -> memref<625x128xf32, #tpu.memory_space<hbm>>
      %dma_wait3A_81 = arith.constant 0 : i32
      %dma_wait3A_82 = tpu.memref_slice %arg12[%mul3A_69, %dma_wait3A_81] : memref<10000x128xf32, #tpu.memory_space<vmem_shared>> -> memref<625x128xf32, #tpu.memory_space<vmem_shared>>
      tpu.wait_dma2 semaphore(%run_scoped3A : memref<!tpu.dma_semaphore, #tpu.memory_space<semaphore_mem>>) src(%dma_wait3A_82 : memref<625x128xf32, #tpu.memory_space<vmem_shared>>) dst(%dma_wait3A_80 : memref<625x128xf32, #tpu.memory_space<hbm>>)
      tpu.yield
    }) : () -> ()
    return
  }
}

#map = affine_map<(d0, d1) -> (0, 0)>
#map1 = affine_map<(d0, d1) -> (0, 0, 0)>
module attributes {stable_mosaic.version = 14 : i64} {
  func.func @_agg(%arg0: i32, %arg1: i32, %arg2: memref<20000x128xf32, #tpu.memory_space<hbm>>, %arg3: memref<16x10240xi32, #tpu.memory_space<hbm>>, %arg4: memref<16x160x64xi32, #tpu.memory_space<hbm>>, %arg5: memref<16x10240xf32, #tpu.memory_space<hbm>>, %arg6: memref<20000x128xf32, #tpu.memory_space<hbm>>, %arg7: memref<10240xi32, #tpu.memory_space<vmem>>, %arg8: memref<160x64xi32, #tpu.memory_space<vmem>>, %arg9: memref<10240xf32, #tpu.memory_space<vmem>>, %arg10: memref<64x128xf32, #tpu.memory_space<vmem>>, %arg11: memref<64x128xf32, #tpu.memory_space<vmem>>, %arg12: memref<10000x128xf32, #tpu.memory_space<vmem_shared>>, %arg13: memref<!tpu.dma_semaphore, #tpu.memory_space<semaphore_mem>>, %arg14: memref<!tpu.dma_semaphore, #tpu.memory_space<semaphore_mem>>, %arg15: memref<!tpu.dma_semaphore, #tpu.memory_space<semaphore_mem>>, %arg16: memref<!tpu.dma_semaphore, #tpu.memory_space<semaphore_mem>>) attributes {dimension_semantics = [#tpu.dimension_semantics<core_parallel>, #tpu.dimension_semantics<subcore_parallel>], iteration_bounds = array<i64: 2, 16>, scalar_prefetch = 0 : i64, scratch_operands = 10 : i64, tpu.core_type = #tpu.core_type<sc_vector_subcore>, window_params = [{transform_indices = #map}, {transform_indices = #map}, {transform_indices = #map1}, {transform_indices = #map}, {transform_indices = #map}]} {
    "tpu.region"() ({
      %run_scoped3A = tpu.sem_alloc : memref<!tpu.dma_semaphore, #tpu.memory_space<semaphore_mem>>
      %dma_start3A_75 = arith.constant 0 : i32
      %dma_start3A_76 = arith.constant 0 : i32
      %dma_start3A_77 = tpu.memref_slice %arg4[%arg1, %dma_start3A_75, %dma_start3A_76] : memref<16x160x64xi32, #tpu.memory_space<hbm>> -> memref<1x160x64xi32, #tpu.memory_space<hbm>>
      %dma_start3A_78 = tpu.memref_squeeze %dma_start3A_77 : memref<1x160x64xi32, #tpu.memory_space<hbm>> -> memref<160x64xi32, #tpu.memory_space<hbm>>
      %dma_start3A_79 = arith.constant 0 : i32
      %dma_start3A_80 = arith.constant 0 : i32
      %dma_start3A_81 = tpu.memref_slice %arg4[%arg1, %dma_start3A_79, %dma_start3A_80] : memref<16x160x64xi32, #tpu.memory_space<hbm>> -> memref<1x160x64xi32, #tpu.memory_space<hbm>>
      %dma_start3A_82 = tpu.memref_squeeze %dma_start3A_81 : memref<1x160x64xi32, #tpu.memory_space<hbm>> -> memref<160x64xi32, #tpu.memory_space<hbm>>
      tpu.enqueue_dma source(%dma_start3A_82 : memref<160x64xi32, #tpu.memory_space<hbm>>) target(%arg8 : memref<160x64xi32, #tpu.memory_space<vmem>>) target_semaphore(%run_scoped3A : memref<!tpu.dma_semaphore, #tpu.memory_space<semaphore_mem>>)
      %dma_wait3A_83 = arith.constant 0 : i32
      %dma_wait3A_84 = arith.constant 0 : i32
      %dma_wait3A_85 = tpu.memref_slice %arg4[%arg1, %dma_wait3A_83, %dma_wait3A_84] : memref<16x160x64xi32, #tpu.memory_space<hbm>> -> memref<1x160x64xi32, #tpu.memory_space<hbm>>
      %dma_wait3A_86 = tpu.memref_squeeze %dma_wait3A_85 : memref<1x160x64xi32, #tpu.memory_space<hbm>> -> memref<160x64xi32, #tpu.memory_space<hbm>>
      %dma_wait3A_87 = arith.constant 0 : i32
      %dma_wait3A_88 = arith.constant 0 : i32
      %dma_wait3A_89 = tpu.memref_slice %arg4[%arg1, %dma_wait3A_87, %dma_wait3A_88] : memref<16x160x64xi32, #tpu.memory_space<hbm>> -> memref<1x160x64xi32, #tpu.memory_space<hbm>>
      %dma_wait3A_90 = tpu.memref_squeeze %dma_wait3A_89 : memref<1x160x64xi32, #tpu.memory_space<hbm>> -> memref<160x64xi32, #tpu.memory_space<hbm>>
      tpu.wait_dma2 semaphore(%run_scoped3A : memref<!tpu.dma_semaphore, #tpu.memory_space<semaphore_mem>>) src(%dma_wait3A_90 : memref<160x64xi32, #tpu.memory_space<hbm>>) dst(%arg8 : memref<160x64xi32, #tpu.memory_space<vmem>>)
      tpu.yield
    }) : () -> ()
    "tpu.region"() ({
      %run_scoped3A = tpu.sem_alloc : memref<!tpu.dma_semaphore, #tpu.memory_space<semaphore_mem>>
      %dma_start3A_75 = arith.constant 0 : i32
      %dma_start3A_76 = tpu.memref_slice %arg5[%arg1, %dma_start3A_75] : memref<16x10240xf32, #tpu.memory_space<hbm>> -> memref<1x10240xf32, #tpu.memory_space<hbm>>
      %dma_start3A_77 = tpu.memref_squeeze %dma_start3A_76 : memref<1x10240xf32, #tpu.memory_space<hbm>> -> memref<10240xf32, #tpu.memory_space<hbm>>
      %dma_start3A_78 = arith.constant 0 : i32
      %dma_start3A_79 = tpu.memref_slice %arg5[%arg1, %dma_start3A_78] : memref<16x10240xf32, #tpu.memory_space<hbm>> -> memref<1x10240xf32, #tpu.memory_space<hbm>>
      %dma_start3A_80 = tpu.memref_squeeze %dma_start3A_79 : memref<1x10240xf32, #tpu.memory_space<hbm>> -> memref<10240xf32, #tpu.memory_space<hbm>>
      tpu.enqueue_dma source(%dma_start3A_80 : memref<10240xf32, #tpu.memory_space<hbm>>) target(%arg9 : memref<10240xf32, #tpu.memory_space<vmem>>) target_semaphore(%run_scoped3A : memref<!tpu.dma_semaphore, #tpu.memory_space<semaphore_mem>>)
      %dma_wait3A_81 = arith.constant 0 : i32
      %dma_wait3A_82 = tpu.memref_slice %arg5[%arg1, %dma_wait3A_81] : memref<16x10240xf32, #tpu.memory_space<hbm>> -> memref<1x10240xf32, #tpu.memory_space<hbm>>
      %dma_wait3A_83 = tpu.memref_squeeze %dma_wait3A_82 : memref<1x10240xf32, #tpu.memory_space<hbm>> -> memref<10240xf32, #tpu.memory_space<hbm>>
      %dma_wait3A_84 = arith.constant 0 : i32
      %dma_wait3A_85 = tpu.memref_slice %arg5[%arg1, %dma_wait3A_84] : memref<16x10240xf32, #tpu.memory_space<hbm>> -> memref<1x10240xf32, #tpu.memory_space<hbm>>
      %dma_wait3A_86 = tpu.memref_squeeze %dma_wait3A_85 : memref<1x10240xf32, #tpu.memory_space<hbm>> -> memref<10240xf32, #tpu.memory_space<hbm>>
      tpu.wait_dma2 semaphore(%run_scoped3A : memref<!tpu.dma_semaphore, #tpu.memory_space<semaphore_mem>>) src(%dma_wait3A_86 : memref<10240xf32, #tpu.memory_space<hbm>>) dst(%arg9 : memref<10240xf32, #tpu.memory_space<vmem>>)
      tpu.yield
    }) : () -> ()
    %mul3A = arith.constant 1 : i32
    %mul3A_0 = arith.muli %arg0, %mul3A : i32
    %add3A = arith.constant 0 : i32
    %add3A_1 = arith.addi %mul3A_0, %add3A : i32
    %scan3A = arith.constant 0 : i32
    %scan3A_2 = arith.constant 64 : i32
    %scan3A_3 = arith.addi %scan3A, %scan3A_2 : i32
    %scan3A_4 = arith.constant 1 : i32
    scf.for %scan3A_75 = %scan3A to %scan3A_3 step %scan3A_4  : i32 {
      %mul3A_76 = arith.constant 1 : i32
      %mul3A_77 = arith.muli %scan3A_75, %mul3A_76 : i32
      %add3A_78 = arith.constant 0 : i32
      %add3A_79 = arith.addi %add3A_78, %mul3A_77 : i32
      %broadcast_in_dim3A = arith.constant 0.000000e+00 : f32
      %broadcast_in_dim3A_80 = vector.broadcast %broadcast_in_dim3A : f32 to vector<16xf32>
      %swap3A = arith.index_cast %add3A_79 : i32 to index
      %swap3A_81 = arith.constant 0 : index
      %swap3A_82 = tpu.vector_load %arg10[%swap3A, %swap3A_81] {strides = array<i32>} : memref<64x128xf32, #tpu.memory_space<vmem>>, vector<16xf32>,
      tpu.vector_store %arg10[%swap3A, %swap3A_81], %broadcast_in_dim3A_80 {strides = array<i32>} : memref<64x128xf32, #tpu.memory_space<vmem>>, vector<16xf32>,
      %broadcast_in_dim3A_83 = arith.constant 0.000000e+00 : f32
      %broadcast_in_dim3A_84 = vector.broadcast %broadcast_in_dim3A_83 : f32 to vector<16xf32>
      %swap3A_85 = arith.index_cast %add3A_79 : i32 to index
      %swap3A_86 = arith.constant 16 : index
      %swap3A_87 = tpu.vector_load %arg10[%swap3A_85, %swap3A_86] {strides = array<i32>} : memref<64x128xf32, #tpu.memory_space<vmem>>, vector<16xf32>,
      tpu.vector_store %arg10[%swap3A_85, %swap3A_86], %broadcast_in_dim3A_84 {strides = array<i32>} : memref<64x128xf32, #tpu.memory_space<vmem>>, vector<16xf32>,
      %broadcast_in_dim3A_88 = arith.constant 0.000000e+00 : f32
      %broadcast_in_dim3A_89 = vector.broadcast %broadcast_in_dim3A_88 : f32 to vector<16xf32>
      %swap3A_90 = arith.index_cast %add3A_79 : i32 to index
      %swap3A_91 = arith.constant 32 : index
      %swap3A_92 = tpu.vector_load %arg10[%swap3A_90, %swap3A_91] {strides = array<i32>} : memref<64x128xf32, #tpu.memory_space<vmem>>, vector<16xf32>,
      tpu.vector_store %arg10[%swap3A_90, %swap3A_91], %broadcast_in_dim3A_89 {strides = array<i32>} : memref<64x128xf32, #tpu.memory_space<vmem>>, vector<16xf32>,
      %broadcast_in_dim3A_93 = arith.constant 0.000000e+00 : f32
      %broadcast_in_dim3A_94 = vector.broadcast %broadcast_in_dim3A_93 : f32 to vector<16xf32>
      %swap3A_95 = arith.index_cast %add3A_79 : i32 to index
      %swap3A_96 = arith.constant 48 : index
      %swap3A_97 = tpu.vector_load %arg10[%swap3A_95, %swap3A_96] {strides = array<i32>} : memref<64x128xf32, #tpu.memory_space<vmem>>, vector<16xf32>,
      tpu.vector_store %arg10[%swap3A_95, %swap3A_96], %broadcast_in_dim3A_94 {strides = array<i32>} : memref<64x128xf32, #tpu.memory_space<vmem>>, vector<16xf32>,
      %broadcast_in_dim3A_98 = arith.constant 0.000000e+00 : f32
      %broadcast_in_dim3A_99 = vector.broadcast %broadcast_in_dim3A_98 : f32 to vector<16xf32>
      %swap3A_100 = arith.index_cast %add3A_79 : i32 to index
      %swap3A_101 = arith.constant 64 : index
      %swap3A_102 = tpu.vector_load %arg10[%swap3A_100, %swap3A_101] {strides = array<i32>} : memref<64x128xf32, #tpu.memory_space<vmem>>, vector<16xf32>,
      tpu.vector_store %arg10[%swap3A_100, %swap3A_101], %broadcast_in_dim3A_99 {strides = array<i32>} : memref<64x128xf32, #tpu.memory_space<vmem>>, vector<16xf32>,
      %broadcast_in_dim3A_103 = arith.constant 0.000000e+00 : f32
      %broadcast_in_dim3A_104 = vector.broadcast %broadcast_in_dim3A_103 : f32 to vector<16xf32>
      %swap3A_105 = arith.index_cast %add3A_79 : i32 to index
      %swap3A_106 = arith.constant 80 : index
      %swap3A_107 = tpu.vector_load %arg10[%swap3A_105, %swap3A_106] {strides = array<i32>} : memref<64x128xf32, #tpu.memory_space<vmem>>, vector<16xf32>,
      tpu.vector_store %arg10[%swap3A_105, %swap3A_106], %broadcast_in_dim3A_104 {strides = array<i32>} : memref<64x128xf32, #tpu.memory_space<vmem>>, vector<16xf32>,
      %broadcast_in_dim3A_108 = arith.constant 0.000000e+00 : f32
      %broadcast_in_dim3A_109 = vector.broadcast %broadcast_in_dim3A_108 : f32 to vector<16xf32>
      %swap3A_110 = arith.index_cast %add3A_79 : i32 to index
      %swap3A_111 = arith.constant 96 : index
      %swap3A_112 = tpu.vector_load %arg10[%swap3A_110, %swap3A_111] {strides = array<i32>} : memref<64x128xf32, #tpu.memory_space<vmem>>, vector<16xf32>,
      tpu.vector_store %arg10[%swap3A_110, %swap3A_111], %broadcast_in_dim3A_109 {strides = array<i32>} : memref<64x128xf32, #tpu.memory_space<vmem>>, vector<16xf32>,
      %broadcast_in_dim3A_113 = arith.constant 0.000000e+00 : f32
      %broadcast_in_dim3A_114 = vector.broadcast %broadcast_in_dim3A_113 : f32 to vector<16xf32>
      %swap3A_115 = arith.index_cast %add3A_79 : i32 to index
      %swap3A_116 = arith.constant 112 : index
      %swap3A_117 = tpu.vector_load %arg10[%swap3A_115, %swap3A_116] {strides = array<i32>} : memref<64x128xf32, #tpu.memory_space<vmem>>, vector<16xf32>,
      tpu.vector_store %arg10[%swap3A_115, %swap3A_116], %broadcast_in_dim3A_114 {strides = array<i32>} : memref<64x128xf32, #tpu.memory_space<vmem>>, vector<16xf32>,
    }
    %scan3A_5 = arith.constant 64 : i32
    %mul3A_6 = arith.constant 625 : i32
    %mul3A_7 = arith.muli %arg1, %mul3A_6 : i32
    %add3A_8 = arith.constant 0 : i32
    %add3A_9 = arith.addi %mul3A_7, %add3A_8 : i32
    "tpu.region"() ({
      %run_scoped3A = tpu.sem_alloc : memref<!tpu.dma_semaphore, #tpu.memory_space<semaphore_mem>>
      %dma_start3A_75 = arith.constant 0 : i32
      %dma_start3A_76 = tpu.memref_slice %arg12[%add3A_9, %dma_start3A_75] : memref<10000x128xf32, #tpu.memory_space<vmem_shared>> -> memref<64x128xf32, #tpu.memory_space<vmem_shared>>
      %dma_start3A_77 = arith.constant 0 : i32
      %dma_start3A_78 = tpu.memref_slice %arg12[%add3A_9, %dma_start3A_77] : memref<10000x128xf32, #tpu.memory_space<vmem_shared>> -> memref<64x128xf32, #tpu.memory_space<vmem_shared>>
      tpu.enqueue_dma source(%arg10 : memref<64x128xf32, #tpu.memory_space<vmem>>) target(%dma_start3A_78 : memref<64x128xf32, #tpu.memory_space<vmem_shared>>) target_semaphore(%run_scoped3A : memref<!tpu.dma_semaphore, #tpu.memory_space<semaphore_mem>>)
      %dma_wait3A_79 = arith.constant 0 : i32
      %dma_wait3A_80 = tpu.memref_slice %arg12[%add3A_9, %dma_wait3A_79] : memref<10000x128xf32, #tpu.memory_space<vmem_shared>> -> memref<64x128xf32, #tpu.memory_space<vmem_shared>>
      %dma_wait3A_81 = arith.constant 0 : i32
      %dma_wait3A_82 = tpu.memref_slice %arg12[%add3A_9, %dma_wait3A_81] : memref<10000x128xf32, #tpu.memory_space<vmem_shared>> -> memref<64x128xf32, #tpu.memory_space<vmem_shared>>
      tpu.wait_dma2 semaphore(%run_scoped3A : memref<!tpu.dma_semaphore, #tpu.memory_space<semaphore_mem>>) src(%arg10 : memref<64x128xf32, #tpu.memory_space<vmem>>) dst(%dma_wait3A_82 : memref<64x128xf32, #tpu.memory_space<vmem_shared>>)
      tpu.yield
    }) : () -> ()
    %mul3A_10 = arith.constant 625 : i32
    %mul3A_11 = arith.muli %arg1, %mul3A_10 : i32
    %add3A_12 = arith.constant 64 : i32
    %add3A_13 = arith.addi %mul3A_11, %add3A_12 : i32
    "tpu.region"() ({
      %run_scoped3A = tpu.sem_alloc : memref<!tpu.dma_semaphore, #tpu.memory_space<semaphore_mem>>
      %dma_start3A_75 = arith.constant 0 : i32
      %dma_start3A_76 = tpu.memref_slice %arg12[%add3A_13, %dma_start3A_75] : memref<10000x128xf32, #tpu.memory_space<vmem_shared>> -> memref<64x128xf32, #tpu.memory_space<vmem_shared>>
      %dma_start3A_77 = arith.constant 0 : i32
      %dma_start3A_78 = tpu.memref_slice %arg12[%add3A_13, %dma_start3A_77] : memref<10000x128xf32, #tpu.memory_space<vmem_shared>> -> memref<64x128xf32, #tpu.memory_space<vmem_shared>>
      tpu.enqueue_dma source(%arg10 : memref<64x128xf32, #tpu.memory_space<vmem>>) target(%dma_start3A_78 : memref<64x128xf32, #tpu.memory_space<vmem_shared>>) target_semaphore(%run_scoped3A : memref<!tpu.dma_semaphore, #tpu.memory_space<semaphore_mem>>)
      %dma_wait3A_79 = arith.constant 0 : i32
      %dma_wait3A_80 = tpu.memref_slice %arg12[%add3A_13, %dma_wait3A_79] : memref<10000x128xf32, #tpu.memory_space<vmem_shared>> -> memref<64x128xf32, #tpu.memory_space<vmem_shared>>
      %dma_wait3A_81 = arith.constant 0 : i32
      %dma_wait3A_82 = tpu.memref_slice %arg12[%add3A_13, %dma_wait3A_81] : memref<10000x128xf32, #tpu.memory_space<vmem_shared>> -> memref<64x128xf32, #tpu.memory_space<vmem_shared>>
      tpu.wait_dma2 semaphore(%run_scoped3A : memref<!tpu.dma_semaphore, #tpu.memory_space<semaphore_mem>>) src(%arg10 : memref<64x128xf32, #tpu.memory_space<vmem>>) dst(%dma_wait3A_82 : memref<64x128xf32, #tpu.memory_space<vmem_shared>>)
      tpu.yield
    }) : () -> ()
    %mul3A_14 = arith.constant 625 : i32
    %mul3A_15 = arith.muli %arg1, %mul3A_14 : i32
    %add3A_16 = arith.constant 128 : i32
    %add3A_17 = arith.addi %mul3A_15, %add3A_16 : i32
    "tpu.region"() ({
      %run_scoped3A = tpu.sem_alloc : memref<!tpu.dma_semaphore, #tpu.memory_space<semaphore_mem>>
      %dma_start3A_75 = arith.constant 0 : i32
      %dma_start3A_76 = tpu.memref_slice %arg12[%add3A_17, %dma_start3A_75] : memref<10000x128xf32, #tpu.memory_space<vmem_shared>> -> memref<64x128xf32, #tpu.memory_space<vmem_shared>>
      %dma_start3A_77 = arith.constant 0 : i32
      %dma_start3A_78 = tpu.memref_slice %arg12[%add3A_17, %dma_start3A_77] : memref<10000x128xf32, #tpu.memory_space<vmem_shared>> -> memref<64x128xf32, #tpu.memory_space<vmem_shared>>
      tpu.enqueue_dma source(%arg10 : memref<64x128xf32, #tpu.memory_space<vmem>>) target(%dma_start3A_78 : memref<64x128xf32, #tpu.memory_space<vmem_shared>>) target_semaphore(%run_scoped3A : memref<!tpu.dma_semaphore, #tpu.memory_space<semaphore_mem>>)
      %dma_wait3A_79 = arith.constant 0 : i32
      %dma_wait3A_80 = tpu.memref_slice %arg12[%add3A_17, %dma_wait3A_79] : memref<10000x128xf32, #tpu.memory_space<vmem_shared>> -> memref<64x128xf32, #tpu.memory_space<vmem_shared>>
      %dma_wait3A_81 = arith.constant 0 : i32
      %dma_wait3A_82 = tpu.memref_slice %arg12[%add3A_17, %dma_wait3A_81] : memref<10000x128xf32, #tpu.memory_space<vmem_shared>> -> memref<64x128xf32, #tpu.memory_space<vmem_shared>>
      tpu.wait_dma2 semaphore(%run_scoped3A : memref<!tpu.dma_semaphore, #tpu.memory_space<semaphore_mem>>) src(%arg10 : memref<64x128xf32, #tpu.memory_space<vmem>>) dst(%dma_wait3A_82 : memref<64x128xf32, #tpu.memory_space<vmem_shared>>)
      tpu.yield
    }) : () -> ()
    %mul3A_18 = arith.constant 625 : i32
    %mul3A_19 = arith.muli %arg1, %mul3A_18 : i32
    %add3A_20 = arith.constant 192 : i32
    %add3A_21 = arith.addi %mul3A_19, %add3A_20 : i32
    "tpu.region"() ({
      %run_scoped3A = tpu.sem_alloc : memref<!tpu.dma_semaphore, #tpu.memory_space<semaphore_mem>>
      %dma_start3A_75 = arith.constant 0 : i32
      %dma_start3A_76 = tpu.memref_slice %arg12[%add3A_21, %dma_start3A_75] : memref<10000x128xf32, #tpu.memory_space<vmem_shared>> -> memref<64x128xf32, #tpu.memory_space<vmem_shared>>
      %dma_start3A_77 = arith.constant 0 : i32
      %dma_start3A_78 = tpu.memref_slice %arg12[%add3A_21, %dma_start3A_77] : memref<10000x128xf32, #tpu.memory_space<vmem_shared>> -> memref<64x128xf32, #tpu.memory_space<vmem_shared>>
      tpu.enqueue_dma source(%arg10 : memref<64x128xf32, #tpu.memory_space<vmem>>) target(%dma_start3A_78 : memref<64x128xf32, #tpu.memory_space<vmem_shared>>) target_semaphore(%run_scoped3A : memref<!tpu.dma_semaphore, #tpu.memory_space<semaphore_mem>>)
      %dma_wait3A_79 = arith.constant 0 : i32
      %dma_wait3A_80 = tpu.memref_slice %arg12[%add3A_21, %dma_wait3A_79] : memref<10000x128xf32, #tpu.memory_space<vmem_shared>> -> memref<64x128xf32, #tpu.memory_space<vmem_shared>>
      %dma_wait3A_81 = arith.constant 0 : i32
      %dma_wait3A_82 = tpu.memref_slice %arg12[%add3A_21, %dma_wait3A_81] : memref<10000x128xf32, #tpu.memory_space<vmem_shared>> -> memref<64x128xf32, #tpu.memory_space<vmem_shared>>
      tpu.wait_dma2 semaphore(%run_scoped3A : memref<!tpu.dma_semaphore, #tpu.memory_space<semaphore_mem>>) src(%arg10 : memref<64x128xf32, #tpu.memory_space<vmem>>) dst(%dma_wait3A_82 : memref<64x128xf32, #tpu.memory_space<vmem_shared>>)
      tpu.yield
    }) : () -> ()
    %mul3A_22 = arith.constant 625 : i32
    %mul3A_23 = arith.muli %arg1, %mul3A_22 : i32
    %add3A_24 = arith.constant 256 : i32
    %add3A_25 = arith.addi %mul3A_23, %add3A_24 : i32
    "tpu.region"() ({
      %run_scoped3A = tpu.sem_alloc : memref<!tpu.dma_semaphore, #tpu.memory_space<semaphore_mem>>
      %dma_start3A_75 = arith.constant 0 : i32
      %dma_start3A_76 = tpu.memref_slice %arg12[%add3A_25, %dma_start3A_75] : memref<10000x128xf32, #tpu.memory_space<vmem_shared>> -> memref<64x128xf32, #tpu.memory_space<vmem_shared>>
      %dma_start3A_77 = arith.constant 0 : i32
      %dma_start3A_78 = tpu.memref_slice %arg12[%add3A_25, %dma_start3A_77] : memref<10000x128xf32, #tpu.memory_space<vmem_shared>> -> memref<64x128xf32, #tpu.memory_space<vmem_shared>>
      tpu.enqueue_dma source(%arg10 : memref<64x128xf32, #tpu.memory_space<vmem>>) target(%dma_start3A_78 : memref<64x128xf32, #tpu.memory_space<vmem_shared>>) target_semaphore(%run_scoped3A : memref<!tpu.dma_semaphore, #tpu.memory_space<semaphore_mem>>)
      %dma_wait3A_79 = arith.constant 0 : i32
      %dma_wait3A_80 = tpu.memref_slice %arg12[%add3A_25, %dma_wait3A_79] : memref<10000x128xf32, #tpu.memory_space<vmem_shared>> -> memref<64x128xf32, #tpu.memory_space<vmem_shared>>
      %dma_wait3A_81 = arith.constant 0 : i32
      %dma_wait3A_82 = tpu.memref_slice %arg12[%add3A_25, %dma_wait3A_81] : memref<10000x128xf32, #tpu.memory_space<vmem_shared>> -> memref<64x128xf32, #tpu.memory_space<vmem_shared>>
      tpu.wait_dma2 semaphore(%run_scoped3A : memref<!tpu.dma_semaphore, #tpu.memory_space<semaphore_mem>>) src(%arg10 : memref<64x128xf32, #tpu.memory_space<vmem>>) dst(%dma_wait3A_82 : memref<64x128xf32, #tpu.memory_space<vmem_shared>>)
      tpu.yield
    }) : () -> ()
    %mul3A_26 = arith.constant 625 : i32
    %mul3A_27 = arith.muli %arg1, %mul3A_26 : i32
    %add3A_28 = arith.constant 320 : i32
    %add3A_29 = arith.addi %mul3A_27, %add3A_28 : i32
    "tpu.region"() ({
      %run_scoped3A = tpu.sem_alloc : memref<!tpu.dma_semaphore, #tpu.memory_space<semaphore_mem>>
      %dma_start3A_75 = arith.constant 0 : i32
      %dma_start3A_76 = tpu.memref_slice %arg12[%add3A_29, %dma_start3A_75] : memref<10000x128xf32, #tpu.memory_space<vmem_shared>> -> memref<64x128xf32, #tpu.memory_space<vmem_shared>>
      %dma_start3A_77 = arith.constant 0 : i32
      %dma_start3A_78 = tpu.memref_slice %arg12[%add3A_29, %dma_start3A_77] : memref<10000x128xf32, #tpu.memory_space<vmem_shared>> -> memref<64x128xf32, #tpu.memory_space<vmem_shared>>
      tpu.enqueue_dma source(%arg10 : memref<64x128xf32, #tpu.memory_space<vmem>>) target(%dma_start3A_78 : memref<64x128xf32, #tpu.memory_space<vmem_shared>>) target_semaphore(%run_scoped3A : memref<!tpu.dma_semaphore, #tpu.memory_space<semaphore_mem>>)
      %dma_wait3A_79 = arith.constant 0 : i32
      %dma_wait3A_80 = tpu.memref_slice %arg12[%add3A_29, %dma_wait3A_79] : memref<10000x128xf32, #tpu.memory_space<vmem_shared>> -> memref<64x128xf32, #tpu.memory_space<vmem_shared>>
      %dma_wait3A_81 = arith.constant 0 : i32
      %dma_wait3A_82 = tpu.memref_slice %arg12[%add3A_29, %dma_wait3A_81] : memref<10000x128xf32, #tpu.memory_space<vmem_shared>> -> memref<64x128xf32, #tpu.memory_space<vmem_shared>>
      tpu.wait_dma2 semaphore(%run_scoped3A : memref<!tpu.dma_semaphore, #tpu.memory_space<semaphore_mem>>) src(%arg10 : memref<64x128xf32, #tpu.memory_space<vmem>>) dst(%dma_wait3A_82 : memref<64x128xf32, #tpu.memory_space<vmem_shared>>)
      tpu.yield
    }) : () -> ()
    %mul3A_30 = arith.constant 625 : i32
    %mul3A_31 = arith.muli %arg1, %mul3A_30 : i32
    %add3A_32 = arith.constant 384 : i32
    %add3A_33 = arith.addi %mul3A_31, %add3A_32 : i32
    "tpu.region"() ({
      %run_scoped3A = tpu.sem_alloc : memref<!tpu.dma_semaphore, #tpu.memory_space<semaphore_mem>>
      %dma_start3A_75 = arith.constant 0 : i32
      %dma_start3A_76 = tpu.memref_slice %arg12[%add3A_33, %dma_start3A_75] : memref<10000x128xf32, #tpu.memory_space<vmem_shared>> -> memref<64x128xf32, #tpu.memory_space<vmem_shared>>
      %dma_start3A_77 = arith.constant 0 : i32
      %dma_start3A_78 = tpu.memref_slice %arg12[%add3A_33, %dma_start3A_77] : memref<10000x128xf32, #tpu.memory_space<vmem_shared>> -> memref<64x128xf32, #tpu.memory_space<vmem_shared>>
      tpu.enqueue_dma source(%arg10 : memref<64x128xf32, #tpu.memory_space<vmem>>) target(%dma_start3A_78 : memref<64x128xf32, #tpu.memory_space<vmem_shared>>) target_semaphore(%run_scoped3A : memref<!tpu.dma_semaphore, #tpu.memory_space<semaphore_mem>>)
      %dma_wait3A_79 = arith.constant 0 : i32
      %dma_wait3A_80 = tpu.memref_slice %arg12[%add3A_33, %dma_wait3A_79] : memref<10000x128xf32, #tpu.memory_space<vmem_shared>> -> memref<64x128xf32, #tpu.memory_space<vmem_shared>>
      %dma_wait3A_81 = arith.constant 0 : i32
      %dma_wait3A_82 = tpu.memref_slice %arg12[%add3A_33, %dma_wait3A_81] : memref<10000x128xf32, #tpu.memory_space<vmem_shared>> -> memref<64x128xf32, #tpu.memory_space<vmem_shared>>
      tpu.wait_dma2 semaphore(%run_scoped3A : memref<!tpu.dma_semaphore, #tpu.memory_space<semaphore_mem>>) src(%arg10 : memref<64x128xf32, #tpu.memory_space<vmem>>) dst(%dma_wait3A_82 : memref<64x128xf32, #tpu.memory_space<vmem_shared>>)
      tpu.yield
    }) : () -> ()
    %mul3A_34 = arith.constant 625 : i32
    %mul3A_35 = arith.muli %arg1, %mul3A_34 : i32
    %add3A_36 = arith.constant 448 : i32
    %add3A_37 = arith.addi %mul3A_35, %add3A_36 : i32
    "tpu.region"() ({
      %run_scoped3A = tpu.sem_alloc : memref<!tpu.dma_semaphore, #tpu.memory_space<semaphore_mem>>
      %dma_start3A_75 = arith.constant 0 : i32
      %dma_start3A_76 = tpu.memref_slice %arg12[%add3A_37, %dma_start3A_75] : memref<10000x128xf32, #tpu.memory_space<vmem_shared>> -> memref<64x128xf32, #tpu.memory_space<vmem_shared>>
      %dma_start3A_77 = arith.constant 0 : i32
      %dma_start3A_78 = tpu.memref_slice %arg12[%add3A_37, %dma_start3A_77] : memref<10000x128xf32, #tpu.memory_space<vmem_shared>> -> memref<64x128xf32, #tpu.memory_space<vmem_shared>>
      tpu.enqueue_dma source(%arg10 : memref<64x128xf32, #tpu.memory_space<vmem>>) target(%dma_start3A_78 : memref<64x128xf32, #tpu.memory_space<vmem_shared>>) target_semaphore(%run_scoped3A : memref<!tpu.dma_semaphore, #tpu.memory_space<semaphore_mem>>)
      %dma_wait3A_79 = arith.constant 0 : i32
      %dma_wait3A_80 = tpu.memref_slice %arg12[%add3A_37, %dma_wait3A_79] : memref<10000x128xf32, #tpu.memory_space<vmem_shared>> -> memref<64x128xf32, #tpu.memory_space<vmem_shared>>
      %dma_wait3A_81 = arith.constant 0 : i32
      %dma_wait3A_82 = tpu.memref_slice %arg12[%add3A_37, %dma_wait3A_81] : memref<10000x128xf32, #tpu.memory_space<vmem_shared>> -> memref<64x128xf32, #tpu.memory_space<vmem_shared>>
      tpu.wait_dma2 semaphore(%run_scoped3A : memref<!tpu.dma_semaphore, #tpu.memory_space<semaphore_mem>>) src(%arg10 : memref<64x128xf32, #tpu.memory_space<vmem>>) dst(%dma_wait3A_82 : memref<64x128xf32, #tpu.memory_space<vmem_shared>>)
      tpu.yield
    }) : () -> ()
    %mul3A_38 = arith.constant 625 : i32
    %mul3A_39 = arith.muli %arg1, %mul3A_38 : i32
    %add3A_40 = arith.constant 512 : i32
    %add3A_41 = arith.addi %mul3A_39, %add3A_40 : i32
    "tpu.region"() ({
      %run_scoped3A = tpu.sem_alloc : memref<!tpu.dma_semaphore, #tpu.memory_space<semaphore_mem>>
      %dma_start3A_75 = arith.constant 0 : i32
      %dma_start3A_76 = tpu.memref_slice %arg12[%add3A_41, %dma_start3A_75] : memref<10000x128xf32, #tpu.memory_space<vmem_shared>> -> memref<64x128xf32, #tpu.memory_space<vmem_shared>>
      %dma_start3A_77 = arith.constant 0 : i32
      %dma_start3A_78 = tpu.memref_slice %arg12[%add3A_41, %dma_start3A_77] : memref<10000x128xf32, #tpu.memory_space<vmem_shared>> -> memref<64x128xf32, #tpu.memory_space<vmem_shared>>
      tpu.enqueue_dma source(%arg10 : memref<64x128xf32, #tpu.memory_space<vmem>>) target(%dma_start3A_78 : memref<64x128xf32, #tpu.memory_space<vmem_shared>>) target_semaphore(%run_scoped3A : memref<!tpu.dma_semaphore, #tpu.memory_space<semaphore_mem>>)
      %dma_wait3A_79 = arith.constant 0 : i32
      %dma_wait3A_80 = tpu.memref_slice %arg12[%add3A_41, %dma_wait3A_79] : memref<10000x128xf32, #tpu.memory_space<vmem_shared>> -> memref<64x128xf32, #tpu.memory_space<vmem_shared>>
      %dma_wait3A_81 = arith.constant 0 : i32
      %dma_wait3A_82 = tpu.memref_slice %arg12[%add3A_41, %dma_wait3A_81] : memref<10000x128xf32, #tpu.memory_space<vmem_shared>> -> memref<64x128xf32, #tpu.memory_space<vmem_shared>>
      tpu.wait_dma2 semaphore(%run_scoped3A : memref<!tpu.dma_semaphore, #tpu.memory_space<semaphore_mem>>) src(%arg10 : memref<64x128xf32, #tpu.memory_space<vmem>>) dst(%dma_wait3A_82 : memref<64x128xf32, #tpu.memory_space<vmem_shared>>)
      tpu.yield
    }) : () -> ()
    %mul3A_42 = arith.constant 625 : i32
    %mul3A_43 = arith.muli %arg1, %mul3A_42 : i32
    %add3A_44 = arith.constant 625 : i32
    %add3A_45 = arith.addi %mul3A_43, %add3A_44 : i32
    %sub3A = arith.constant 49 : i32
    %sub3A_46 = arith.subi %add3A_45, %sub3A : i32
    "tpu.region"() ({
      %run_scoped3A = tpu.sem_alloc : memref<!tpu.dma_semaphore, #tpu.memory_space<semaphore_mem>>
      %dma_start3A_75 = arith.constant 0 : i32
      %dma_start3A_76 = arith.constant 0 : i32
      %dma_start3A_77 = tpu.memref_slice %arg10[%dma_start3A_75, %dma_start3A_76] : memref<64x128xf32, #tpu.memory_space<vmem>> -> memref<49x128xf32, #tpu.memory_space<vmem>>
      %dma_start3A_78 = arith.constant 0 : i32
      %dma_start3A_79 = tpu.memref_slice %arg12[%sub3A_46, %dma_start3A_78] : memref<10000x128xf32, #tpu.memory_space<vmem_shared>> -> memref<49x128xf32, #tpu.memory_space<vmem_shared>>
      %dma_start3A_80 = arith.constant 0 : i32
      %dma_start3A_81 = tpu.memref_slice %arg12[%sub3A_46, %dma_start3A_80] : memref<10000x128xf32, #tpu.memory_space<vmem_shared>> -> memref<49x128xf32, #tpu.memory_space<vmem_shared>>
      %dma_start3A_82 = arith.constant 0 : i32
      %dma_start3A_83 = arith.constant 0 : i32
      %dma_start3A_84 = tpu.memref_slice %arg10[%dma_start3A_82, %dma_start3A_83] : memref<64x128xf32, #tpu.memory_space<vmem>> -> memref<49x128xf32, #tpu.memory_space<vmem>>
      tpu.enqueue_dma source(%dma_start3A_84 : memref<49x128xf32, #tpu.memory_space<vmem>>) target(%dma_start3A_81 : memref<49x128xf32, #tpu.memory_space<vmem_shared>>) target_semaphore(%run_scoped3A : memref<!tpu.dma_semaphore, #tpu.memory_space<semaphore_mem>>)
      %dma_wait3A_85 = arith.constant 0 : i32
      %dma_wait3A_86 = arith.constant 0 : i32
      %dma_wait3A_87 = tpu.memref_slice %arg10[%dma_wait3A_85, %dma_wait3A_86] : memref<64x128xf32, #tpu.memory_space<vmem>> -> memref<49x128xf32, #tpu.memory_space<vmem>>
      %dma_wait3A_88 = arith.constant 0 : i32
      %dma_wait3A_89 = tpu.memref_slice %arg12[%sub3A_46, %dma_wait3A_88] : memref<10000x128xf32, #tpu.memory_space<vmem_shared>> -> memref<49x128xf32, #tpu.memory_space<vmem_shared>>
      %dma_wait3A_90 = arith.constant 0 : i32
      %dma_wait3A_91 = tpu.memref_slice %arg12[%sub3A_46, %dma_wait3A_90] : memref<10000x128xf32, #tpu.memory_space<vmem_shared>> -> memref<49x128xf32, #tpu.memory_space<vmem_shared>>
      %dma_wait3A_92 = arith.constant 0 : i32
      %dma_wait3A_93 = arith.constant 0 : i32
      %dma_wait3A_94 = tpu.memref_slice %arg10[%dma_wait3A_92, %dma_wait3A_93] : memref<64x128xf32, #tpu.memory_space<vmem>> -> memref<49x128xf32, #tpu.memory_space<vmem>>
      tpu.wait_dma2 semaphore(%run_scoped3A : memref<!tpu.dma_semaphore, #tpu.memory_space<semaphore_mem>>) src(%dma_wait3A_94 : memref<49x128xf32, #tpu.memory_space<vmem>>) dst(%dma_wait3A_91 : memref<49x128xf32, #tpu.memory_space<vmem_shared>>)
      tpu.yield
    }) : () -> ()
    "tpu.region"() ({
      %run_scoped3A = tpu.sem_alloc : memref<!tpu.dma_semaphore, #tpu.memory_space<semaphore_mem>>
      %dma_start3A_75 = arith.constant 0 : i32
      %dma_start3A_76 = tpu.memref_slice %arg3[%arg1, %dma_start3A_75] : memref<16x10240xi32, #tpu.memory_space<hbm>> -> memref<1x10240xi32, #tpu.memory_space<hbm>>
      %dma_start3A_77 = tpu.memref_squeeze %dma_start3A_76 : memref<1x10240xi32, #tpu.memory_space<hbm>> -> memref<10240xi32, #tpu.memory_space<hbm>>
      %dma_start3A_78 = arith.constant 0 : i32
      %dma_start3A_79 = tpu.memref_slice %arg3[%arg1, %dma_start3A_78] : memref<16x10240xi32, #tpu.memory_space<hbm>> -> memref<1x10240xi32, #tpu.memory_space<hbm>>
      %dma_start3A_80 = tpu.memref_squeeze %dma_start3A_79 : memref<1x10240xi32, #tpu.memory_space<hbm>> -> memref<10240xi32, #tpu.memory_space<hbm>>
      tpu.enqueue_dma source(%dma_start3A_80 : memref<10240xi32, #tpu.memory_space<hbm>>) target(%arg7 : memref<10240xi32, #tpu.memory_space<vmem>>) target_semaphore(%run_scoped3A : memref<!tpu.dma_semaphore, #tpu.memory_space<semaphore_mem>>)
      %dma_wait3A_81 = arith.constant 0 : i32
      %dma_wait3A_82 = tpu.memref_slice %arg3[%arg1, %dma_wait3A_81] : memref<16x10240xi32, #tpu.memory_space<hbm>> -> memref<1x10240xi32, #tpu.memory_space<hbm>>
      %dma_wait3A_83 = tpu.memref_squeeze %dma_wait3A_82 : memref<1x10240xi32, #tpu.memory_space<hbm>> -> memref<10240xi32, #tpu.memory_space<hbm>>
      %dma_wait3A_84 = arith.constant 0 : i32
      %dma_wait3A_85 = tpu.memref_slice %arg3[%arg1, %dma_wait3A_84] : memref<16x10240xi32, #tpu.memory_space<hbm>> -> memref<1x10240xi32, #tpu.memory_space<hbm>>
      %dma_wait3A_86 = tpu.memref_squeeze %dma_wait3A_85 : memref<1x10240xi32, #tpu.memory_space<hbm>> -> memref<10240xi32, #tpu.memory_space<hbm>>
      tpu.wait_dma2 semaphore(%run_scoped3A : memref<!tpu.dma_semaphore, #tpu.memory_space<semaphore_mem>>) src(%dma_wait3A_86 : memref<10240xi32, #tpu.memory_space<hbm>>) dst(%arg7 : memref<10240xi32, #tpu.memory_space<vmem>>)
      tpu.yield
    }) : () -> ()
    %scan3A_47 = arith.constant 0 : i32
    %scan3A_48 = arith.constant 640 : i32
    %scan3A_49 = arith.addi %scan3A_47, %scan3A_48 : i32
    %scan3A_50 = arith.constant 1 : i32
    scf.for %scan3A_75 = %scan3A_47 to %scan3A_49 step %scan3A_50  : i32 {
      %mul3A_76 = arith.constant 1 : i32
      %mul3A_77 = arith.muli %scan3A_75, %mul3A_76 : i32
      %add3A_78 = arith.constant 0 : i32
      %add3A_79 = arith.addi %add3A_78, %mul3A_77 : i32
      %mul3A_80 = arith.constant 16 : i32
      %mul3A_81 = arith.muli %add3A_79, %mul3A_80 : i32
      %get3A = arith.index_cast %mul3A_81 : i32 to index
      %get3A_82 = tpu.vector_load %arg7[%get3A] {strides = array<i32>} : memref<10240xi32, #tpu.memory_space<vmem>>, vector<16xi32>,
      %mul3A_83 = arith.constant 2 : i32
      %mul3A_84 = vector.broadcast %mul3A_83 : i32 to vector<16xi32>
      %mul3A_85 = arith.muli %get3A_82, %mul3A_84 : vector<16xi32>
      %add3A_86 = vector.broadcast %add3A_1 : i32 to vector<16xi32>
      %add3A_87 = arith.addi %mul3A_85, %add3A_86 : vector<16xi32>
      %swap3A = arith.index_cast %mul3A_81 : i32 to index
      %swap3A_88 = tpu.vector_load %arg7[%swap3A] {strides = array<i32>} : memref<10240xi32, #tpu.memory_space<vmem>>, vector<16xi32>,
      tpu.vector_store %arg7[%swap3A], %add3A_87 {strides = array<i32>} : memref<10240xi32, #tpu.memory_space<vmem>>, vector<16xi32>,
    }
    %scan3A_51 = arith.constant 640 : i32
    %dma_start3A = arith.constant 0 : i32
    %dma_start3A_52 = tpu.memref_slice %arg7[%dma_start3A] : memref<10240xi32, #tpu.memory_space<vmem>> -> memref<64xi32, #tpu.memory_space<vmem>>
    %dma_start3A_53 = arith.constant 0 : i32
    %dma_start3A_54 = arith.constant 0 : i32
    %dma_start3A_55 = tpu.memref_slice %arg2[%dma_start3A_53, %dma_start3A_54] : memref<20000x128xf32, #tpu.memory_space<hbm>> -> memref<20000x128xf32, #tpu.memory_space<hbm>>
    tpu.enqueue_indirect_dma source(%dma_start3A_55 : memref<20000x128xf32, #tpu.memory_space<hbm>>) target(%arg10 : memref<64x128xf32, #tpu.memory_space<vmem>>) offsets(%dma_start3A_52 : memref<64xi32, #tpu.memory_space<vmem>>) semaphore(%arg13 : memref<!tpu.dma_semaphore, #tpu.memory_space<semaphore_mem>>)
    %barrier3A = arith.constant 0 : index
    tpu.barrier barrier_id(%barrier3A)
    %scan3A_56 = arith.constant 0 : i32
    %scan3A_57 = arith.constant 80 : i32
    %scan3A_58 = arith.addi %scan3A_56, %scan3A_57 : i32
    %scan3A_59 = arith.constant 1 : i32
    scf.for %scan3A_75 = %scan3A_56 to %scan3A_58 step %scan3A_59  : i32 {
      %mul3A_76 = arith.constant 1 : i32
      %mul3A_77 = arith.muli %scan3A_75, %mul3A_76 : i32
      %add3A_78 = arith.constant 0 : i32
      %add3A_79 = arith.addi %add3A_78, %mul3A_77 : i32
      %mul3A_80 = arith.constant 2 : i32
      %mul3A_81 = arith.muli %add3A_79, %mul3A_80 : i32
      %add3A_82 = arith.constant 1 : i32
      %add3A_83 = arith.addi %mul3A_81, %add3A_82 : i32
      %gt3A = arith.constant 0 : i32
      %gt3A_84 = arith.cmpi sgt, %add3A_79, %gt3A : i32
      %convert_element_type3A = arith.extui %gt3A_84 : i1 to i32
      %cond3A = arith.constant 0 : i32
      %cond3A_85 = arith.cmpi ne, %convert_element_type3A, %cond3A : i32
      scf.if %cond3A_85 {
        %sub3A_138 = arith.constant 1 : i32
        %sub3A_139 = arith.subi %mul3A_81, %sub3A_138 : i32
        %dma_wait3A_140 = arith.constant 0 : i32
        %dma_wait3A_141 = tpu.memref_slice %arg8[%sub3A_139, %dma_wait3A_140] : memref<160x64xi32, #tpu.memory_space<vmem>> -> memref<1x64xi32, #tpu.memory_space<vmem>>
        %dma_wait3A_142 = tpu.memref_squeeze %dma_wait3A_141 : memref<1x64xi32, #tpu.memory_space<vmem>> -> memref<64xi32, #tpu.memory_space<vmem>>
        %dma_wait3A_143 = arith.constant 0 : i32
        %dma_wait3A_144 = arith.constant 0 : i32
        %dma_wait3A_145 = tpu.memref_slice %arg12[%dma_wait3A_143, %dma_wait3A_144] : memref<10000x128xf32, #tpu.memory_space<vmem_shared>> -> memref<10000x128xf32, #tpu.memory_space<vmem_shared>>
        tpu.wait_indirect_dma semaphore(%arg16 : memref<!tpu.dma_semaphore, #tpu.memory_space<semaphore_mem>>) src(%arg11 : memref<64x128xf32, #tpu.memory_space<vmem>>) dst(%dma_wait3A_145 : memref<10000x128xf32, #tpu.memory_space<vmem_shared>>)
      } else {
      }
      %mul3A_86 = arith.constant 64 : i32
      %mul3A_87 = arith.muli %add3A_83, %mul3A_86 : i32
      %dma_start3A_88 = tpu.memref_slice %arg7[%mul3A_87] : memref<10240xi32, #tpu.memory_space<vmem>> -> memref<64xi32, #tpu.memory_space<vmem>>
      %dma_start3A_89 = arith.constant 0 : i32
      %dma_start3A_90 = arith.constant 0 : i32
      %dma_start3A_91 = tpu.memref_slice %arg2[%dma_start3A_89, %dma_start3A_90] : memref<20000x128xf32, #tpu.memory_space<hbm>> -> memref<20000x128xf32, #tpu.memory_space<hbm>>
      tpu.enqueue_indirect_dma source(%dma_start3A_91 : memref<20000x128xf32, #tpu.memory_space<hbm>>) target(%arg11 : memref<64x128xf32, #tpu.memory_space<vmem>>) offsets(%dma_start3A_88 : memref<64xi32, #tpu.memory_space<vmem>>) semaphore(%arg14 : memref<!tpu.dma_semaphore, #tpu.memory_space<semaphore_mem>>)
      %mul3A_92 = arith.constant 64 : i32
      %mul3A_93 = arith.muli %mul3A_81, %mul3A_92 : i32
      %dma_wait3A_94 = tpu.memref_slice %arg7[%mul3A_93] : memref<10240xi32, #tpu.memory_space<vmem>> -> memref<64xi32, #tpu.memory_space<vmem>>
      %dma_wait3A_95 = arith.constant 0 : i32
      %dma_wait3A_96 = arith.constant 0 : i32
      %dma_wait3A_97 = tpu.memref_slice %arg2[%dma_wait3A_95, %dma_wait3A_96] : memref<20000x128xf32, #tpu.memory_space<hbm>> -> memref<20000x128xf32, #tpu.memory_space<hbm>>
      tpu.wait_indirect_dma semaphore(%arg13 : memref<!tpu.dma_semaphore, #tpu.memory_space<semaphore_mem>>) src(%dma_wait3A_97 : memref<20000x128xf32, #tpu.memory_space<hbm>>) dst(%arg10 : memref<64x128xf32, #tpu.memory_space<vmem>>)
      %scan3A_98 = arith.constant 0 : i32
      %scan3A_99 = arith.constant 64 : i32
      %scan3A_100 = arith.addi %scan3A_98, %scan3A_99 : i32
      %scan3A_101 = arith.constant 1 : i32
      scf.for %scan3A_138 = %scan3A_98 to %scan3A_100 step %scan3A_101  : i32 {
        %mul3A_139 = arith.constant 1 : i32
        %mul3A_140 = arith.muli %scan3A_138, %mul3A_139 : i32
        %add3A_141 = arith.constant 0 : i32
        %add3A_142 = arith.addi %add3A_141, %mul3A_140 : i32
        %mul3A_143 = arith.constant 64 : i32
        %mul3A_144 = arith.muli %mul3A_81, %mul3A_143 : i32
        %add3A_145 = arith.addi %mul3A_144, %add3A_142 : i32
        %broadcast_in_dim3A = vector.broadcast %add3A_145 : i32 to vector<16xi32>
        %gather3A = tpu.vector_load_idx %arg9[%broadcast_in_dim3A] : memref<10240xf32, #tpu.memory_space<vmem>>[vector<16xi32>], vector<16xf32>,
        %get3A = arith.index_cast %add3A_142 : i32 to index
        %get3A_146 = arith.constant 0 : index
        %get3A_147 = tpu.vector_load %arg10[%get3A, %get3A_146] {strides = array<i32>} : memref<64x128xf32, #tpu.memory_space<vmem>>, vector<16xf32>,
        %mul3A_148 = arith.mulf %get3A_147, %gather3A : vector<16xf32>
        %swap3A = arith.index_cast %add3A_142 : i32 to index
        %swap3A_149 = arith.constant 0 : index
        %swap3A_150 = tpu.vector_load %arg10[%swap3A, %swap3A_149] {strides = array<i32>} : memref<64x128xf32, #tpu.memory_space<vmem>>, vector<16xf32>,
        tpu.vector_store %arg10[%swap3A, %swap3A_149], %mul3A_148 {strides = array<i32>} : memref<64x128xf32, #tpu.memory_space<vmem>>, vector<16xf32>,
        %get3A_151 = arith.index_cast %add3A_142 : i32 to index
        %get3A_152 = arith.constant 16 : index
        %get3A_153 = tpu.vector_load %arg10[%get3A_151, %get3A_152] {strides = array<i32>} : memref<64x128xf32, #tpu.memory_space<vmem>>, vector<16xf32>,
        %mul3A_154 = arith.mulf %get3A_153, %gather3A : vector<16xf32>
        %swap3A_155 = arith.index_cast %add3A_142 : i32 to index
        %swap3A_156 = arith.constant 16 : index
        %swap3A_157 = tpu.vector_load %arg10[%swap3A_155, %swap3A_156] {strides = array<i32>} : memref<64x128xf32, #tpu.memory_space<vmem>>, vector<16xf32>,
        tpu.vector_store %arg10[%swap3A_155, %swap3A_156], %mul3A_154 {strides = array<i32>} : memref<64x128xf32, #tpu.memory_space<vmem>>, vector<16xf32>,
        %get3A_158 = arith.index_cast %add3A_142 : i32 to index
        %get3A_159 = arith.constant 32 : index
        %get3A_160 = tpu.vector_load %arg10[%get3A_158, %get3A_159] {strides = array<i32>} : memref<64x128xf32, #tpu.memory_space<vmem>>, vector<16xf32>,
        %mul3A_161 = arith.mulf %get3A_160, %gather3A : vector<16xf32>
        %swap3A_162 = arith.index_cast %add3A_142 : i32 to index
        %swap3A_163 = arith.constant 32 : index
        %swap3A_164 = tpu.vector_load %arg10[%swap3A_162, %swap3A_163] {strides = array<i32>} : memref<64x128xf32, #tpu.memory_space<vmem>>, vector<16xf32>,
        tpu.vector_store %arg10[%swap3A_162, %swap3A_163], %mul3A_161 {strides = array<i32>} : memref<64x128xf32, #tpu.memory_space<vmem>>, vector<16xf32>,
        %get3A_165 = arith.index_cast %add3A_142 : i32 to index
        %get3A_166 = arith.constant 48 : index
        %get3A_167 = tpu.vector_load %arg10[%get3A_165, %get3A_166] {strides = array<i32>} : memref<64x128xf32, #tpu.memory_space<vmem>>, vector<16xf32>,
        %mul3A_168 = arith.mulf %get3A_167, %gather3A : vector<16xf32>
        %swap3A_169 = arith.index_cast %add3A_142 : i32 to index
        %swap3A_170 = arith.constant 48 : index
        %swap3A_171 = tpu.vector_load %arg10[%swap3A_169, %swap3A_170] {strides = array<i32>} : memref<64x128xf32, #tpu.memory_space<vmem>>, vector<16xf32>,
        tpu.vector_store %arg10[%swap3A_169, %swap3A_170], %mul3A_168 {strides = array<i32>} : memref<64x128xf32, #tpu.memory_space<vmem>>, vector<16xf32>,
        %get3A_172 = arith.index_cast %add3A_142 : i32 to index
        %get3A_173 = arith.constant 64 : index
        %get3A_174 = tpu.vector_load %arg10[%get3A_172, %get3A_173] {strides = array<i32>} : memref<64x128xf32, #tpu.memory_space<vmem>>, vector<16xf32>,
        %mul3A_175 = arith.mulf %get3A_174, %gather3A : vector<16xf32>
        %swap3A_176 = arith.index_cast %add3A_142 : i32 to index
        %swap3A_177 = arith.constant 64 : index
        %swap3A_178 = tpu.vector_load %arg10[%swap3A_176, %swap3A_177] {strides = array<i32>} : memref<64x128xf32, #tpu.memory_space<vmem>>, vector<16xf32>,
        tpu.vector_store %arg10[%swap3A_176, %swap3A_177], %mul3A_175 {strides = array<i32>} : memref<64x128xf32, #tpu.memory_space<vmem>>, vector<16xf32>,
        %get3A_179 = arith.index_cast %add3A_142 : i32 to index
        %get3A_180 = arith.constant 80 : index
        %get3A_181 = tpu.vector_load %arg10[%get3A_179, %get3A_180] {strides = array<i32>} : memref<64x128xf32, #tpu.memory_space<vmem>>, vector<16xf32>,
        %mul3A_182 = arith.mulf %get3A_181, %gather3A : vector<16xf32>
        %swap3A_183 = arith.index_cast %add3A_142 : i32 to index
        %swap3A_184 = arith.constant 80 : index
        %swap3A_185 = tpu.vector_load %arg10[%swap3A_183, %swap3A_184] {strides = array<i32>} : memref<64x128xf32, #tpu.memory_space<vmem>>, vector<16xf32>,
        tpu.vector_store %arg10[%swap3A_183, %swap3A_184], %mul3A_182 {strides = array<i32>} : memref<64x128xf32, #tpu.memory_space<vmem>>, vector<16xf32>,
        %get3A_186 = arith.index_cast %add3A_142 : i32 to index
        %get3A_187 = arith.constant 96 : index
        %get3A_188 = tpu.vector_load %arg10[%get3A_186, %get3A_187] {strides = array<i32>} : memref<64x128xf32, #tpu.memory_space<vmem>>, vector<16xf32>,
        %mul3A_189 = arith.mulf %get3A_188, %gather3A : vector<16xf32>
        %swap3A_190 = arith.index_cast %add3A_142 : i32 to index
        %swap3A_191 = arith.constant 96 : index
        %swap3A_192 = tpu.vector_load %arg10[%swap3A_190, %swap3A_191] {strides = array<i32>} : memref<64x128xf32, #tpu.memory_space<vmem>>, vector<16xf32>,
        tpu.vector_store %arg10[%swap3A_190, %swap3A_191], %mul3A_189 {strides = array<i32>} : memref<64x128xf32, #tpu.memory_space<vmem>>, vector<16xf32>,
        %get3A_193 = arith.index_cast %add3A_142 : i32 to index
        %get3A_194 = arith.constant 112 : index
        %get3A_195 = tpu.vector_load %arg10[%get3A_193, %get3A_194] {strides = array<i32>} : memref<64x128xf32, #tpu.memory_space<vmem>>, vector<16xf32>,
        %mul3A_196 = arith.mulf %get3A_195, %gather3A : vector<16xf32>
        %swap3A_197 = arith.index_cast %add3A_142 : i32 to index
        %swap3A_198 = arith.constant 112 : index
        %swap3A_199 = tpu.vector_load %arg10[%swap3A_197, %swap3A_198] {strides = array<i32>} : memref<64x128xf32, #tpu.memory_space<vmem>>, vector<16xf32>,
        tpu.vector_store %arg10[%swap3A_197, %swap3A_198], %mul3A_196 {strides = array<i32>} : memref<64x128xf32, #tpu.memory_space<vmem>>, vector<16xf32>,
      }
      %scan3A_102 = arith.constant 64 : i32
      %dma_start3A_103 = arith.constant 0 : i32
      %dma_start3A_104 = tpu.memref_slice %arg8[%mul3A_81, %dma_start3A_103] : memref<160x64xi32, #tpu.memory_space<vmem>> -> memref<1x64xi32, #tpu.memory_space<vmem>>
      %dma_start3A_105 = tpu.memref_squeeze %dma_start3A_104 : memref<1x64xi32, #tpu.memory_space<vmem>> -> memref<64xi32, #tpu.memory_space<vmem>>
      %dma_start3A_106 = arith.constant 0 : i32
      %dma_start3A_107 = arith.constant 0 : i32
      %dma_start3A_108 = tpu.memref_slice %arg12[%dma_start3A_106, %dma_start3A_107] : memref<10000x128xf32, #tpu.memory_space<vmem_shared>> -> memref<10000x128xf32, #tpu.memory_space<vmem_shared>>
      tpu.enqueue_indirect_dma source(%arg10 : memref<64x128xf32, #tpu.memory_space<vmem>>) target(%dma_start3A_108 : memref<10000x128xf32, #tpu.memory_space<vmem_shared>>) offsets(%dma_start3A_105 : memref<64xi32, #tpu.memory_space<vmem>>) semaphore(%arg15 : memref<!tpu.dma_semaphore, #tpu.memory_space<semaphore_mem>>) {add = true}
      %mul3A_109 = arith.constant 64 : i32
      %mul3A_110 = arith.muli %add3A_83, %mul3A_109 : i32
      %dma_wait3A_111 = tpu.memref_slice %arg7[%mul3A_110] : memref<10240xi32, #tpu.memory_space<vmem>> -> memref<64xi32, #tpu.memory_space<vmem>>
      %dma_wait3A_112 = arith.constant 0 : i32
      %dma_wait3A_113 = arith.constant 0 : i32
      %dma_wait3A_114 = tpu.memref_slice %arg2[%dma_wait3A_112, %dma_wait3A_113] : memref<20000x128xf32, #tpu.memory_space<hbm>> -> memref<20000x128xf32, #tpu.memory_space<hbm>>
      tpu.wait_indirect_dma semaphore(%arg14 : memref<!tpu.dma_semaphore, #tpu.memory_space<semaphore_mem>>) src(%dma_wait3A_114 : memref<20000x128xf32, #tpu.memory_space<hbm>>) dst(%arg11 : memref<64x128xf32, #tpu.memory_space<vmem>>)
      %dma_wait3A_115 = arith.constant 0 : i32
      %dma_wait3A_116 = tpu.memref_slice %arg8[%mul3A_81, %dma_wait3A_115] : memref<160x64xi32, #tpu.memory_space<vmem>> -> memref<1x64xi32, #tpu.memory_space<vmem>>
      %dma_wait3A_117 = tpu.memref_squeeze %dma_wait3A_116 : memref<1x64xi32, #tpu.memory_space<vmem>> -> memref<64xi32, #tpu.memory_space<vmem>>
      %dma_wait3A_118 = arith.constant 0 : i32
      %dma_wait3A_119 = arith.constant 0 : i32
      %dma_wait3A_120 = tpu.memref_slice %arg12[%dma_wait3A_118, %dma_wait3A_119] : memref<10000x128xf32, #tpu.memory_space<vmem_shared>> -> memref<10000x128xf32, #tpu.memory_space<vmem_shared>>
      tpu.wait_indirect_dma semaphore(%arg15 : memref<!tpu.dma_semaphore, #tpu.memory_space<semaphore_mem>>) src(%arg10 : memref<64x128xf32, #tpu.memory_space<vmem>>) dst(%dma_wait3A_120 : memref<10000x128xf32, #tpu.memory_space<vmem_shared>>)
      %add3A_121 = arith.constant 1 : i32
      %add3A_122 = arith.addi %add3A_83, %add3A_121 : i32
      %lt3A = arith.constant 160 : i32
      %lt3A_123 = arith.cmpi slt, %add3A_122, %lt3A : i32
      %convert_element_type3A_124 = arith.extui %lt3A_123 : i1 to i32
      %cond3A_125 = arith.constant 0 : i32
      %cond3A_126 = arith.cmpi ne, %convert_element_type3A_124, %cond3A_125 : i32
      scf.if %cond3A_126 {
        %add3A_138 = arith.constant 1 : i32
        %add3A_139 = arith.addi %add3A_83, %add3A_138 : i32
        %mul3A_140 = arith.constant 64 : i32
        %mul3A_141 = arith.muli %add3A_139, %mul3A_140 : i32
        %dma_start3A_142 = tpu.memref_slice %arg7[%mul3A_141] : memref<10240xi32, #tpu.memory_space<vmem>> -> memref<64xi32, #tpu.memory_space<vmem>>
        %dma_start3A_143 = arith.constant 0 : i32
        %dma_start3A_144 = arith.constant 0 : i32
        %dma_start3A_145 = tpu.memref_slice %arg2[%dma_start3A_143, %dma_start3A_144] : memref<20000x128xf32, #tpu.memory_space<hbm>> -> memref<20000x128xf32, #tpu.memory_space<hbm>>
        tpu.enqueue_indirect_dma source(%dma_start3A_145 : memref<20000x128xf32, #tpu.memory_space<hbm>>) target(%arg10 : memref<64x128xf32, #tpu.memory_space<vmem>>) offsets(%dma_start3A_142 : memref<64xi32, #tpu.memory_space<vmem>>) semaphore(%arg13 : memref<!tpu.dma_semaphore, #tpu.memory_space<semaphore_mem>>)
      } else {
      }
      %scan3A_127 = arith.constant 0 : i32
      %scan3A_128 = arith.constant 64 : i32
      %scan3A_129 = arith.addi %scan3A_127, %scan3A_128 : i32
      %scan3A_130 = arith.constant 1 : i32
      scf.for %scan3A_138 = %scan3A_127 to %scan3A_129 step %scan3A_130  : i32 {
        %mul3A_139 = arith.constant 1 : i32
        %mul3A_140 = arith.muli %scan3A_138, %mul3A_139 : i32
        %add3A_141 = arith.constant 0 : i32
        %add3A_142 = arith.addi %add3A_141, %mul3A_140 : i32
        %mul3A_143 = arith.constant 64 : i32
        %mul3A_144 = arith.muli %add3A_83, %mul3A_143 : i32
        %add3A_145 = arith.addi %mul3A_144, %add3A_142 : i32
        %broadcast_in_dim3A = vector.broadcast %add3A_145 : i32 to vector<16xi32>
        %gather3A = tpu.vector_load_idx %arg9[%broadcast_in_dim3A] : memref<10240xf32, #tpu.memory_space<vmem>>[vector<16xi32>], vector<16xf32>,
        %get3A = arith.index_cast %add3A_142 : i32 to index
        %get3A_146 = arith.constant 0 : index
        %get3A_147 = tpu.vector_load %arg11[%get3A, %get3A_146] {strides = array<i32>} : memref<64x128xf32, #tpu.memory_space<vmem>>, vector<16xf32>,
        %mul3A_148 = arith.mulf %get3A_147, %gather3A : vector<16xf32>
        %swap3A = arith.index_cast %add3A_142 : i32 to index
        %swap3A_149 = arith.constant 0 : index
        %swap3A_150 = tpu.vector_load %arg11[%swap3A, %swap3A_149] {strides = array<i32>} : memref<64x128xf32, #tpu.memory_space<vmem>>, vector<16xf32>,
        tpu.vector_store %arg11[%swap3A, %swap3A_149], %mul3A_148 {strides = array<i32>} : memref<64x128xf32, #tpu.memory_space<vmem>>, vector<16xf32>,
        %get3A_151 = arith.index_cast %add3A_142 : i32 to index
        %get3A_152 = arith.constant 16 : index
        %get3A_153 = tpu.vector_load %arg11[%get3A_151, %get3A_152] {strides = array<i32>} : memref<64x128xf32, #tpu.memory_space<vmem>>, vector<16xf32>,
        %mul3A_154 = arith.mulf %get3A_153, %gather3A : vector<16xf32>
        %swap3A_155 = arith.index_cast %add3A_142 : i32 to index
        %swap3A_156 = arith.constant 16 : index
        %swap3A_157 = tpu.vector_load %arg11[%swap3A_155, %swap3A_156] {strides = array<i32>} : memref<64x128xf32, #tpu.memory_space<vmem>>, vector<16xf32>,
        tpu.vector_store %arg11[%swap3A_155, %swap3A_156], %mul3A_154 {strides = array<i32>} : memref<64x128xf32, #tpu.memory_space<vmem>>, vector<16xf32>,
        %get3A_158 = arith.index_cast %add3A_142 : i32 to index
        %get3A_159 = arith.constant 32 : index
        %get3A_160 = tpu.vector_load %arg11[%get3A_158, %get3A_159] {strides = array<i32>} : memref<64x128xf32, #tpu.memory_space<vmem>>, vector<16xf32>,
        %mul3A_161 = arith.mulf %get3A_160, %gather3A : vector<16xf32>
        %swap3A_162 = arith.index_cast %add3A_142 : i32 to index
        %swap3A_163 = arith.constant 32 : index
        %swap3A_164 = tpu.vector_load %arg11[%swap3A_162, %swap3A_163] {strides = array<i32>} : memref<64x128xf32, #tpu.memory_space<vmem>>, vector<16xf32>,
        tpu.vector_store %arg11[%swap3A_162, %swap3A_163], %mul3A_161 {strides = array<i32>} : memref<64x128xf32, #tpu.memory_space<vmem>>, vector<16xf32>,
        %get3A_165 = arith.index_cast %add3A_142 : i32 to index
        %get3A_166 = arith.constant 48 : index
        %get3A_167 = tpu.vector_load %arg11[%get3A_165, %get3A_166] {strides = array<i32>} : memref<64x128xf32, #tpu.memory_space<vmem>>, vector<16xf32>,
        %mul3A_168 = arith.mulf %get3A_167, %gather3A : vector<16xf32>
        %swap3A_169 = arith.index_cast %add3A_142 : i32 to index
        %swap3A_170 = arith.constant 48 : index
        %swap3A_171 = tpu.vector_load %arg11[%swap3A_169, %swap3A_170] {strides = array<i32>} : memref<64x128xf32, #tpu.memory_space<vmem>>, vector<16xf32>,
        tpu.vector_store %arg11[%swap3A_169, %swap3A_170], %mul3A_168 {strides = array<i32>} : memref<64x128xf32, #tpu.memory_space<vmem>>, vector<16xf32>,
        %get3A_172 = arith.index_cast %add3A_142 : i32 to index
        %get3A_173 = arith.constant 64 : index
        %get3A_174 = tpu.vector_load %arg11[%get3A_172, %get3A_173] {strides = array<i32>} : memref<64x128xf32, #tpu.memory_space<vmem>>, vector<16xf32>,
        %mul3A_175 = arith.mulf %get3A_174, %gather3A : vector<16xf32>
        %swap3A_176 = arith.index_cast %add3A_142 : i32 to index
        %swap3A_177 = arith.constant 64 : index
        %swap3A_178 = tpu.vector_load %arg11[%swap3A_176, %swap3A_177] {strides = array<i32>} : memref<64x128xf32, #tpu.memory_space<vmem>>, vector<16xf32>,
        tpu.vector_store %arg11[%swap3A_176, %swap3A_177], %mul3A_175 {strides = array<i32>} : memref<64x128xf32, #tpu.memory_space<vmem>>, vector<16xf32>,
        %get3A_179 = arith.index_cast %add3A_142 : i32 to index
        %get3A_180 = arith.constant 80 : index
        %get3A_181 = tpu.vector_load %arg11[%get3A_179, %get3A_180] {strides = array<i32>} : memref<64x128xf32, #tpu.memory_space<vmem>>, vector<16xf32>,
        %mul3A_182 = arith.mulf %get3A_181, %gather3A : vector<16xf32>
        %swap3A_183 = arith.index_cast %add3A_142 : i32 to index
        %swap3A_184 = arith.constant 80 : index
        %swap3A_185 = tpu.vector_load %arg11[%swap3A_183, %swap3A_184] {strides = array<i32>} : memref<64x128xf32, #tpu.memory_space<vmem>>, vector<16xf32>,
        tpu.vector_store %arg11[%swap3A_183, %swap3A_184], %mul3A_182 {strides = array<i32>} : memref<64x128xf32, #tpu.memory_space<vmem>>, vector<16xf32>,
        %get3A_186 = arith.index_cast %add3A_142 : i32 to index
        %get3A_187 = arith.constant 96 : index
        %get3A_188 = tpu.vector_load %arg11[%get3A_186, %get3A_187] {strides = array<i32>} : memref<64x128xf32, #tpu.memory_space<vmem>>, vector<16xf32>,
        %mul3A_189 = arith.mulf %get3A_188, %gather3A : vector<16xf32>
        %swap3A_190 = arith.index_cast %add3A_142 : i32 to index
        %swap3A_191 = arith.constant 96 : index
        %swap3A_192 = tpu.vector_load %arg11[%swap3A_190, %swap3A_191] {strides = array<i32>} : memref<64x128xf32, #tpu.memory_space<vmem>>, vector<16xf32>,
        tpu.vector_store %arg11[%swap3A_190, %swap3A_191], %mul3A_189 {strides = array<i32>} : memref<64x128xf32, #tpu.memory_space<vmem>>, vector<16xf32>,
        %get3A_193 = arith.index_cast %add3A_142 : i32 to index
        %get3A_194 = arith.constant 112 : index
        %get3A_195 = tpu.vector_load %arg11[%get3A_193, %get3A_194] {strides = array<i32>} : memref<64x128xf32, #tpu.memory_space<vmem>>, vector<16xf32>,
        %mul3A_196 = arith.mulf %get3A_195, %gather3A : vector<16xf32>
        %swap3A_197 = arith.index_cast %add3A_142 : i32 to index
        %swap3A_198 = arith.constant 112 : index
        %swap3A_199 = tpu.vector_load %arg11[%swap3A_197, %swap3A_198] {strides = array<i32>} : memref<64x128xf32, #tpu.memory_space<vmem>>, vector<16xf32>,
        tpu.vector_store %arg11[%swap3A_197, %swap3A_198], %mul3A_196 {strides = array<i32>} : memref<64x128xf32, #tpu.memory_space<vmem>>, vector<16xf32>,
      }
      %scan3A_131 = arith.constant 64 : i32
      %dma_start3A_132 = arith.constant 0 : i32
      %dma_start3A_133 = tpu.memref_slice %arg8[%add3A_83, %dma_start3A_132] : memref<160x64xi32, #tpu.memory_space<vmem>> -> memref<1x64xi32, #tpu.memory_space<vmem>>
      %dma_start3A_134 = tpu.memref_squeeze %dma_start3A_133 : memref<1x64xi32, #tpu.memory_space<vmem>> -> memref<64xi32, #tpu.memory_space<vmem>>
      %dma_start3A_135 = arith.constant 0 : i32
      %dma_start3A_136 = arith.constant 0 : i32
      %dma_start3A_137 = tpu.memref_slice %arg12[%dma_start3A_135, %dma_start3A_136] : memref<10000x128xf32, #tpu.memory_space<vmem_shared>> -> memref<10000x128xf32, #tpu.memory_space<vmem_shared>>
      tpu.enqueue_indirect_dma source(%arg11 : memref<64x128xf32, #tpu.memory_space<vmem>>) target(%dma_start3A_137 : memref<10000x128xf32, #tpu.memory_space<vmem_shared>>) offsets(%dma_start3A_134 : memref<64xi32, #tpu.memory_space<vmem>>) semaphore(%arg16 : memref<!tpu.dma_semaphore, #tpu.memory_space<semaphore_mem>>) {add = true}
    }
    %scan3A_60 = arith.constant 80 : i32
    %dma_wait3A = arith.constant 159 : i32
    %dma_wait3A_61 = arith.constant 0 : i32
    %dma_wait3A_62 = tpu.memref_slice %arg8[%dma_wait3A, %dma_wait3A_61] : memref<160x64xi32, #tpu.memory_space<vmem>> -> memref<1x64xi32, #tpu.memory_space<vmem>>
    %dma_wait3A_63 = tpu.memref_squeeze %dma_wait3A_62 : memref<1x64xi32, #tpu.memory_space<vmem>> -> memref<64xi32, #tpu.memory_space<vmem>>
    %dma_wait3A_64 = arith.constant 0 : i32
    %dma_wait3A_65 = arith.constant 0 : i32
    %dma_wait3A_66 = tpu.memref_slice %arg12[%dma_wait3A_64, %dma_wait3A_65] : memref<10000x128xf32, #tpu.memory_space<vmem_shared>> -> memref<10000x128xf32, #tpu.memory_space<vmem_shared>>
    tpu.wait_indirect_dma semaphore(%arg16 : memref<!tpu.dma_semaphore, #tpu.memory_space<semaphore_mem>>) src(%arg11 : memref<64x128xf32, #tpu.memory_space<vmem>>) dst(%dma_wait3A_66 : memref<10000x128xf32, #tpu.memory_space<vmem_shared>>)
    %barrier3A_67 = arith.constant 0 : index
    tpu.barrier barrier_id(%barrier3A_67)
    %mul3A_68 = arith.constant 625 : i32
    %mul3A_69 = arith.muli %arg1, %mul3A_68 : i32
    %mul3A_70 = arith.constant 10000 : i32
    %mul3A_71 = arith.muli %add3A_1, %mul3A_70 : i32
    %mul3A_72 = arith.constant 625 : i32
    %mul3A_73 = arith.muli %arg1, %mul3A_72 : i32
    %add3A_74 = arith.addi %mul3A_71, %mul3A_73 : i32
    "tpu.region"() ({
      %run_scoped3A = tpu.sem_alloc : memref<!tpu.dma_semaphore, #tpu.memory_space<semaphore_mem>>
      %dma_start3A_75 = arith.constant 0 : i32
      %dma_start3A_76 = tpu.memref_slice %arg6[%add3A_74, %dma_start3A_75] : memref<20000x128xf32, #tpu.memory_space<hbm>> -> memref<625x128xf32, #tpu.memory_space<hbm>>
      %dma_start3A_77 = arith.constant 0 : i32
      %dma_start3A_78 = tpu.memref_slice %arg12[%mul3A_69, %dma_start3A_77] : memref<10000x128xf32, #tpu.memory_space<vmem_shared>> -> memref<625x128xf32, #tpu.memory_space<vmem_shared>>
      tpu.enqueue_dma source(%dma_start3A_78 : memref<625x128xf32, #tpu.memory_space<vmem_shared>>) target(%dma_start3A_76 : memref<625x128xf32, #tpu.memory_space<hbm>>) target_semaphore(%run_scoped3A : memref<!tpu.dma_semaphore, #tpu.memory_space<semaphore_mem>>)
      %dma_wait3A_79 = arith.constant 0 : i32
      %dma_wait3A_80 = tpu.memref_slice %arg6[%add3A_74, %dma_wait3A_79] : memref<20000x128xf32, #tpu.memory_space<hbm>> -> memref<625x128xf32, #tpu.memory_space<hbm>>
      %dma_wait3A_81 = arith.constant 0 : i32
      %dma_wait3A_82 = tpu.memref_slice %arg12[%mul3A_69, %dma_wait3A_81] : memref<10000x128xf32, #tpu.memory_space<vmem_shared>> -> memref<625x128xf32, #tpu.memory_space<vmem_shared>>
      tpu.wait_dma2 semaphore(%run_scoped3A : memref<!tpu.dma_semaphore, #tpu.memory_space<semaphore_mem>>) src(%dma_wait3A_82 : memref<625x128xf32, #tpu.memory_space<vmem_shared>>) dst(%dma_wait3A_80 : memref<625x128xf32, #tpu.memory_space<hbm>>)
      tpu.yield
    }) : () -> ()
    return
  }
}

#map = affine_map<(d0, d1) -> (0, 0)>
#map1 = affine_map<(d0, d1) -> (0, 0, 0)>
module attributes {stable_mosaic.version = 14 : i64} {
  func.func @_agg(%arg0: i32, %arg1: i32, %arg2: memref<40000x128xf32, #tpu.memory_space<hbm>>, %arg3: memref<16x10240xi32, #tpu.memory_space<hbm>>, %arg4: memref<16x160x64xi32, #tpu.memory_space<hbm>>, %arg5: memref<16x10240xf32, #tpu.memory_space<hbm>>, %arg6: memref<40000x128xf32, #tpu.memory_space<hbm>>, %arg7: memref<10240xi32, #tpu.memory_space<vmem>>, %arg8: memref<160x64xi32, #tpu.memory_space<vmem>>, %arg9: memref<10240xf32, #tpu.memory_space<vmem>>, %arg10: memref<64x128xf32, #tpu.memory_space<vmem>>, %arg11: memref<64x128xf32, #tpu.memory_space<vmem>>, %arg12: memref<10000x128xf32, #tpu.memory_space<vmem_shared>>, %arg13: memref<!tpu.dma_semaphore, #tpu.memory_space<semaphore_mem>>, %arg14: memref<!tpu.dma_semaphore, #tpu.memory_space<semaphore_mem>>, %arg15: memref<!tpu.dma_semaphore, #tpu.memory_space<semaphore_mem>>, %arg16: memref<!tpu.dma_semaphore, #tpu.memory_space<semaphore_mem>>) attributes {dimension_semantics = [#tpu.dimension_semantics<core_parallel>, #tpu.dimension_semantics<subcore_parallel>], iteration_bounds = array<i64: 2, 16>, scalar_prefetch = 0 : i64, scratch_operands = 10 : i64, tpu.core_type = #tpu.core_type<sc_vector_subcore>, window_params = [{transform_indices = #map}, {transform_indices = #map}, {transform_indices = #map1}, {transform_indices = #map}, {transform_indices = #map}]} {
    "tpu.region"() ({
      %run_scoped3A = tpu.sem_alloc : memref<!tpu.dma_semaphore, #tpu.memory_space<semaphore_mem>>
      %dma_start3A_157 = arith.constant 0 : i32
      %dma_start3A_158 = arith.constant 0 : i32
      %dma_start3A_159 = tpu.memref_slice %arg4[%arg1, %dma_start3A_157, %dma_start3A_158] : memref<16x160x64xi32, #tpu.memory_space<hbm>> -> memref<1x160x64xi32, #tpu.memory_space<hbm>>
      %dma_start3A_160 = tpu.memref_squeeze %dma_start3A_159 : memref<1x160x64xi32, #tpu.memory_space<hbm>> -> memref<160x64xi32, #tpu.memory_space<hbm>>
      %dma_start3A_161 = arith.constant 0 : i32
      %dma_start3A_162 = arith.constant 0 : i32
      %dma_start3A_163 = tpu.memref_slice %arg4[%arg1, %dma_start3A_161, %dma_start3A_162] : memref<16x160x64xi32, #tpu.memory_space<hbm>> -> memref<1x160x64xi32, #tpu.memory_space<hbm>>
      %dma_start3A_164 = tpu.memref_squeeze %dma_start3A_163 : memref<1x160x64xi32, #tpu.memory_space<hbm>> -> memref<160x64xi32, #tpu.memory_space<hbm>>
      tpu.enqueue_dma source(%dma_start3A_164 : memref<160x64xi32, #tpu.memory_space<hbm>>) target(%arg8 : memref<160x64xi32, #tpu.memory_space<vmem>>) target_semaphore(%run_scoped3A : memref<!tpu.dma_semaphore, #tpu.memory_space<semaphore_mem>>)
      %dma_wait3A_165 = arith.constant 0 : i32
      %dma_wait3A_166 = arith.constant 0 : i32
      %dma_wait3A_167 = tpu.memref_slice %arg4[%arg1, %dma_wait3A_165, %dma_wait3A_166] : memref<16x160x64xi32, #tpu.memory_space<hbm>> -> memref<1x160x64xi32, #tpu.memory_space<hbm>>
      %dma_wait3A_168 = tpu.memref_squeeze %dma_wait3A_167 : memref<1x160x64xi32, #tpu.memory_space<hbm>> -> memref<160x64xi32, #tpu.memory_space<hbm>>
      %dma_wait3A_169 = arith.constant 0 : i32
      %dma_wait3A_170 = arith.constant 0 : i32
      %dma_wait3A_171 = tpu.memref_slice %arg4[%arg1, %dma_wait3A_169, %dma_wait3A_170] : memref<16x160x64xi32, #tpu.memory_space<hbm>> -> memref<1x160x64xi32, #tpu.memory_space<hbm>>
      %dma_wait3A_172 = tpu.memref_squeeze %dma_wait3A_171 : memref<1x160x64xi32, #tpu.memory_space<hbm>> -> memref<160x64xi32, #tpu.memory_space<hbm>>
      tpu.wait_dma2 semaphore(%run_scoped3A : memref<!tpu.dma_semaphore, #tpu.memory_space<semaphore_mem>>) src(%dma_wait3A_172 : memref<160x64xi32, #tpu.memory_space<hbm>>) dst(%arg8 : memref<160x64xi32, #tpu.memory_space<vmem>>)
      tpu.yield
    }) : () -> ()
    "tpu.region"() ({
      %run_scoped3A = tpu.sem_alloc : memref<!tpu.dma_semaphore, #tpu.memory_space<semaphore_mem>>
      %dma_start3A_157 = arith.constant 0 : i32
      %dma_start3A_158 = tpu.memref_slice %arg5[%arg1, %dma_start3A_157] : memref<16x10240xf32, #tpu.memory_space<hbm>> -> memref<1x10240xf32, #tpu.memory_space<hbm>>
      %dma_start3A_159 = tpu.memref_squeeze %dma_start3A_158 : memref<1x10240xf32, #tpu.memory_space<hbm>> -> memref<10240xf32, #tpu.memory_space<hbm>>
      %dma_start3A_160 = arith.constant 0 : i32
      %dma_start3A_161 = tpu.memref_slice %arg5[%arg1, %dma_start3A_160] : memref<16x10240xf32, #tpu.memory_space<hbm>> -> memref<1x10240xf32, #tpu.memory_space<hbm>>
      %dma_start3A_162 = tpu.memref_squeeze %dma_start3A_161 : memref<1x10240xf32, #tpu.memory_space<hbm>> -> memref<10240xf32, #tpu.memory_space<hbm>>
      tpu.enqueue_dma source(%dma_start3A_162 : memref<10240xf32, #tpu.memory_space<hbm>>) target(%arg9 : memref<10240xf32, #tpu.memory_space<vmem>>) target_semaphore(%run_scoped3A : memref<!tpu.dma_semaphore, #tpu.memory_space<semaphore_mem>>)
      %dma_wait3A_163 = arith.constant 0 : i32
      %dma_wait3A_164 = tpu.memref_slice %arg5[%arg1, %dma_wait3A_163] : memref<16x10240xf32, #tpu.memory_space<hbm>> -> memref<1x10240xf32, #tpu.memory_space<hbm>>
      %dma_wait3A_165 = tpu.memref_squeeze %dma_wait3A_164 : memref<1x10240xf32, #tpu.memory_space<hbm>> -> memref<10240xf32, #tpu.memory_space<hbm>>
      %dma_wait3A_166 = arith.constant 0 : i32
      %dma_wait3A_167 = tpu.memref_slice %arg5[%arg1, %dma_wait3A_166] : memref<16x10240xf32, #tpu.memory_space<hbm>> -> memref<1x10240xf32, #tpu.memory_space<hbm>>
      %dma_wait3A_168 = tpu.memref_squeeze %dma_wait3A_167 : memref<1x10240xf32, #tpu.memory_space<hbm>> -> memref<10240xf32, #tpu.memory_space<hbm>>
      tpu.wait_dma2 semaphore(%run_scoped3A : memref<!tpu.dma_semaphore, #tpu.memory_space<semaphore_mem>>) src(%dma_wait3A_168 : memref<10240xf32, #tpu.memory_space<hbm>>) dst(%arg9 : memref<10240xf32, #tpu.memory_space<vmem>>)
      tpu.yield
    }) : () -> ()
    %mul3A = arith.constant 2 : i32
    %mul3A_0 = arith.muli %arg0, %mul3A : i32
    %add3A = arith.constant 0 : i32
    %add3A_1 = arith.addi %mul3A_0, %add3A : i32
    %scan3A = arith.constant 0 : i32
    %scan3A_2 = arith.constant 64 : i32
    %scan3A_3 = arith.addi %scan3A, %scan3A_2 : i32
    %scan3A_4 = arith.constant 1 : i32
    scf.for %scan3A_157 = %scan3A to %scan3A_3 step %scan3A_4  : i32 {
      %mul3A_158 = arith.constant 1 : i32
      %mul3A_159 = arith.muli %scan3A_157, %mul3A_158 : i32
      %add3A_160 = arith.constant 0 : i32
      %add3A_161 = arith.addi %add3A_160, %mul3A_159 : i32
      %broadcast_in_dim3A = arith.constant 0.000000e+00 : f32
      %broadcast_in_dim3A_162 = vector.broadcast %broadcast_in_dim3A : f32 to vector<16xf32>
      %swap3A = arith.index_cast %add3A_161 : i32 to index
      %swap3A_163 = arith.constant 0 : index
      %swap3A_164 = tpu.vector_load %arg10[%swap3A, %swap3A_163] {strides = array<i32>} : memref<64x128xf32, #tpu.memory_space<vmem>>, vector<16xf32>,
      tpu.vector_store %arg10[%swap3A, %swap3A_163], %broadcast_in_dim3A_162 {strides = array<i32>} : memref<64x128xf32, #tpu.memory_space<vmem>>, vector<16xf32>,
      %broadcast_in_dim3A_165 = arith.constant 0.000000e+00 : f32
      %broadcast_in_dim3A_166 = vector.broadcast %broadcast_in_dim3A_165 : f32 to vector<16xf32>
      %swap3A_167 = arith.index_cast %add3A_161 : i32 to index
      %swap3A_168 = arith.constant 16 : index
      %swap3A_169 = tpu.vector_load %arg10[%swap3A_167, %swap3A_168] {strides = array<i32>} : memref<64x128xf32, #tpu.memory_space<vmem>>, vector<16xf32>,
      tpu.vector_store %arg10[%swap3A_167, %swap3A_168], %broadcast_in_dim3A_166 {strides = array<i32>} : memref<64x128xf32, #tpu.memory_space<vmem>>, vector<16xf32>,
      %broadcast_in_dim3A_170 = arith.constant 0.000000e+00 : f32
      %broadcast_in_dim3A_171 = vector.broadcast %broadcast_in_dim3A_170 : f32 to vector<16xf32>
      %swap3A_172 = arith.index_cast %add3A_161 : i32 to index
      %swap3A_173 = arith.constant 32 : index
      %swap3A_174 = tpu.vector_load %arg10[%swap3A_172, %swap3A_173] {strides = array<i32>} : memref<64x128xf32, #tpu.memory_space<vmem>>, vector<16xf32>,
      tpu.vector_store %arg10[%swap3A_172, %swap3A_173], %broadcast_in_dim3A_171 {strides = array<i32>} : memref<64x128xf32, #tpu.memory_space<vmem>>, vector<16xf32>,
      %broadcast_in_dim3A_175 = arith.constant 0.000000e+00 : f32
      %broadcast_in_dim3A_176 = vector.broadcast %broadcast_in_dim3A_175 : f32 to vector<16xf32>
      %swap3A_177 = arith.index_cast %add3A_161 : i32 to index
      %swap3A_178 = arith.constant 48 : index
      %swap3A_179 = tpu.vector_load %arg10[%swap3A_177, %swap3A_178] {strides = array<i32>} : memref<64x128xf32, #tpu.memory_space<vmem>>, vector<16xf32>,
      tpu.vector_store %arg10[%swap3A_177, %swap3A_178], %broadcast_in_dim3A_176 {strides = array<i32>} : memref<64x128xf32, #tpu.memory_space<vmem>>, vector<16xf32>,
      %broadcast_in_dim3A_180 = arith.constant 0.000000e+00 : f32
      %broadcast_in_dim3A_181 = vector.broadcast %broadcast_in_dim3A_180 : f32 to vector<16xf32>
      %swap3A_182 = arith.index_cast %add3A_161 : i32 to index
      %swap3A_183 = arith.constant 64 : index
      %swap3A_184 = tpu.vector_load %arg10[%swap3A_182, %swap3A_183] {strides = array<i32>} : memref<64x128xf32, #tpu.memory_space<vmem>>, vector<16xf32>,
      tpu.vector_store %arg10[%swap3A_182, %swap3A_183], %broadcast_in_dim3A_181 {strides = array<i32>} : memref<64x128xf32, #tpu.memory_space<vmem>>, vector<16xf32>,
      %broadcast_in_dim3A_185 = arith.constant 0.000000e+00 : f32
      %broadcast_in_dim3A_186 = vector.broadcast %broadcast_in_dim3A_185 : f32 to vector<16xf32>
      %swap3A_187 = arith.index_cast %add3A_161 : i32 to index
      %swap3A_188 = arith.constant 80 : index
      %swap3A_189 = tpu.vector_load %arg10[%swap3A_187, %swap3A_188] {strides = array<i32>} : memref<64x128xf32, #tpu.memory_space<vmem>>, vector<16xf32>,
      tpu.vector_store %arg10[%swap3A_187, %swap3A_188], %broadcast_in_dim3A_186 {strides = array<i32>} : memref<64x128xf32, #tpu.memory_space<vmem>>, vector<16xf32>,
      %broadcast_in_dim3A_190 = arith.constant 0.000000e+00 : f32
      %broadcast_in_dim3A_191 = vector.broadcast %broadcast_in_dim3A_190 : f32 to vector<16xf32>
      %swap3A_192 = arith.index_cast %add3A_161 : i32 to index
      %swap3A_193 = arith.constant 96 : index
      %swap3A_194 = tpu.vector_load %arg10[%swap3A_192, %swap3A_193] {strides = array<i32>} : memref<64x128xf32, #tpu.memory_space<vmem>>, vector<16xf32>,
      tpu.vector_store %arg10[%swap3A_192, %swap3A_193], %broadcast_in_dim3A_191 {strides = array<i32>} : memref<64x128xf32, #tpu.memory_space<vmem>>, vector<16xf32>,
      %broadcast_in_dim3A_195 = arith.constant 0.000000e+00 : f32
      %broadcast_in_dim3A_196 = vector.broadcast %broadcast_in_dim3A_195 : f32 to vector<16xf32>
      %swap3A_197 = arith.index_cast %add3A_161 : i32 to index
      %swap3A_198 = arith.constant 112 : index
      %swap3A_199 = tpu.vector_load %arg10[%swap3A_197, %swap3A_198] {strides = array<i32>} : memref<64x128xf32, #tpu.memory_space<vmem>>, vector<16xf32>,
      tpu.vector_store %arg10[%swap3A_197, %swap3A_198], %broadcast_in_dim3A_196 {strides = array<i32>} : memref<64x128xf32, #tpu.memory_space<vmem>>, vector<16xf32>,
    }
    %scan3A_5 = arith.constant 64 : i32
    %mul3A_6 = arith.constant 625 : i32
    %mul3A_7 = arith.muli %arg1, %mul3A_6 : i32
    %add3A_8 = arith.constant 0 : i32
    %add3A_9 = arith.addi %mul3A_7, %add3A_8 : i32
    "tpu.region"() ({
      %run_scoped3A = tpu.sem_alloc : memref<!tpu.dma_semaphore, #tpu.memory_space<semaphore_mem>>
      %dma_start3A_157 = arith.constant 0 : i32
      %dma_start3A_158 = tpu.memref_slice %arg12[%add3A_9, %dma_start3A_157] : memref<10000x128xf32, #tpu.memory_space<vmem_shared>> -> memref<64x128xf32, #tpu.memory_space<vmem_shared>>
      %dma_start3A_159 = arith.constant 0 : i32
      %dma_start3A_160 = tpu.memref_slice %arg12[%add3A_9, %dma_start3A_159] : memref<10000x128xf32, #tpu.memory_space<vmem_shared>> -> memref<64x128xf32, #tpu.memory_space<vmem_shared>>
      tpu.enqueue_dma source(%arg10 : memref<64x128xf32, #tpu.memory_space<vmem>>) target(%dma_start3A_160 : memref<64x128xf32, #tpu.memory_space<vmem_shared>>) target_semaphore(%run_scoped3A : memref<!tpu.dma_semaphore, #tpu.memory_space<semaphore_mem>>)
      %dma_wait3A_161 = arith.constant 0 : i32
      %dma_wait3A_162 = tpu.memref_slice %arg12[%add3A_9, %dma_wait3A_161] : memref<10000x128xf32, #tpu.memory_space<vmem_shared>> -> memref<64x128xf32, #tpu.memory_space<vmem_shared>>
      %dma_wait3A_163 = arith.constant 0 : i32
      %dma_wait3A_164 = tpu.memref_slice %arg12[%add3A_9, %dma_wait3A_163] : memref<10000x128xf32, #tpu.memory_space<vmem_shared>> -> memref<64x128xf32, #tpu.memory_space<vmem_shared>>
      tpu.wait_dma2 semaphore(%run_scoped3A : memref<!tpu.dma_semaphore, #tpu.memory_space<semaphore_mem>>) src(%arg10 : memref<64x128xf32, #tpu.memory_space<vmem>>) dst(%dma_wait3A_164 : memref<64x128xf32, #tpu.memory_space<vmem_shared>>)
      tpu.yield
    }) : () -> ()
    %mul3A_10 = arith.constant 625 : i32
    %mul3A_11 = arith.muli %arg1, %mul3A_10 : i32
    %add3A_12 = arith.constant 64 : i32
    %add3A_13 = arith.addi %mul3A_11, %add3A_12 : i32
    "tpu.region"() ({
      %run_scoped3A = tpu.sem_alloc : memref<!tpu.dma_semaphore, #tpu.memory_space<semaphore_mem>>
      %dma_start3A_157 = arith.constant 0 : i32
      %dma_start3A_158 = tpu.memref_slice %arg12[%add3A_13, %dma_start3A_157] : memref<10000x128xf32, #tpu.memory_space<vmem_shared>> -> memref<64x128xf32, #tpu.memory_space<vmem_shared>>
      %dma_start3A_159 = arith.constant 0 : i32
      %dma_start3A_160 = tpu.memref_slice %arg12[%add3A_13, %dma_start3A_159] : memref<10000x128xf32, #tpu.memory_space<vmem_shared>> -> memref<64x128xf32, #tpu.memory_space<vmem_shared>>
      tpu.enqueue_dma source(%arg10 : memref<64x128xf32, #tpu.memory_space<vmem>>) target(%dma_start3A_160 : memref<64x128xf32, #tpu.memory_space<vmem_shared>>) target_semaphore(%run_scoped3A : memref<!tpu.dma_semaphore, #tpu.memory_space<semaphore_mem>>)
      %dma_wait3A_161 = arith.constant 0 : i32
      %dma_wait3A_162 = tpu.memref_slice %arg12[%add3A_13, %dma_wait3A_161] : memref<10000x128xf32, #tpu.memory_space<vmem_shared>> -> memref<64x128xf32, #tpu.memory_space<vmem_shared>>
      %dma_wait3A_163 = arith.constant 0 : i32
      %dma_wait3A_164 = tpu.memref_slice %arg12[%add3A_13, %dma_wait3A_163] : memref<10000x128xf32, #tpu.memory_space<vmem_shared>> -> memref<64x128xf32, #tpu.memory_space<vmem_shared>>
      tpu.wait_dma2 semaphore(%run_scoped3A : memref<!tpu.dma_semaphore, #tpu.memory_space<semaphore_mem>>) src(%arg10 : memref<64x128xf32, #tpu.memory_space<vmem>>) dst(%dma_wait3A_164 : memref<64x128xf32, #tpu.memory_space<vmem_shared>>)
      tpu.yield
    }) : () -> ()
    %mul3A_14 = arith.constant 625 : i32
    %mul3A_15 = arith.muli %arg1, %mul3A_14 : i32
    %add3A_16 = arith.constant 128 : i32
    %add3A_17 = arith.addi %mul3A_15, %add3A_16 : i32
    "tpu.region"() ({
      %run_scoped3A = tpu.sem_alloc : memref<!tpu.dma_semaphore, #tpu.memory_space<semaphore_mem>>
      %dma_start3A_157 = arith.constant 0 : i32
      %dma_start3A_158 = tpu.memref_slice %arg12[%add3A_17, %dma_start3A_157] : memref<10000x128xf32, #tpu.memory_space<vmem_shared>> -> memref<64x128xf32, #tpu.memory_space<vmem_shared>>
      %dma_start3A_159 = arith.constant 0 : i32
      %dma_start3A_160 = tpu.memref_slice %arg12[%add3A_17, %dma_start3A_159] : memref<10000x128xf32, #tpu.memory_space<vmem_shared>> -> memref<64x128xf32, #tpu.memory_space<vmem_shared>>
      tpu.enqueue_dma source(%arg10 : memref<64x128xf32, #tpu.memory_space<vmem>>) target(%dma_start3A_160 : memref<64x128xf32, #tpu.memory_space<vmem_shared>>) target_semaphore(%run_scoped3A : memref<!tpu.dma_semaphore, #tpu.memory_space<semaphore_mem>>)
      %dma_wait3A_161 = arith.constant 0 : i32
      %dma_wait3A_162 = tpu.memref_slice %arg12[%add3A_17, %dma_wait3A_161] : memref<10000x128xf32, #tpu.memory_space<vmem_shared>> -> memref<64x128xf32, #tpu.memory_space<vmem_shared>>
      %dma_wait3A_163 = arith.constant 0 : i32
      %dma_wait3A_164 = tpu.memref_slice %arg12[%add3A_17, %dma_wait3A_163] : memref<10000x128xf32, #tpu.memory_space<vmem_shared>> -> memref<64x128xf32, #tpu.memory_space<vmem_shared>>
      tpu.wait_dma2 semaphore(%run_scoped3A : memref<!tpu.dma_semaphore, #tpu.memory_space<semaphore_mem>>) src(%arg10 : memref<64x128xf32, #tpu.memory_space<vmem>>) dst(%dma_wait3A_164 : memref<64x128xf32, #tpu.memory_space<vmem_shared>>)
      tpu.yield
    }) : () -> ()
    %mul3A_18 = arith.constant 625 : i32
    %mul3A_19 = arith.muli %arg1, %mul3A_18 : i32
    %add3A_20 = arith.constant 192 : i32
    %add3A_21 = arith.addi %mul3A_19, %add3A_20 : i32
    "tpu.region"() ({
      %run_scoped3A = tpu.sem_alloc : memref<!tpu.dma_semaphore, #tpu.memory_space<semaphore_mem>>
      %dma_start3A_157 = arith.constant 0 : i32
      %dma_start3A_158 = tpu.memref_slice %arg12[%add3A_21, %dma_start3A_157] : memref<10000x128xf32, #tpu.memory_space<vmem_shared>> -> memref<64x128xf32, #tpu.memory_space<vmem_shared>>
      %dma_start3A_159 = arith.constant 0 : i32
      %dma_start3A_160 = tpu.memref_slice %arg12[%add3A_21, %dma_start3A_159] : memref<10000x128xf32, #tpu.memory_space<vmem_shared>> -> memref<64x128xf32, #tpu.memory_space<vmem_shared>>
      tpu.enqueue_dma source(%arg10 : memref<64x128xf32, #tpu.memory_space<vmem>>) target(%dma_start3A_160 : memref<64x128xf32, #tpu.memory_space<vmem_shared>>) target_semaphore(%run_scoped3A : memref<!tpu.dma_semaphore, #tpu.memory_space<semaphore_mem>>)
      %dma_wait3A_161 = arith.constant 0 : i32
      %dma_wait3A_162 = tpu.memref_slice %arg12[%add3A_21, %dma_wait3A_161] : memref<10000x128xf32, #tpu.memory_space<vmem_shared>> -> memref<64x128xf32, #tpu.memory_space<vmem_shared>>
      %dma_wait3A_163 = arith.constant 0 : i32
      %dma_wait3A_164 = tpu.memref_slice %arg12[%add3A_21, %dma_wait3A_163] : memref<10000x128xf32, #tpu.memory_space<vmem_shared>> -> memref<64x128xf32, #tpu.memory_space<vmem_shared>>
      tpu.wait_dma2 semaphore(%run_scoped3A : memref<!tpu.dma_semaphore, #tpu.memory_space<semaphore_mem>>) src(%arg10 : memref<64x128xf32, #tpu.memory_space<vmem>>) dst(%dma_wait3A_164 : memref<64x128xf32, #tpu.memory_space<vmem_shared>>)
      tpu.yield
    }) : () -> ()
    %mul3A_22 = arith.constant 625 : i32
    %mul3A_23 = arith.muli %arg1, %mul3A_22 : i32
    %add3A_24 = arith.constant 256 : i32
    %add3A_25 = arith.addi %mul3A_23, %add3A_24 : i32
    "tpu.region"() ({
      %run_scoped3A = tpu.sem_alloc : memref<!tpu.dma_semaphore, #tpu.memory_space<semaphore_mem>>
      %dma_start3A_157 = arith.constant 0 : i32
      %dma_start3A_158 = tpu.memref_slice %arg12[%add3A_25, %dma_start3A_157] : memref<10000x128xf32, #tpu.memory_space<vmem_shared>> -> memref<64x128xf32, #tpu.memory_space<vmem_shared>>
      %dma_start3A_159 = arith.constant 0 : i32
      %dma_start3A_160 = tpu.memref_slice %arg12[%add3A_25, %dma_start3A_159] : memref<10000x128xf32, #tpu.memory_space<vmem_shared>> -> memref<64x128xf32, #tpu.memory_space<vmem_shared>>
      tpu.enqueue_dma source(%arg10 : memref<64x128xf32, #tpu.memory_space<vmem>>) target(%dma_start3A_160 : memref<64x128xf32, #tpu.memory_space<vmem_shared>>) target_semaphore(%run_scoped3A : memref<!tpu.dma_semaphore, #tpu.memory_space<semaphore_mem>>)
      %dma_wait3A_161 = arith.constant 0 : i32
      %dma_wait3A_162 = tpu.memref_slice %arg12[%add3A_25, %dma_wait3A_161] : memref<10000x128xf32, #tpu.memory_space<vmem_shared>> -> memref<64x128xf32, #tpu.memory_space<vmem_shared>>
      %dma_wait3A_163 = arith.constant 0 : i32
      %dma_wait3A_164 = tpu.memref_slice %arg12[%add3A_25, %dma_wait3A_163] : memref<10000x128xf32, #tpu.memory_space<vmem_shared>> -> memref<64x128xf32, #tpu.memory_space<vmem_shared>>
      tpu.wait_dma2 semaphore(%run_scoped3A : memref<!tpu.dma_semaphore, #tpu.memory_space<semaphore_mem>>) src(%arg10 : memref<64x128xf32, #tpu.memory_space<vmem>>) dst(%dma_wait3A_164 : memref<64x128xf32, #tpu.memory_space<vmem_shared>>)
      tpu.yield
    }) : () -> ()
    %mul3A_26 = arith.constant 625 : i32
    %mul3A_27 = arith.muli %arg1, %mul3A_26 : i32
    %add3A_28 = arith.constant 320 : i32
    %add3A_29 = arith.addi %mul3A_27, %add3A_28 : i32
    "tpu.region"() ({
      %run_scoped3A = tpu.sem_alloc : memref<!tpu.dma_semaphore, #tpu.memory_space<semaphore_mem>>
      %dma_start3A_157 = arith.constant 0 : i32
      %dma_start3A_158 = tpu.memref_slice %arg12[%add3A_29, %dma_start3A_157] : memref<10000x128xf32, #tpu.memory_space<vmem_shared>> -> memref<64x128xf32, #tpu.memory_space<vmem_shared>>
      %dma_start3A_159 = arith.constant 0 : i32
      %dma_start3A_160 = tpu.memref_slice %arg12[%add3A_29, %dma_start3A_159] : memref<10000x128xf32, #tpu.memory_space<vmem_shared>> -> memref<64x128xf32, #tpu.memory_space<vmem_shared>>
      tpu.enqueue_dma source(%arg10 : memref<64x128xf32, #tpu.memory_space<vmem>>) target(%dma_start3A_160 : memref<64x128xf32, #tpu.memory_space<vmem_shared>>) target_semaphore(%run_scoped3A : memref<!tpu.dma_semaphore, #tpu.memory_space<semaphore_mem>>)
      %dma_wait3A_161 = arith.constant 0 : i32
      %dma_wait3A_162 = tpu.memref_slice %arg12[%add3A_29, %dma_wait3A_161] : memref<10000x128xf32, #tpu.memory_space<vmem_shared>> -> memref<64x128xf32, #tpu.memory_space<vmem_shared>>
      %dma_wait3A_163 = arith.constant 0 : i32
      %dma_wait3A_164 = tpu.memref_slice %arg12[%add3A_29, %dma_wait3A_163] : memref<10000x128xf32, #tpu.memory_space<vmem_shared>> -> memref<64x128xf32, #tpu.memory_space<vmem_shared>>
      tpu.wait_dma2 semaphore(%run_scoped3A : memref<!tpu.dma_semaphore, #tpu.memory_space<semaphore_mem>>) src(%arg10 : memref<64x128xf32, #tpu.memory_space<vmem>>) dst(%dma_wait3A_164 : memref<64x128xf32, #tpu.memory_space<vmem_shared>>)
      tpu.yield
    }) : () -> ()
    %mul3A_30 = arith.constant 625 : i32
    %mul3A_31 = arith.muli %arg1, %mul3A_30 : i32
    %add3A_32 = arith.constant 384 : i32
    %add3A_33 = arith.addi %mul3A_31, %add3A_32 : i32
    "tpu.region"() ({
      %run_scoped3A = tpu.sem_alloc : memref<!tpu.dma_semaphore, #tpu.memory_space<semaphore_mem>>
      %dma_start3A_157 = arith.constant 0 : i32
      %dma_start3A_158 = tpu.memref_slice %arg12[%add3A_33, %dma_start3A_157] : memref<10000x128xf32, #tpu.memory_space<vmem_shared>> -> memref<64x128xf32, #tpu.memory_space<vmem_shared>>
      %dma_start3A_159 = arith.constant 0 : i32
      %dma_start3A_160 = tpu.memref_slice %arg12[%add3A_33, %dma_start3A_159] : memref<10000x128xf32, #tpu.memory_space<vmem_shared>> -> memref<64x128xf32, #tpu.memory_space<vmem_shared>>
      tpu.enqueue_dma source(%arg10 : memref<64x128xf32, #tpu.memory_space<vmem>>) target(%dma_start3A_160 : memref<64x128xf32, #tpu.memory_space<vmem_shared>>) target_semaphore(%run_scoped3A : memref<!tpu.dma_semaphore, #tpu.memory_space<semaphore_mem>>)
      %dma_wait3A_161 = arith.constant 0 : i32
      %dma_wait3A_162 = tpu.memref_slice %arg12[%add3A_33, %dma_wait3A_161] : memref<10000x128xf32, #tpu.memory_space<vmem_shared>> -> memref<64x128xf32, #tpu.memory_space<vmem_shared>>
      %dma_wait3A_163 = arith.constant 0 : i32
      %dma_wait3A_164 = tpu.memref_slice %arg12[%add3A_33, %dma_wait3A_163] : memref<10000x128xf32, #tpu.memory_space<vmem_shared>> -> memref<64x128xf32, #tpu.memory_space<vmem_shared>>
      tpu.wait_dma2 semaphore(%run_scoped3A : memref<!tpu.dma_semaphore, #tpu.memory_space<semaphore_mem>>) src(%arg10 : memref<64x128xf32, #tpu.memory_space<vmem>>) dst(%dma_wait3A_164 : memref<64x128xf32, #tpu.memory_space<vmem_shared>>)
      tpu.yield
    }) : () -> ()
    %mul3A_34 = arith.constant 625 : i32
    %mul3A_35 = arith.muli %arg1, %mul3A_34 : i32
    %add3A_36 = arith.constant 448 : i32
    %add3A_37 = arith.addi %mul3A_35, %add3A_36 : i32
    "tpu.region"() ({
      %run_scoped3A = tpu.sem_alloc : memref<!tpu.dma_semaphore, #tpu.memory_space<semaphore_mem>>
      %dma_start3A_157 = arith.constant 0 : i32
      %dma_start3A_158 = tpu.memref_slice %arg12[%add3A_37, %dma_start3A_157] : memref<10000x128xf32, #tpu.memory_space<vmem_shared>> -> memref<64x128xf32, #tpu.memory_space<vmem_shared>>
      %dma_start3A_159 = arith.constant 0 : i32
      %dma_start3A_160 = tpu.memref_slice %arg12[%add3A_37, %dma_start3A_159] : memref<10000x128xf32, #tpu.memory_space<vmem_shared>> -> memref<64x128xf32, #tpu.memory_space<vmem_shared>>
      tpu.enqueue_dma source(%arg10 : memref<64x128xf32, #tpu.memory_space<vmem>>) target(%dma_start3A_160 : memref<64x128xf32, #tpu.memory_space<vmem_shared>>) target_semaphore(%run_scoped3A : memref<!tpu.dma_semaphore, #tpu.memory_space<semaphore_mem>>)
      %dma_wait3A_161 = arith.constant 0 : i32
      %dma_wait3A_162 = tpu.memref_slice %arg12[%add3A_37, %dma_wait3A_161] : memref<10000x128xf32, #tpu.memory_space<vmem_shared>> -> memref<64x128xf32, #tpu.memory_space<vmem_shared>>
      %dma_wait3A_163 = arith.constant 0 : i32
      %dma_wait3A_164 = tpu.memref_slice %arg12[%add3A_37, %dma_wait3A_163] : memref<10000x128xf32, #tpu.memory_space<vmem_shared>> -> memref<64x128xf32, #tpu.memory_space<vmem_shared>>
      tpu.wait_dma2 semaphore(%run_scoped3A : memref<!tpu.dma_semaphore, #tpu.memory_space<semaphore_mem>>) src(%arg10 : memref<64x128xf32, #tpu.memory_space<vmem>>) dst(%dma_wait3A_164 : memref<64x128xf32, #tpu.memory_space<vmem_shared>>)
      tpu.yield
    }) : () -> ()
    %mul3A_38 = arith.constant 625 : i32
    %mul3A_39 = arith.muli %arg1, %mul3A_38 : i32
    %add3A_40 = arith.constant 512 : i32
    %add3A_41 = arith.addi %mul3A_39, %add3A_40 : i32
    "tpu.region"() ({
      %run_scoped3A = tpu.sem_alloc : memref<!tpu.dma_semaphore, #tpu.memory_space<semaphore_mem>>
      %dma_start3A_157 = arith.constant 0 : i32
      %dma_start3A_158 = tpu.memref_slice %arg12[%add3A_41, %dma_start3A_157] : memref<10000x128xf32, #tpu.memory_space<vmem_shared>> -> memref<64x128xf32, #tpu.memory_space<vmem_shared>>
      %dma_start3A_159 = arith.constant 0 : i32
      %dma_start3A_160 = tpu.memref_slice %arg12[%add3A_41, %dma_start3A_159] : memref<10000x128xf32, #tpu.memory_space<vmem_shared>> -> memref<64x128xf32, #tpu.memory_space<vmem_shared>>
      tpu.enqueue_dma source(%arg10 : memref<64x128xf32, #tpu.memory_space<vmem>>) target(%dma_start3A_160 : memref<64x128xf32, #tpu.memory_space<vmem_shared>>) target_semaphore(%run_scoped3A : memref<!tpu.dma_semaphore, #tpu.memory_space<semaphore_mem>>)
      %dma_wait3A_161 = arith.constant 0 : i32
      %dma_wait3A_162 = tpu.memref_slice %arg12[%add3A_41, %dma_wait3A_161] : memref<10000x128xf32, #tpu.memory_space<vmem_shared>> -> memref<64x128xf32, #tpu.memory_space<vmem_shared>>
      %dma_wait3A_163 = arith.constant 0 : i32
      %dma_wait3A_164 = tpu.memref_slice %arg12[%add3A_41, %dma_wait3A_163] : memref<10000x128xf32, #tpu.memory_space<vmem_shared>> -> memref<64x128xf32, #tpu.memory_space<vmem_shared>>
      tpu.wait_dma2 semaphore(%run_scoped3A : memref<!tpu.dma_semaphore, #tpu.memory_space<semaphore_mem>>) src(%arg10 : memref<64x128xf32, #tpu.memory_space<vmem>>) dst(%dma_wait3A_164 : memref<64x128xf32, #tpu.memory_space<vmem_shared>>)
      tpu.yield
    }) : () -> ()
    %mul3A_42 = arith.constant 625 : i32
    %mul3A_43 = arith.muli %arg1, %mul3A_42 : i32
    %add3A_44 = arith.constant 625 : i32
    %add3A_45 = arith.addi %mul3A_43, %add3A_44 : i32
    %sub3A = arith.constant 49 : i32
    %sub3A_46 = arith.subi %add3A_45, %sub3A : i32
    "tpu.region"() ({
      %run_scoped3A = tpu.sem_alloc : memref<!tpu.dma_semaphore, #tpu.memory_space<semaphore_mem>>
      %dma_start3A_157 = arith.constant 0 : i32
      %dma_start3A_158 = arith.constant 0 : i32
      %dma_start3A_159 = tpu.memref_slice %arg10[%dma_start3A_157, %dma_start3A_158] : memref<64x128xf32, #tpu.memory_space<vmem>> -> memref<49x128xf32, #tpu.memory_space<vmem>>
      %dma_start3A_160 = arith.constant 0 : i32
      %dma_start3A_161 = tpu.memref_slice %arg12[%sub3A_46, %dma_start3A_160] : memref<10000x128xf32, #tpu.memory_space<vmem_shared>> -> memref<49x128xf32, #tpu.memory_space<vmem_shared>>
      %dma_start3A_162 = arith.constant 0 : i32
      %dma_start3A_163 = tpu.memref_slice %arg12[%sub3A_46, %dma_start3A_162] : memref<10000x128xf32, #tpu.memory_space<vmem_shared>> -> memref<49x128xf32, #tpu.memory_space<vmem_shared>>
      %dma_start3A_164 = arith.constant 0 : i32
      %dma_start3A_165 = arith.constant 0 : i32
      %dma_start3A_166 = tpu.memref_slice %arg10[%dma_start3A_164, %dma_start3A_165] : memref<64x128xf32, #tpu.memory_space<vmem>> -> memref<49x128xf32, #tpu.memory_space<vmem>>
      tpu.enqueue_dma source(%dma_start3A_166 : memref<49x128xf32, #tpu.memory_space<vmem>>) target(%dma_start3A_163 : memref<49x128xf32, #tpu.memory_space<vmem_shared>>) target_semaphore(%run_scoped3A : memref<!tpu.dma_semaphore, #tpu.memory_space<semaphore_mem>>)
      %dma_wait3A_167 = arith.constant 0 : i32
      %dma_wait3A_168 = arith.constant 0 : i32
      %dma_wait3A_169 = tpu.memref_slice %arg10[%dma_wait3A_167, %dma_wait3A_168] : memref<64x128xf32, #tpu.memory_space<vmem>> -> memref<49x128xf32, #tpu.memory_space<vmem>>
      %dma_wait3A_170 = arith.constant 0 : i32
      %dma_wait3A_171 = tpu.memref_slice %arg12[%sub3A_46, %dma_wait3A_170] : memref<10000x128xf32, #tpu.memory_space<vmem_shared>> -> memref<49x128xf32, #tpu.memory_space<vmem_shared>>
      %dma_wait3A_172 = arith.constant 0 : i32
      %dma_wait3A_173 = tpu.memref_slice %arg12[%sub3A_46, %dma_wait3A_172] : memref<10000x128xf32, #tpu.memory_space<vmem_shared>> -> memref<49x128xf32, #tpu.memory_space<vmem_shared>>
      %dma_wait3A_174 = arith.constant 0 : i32
      %dma_wait3A_175 = arith.constant 0 : i32
      %dma_wait3A_176 = tpu.memref_slice %arg10[%dma_wait3A_174, %dma_wait3A_175] : memref<64x128xf32, #tpu.memory_space<vmem>> -> memref<49x128xf32, #tpu.memory_space<vmem>>
      tpu.wait_dma2 semaphore(%run_scoped3A : memref<!tpu.dma_semaphore, #tpu.memory_space<semaphore_mem>>) src(%dma_wait3A_176 : memref<49x128xf32, #tpu.memory_space<vmem>>) dst(%dma_wait3A_173 : memref<49x128xf32, #tpu.memory_space<vmem_shared>>)
      tpu.yield
    }) : () -> ()
    "tpu.region"() ({
      %run_scoped3A = tpu.sem_alloc : memref<!tpu.dma_semaphore, #tpu.memory_space<semaphore_mem>>
      %dma_start3A_157 = arith.constant 0 : i32
      %dma_start3A_158 = tpu.memref_slice %arg3[%arg1, %dma_start3A_157] : memref<16x10240xi32, #tpu.memory_space<hbm>> -> memref<1x10240xi32, #tpu.memory_space<hbm>>
      %dma_start3A_159 = tpu.memref_squeeze %dma_start3A_158 : memref<1x10240xi32, #tpu.memory_space<hbm>> -> memref<10240xi32, #tpu.memory_space<hbm>>
      %dma_start3A_160 = arith.constant 0 : i32
      %dma_start3A_161 = tpu.memref_slice %arg3[%arg1, %dma_start3A_160] : memref<16x10240xi32, #tpu.memory_space<hbm>> -> memref<1x10240xi32, #tpu.memory_space<hbm>>
      %dma_start3A_162 = tpu.memref_squeeze %dma_start3A_161 : memref<1x10240xi32, #tpu.memory_space<hbm>> -> memref<10240xi32, #tpu.memory_space<hbm>>
      tpu.enqueue_dma source(%dma_start3A_162 : memref<10240xi32, #tpu.memory_space<hbm>>) target(%arg7 : memref<10240xi32, #tpu.memory_space<vmem>>) target_semaphore(%run_scoped3A : memref<!tpu.dma_semaphore, #tpu.memory_space<semaphore_mem>>)
      %dma_wait3A_163 = arith.constant 0 : i32
      %dma_wait3A_164 = tpu.memref_slice %arg3[%arg1, %dma_wait3A_163] : memref<16x10240xi32, #tpu.memory_space<hbm>> -> memref<1x10240xi32, #tpu.memory_space<hbm>>
      %dma_wait3A_165 = tpu.memref_squeeze %dma_wait3A_164 : memref<1x10240xi32, #tpu.memory_space<hbm>> -> memref<10240xi32, #tpu.memory_space<hbm>>
      %dma_wait3A_166 = arith.constant 0 : i32
      %dma_wait3A_167 = tpu.memref_slice %arg3[%arg1, %dma_wait3A_166] : memref<16x10240xi32, #tpu.memory_space<hbm>> -> memref<1x10240xi32, #tpu.memory_space<hbm>>
      %dma_wait3A_168 = tpu.memref_squeeze %dma_wait3A_167 : memref<1x10240xi32, #tpu.memory_space<hbm>> -> memref<10240xi32, #tpu.memory_space<hbm>>
      tpu.wait_dma2 semaphore(%run_scoped3A : memref<!tpu.dma_semaphore, #tpu.memory_space<semaphore_mem>>) src(%dma_wait3A_168 : memref<10240xi32, #tpu.memory_space<hbm>>) dst(%arg7 : memref<10240xi32, #tpu.memory_space<vmem>>)
      tpu.yield
    }) : () -> ()
    %scan3A_47 = arith.constant 0 : i32
    %scan3A_48 = arith.constant 640 : i32
    %scan3A_49 = arith.addi %scan3A_47, %scan3A_48 : i32
    %scan3A_50 = arith.constant 1 : i32
    scf.for %scan3A_157 = %scan3A_47 to %scan3A_49 step %scan3A_50  : i32 {
      %mul3A_158 = arith.constant 1 : i32
      %mul3A_159 = arith.muli %scan3A_157, %mul3A_158 : i32
      %add3A_160 = arith.constant 0 : i32
      %add3A_161 = arith.addi %add3A_160, %mul3A_159 : i32
      %mul3A_162 = arith.constant 16 : i32
      %mul3A_163 = arith.muli %add3A_161, %mul3A_162 : i32
      %get3A = arith.index_cast %mul3A_163 : i32 to index
      %get3A_164 = tpu.vector_load %arg7[%get3A] {strides = array<i32>} : memref<10240xi32, #tpu.memory_space<vmem>>, vector<16xi32>,
      %mul3A_165 = arith.constant 4 : i32
      %mul3A_166 = vector.broadcast %mul3A_165 : i32 to vector<16xi32>
      %mul3A_167 = arith.muli %get3A_164, %mul3A_166 : vector<16xi32>
      %add3A_168 = vector.broadcast %add3A_1 : i32 to vector<16xi32>
      %add3A_169 = arith.addi %mul3A_167, %add3A_168 : vector<16xi32>
      %swap3A = arith.index_cast %mul3A_163 : i32 to index
      %swap3A_170 = tpu.vector_load %arg7[%swap3A] {strides = array<i32>} : memref<10240xi32, #tpu.memory_space<vmem>>, vector<16xi32>,
      tpu.vector_store %arg7[%swap3A], %add3A_169 {strides = array<i32>} : memref<10240xi32, #tpu.memory_space<vmem>>, vector<16xi32>,
    }
    %scan3A_51 = arith.constant 640 : i32
    %dma_start3A = arith.constant 0 : i32
    %dma_start3A_52 = tpu.memref_slice %arg7[%dma_start3A] : memref<10240xi32, #tpu.memory_space<vmem>> -> memref<64xi32, #tpu.memory_space<vmem>>
    %dma_start3A_53 = arith.constant 0 : i32
    %dma_start3A_54 = arith.constant 0 : i32
    %dma_start3A_55 = tpu.memref_slice %arg2[%dma_start3A_53, %dma_start3A_54] : memref<40000x128xf32, #tpu.memory_space<hbm>> -> memref<40000x128xf32, #tpu.memory_space<hbm>>
    tpu.enqueue_indirect_dma source(%dma_start3A_55 : memref<40000x128xf32, #tpu.memory_space<hbm>>) target(%arg10 : memref<64x128xf32, #tpu.memory_space<vmem>>) offsets(%dma_start3A_52 : memref<64xi32, #tpu.memory_space<vmem>>) semaphore(%arg13 : memref<!tpu.dma_semaphore, #tpu.memory_space<semaphore_mem>>)
    %barrier3A = arith.constant 0 : index
    tpu.barrier barrier_id(%barrier3A)
    %scan3A_56 = arith.constant 0 : i32
    %scan3A_57 = arith.constant 80 : i32
    %scan3A_58 = arith.addi %scan3A_56, %scan3A_57 : i32
    %scan3A_59 = arith.constant 1 : i32
    scf.for %scan3A_157 = %scan3A_56 to %scan3A_58 step %scan3A_59  : i32 {
      %mul3A_158 = arith.constant 1 : i32
      %mul3A_159 = arith.muli %scan3A_157, %mul3A_158 : i32
      %add3A_160 = arith.constant 0 : i32
      %add3A_161 = arith.addi %add3A_160, %mul3A_159 : i32
      %mul3A_162 = arith.constant 2 : i32
      %mul3A_163 = arith.muli %add3A_161, %mul3A_162 : i32
      %add3A_164 = arith.constant 1 : i32
      %add3A_165 = arith.addi %mul3A_163, %add3A_164 : i32
      %gt3A = arith.constant 0 : i32
      %gt3A_166 = arith.cmpi sgt, %add3A_161, %gt3A : i32
      %convert_element_type3A = arith.extui %gt3A_166 : i1 to i32
      %cond3A = arith.constant 0 : i32
      %cond3A_167 = arith.cmpi ne, %convert_element_type3A, %cond3A : i32
      scf.if %cond3A_167 {
        %sub3A_220 = arith.constant 1 : i32
        %sub3A_221 = arith.subi %mul3A_163, %sub3A_220 : i32
        %dma_wait3A_222 = arith.constant 0 : i32
        %dma_wait3A_223 = tpu.memref_slice %arg8[%sub3A_221, %dma_wait3A_222] : memref<160x64xi32, #tpu.memory_space<vmem>> -> memref<1x64xi32, #tpu.memory_space<vmem>>
        %dma_wait3A_224 = tpu.memref_squeeze %dma_wait3A_223 : memref<1x64xi32, #tpu.memory_space<vmem>> -> memref<64xi32, #tpu.memory_space<vmem>>
        %dma_wait3A_225 = arith.constant 0 : i32
        %dma_wait3A_226 = arith.constant 0 : i32
        %dma_wait3A_227 = tpu.memref_slice %arg12[%dma_wait3A_225, %dma_wait3A_226] : memref<10000x128xf32, #tpu.memory_space<vmem_shared>> -> memref<10000x128xf32, #tpu.memory_space<vmem_shared>>
        tpu.wait_indirect_dma semaphore(%arg16 : memref<!tpu.dma_semaphore, #tpu.memory_space<semaphore_mem>>) src(%arg11 : memref<64x128xf32, #tpu.memory_space<vmem>>) dst(%dma_wait3A_227 : memref<10000x128xf32, #tpu.memory_space<vmem_shared>>)
      } else {
      }
      %mul3A_168 = arith.constant 64 : i32
      %mul3A_169 = arith.muli %add3A_165, %mul3A_168 : i32
      %dma_start3A_170 = tpu.memref_slice %arg7[%mul3A_169] : memref<10240xi32, #tpu.memory_space<vmem>> -> memref<64xi32, #tpu.memory_space<vmem>>
      %dma_start3A_171 = arith.constant 0 : i32
      %dma_start3A_172 = arith.constant 0 : i32
      %dma_start3A_173 = tpu.memref_slice %arg2[%dma_start3A_171, %dma_start3A_172] : memref<40000x128xf32, #tpu.memory_space<hbm>> -> memref<40000x128xf32, #tpu.memory_space<hbm>>
      tpu.enqueue_indirect_dma source(%dma_start3A_173 : memref<40000x128xf32, #tpu.memory_space<hbm>>) target(%arg11 : memref<64x128xf32, #tpu.memory_space<vmem>>) offsets(%dma_start3A_170 : memref<64xi32, #tpu.memory_space<vmem>>) semaphore(%arg14 : memref<!tpu.dma_semaphore, #tpu.memory_space<semaphore_mem>>)
      %mul3A_174 = arith.constant 64 : i32
      %mul3A_175 = arith.muli %mul3A_163, %mul3A_174 : i32
      %dma_wait3A_176 = tpu.memref_slice %arg7[%mul3A_175] : memref<10240xi32, #tpu.memory_space<vmem>> -> memref<64xi32, #tpu.memory_space<vmem>>
      %dma_wait3A_177 = arith.constant 0 : i32
      %dma_wait3A_178 = arith.constant 0 : i32
      %dma_wait3A_179 = tpu.memref_slice %arg2[%dma_wait3A_177, %dma_wait3A_178] : memref<40000x128xf32, #tpu.memory_space<hbm>> -> memref<40000x128xf32, #tpu.memory_space<hbm>>
      tpu.wait_indirect_dma semaphore(%arg13 : memref<!tpu.dma_semaphore, #tpu.memory_space<semaphore_mem>>) src(%dma_wait3A_179 : memref<40000x128xf32, #tpu.memory_space<hbm>>) dst(%arg10 : memref<64x128xf32, #tpu.memory_space<vmem>>)
      %scan3A_180 = arith.constant 0 : i32
      %scan3A_181 = arith.constant 64 : i32
      %scan3A_182 = arith.addi %scan3A_180, %scan3A_181 : i32
      %scan3A_183 = arith.constant 1 : i32
      scf.for %scan3A_220 = %scan3A_180 to %scan3A_182 step %scan3A_183  : i32 {
        %mul3A_221 = arith.constant 1 : i32
        %mul3A_222 = arith.muli %scan3A_220, %mul3A_221 : i32
        %add3A_223 = arith.constant 0 : i32
        %add3A_224 = arith.addi %add3A_223, %mul3A_222 : i32
        %mul3A_225 = arith.constant 64 : i32
        %mul3A_226 = arith.muli %mul3A_163, %mul3A_225 : i32
        %add3A_227 = arith.addi %mul3A_226, %add3A_224 : i32
        %broadcast_in_dim3A = vector.broadcast %add3A_227 : i32 to vector<16xi32>
        %gather3A = tpu.vector_load_idx %arg9[%broadcast_in_dim3A] : memref<10240xf32, #tpu.memory_space<vmem>>[vector<16xi32>], vector<16xf32>,
        %get3A = arith.index_cast %add3A_224 : i32 to index
        %get3A_228 = arith.constant 0 : index
        %get3A_229 = tpu.vector_load %arg10[%get3A, %get3A_228] {strides = array<i32>} : memref<64x128xf32, #tpu.memory_space<vmem>>, vector<16xf32>,
        %mul3A_230 = arith.mulf %get3A_229, %gather3A : vector<16xf32>
        %swap3A = arith.index_cast %add3A_224 : i32 to index
        %swap3A_231 = arith.constant 0 : index
        %swap3A_232 = tpu.vector_load %arg10[%swap3A, %swap3A_231] {strides = array<i32>} : memref<64x128xf32, #tpu.memory_space<vmem>>, vector<16xf32>,
        tpu.vector_store %arg10[%swap3A, %swap3A_231], %mul3A_230 {strides = array<i32>} : memref<64x128xf32, #tpu.memory_space<vmem>>, vector<16xf32>,
        %get3A_233 = arith.index_cast %add3A_224 : i32 to index
        %get3A_234 = arith.constant 16 : index
        %get3A_235 = tpu.vector_load %arg10[%get3A_233, %get3A_234] {strides = array<i32>} : memref<64x128xf32, #tpu.memory_space<vmem>>, vector<16xf32>,
        %mul3A_236 = arith.mulf %get3A_235, %gather3A : vector<16xf32>
        %swap3A_237 = arith.index_cast %add3A_224 : i32 to index
        %swap3A_238 = arith.constant 16 : index
        %swap3A_239 = tpu.vector_load %arg10[%swap3A_237, %swap3A_238] {strides = array<i32>} : memref<64x128xf32, #tpu.memory_space<vmem>>, vector<16xf32>,
        tpu.vector_store %arg10[%swap3A_237, %swap3A_238], %mul3A_236 {strides = array<i32>} : memref<64x128xf32, #tpu.memory_space<vmem>>, vector<16xf32>,
        %get3A_240 = arith.index_cast %add3A_224 : i32 to index
        %get3A_241 = arith.constant 32 : index
        %get3A_242 = tpu.vector_load %arg10[%get3A_240, %get3A_241] {strides = array<i32>} : memref<64x128xf32, #tpu.memory_space<vmem>>, vector<16xf32>,
        %mul3A_243 = arith.mulf %get3A_242, %gather3A : vector<16xf32>
        %swap3A_244 = arith.index_cast %add3A_224 : i32 to index
        %swap3A_245 = arith.constant 32 : index
        %swap3A_246 = tpu.vector_load %arg10[%swap3A_244, %swap3A_245] {strides = array<i32>} : memref<64x128xf32, #tpu.memory_space<vmem>>, vector<16xf32>,
        tpu.vector_store %arg10[%swap3A_244, %swap3A_245], %mul3A_243 {strides = array<i32>} : memref<64x128xf32, #tpu.memory_space<vmem>>, vector<16xf32>,
        %get3A_247 = arith.index_cast %add3A_224 : i32 to index
        %get3A_248 = arith.constant 48 : index
        %get3A_249 = tpu.vector_load %arg10[%get3A_247, %get3A_248] {strides = array<i32>} : memref<64x128xf32, #tpu.memory_space<vmem>>, vector<16xf32>,
        %mul3A_250 = arith.mulf %get3A_249, %gather3A : vector<16xf32>
        %swap3A_251 = arith.index_cast %add3A_224 : i32 to index
        %swap3A_252 = arith.constant 48 : index
        %swap3A_253 = tpu.vector_load %arg10[%swap3A_251, %swap3A_252] {strides = array<i32>} : memref<64x128xf32, #tpu.memory_space<vmem>>, vector<16xf32>,
        tpu.vector_store %arg10[%swap3A_251, %swap3A_252], %mul3A_250 {strides = array<i32>} : memref<64x128xf32, #tpu.memory_space<vmem>>, vector<16xf32>,
        %get3A_254 = arith.index_cast %add3A_224 : i32 to index
        %get3A_255 = arith.constant 64 : index
        %get3A_256 = tpu.vector_load %arg10[%get3A_254, %get3A_255] {strides = array<i32>} : memref<64x128xf32, #tpu.memory_space<vmem>>, vector<16xf32>,
        %mul3A_257 = arith.mulf %get3A_256, %gather3A : vector<16xf32>
        %swap3A_258 = arith.index_cast %add3A_224 : i32 to index
        %swap3A_259 = arith.constant 64 : index
        %swap3A_260 = tpu.vector_load %arg10[%swap3A_258, %swap3A_259] {strides = array<i32>} : memref<64x128xf32, #tpu.memory_space<vmem>>, vector<16xf32>,
        tpu.vector_store %arg10[%swap3A_258, %swap3A_259], %mul3A_257 {strides = array<i32>} : memref<64x128xf32, #tpu.memory_space<vmem>>, vector<16xf32>,
        %get3A_261 = arith.index_cast %add3A_224 : i32 to index
        %get3A_262 = arith.constant 80 : index
        %get3A_263 = tpu.vector_load %arg10[%get3A_261, %get3A_262] {strides = array<i32>} : memref<64x128xf32, #tpu.memory_space<vmem>>, vector<16xf32>,
        %mul3A_264 = arith.mulf %get3A_263, %gather3A : vector<16xf32>
        %swap3A_265 = arith.index_cast %add3A_224 : i32 to index
        %swap3A_266 = arith.constant 80 : index
        %swap3A_267 = tpu.vector_load %arg10[%swap3A_265, %swap3A_266] {strides = array<i32>} : memref<64x128xf32, #tpu.memory_space<vmem>>, vector<16xf32>,
        tpu.vector_store %arg10[%swap3A_265, %swap3A_266], %mul3A_264 {strides = array<i32>} : memref<64x128xf32, #tpu.memory_space<vmem>>, vector<16xf32>,
        %get3A_268 = arith.index_cast %add3A_224 : i32 to index
        %get3A_269 = arith.constant 96 : index
        %get3A_270 = tpu.vector_load %arg10[%get3A_268, %get3A_269] {strides = array<i32>} : memref<64x128xf32, #tpu.memory_space<vmem>>, vector<16xf32>,
        %mul3A_271 = arith.mulf %get3A_270, %gather3A : vector<16xf32>
        %swap3A_272 = arith.index_cast %add3A_224 : i32 to index
        %swap3A_273 = arith.constant 96 : index
        %swap3A_274 = tpu.vector_load %arg10[%swap3A_272, %swap3A_273] {strides = array<i32>} : memref<64x128xf32, #tpu.memory_space<vmem>>, vector<16xf32>,
        tpu.vector_store %arg10[%swap3A_272, %swap3A_273], %mul3A_271 {strides = array<i32>} : memref<64x128xf32, #tpu.memory_space<vmem>>, vector<16xf32>,
        %get3A_275 = arith.index_cast %add3A_224 : i32 to index
        %get3A_276 = arith.constant 112 : index
        %get3A_277 = tpu.vector_load %arg10[%get3A_275, %get3A_276] {strides = array<i32>} : memref<64x128xf32, #tpu.memory_space<vmem>>, vector<16xf32>,
        %mul3A_278 = arith.mulf %get3A_277, %gather3A : vector<16xf32>
        %swap3A_279 = arith.index_cast %add3A_224 : i32 to index
        %swap3A_280 = arith.constant 112 : index
        %swap3A_281 = tpu.vector_load %arg10[%swap3A_279, %swap3A_280] {strides = array<i32>} : memref<64x128xf32, #tpu.memory_space<vmem>>, vector<16xf32>,
        tpu.vector_store %arg10[%swap3A_279, %swap3A_280], %mul3A_278 {strides = array<i32>} : memref<64x128xf32, #tpu.memory_space<vmem>>, vector<16xf32>,
      }
      %scan3A_184 = arith.constant 64 : i32
      %dma_start3A_185 = arith.constant 0 : i32
      %dma_start3A_186 = tpu.memref_slice %arg8[%mul3A_163, %dma_start3A_185] : memref<160x64xi32, #tpu.memory_space<vmem>> -> memref<1x64xi32, #tpu.memory_space<vmem>>
      %dma_start3A_187 = tpu.memref_squeeze %dma_start3A_186 : memref<1x64xi32, #tpu.memory_space<vmem>> -> memref<64xi32, #tpu.memory_space<vmem>>
      %dma_start3A_188 = arith.constant 0 : i32
      %dma_start3A_189 = arith.constant 0 : i32
      %dma_start3A_190 = tpu.memref_slice %arg12[%dma_start3A_188, %dma_start3A_189] : memref<10000x128xf32, #tpu.memory_space<vmem_shared>> -> memref<10000x128xf32, #tpu.memory_space<vmem_shared>>
      tpu.enqueue_indirect_dma source(%arg10 : memref<64x128xf32, #tpu.memory_space<vmem>>) target(%dma_start3A_190 : memref<10000x128xf32, #tpu.memory_space<vmem_shared>>) offsets(%dma_start3A_187 : memref<64xi32, #tpu.memory_space<vmem>>) semaphore(%arg15 : memref<!tpu.dma_semaphore, #tpu.memory_space<semaphore_mem>>) {add = true}
      %mul3A_191 = arith.constant 64 : i32
      %mul3A_192 = arith.muli %add3A_165, %mul3A_191 : i32
      %dma_wait3A_193 = tpu.memref_slice %arg7[%mul3A_192] : memref<10240xi32, #tpu.memory_space<vmem>> -> memref<64xi32, #tpu.memory_space<vmem>>
      %dma_wait3A_194 = arith.constant 0 : i32
      %dma_wait3A_195 = arith.constant 0 : i32
      %dma_wait3A_196 = tpu.memref_slice %arg2[%dma_wait3A_194, %dma_wait3A_195] : memref<40000x128xf32, #tpu.memory_space<hbm>> -> memref<40000x128xf32, #tpu.memory_space<hbm>>
      tpu.wait_indirect_dma semaphore(%arg14 : memref<!tpu.dma_semaphore, #tpu.memory_space<semaphore_mem>>) src(%dma_wait3A_196 : memref<40000x128xf32, #tpu.memory_space<hbm>>) dst(%arg11 : memref<64x128xf32, #tpu.memory_space<vmem>>)
      %dma_wait3A_197 = arith.constant 0 : i32
      %dma_wait3A_198 = tpu.memref_slice %arg8[%mul3A_163, %dma_wait3A_197] : memref<160x64xi32, #tpu.memory_space<vmem>> -> memref<1x64xi32, #tpu.memory_space<vmem>>
      %dma_wait3A_199 = tpu.memref_squeeze %dma_wait3A_198 : memref<1x64xi32, #tpu.memory_space<vmem>> -> memref<64xi32, #tpu.memory_space<vmem>>
      %dma_wait3A_200 = arith.constant 0 : i32
      %dma_wait3A_201 = arith.constant 0 : i32
      %dma_wait3A_202 = tpu.memref_slice %arg12[%dma_wait3A_200, %dma_wait3A_201] : memref<10000x128xf32, #tpu.memory_space<vmem_shared>> -> memref<10000x128xf32, #tpu.memory_space<vmem_shared>>
      tpu.wait_indirect_dma semaphore(%arg15 : memref<!tpu.dma_semaphore, #tpu.memory_space<semaphore_mem>>) src(%arg10 : memref<64x128xf32, #tpu.memory_space<vmem>>) dst(%dma_wait3A_202 : memref<10000x128xf32, #tpu.memory_space<vmem_shared>>)
      %add3A_203 = arith.constant 1 : i32
      %add3A_204 = arith.addi %add3A_165, %add3A_203 : i32
      %lt3A = arith.constant 160 : i32
      %lt3A_205 = arith.cmpi slt, %add3A_204, %lt3A : i32
      %convert_element_type3A_206 = arith.extui %lt3A_205 : i1 to i32
      %cond3A_207 = arith.constant 0 : i32
      %cond3A_208 = arith.cmpi ne, %convert_element_type3A_206, %cond3A_207 : i32
      scf.if %cond3A_208 {
        %add3A_220 = arith.constant 1 : i32
        %add3A_221 = arith.addi %add3A_165, %add3A_220 : i32
        %mul3A_222 = arith.constant 64 : i32
        %mul3A_223 = arith.muli %add3A_221, %mul3A_222 : i32
        %dma_start3A_224 = tpu.memref_slice %arg7[%mul3A_223] : memref<10240xi32, #tpu.memory_space<vmem>> -> memref<64xi32, #tpu.memory_space<vmem>>
        %dma_start3A_225 = arith.constant 0 : i32
        %dma_start3A_226 = arith.constant 0 : i32
        %dma_start3A_227 = tpu.memref_slice %arg2[%dma_start3A_225, %dma_start3A_226] : memref<40000x128xf32, #tpu.memory_space<hbm>> -> memref<40000x128xf32, #tpu.memory_space<hbm>>
        tpu.enqueue_indirect_dma source(%dma_start3A_227 : memref<40000x128xf32, #tpu.memory_space<hbm>>) target(%arg10 : memref<64x128xf32, #tpu.memory_space<vmem>>) offsets(%dma_start3A_224 : memref<64xi32, #tpu.memory_space<vmem>>) semaphore(%arg13 : memref<!tpu.dma_semaphore, #tpu.memory_space<semaphore_mem>>)
      } else {
      }
      %scan3A_209 = arith.constant 0 : i32
      %scan3A_210 = arith.constant 64 : i32
      %scan3A_211 = arith.addi %scan3A_209, %scan3A_210 : i32
      %scan3A_212 = arith.constant 1 : i32
      scf.for %scan3A_220 = %scan3A_209 to %scan3A_211 step %scan3A_212  : i32 {
        %mul3A_221 = arith.constant 1 : i32
        %mul3A_222 = arith.muli %scan3A_220, %mul3A_221 : i32
        %add3A_223 = arith.constant 0 : i32
        %add3A_224 = arith.addi %add3A_223, %mul3A_222 : i32
        %mul3A_225 = arith.constant 64 : i32
        %mul3A_226 = arith.muli %add3A_165, %mul3A_225 : i32
        %add3A_227 = arith.addi %mul3A_226, %add3A_224 : i32
        %broadcast_in_dim3A = vector.broadcast %add3A_227 : i32 to vector<16xi32>
        %gather3A = tpu.vector_load_idx %arg9[%broadcast_in_dim3A] : memref<10240xf32, #tpu.memory_space<vmem>>[vector<16xi32>], vector<16xf32>,
        %get3A = arith.index_cast %add3A_224 : i32 to index
        %get3A_228 = arith.constant 0 : index
        %get3A_229 = tpu.vector_load %arg11[%get3A, %get3A_228] {strides = array<i32>} : memref<64x128xf32, #tpu.memory_space<vmem>>, vector<16xf32>,
        %mul3A_230 = arith.mulf %get3A_229, %gather3A : vector<16xf32>
        %swap3A = arith.index_cast %add3A_224 : i32 to index
        %swap3A_231 = arith.constant 0 : index
        %swap3A_232 = tpu.vector_load %arg11[%swap3A, %swap3A_231] {strides = array<i32>} : memref<64x128xf32, #tpu.memory_space<vmem>>, vector<16xf32>,
        tpu.vector_store %arg11[%swap3A, %swap3A_231], %mul3A_230 {strides = array<i32>} : memref<64x128xf32, #tpu.memory_space<vmem>>, vector<16xf32>,
        %get3A_233 = arith.index_cast %add3A_224 : i32 to index
        %get3A_234 = arith.constant 16 : index
        %get3A_235 = tpu.vector_load %arg11[%get3A_233, %get3A_234] {strides = array<i32>} : memref<64x128xf32, #tpu.memory_space<vmem>>, vector<16xf32>,
        %mul3A_236 = arith.mulf %get3A_235, %gather3A : vector<16xf32>
        %swap3A_237 = arith.index_cast %add3A_224 : i32 to index
        %swap3A_238 = arith.constant 16 : index
        %swap3A_239 = tpu.vector_load %arg11[%swap3A_237, %swap3A_238] {strides = array<i32>} : memref<64x128xf32, #tpu.memory_space<vmem>>, vector<16xf32>,
        tpu.vector_store %arg11[%swap3A_237, %swap3A_238], %mul3A_236 {strides = array<i32>} : memref<64x128xf32, #tpu.memory_space<vmem>>, vector<16xf32>,
        %get3A_240 = arith.index_cast %add3A_224 : i32 to index
        %get3A_241 = arith.constant 32 : index
        %get3A_242 = tpu.vector_load %arg11[%get3A_240, %get3A_241] {strides = array<i32>} : memref<64x128xf32, #tpu.memory_space<vmem>>, vector<16xf32>,
        %mul3A_243 = arith.mulf %get3A_242, %gather3A : vector<16xf32>
        %swap3A_244 = arith.index_cast %add3A_224 : i32 to index
        %swap3A_245 = arith.constant 32 : index
        %swap3A_246 = tpu.vector_load %arg11[%swap3A_244, %swap3A_245] {strides = array<i32>} : memref<64x128xf32, #tpu.memory_space<vmem>>, vector<16xf32>,
        tpu.vector_store %arg11[%swap3A_244, %swap3A_245], %mul3A_243 {strides = array<i32>} : memref<64x128xf32, #tpu.memory_space<vmem>>, vector<16xf32>,
        %get3A_247 = arith.index_cast %add3A_224 : i32 to index
        %get3A_248 = arith.constant 48 : index
        %get3A_249 = tpu.vector_load %arg11[%get3A_247, %get3A_248] {strides = array<i32>} : memref<64x128xf32, #tpu.memory_space<vmem>>, vector<16xf32>,
        %mul3A_250 = arith.mulf %get3A_249, %gather3A : vector<16xf32>
        %swap3A_251 = arith.index_cast %add3A_224 : i32 to index
        %swap3A_252 = arith.constant 48 : index
        %swap3A_253 = tpu.vector_load %arg11[%swap3A_251, %swap3A_252] {strides = array<i32>} : memref<64x128xf32, #tpu.memory_space<vmem>>, vector<16xf32>,
        tpu.vector_store %arg11[%swap3A_251, %swap3A_252], %mul3A_250 {strides = array<i32>} : memref<64x128xf32, #tpu.memory_space<vmem>>, vector<16xf32>,
        %get3A_254 = arith.index_cast %add3A_224 : i32 to index
        %get3A_255 = arith.constant 64 : index
        %get3A_256 = tpu.vector_load %arg11[%get3A_254, %get3A_255] {strides = array<i32>} : memref<64x128xf32, #tpu.memory_space<vmem>>, vector<16xf32>,
        %mul3A_257 = arith.mulf %get3A_256, %gather3A : vector<16xf32>
        %swap3A_258 = arith.index_cast %add3A_224 : i32 to index
        %swap3A_259 = arith.constant 64 : index
        %swap3A_260 = tpu.vector_load %arg11[%swap3A_258, %swap3A_259] {strides = array<i32>} : memref<64x128xf32, #tpu.memory_space<vmem>>, vector<16xf32>,
        tpu.vector_store %arg11[%swap3A_258, %swap3A_259], %mul3A_257 {strides = array<i32>} : memref<64x128xf32, #tpu.memory_space<vmem>>, vector<16xf32>,
        %get3A_261 = arith.index_cast %add3A_224 : i32 to index
        %get3A_262 = arith.constant 80 : index
        %get3A_263 = tpu.vector_load %arg11[%get3A_261, %get3A_262] {strides = array<i32>} : memref<64x128xf32, #tpu.memory_space<vmem>>, vector<16xf32>,
        %mul3A_264 = arith.mulf %get3A_263, %gather3A : vector<16xf32>
        %swap3A_265 = arith.index_cast %add3A_224 : i32 to index
        %swap3A_266 = arith.constant 80 : index
        %swap3A_267 = tpu.vector_load %arg11[%swap3A_265, %swap3A_266] {strides = array<i32>} : memref<64x128xf32, #tpu.memory_space<vmem>>, vector<16xf32>,
        tpu.vector_store %arg11[%swap3A_265, %swap3A_266], %mul3A_264 {strides = array<i32>} : memref<64x128xf32, #tpu.memory_space<vmem>>, vector<16xf32>,
        %get3A_268 = arith.index_cast %add3A_224 : i32 to index
        %get3A_269 = arith.constant 96 : index
        %get3A_270 = tpu.vector_load %arg11[%get3A_268, %get3A_269] {strides = array<i32>} : memref<64x128xf32, #tpu.memory_space<vmem>>, vector<16xf32>,
        %mul3A_271 = arith.mulf %get3A_270, %gather3A : vector<16xf32>
        %swap3A_272 = arith.index_cast %add3A_224 : i32 to index
        %swap3A_273 = arith.constant 96 : index
        %swap3A_274 = tpu.vector_load %arg11[%swap3A_272, %swap3A_273] {strides = array<i32>} : memref<64x128xf32, #tpu.memory_space<vmem>>, vector<16xf32>,
        tpu.vector_store %arg11[%swap3A_272, %swap3A_273], %mul3A_271 {strides = array<i32>} : memref<64x128xf32, #tpu.memory_space<vmem>>, vector<16xf32>,
        %get3A_275 = arith.index_cast %add3A_224 : i32 to index
        %get3A_276 = arith.constant 112 : index
        %get3A_277 = tpu.vector_load %arg11[%get3A_275, %get3A_276] {strides = array<i32>} : memref<64x128xf32, #tpu.memory_space<vmem>>, vector<16xf32>,
        %mul3A_278 = arith.mulf %get3A_277, %gather3A : vector<16xf32>
        %swap3A_279 = arith.index_cast %add3A_224 : i32 to index
        %swap3A_280 = arith.constant 112 : index
        %swap3A_281 = tpu.vector_load %arg11[%swap3A_279, %swap3A_280] {strides = array<i32>} : memref<64x128xf32, #tpu.memory_space<vmem>>, vector<16xf32>,
        tpu.vector_store %arg11[%swap3A_279, %swap3A_280], %mul3A_278 {strides = array<i32>} : memref<64x128xf32, #tpu.memory_space<vmem>>, vector<16xf32>,
      }
      %scan3A_213 = arith.constant 64 : i32
      %dma_start3A_214 = arith.constant 0 : i32
      %dma_start3A_215 = tpu.memref_slice %arg8[%add3A_165, %dma_start3A_214] : memref<160x64xi32, #tpu.memory_space<vmem>> -> memref<1x64xi32, #tpu.memory_space<vmem>>
      %dma_start3A_216 = tpu.memref_squeeze %dma_start3A_215 : memref<1x64xi32, #tpu.memory_space<vmem>> -> memref<64xi32, #tpu.memory_space<vmem>>
      %dma_start3A_217 = arith.constant 0 : i32
      %dma_start3A_218 = arith.constant 0 : i32
      %dma_start3A_219 = tpu.memref_slice %arg12[%dma_start3A_217, %dma_start3A_218] : memref<10000x128xf32, #tpu.memory_space<vmem_shared>> -> memref<10000x128xf32, #tpu.memory_space<vmem_shared>>
      tpu.enqueue_indirect_dma source(%arg11 : memref<64x128xf32, #tpu.memory_space<vmem>>) target(%dma_start3A_219 : memref<10000x128xf32, #tpu.memory_space<vmem_shared>>) offsets(%dma_start3A_216 : memref<64xi32, #tpu.memory_space<vmem>>) semaphore(%arg16 : memref<!tpu.dma_semaphore, #tpu.memory_space<semaphore_mem>>) {add = true}
    }
    %scan3A_60 = arith.constant 80 : i32
    %dma_wait3A = arith.constant 159 : i32
    %dma_wait3A_61 = arith.constant 0 : i32
    %dma_wait3A_62 = tpu.memref_slice %arg8[%dma_wait3A, %dma_wait3A_61] : memref<160x64xi32, #tpu.memory_space<vmem>> -> memref<1x64xi32, #tpu.memory_space<vmem>>
    %dma_wait3A_63 = tpu.memref_squeeze %dma_wait3A_62 : memref<1x64xi32, #tpu.memory_space<vmem>> -> memref<64xi32, #tpu.memory_space<vmem>>
    %dma_wait3A_64 = arith.constant 0 : i32
    %dma_wait3A_65 = arith.constant 0 : i32
    %dma_wait3A_66 = tpu.memref_slice %arg12[%dma_wait3A_64, %dma_wait3A_65] : memref<10000x128xf32, #tpu.memory_space<vmem_shared>> -> memref<10000x128xf32, #tpu.memory_space<vmem_shared>>
    tpu.wait_indirect_dma semaphore(%arg16 : memref<!tpu.dma_semaphore, #tpu.memory_space<semaphore_mem>>) src(%arg11 : memref<64x128xf32, #tpu.memory_space<vmem>>) dst(%dma_wait3A_66 : memref<10000x128xf32, #tpu.memory_space<vmem_shared>>)
    %barrier3A_67 = arith.constant 0 : index
    tpu.barrier barrier_id(%barrier3A_67)
    %mul3A_68 = arith.constant 625 : i32
    %mul3A_69 = arith.muli %arg1, %mul3A_68 : i32
    %mul3A_70 = arith.constant 10000 : i32
    %mul3A_71 = arith.muli %add3A_1, %mul3A_70 : i32
    %mul3A_72 = arith.constant 625 : i32
    %mul3A_73 = arith.muli %arg1, %mul3A_72 : i32
    %add3A_74 = arith.addi %mul3A_71, %mul3A_73 : i32
    "tpu.region"() ({
      %run_scoped3A = tpu.sem_alloc : memref<!tpu.dma_semaphore, #tpu.memory_space<semaphore_mem>>
      %dma_start3A_157 = arith.constant 0 : i32
      %dma_start3A_158 = tpu.memref_slice %arg6[%add3A_74, %dma_start3A_157] : memref<40000x128xf32, #tpu.memory_space<hbm>> -> memref<625x128xf32, #tpu.memory_space<hbm>>
      %dma_start3A_159 = arith.constant 0 : i32
      %dma_start3A_160 = tpu.memref_slice %arg12[%mul3A_69, %dma_start3A_159] : memref<10000x128xf32, #tpu.memory_space<vmem_shared>> -> memref<625x128xf32, #tpu.memory_space<vmem_shared>>
      tpu.enqueue_dma source(%dma_start3A_160 : memref<625x128xf32, #tpu.memory_space<vmem_shared>>) target(%dma_start3A_158 : memref<625x128xf32, #tpu.memory_space<hbm>>) target_semaphore(%run_scoped3A : memref<!tpu.dma_semaphore, #tpu.memory_space<semaphore_mem>>)
      %dma_wait3A_161 = arith.constant 0 : i32
      %dma_wait3A_162 = tpu.memref_slice %arg6[%add3A_74, %dma_wait3A_161] : memref<40000x128xf32, #tpu.memory_space<hbm>> -> memref<625x128xf32, #tpu.memory_space<hbm>>
      %dma_wait3A_163 = arith.constant 0 : i32
      %dma_wait3A_164 = tpu.memref_slice %arg12[%mul3A_69, %dma_wait3A_163] : memref<10000x128xf32, #tpu.memory_space<vmem_shared>> -> memref<625x128xf32, #tpu.memory_space<vmem_shared>>
      tpu.wait_dma2 semaphore(%run_scoped3A : memref<!tpu.dma_semaphore, #tpu.memory_space<semaphore_mem>>) src(%dma_wait3A_164 : memref<625x128xf32, #tpu.memory_space<vmem_shared>>) dst(%dma_wait3A_162 : memref<625x128xf32, #tpu.memory_space<hbm>>)
      tpu.yield
    }) : () -> ()
    %mul3A_75 = arith.constant 2 : i32
    %mul3A_76 = arith.muli %arg0, %mul3A_75 : i32
    %add3A_77 = arith.constant 1 : i32
    %add3A_78 = arith.addi %mul3A_76, %add3A_77 : i32
    %scan3A_79 = arith.constant 0 : i32
    %scan3A_80 = arith.constant 64 : i32
    %scan3A_81 = arith.addi %scan3A_79, %scan3A_80 : i32
    %scan3A_82 = arith.constant 1 : i32
    scf.for %scan3A_157 = %scan3A_79 to %scan3A_81 step %scan3A_82  : i32 {
      %mul3A_158 = arith.constant 1 : i32
      %mul3A_159 = arith.muli %scan3A_157, %mul3A_158 : i32
      %add3A_160 = arith.constant 0 : i32
      %add3A_161 = arith.addi %add3A_160, %mul3A_159 : i32
      %broadcast_in_dim3A = arith.constant 0.000000e+00 : f32
      %broadcast_in_dim3A_162 = vector.broadcast %broadcast_in_dim3A : f32 to vector<16xf32>
      %swap3A = arith.index_cast %add3A_161 : i32 to index
      %swap3A_163 = arith.constant 0 : index
      %swap3A_164 = tpu.vector_load %arg10[%swap3A, %swap3A_163] {strides = array<i32>} : memref<64x128xf32, #tpu.memory_space<vmem>>, vector<16xf32>,
      tpu.vector_store %arg10[%swap3A, %swap3A_163], %broadcast_in_dim3A_162 {strides = array<i32>} : memref<64x128xf32, #tpu.memory_space<vmem>>, vector<16xf32>,
      %broadcast_in_dim3A_165 = arith.constant 0.000000e+00 : f32
      %broadcast_in_dim3A_166 = vector.broadcast %broadcast_in_dim3A_165 : f32 to vector<16xf32>
      %swap3A_167 = arith.index_cast %add3A_161 : i32 to index
      %swap3A_168 = arith.constant 16 : index
      %swap3A_169 = tpu.vector_load %arg10[%swap3A_167, %swap3A_168] {strides = array<i32>} : memref<64x128xf32, #tpu.memory_space<vmem>>, vector<16xf32>,
      tpu.vector_store %arg10[%swap3A_167, %swap3A_168], %broadcast_in_dim3A_166 {strides = array<i32>} : memref<64x128xf32, #tpu.memory_space<vmem>>, vector<16xf32>,
      %broadcast_in_dim3A_170 = arith.constant 0.000000e+00 : f32
      %broadcast_in_dim3A_171 = vector.broadcast %broadcast_in_dim3A_170 : f32 to vector<16xf32>
      %swap3A_172 = arith.index_cast %add3A_161 : i32 to index
      %swap3A_173 = arith.constant 32 : index
      %swap3A_174 = tpu.vector_load %arg10[%swap3A_172, %swap3A_173] {strides = array<i32>} : memref<64x128xf32, #tpu.memory_space<vmem>>, vector<16xf32>,
      tpu.vector_store %arg10[%swap3A_172, %swap3A_173], %broadcast_in_dim3A_171 {strides = array<i32>} : memref<64x128xf32, #tpu.memory_space<vmem>>, vector<16xf32>,
      %broadcast_in_dim3A_175 = arith.constant 0.000000e+00 : f32
      %broadcast_in_dim3A_176 = vector.broadcast %broadcast_in_dim3A_175 : f32 to vector<16xf32>
      %swap3A_177 = arith.index_cast %add3A_161 : i32 to index
      %swap3A_178 = arith.constant 48 : index
      %swap3A_179 = tpu.vector_load %arg10[%swap3A_177, %swap3A_178] {strides = array<i32>} : memref<64x128xf32, #tpu.memory_space<vmem>>, vector<16xf32>,
      tpu.vector_store %arg10[%swap3A_177, %swap3A_178], %broadcast_in_dim3A_176 {strides = array<i32>} : memref<64x128xf32, #tpu.memory_space<vmem>>, vector<16xf32>,
      %broadcast_in_dim3A_180 = arith.constant 0.000000e+00 : f32
      %broadcast_in_dim3A_181 = vector.broadcast %broadcast_in_dim3A_180 : f32 to vector<16xf32>
      %swap3A_182 = arith.index_cast %add3A_161 : i32 to index
      %swap3A_183 = arith.constant 64 : index
      %swap3A_184 = tpu.vector_load %arg10[%swap3A_182, %swap3A_183] {strides = array<i32>} : memref<64x128xf32, #tpu.memory_space<vmem>>, vector<16xf32>,
      tpu.vector_store %arg10[%swap3A_182, %swap3A_183], %broadcast_in_dim3A_181 {strides = array<i32>} : memref<64x128xf32, #tpu.memory_space<vmem>>, vector<16xf32>,
      %broadcast_in_dim3A_185 = arith.constant 0.000000e+00 : f32
      %broadcast_in_dim3A_186 = vector.broadcast %broadcast_in_dim3A_185 : f32 to vector<16xf32>
      %swap3A_187 = arith.index_cast %add3A_161 : i32 to index
      %swap3A_188 = arith.constant 80 : index
      %swap3A_189 = tpu.vector_load %arg10[%swap3A_187, %swap3A_188] {strides = array<i32>} : memref<64x128xf32, #tpu.memory_space<vmem>>, vector<16xf32>,
      tpu.vector_store %arg10[%swap3A_187, %swap3A_188], %broadcast_in_dim3A_186 {strides = array<i32>} : memref<64x128xf32, #tpu.memory_space<vmem>>, vector<16xf32>,
      %broadcast_in_dim3A_190 = arith.constant 0.000000e+00 : f32
      %broadcast_in_dim3A_191 = vector.broadcast %broadcast_in_dim3A_190 : f32 to vector<16xf32>
      %swap3A_192 = arith.index_cast %add3A_161 : i32 to index
      %swap3A_193 = arith.constant 96 : index
      %swap3A_194 = tpu.vector_load %arg10[%swap3A_192, %swap3A_193] {strides = array<i32>} : memref<64x128xf32, #tpu.memory_space<vmem>>, vector<16xf32>,
      tpu.vector_store %arg10[%swap3A_192, %swap3A_193], %broadcast_in_dim3A_191 {strides = array<i32>} : memref<64x128xf32, #tpu.memory_space<vmem>>, vector<16xf32>,
      %broadcast_in_dim3A_195 = arith.constant 0.000000e+00 : f32
      %broadcast_in_dim3A_196 = vector.broadcast %broadcast_in_dim3A_195 : f32 to vector<16xf32>
      %swap3A_197 = arith.index_cast %add3A_161 : i32 to index
      %swap3A_198 = arith.constant 112 : index
      %swap3A_199 = tpu.vector_load %arg10[%swap3A_197, %swap3A_198] {strides = array<i32>} : memref<64x128xf32, #tpu.memory_space<vmem>>, vector<16xf32>,
      tpu.vector_store %arg10[%swap3A_197, %swap3A_198], %broadcast_in_dim3A_196 {strides = array<i32>} : memref<64x128xf32, #tpu.memory_space<vmem>>, vector<16xf32>,
    }
    %scan3A_83 = arith.constant 64 : i32
    %mul3A_84 = arith.constant 625 : i32
    %mul3A_85 = arith.muli %arg1, %mul3A_84 : i32
    %add3A_86 = arith.constant 0 : i32
    %add3A_87 = arith.addi %mul3A_85, %add3A_86 : i32
    "tpu.region"() ({
      %run_scoped3A = tpu.sem_alloc : memref<!tpu.dma_semaphore, #tpu.memory_space<semaphore_mem>>
      %dma_start3A_157 = arith.constant 0 : i32
      %dma_start3A_158 = tpu.memref_slice %arg12[%add3A_87, %dma_start3A_157] : memref<10000x128xf32, #tpu.memory_space<vmem_shared>> -> memref<64x128xf32, #tpu.memory_space<vmem_shared>>
      %dma_start3A_159 = arith.constant 0 : i32
      %dma_start3A_160 = tpu.memref_slice %arg12[%add3A_87, %dma_start3A_159] : memref<10000x128xf32, #tpu.memory_space<vmem_shared>> -> memref<64x128xf32, #tpu.memory_space<vmem_shared>>
      tpu.enqueue_dma source(%arg10 : memref<64x128xf32, #tpu.memory_space<vmem>>) target(%dma_start3A_160 : memref<64x128xf32, #tpu.memory_space<vmem_shared>>) target_semaphore(%run_scoped3A : memref<!tpu.dma_semaphore, #tpu.memory_space<semaphore_mem>>)
      %dma_wait3A_161 = arith.constant 0 : i32
      %dma_wait3A_162 = tpu.memref_slice %arg12[%add3A_87, %dma_wait3A_161] : memref<10000x128xf32, #tpu.memory_space<vmem_shared>> -> memref<64x128xf32, #tpu.memory_space<vmem_shared>>
      %dma_wait3A_163 = arith.constant 0 : i32
      %dma_wait3A_164 = tpu.memref_slice %arg12[%add3A_87, %dma_wait3A_163] : memref<10000x128xf32, #tpu.memory_space<vmem_shared>> -> memref<64x128xf32, #tpu.memory_space<vmem_shared>>
      tpu.wait_dma2 semaphore(%run_scoped3A : memref<!tpu.dma_semaphore, #tpu.memory_space<semaphore_mem>>) src(%arg10 : memref<64x128xf32, #tpu.memory_space<vmem>>) dst(%dma_wait3A_164 : memref<64x128xf32, #tpu.memory_space<vmem_shared>>)
      tpu.yield
    }) : () -> ()
    %mul3A_88 = arith.constant 625 : i32
    %mul3A_89 = arith.muli %arg1, %mul3A_88 : i32
    %add3A_90 = arith.constant 64 : i32
    %add3A_91 = arith.addi %mul3A_89, %add3A_90 : i32
    "tpu.region"() ({
      %run_scoped3A = tpu.sem_alloc : memref<!tpu.dma_semaphore, #tpu.memory_space<semaphore_mem>>
      %dma_start3A_157 = arith.constant 0 : i32
      %dma_start3A_158 = tpu.memref_slice %arg12[%add3A_91, %dma_start3A_157] : memref<10000x128xf32, #tpu.memory_space<vmem_shared>> -> memref<64x128xf32, #tpu.memory_space<vmem_shared>>
      %dma_start3A_159 = arith.constant 0 : i32
      %dma_start3A_160 = tpu.memref_slice %arg12[%add3A_91, %dma_start3A_159] : memref<10000x128xf32, #tpu.memory_space<vmem_shared>> -> memref<64x128xf32, #tpu.memory_space<vmem_shared>>
      tpu.enqueue_dma source(%arg10 : memref<64x128xf32, #tpu.memory_space<vmem>>) target(%dma_start3A_160 : memref<64x128xf32, #tpu.memory_space<vmem_shared>>) target_semaphore(%run_scoped3A : memref<!tpu.dma_semaphore, #tpu.memory_space<semaphore_mem>>)
      %dma_wait3A_161 = arith.constant 0 : i32
      %dma_wait3A_162 = tpu.memref_slice %arg12[%add3A_91, %dma_wait3A_161] : memref<10000x128xf32, #tpu.memory_space<vmem_shared>> -> memref<64x128xf32, #tpu.memory_space<vmem_shared>>
      %dma_wait3A_163 = arith.constant 0 : i32
      %dma_wait3A_164 = tpu.memref_slice %arg12[%add3A_91, %dma_wait3A_163] : memref<10000x128xf32, #tpu.memory_space<vmem_shared>> -> memref<64x128xf32, #tpu.memory_space<vmem_shared>>
      tpu.wait_dma2 semaphore(%run_scoped3A : memref<!tpu.dma_semaphore, #tpu.memory_space<semaphore_mem>>) src(%arg10 : memref<64x128xf32, #tpu.memory_space<vmem>>) dst(%dma_wait3A_164 : memref<64x128xf32, #tpu.memory_space<vmem_shared>>)
      tpu.yield
    }) : () -> ()
    %mul3A_92 = arith.constant 625 : i32
    %mul3A_93 = arith.muli %arg1, %mul3A_92 : i32
    %add3A_94 = arith.constant 128 : i32
    %add3A_95 = arith.addi %mul3A_93, %add3A_94 : i32
    "tpu.region"() ({
      %run_scoped3A = tpu.sem_alloc : memref<!tpu.dma_semaphore, #tpu.memory_space<semaphore_mem>>
      %dma_start3A_157 = arith.constant 0 : i32
      %dma_start3A_158 = tpu.memref_slice %arg12[%add3A_95, %dma_start3A_157] : memref<10000x128xf32, #tpu.memory_space<vmem_shared>> -> memref<64x128xf32, #tpu.memory_space<vmem_shared>>
      %dma_start3A_159 = arith.constant 0 : i32
      %dma_start3A_160 = tpu.memref_slice %arg12[%add3A_95, %dma_start3A_159] : memref<10000x128xf32, #tpu.memory_space<vmem_shared>> -> memref<64x128xf32, #tpu.memory_space<vmem_shared>>
      tpu.enqueue_dma source(%arg10 : memref<64x128xf32, #tpu.memory_space<vmem>>) target(%dma_start3A_160 : memref<64x128xf32, #tpu.memory_space<vmem_shared>>) target_semaphore(%run_scoped3A : memref<!tpu.dma_semaphore, #tpu.memory_space<semaphore_mem>>)
      %dma_wait3A_161 = arith.constant 0 : i32
      %dma_wait3A_162 = tpu.memref_slice %arg12[%add3A_95, %dma_wait3A_161] : memref<10000x128xf32, #tpu.memory_space<vmem_shared>> -> memref<64x128xf32, #tpu.memory_space<vmem_shared>>
      %dma_wait3A_163 = arith.constant 0 : i32
      %dma_wait3A_164 = tpu.memref_slice %arg12[%add3A_95, %dma_wait3A_163] : memref<10000x128xf32, #tpu.memory_space<vmem_shared>> -> memref<64x128xf32, #tpu.memory_space<vmem_shared>>
      tpu.wait_dma2 semaphore(%run_scoped3A : memref<!tpu.dma_semaphore, #tpu.memory_space<semaphore_mem>>) src(%arg10 : memref<64x128xf32, #tpu.memory_space<vmem>>) dst(%dma_wait3A_164 : memref<64x128xf32, #tpu.memory_space<vmem_shared>>)
      tpu.yield
    }) : () -> ()
    %mul3A_96 = arith.constant 625 : i32
    %mul3A_97 = arith.muli %arg1, %mul3A_96 : i32
    %add3A_98 = arith.constant 192 : i32
    %add3A_99 = arith.addi %mul3A_97, %add3A_98 : i32
    "tpu.region"() ({
      %run_scoped3A = tpu.sem_alloc : memref<!tpu.dma_semaphore, #tpu.memory_space<semaphore_mem>>
      %dma_start3A_157 = arith.constant 0 : i32
      %dma_start3A_158 = tpu.memref_slice %arg12[%add3A_99, %dma_start3A_157] : memref<10000x128xf32, #tpu.memory_space<vmem_shared>> -> memref<64x128xf32, #tpu.memory_space<vmem_shared>>
      %dma_start3A_159 = arith.constant 0 : i32
      %dma_start3A_160 = tpu.memref_slice %arg12[%add3A_99, %dma_start3A_159] : memref<10000x128xf32, #tpu.memory_space<vmem_shared>> -> memref<64x128xf32, #tpu.memory_space<vmem_shared>>
      tpu.enqueue_dma source(%arg10 : memref<64x128xf32, #tpu.memory_space<vmem>>) target(%dma_start3A_160 : memref<64x128xf32, #tpu.memory_space<vmem_shared>>) target_semaphore(%run_scoped3A : memref<!tpu.dma_semaphore, #tpu.memory_space<semaphore_mem>>)
      %dma_wait3A_161 = arith.constant 0 : i32
      %dma_wait3A_162 = tpu.memref_slice %arg12[%add3A_99, %dma_wait3A_161] : memref<10000x128xf32, #tpu.memory_space<vmem_shared>> -> memref<64x128xf32, #tpu.memory_space<vmem_shared>>
      %dma_wait3A_163 = arith.constant 0 : i32
      %dma_wait3A_164 = tpu.memref_slice %arg12[%add3A_99, %dma_wait3A_163] : memref<10000x128xf32, #tpu.memory_space<vmem_shared>> -> memref<64x128xf32, #tpu.memory_space<vmem_shared>>
      tpu.wait_dma2 semaphore(%run_scoped3A : memref<!tpu.dma_semaphore, #tpu.memory_space<semaphore_mem>>) src(%arg10 : memref<64x128xf32, #tpu.memory_space<vmem>>) dst(%dma_wait3A_164 : memref<64x128xf32, #tpu.memory_space<vmem_shared>>)
      tpu.yield
    }) : () -> ()
    %mul3A_100 = arith.constant 625 : i32
    %mul3A_101 = arith.muli %arg1, %mul3A_100 : i32
    %add3A_102 = arith.constant 256 : i32
    %add3A_103 = arith.addi %mul3A_101, %add3A_102 : i32
    "tpu.region"() ({
      %run_scoped3A = tpu.sem_alloc : memref<!tpu.dma_semaphore, #tpu.memory_space<semaphore_mem>>
      %dma_start3A_157 = arith.constant 0 : i32
      %dma_start3A_158 = tpu.memref_slice %arg12[%add3A_103, %dma_start3A_157] : memref<10000x128xf32, #tpu.memory_space<vmem_shared>> -> memref<64x128xf32, #tpu.memory_space<vmem_shared>>
      %dma_start3A_159 = arith.constant 0 : i32
      %dma_start3A_160 = tpu.memref_slice %arg12[%add3A_103, %dma_start3A_159] : memref<10000x128xf32, #tpu.memory_space<vmem_shared>> -> memref<64x128xf32, #tpu.memory_space<vmem_shared>>
      tpu.enqueue_dma source(%arg10 : memref<64x128xf32, #tpu.memory_space<vmem>>) target(%dma_start3A_160 : memref<64x128xf32, #tpu.memory_space<vmem_shared>>) target_semaphore(%run_scoped3A : memref<!tpu.dma_semaphore, #tpu.memory_space<semaphore_mem>>)
      %dma_wait3A_161 = arith.constant 0 : i32
      %dma_wait3A_162 = tpu.memref_slice %arg12[%add3A_103, %dma_wait3A_161] : memref<10000x128xf32, #tpu.memory_space<vmem_shared>> -> memref<64x128xf32, #tpu.memory_space<vmem_shared>>
      %dma_wait3A_163 = arith.constant 0 : i32
      %dma_wait3A_164 = tpu.memref_slice %arg12[%add3A_103, %dma_wait3A_163] : memref<10000x128xf32, #tpu.memory_space<vmem_shared>> -> memref<64x128xf32, #tpu.memory_space<vmem_shared>>
      tpu.wait_dma2 semaphore(%run_scoped3A : memref<!tpu.dma_semaphore, #tpu.memory_space<semaphore_mem>>) src(%arg10 : memref<64x128xf32, #tpu.memory_space<vmem>>) dst(%dma_wait3A_164 : memref<64x128xf32, #tpu.memory_space<vmem_shared>>)
      tpu.yield
    }) : () -> ()
    %mul3A_104 = arith.constant 625 : i32
    %mul3A_105 = arith.muli %arg1, %mul3A_104 : i32
    %add3A_106 = arith.constant 320 : i32
    %add3A_107 = arith.addi %mul3A_105, %add3A_106 : i32
    "tpu.region"() ({
      %run_scoped3A = tpu.sem_alloc : memref<!tpu.dma_semaphore, #tpu.memory_space<semaphore_mem>>
      %dma_start3A_157 = arith.constant 0 : i32
      %dma_start3A_158 = tpu.memref_slice %arg12[%add3A_107, %dma_start3A_157] : memref<10000x128xf32, #tpu.memory_space<vmem_shared>> -> memref<64x128xf32, #tpu.memory_space<vmem_shared>>
      %dma_start3A_159 = arith.constant 0 : i32
      %dma_start3A_160 = tpu.memref_slice %arg12[%add3A_107, %dma_start3A_159] : memref<10000x128xf32, #tpu.memory_space<vmem_shared>> -> memref<64x128xf32, #tpu.memory_space<vmem_shared>>
      tpu.enqueue_dma source(%arg10 : memref<64x128xf32, #tpu.memory_space<vmem>>) target(%dma_start3A_160 : memref<64x128xf32, #tpu.memory_space<vmem_shared>>) target_semaphore(%run_scoped3A : memref<!tpu.dma_semaphore, #tpu.memory_space<semaphore_mem>>)
      %dma_wait3A_161 = arith.constant 0 : i32
      %dma_wait3A_162 = tpu.memref_slice %arg12[%add3A_107, %dma_wait3A_161] : memref<10000x128xf32, #tpu.memory_space<vmem_shared>> -> memref<64x128xf32, #tpu.memory_space<vmem_shared>>
      %dma_wait3A_163 = arith.constant 0 : i32
      %dma_wait3A_164 = tpu.memref_slice %arg12[%add3A_107, %dma_wait3A_163] : memref<10000x128xf32, #tpu.memory_space<vmem_shared>> -> memref<64x128xf32, #tpu.memory_space<vmem_shared>>
      tpu.wait_dma2 semaphore(%run_scoped3A : memref<!tpu.dma_semaphore, #tpu.memory_space<semaphore_mem>>) src(%arg10 : memref<64x128xf32, #tpu.memory_space<vmem>>) dst(%dma_wait3A_164 : memref<64x128xf32, #tpu.memory_space<vmem_shared>>)
      tpu.yield
    }) : () -> ()
    %mul3A_108 = arith.constant 625 : i32
    %mul3A_109 = arith.muli %arg1, %mul3A_108 : i32
    %add3A_110 = arith.constant 384 : i32
    %add3A_111 = arith.addi %mul3A_109, %add3A_110 : i32
    "tpu.region"() ({
      %run_scoped3A = tpu.sem_alloc : memref<!tpu.dma_semaphore, #tpu.memory_space<semaphore_mem>>
      %dma_start3A_157 = arith.constant 0 : i32
      %dma_start3A_158 = tpu.memref_slice %arg12[%add3A_111, %dma_start3A_157] : memref<10000x128xf32, #tpu.memory_space<vmem_shared>> -> memref<64x128xf32, #tpu.memory_space<vmem_shared>>
      %dma_start3A_159 = arith.constant 0 : i32
      %dma_start3A_160 = tpu.memref_slice %arg12[%add3A_111, %dma_start3A_159] : memref<10000x128xf32, #tpu.memory_space<vmem_shared>> -> memref<64x128xf32, #tpu.memory_space<vmem_shared>>
      tpu.enqueue_dma source(%arg10 : memref<64x128xf32, #tpu.memory_space<vmem>>) target(%dma_start3A_160 : memref<64x128xf32, #tpu.memory_space<vmem_shared>>) target_semaphore(%run_scoped3A : memref<!tpu.dma_semaphore, #tpu.memory_space<semaphore_mem>>)
      %dma_wait3A_161 = arith.constant 0 : i32
      %dma_wait3A_162 = tpu.memref_slice %arg12[%add3A_111, %dma_wait3A_161] : memref<10000x128xf32, #tpu.memory_space<vmem_shared>> -> memref<64x128xf32, #tpu.memory_space<vmem_shared>>
      %dma_wait3A_163 = arith.constant 0 : i32
      %dma_wait3A_164 = tpu.memref_slice %arg12[%add3A_111, %dma_wait3A_163] : memref<10000x128xf32, #tpu.memory_space<vmem_shared>> -> memref<64x128xf32, #tpu.memory_space<vmem_shared>>
      tpu.wait_dma2 semaphore(%run_scoped3A : memref<!tpu.dma_semaphore, #tpu.memory_space<semaphore_mem>>) src(%arg10 : memref<64x128xf32, #tpu.memory_space<vmem>>) dst(%dma_wait3A_164 : memref<64x128xf32, #tpu.memory_space<vmem_shared>>)
      tpu.yield
    }) : () -> ()
    %mul3A_112 = arith.constant 625 : i32
    %mul3A_113 = arith.muli %arg1, %mul3A_112 : i32
    %add3A_114 = arith.constant 448 : i32
    %add3A_115 = arith.addi %mul3A_113, %add3A_114 : i32
    "tpu.region"() ({
      %run_scoped3A = tpu.sem_alloc : memref<!tpu.dma_semaphore, #tpu.memory_space<semaphore_mem>>
      %dma_start3A_157 = arith.constant 0 : i32
      %dma_start3A_158 = tpu.memref_slice %arg12[%add3A_115, %dma_start3A_157] : memref<10000x128xf32, #tpu.memory_space<vmem_shared>> -> memref<64x128xf32, #tpu.memory_space<vmem_shared>>
      %dma_start3A_159 = arith.constant 0 : i32
      %dma_start3A_160 = tpu.memref_slice %arg12[%add3A_115, %dma_start3A_159] : memref<10000x128xf32, #tpu.memory_space<vmem_shared>> -> memref<64x128xf32, #tpu.memory_space<vmem_shared>>
      tpu.enqueue_dma source(%arg10 : memref<64x128xf32, #tpu.memory_space<vmem>>) target(%dma_start3A_160 : memref<64x128xf32, #tpu.memory_space<vmem_shared>>) target_semaphore(%run_scoped3A : memref<!tpu.dma_semaphore, #tpu.memory_space<semaphore_mem>>)
      %dma_wait3A_161 = arith.constant 0 : i32
      %dma_wait3A_162 = tpu.memref_slice %arg12[%add3A_115, %dma_wait3A_161] : memref<10000x128xf32, #tpu.memory_space<vmem_shared>> -> memref<64x128xf32, #tpu.memory_space<vmem_shared>>
      %dma_wait3A_163 = arith.constant 0 : i32
      %dma_wait3A_164 = tpu.memref_slice %arg12[%add3A_115, %dma_wait3A_163] : memref<10000x128xf32, #tpu.memory_space<vmem_shared>> -> memref<64x128xf32, #tpu.memory_space<vmem_shared>>
      tpu.wait_dma2 semaphore(%run_scoped3A : memref<!tpu.dma_semaphore, #tpu.memory_space<semaphore_mem>>) src(%arg10 : memref<64x128xf32, #tpu.memory_space<vmem>>) dst(%dma_wait3A_164 : memref<64x128xf32, #tpu.memory_space<vmem_shared>>)
      tpu.yield
    }) : () -> ()
    %mul3A_116 = arith.constant 625 : i32
    %mul3A_117 = arith.muli %arg1, %mul3A_116 : i32
    %add3A_118 = arith.constant 512 : i32
    %add3A_119 = arith.addi %mul3A_117, %add3A_118 : i32
    "tpu.region"() ({
      %run_scoped3A = tpu.sem_alloc : memref<!tpu.dma_semaphore, #tpu.memory_space<semaphore_mem>>
      %dma_start3A_157 = arith.constant 0 : i32
      %dma_start3A_158 = tpu.memref_slice %arg12[%add3A_119, %dma_start3A_157] : memref<10000x128xf32, #tpu.memory_space<vmem_shared>> -> memref<64x128xf32, #tpu.memory_space<vmem_shared>>
      %dma_start3A_159 = arith.constant 0 : i32
      %dma_start3A_160 = tpu.memref_slice %arg12[%add3A_119, %dma_start3A_159] : memref<10000x128xf32, #tpu.memory_space<vmem_shared>> -> memref<64x128xf32, #tpu.memory_space<vmem_shared>>
      tpu.enqueue_dma source(%arg10 : memref<64x128xf32, #tpu.memory_space<vmem>>) target(%dma_start3A_160 : memref<64x128xf32, #tpu.memory_space<vmem_shared>>) target_semaphore(%run_scoped3A : memref<!tpu.dma_semaphore, #tpu.memory_space<semaphore_mem>>)
      %dma_wait3A_161 = arith.constant 0 : i32
      %dma_wait3A_162 = tpu.memref_slice %arg12[%add3A_119, %dma_wait3A_161] : memref<10000x128xf32, #tpu.memory_space<vmem_shared>> -> memref<64x128xf32, #tpu.memory_space<vmem_shared>>
      %dma_wait3A_163 = arith.constant 0 : i32
      %dma_wait3A_164 = tpu.memref_slice %arg12[%add3A_119, %dma_wait3A_163] : memref<10000x128xf32, #tpu.memory_space<vmem_shared>> -> memref<64x128xf32, #tpu.memory_space<vmem_shared>>
      tpu.wait_dma2 semaphore(%run_scoped3A : memref<!tpu.dma_semaphore, #tpu.memory_space<semaphore_mem>>) src(%arg10 : memref<64x128xf32, #tpu.memory_space<vmem>>) dst(%dma_wait3A_164 : memref<64x128xf32, #tpu.memory_space<vmem_shared>>)
      tpu.yield
    }) : () -> ()
    %mul3A_120 = arith.constant 625 : i32
    %mul3A_121 = arith.muli %arg1, %mul3A_120 : i32
    %add3A_122 = arith.constant 625 : i32
    %add3A_123 = arith.addi %mul3A_121, %add3A_122 : i32
    %sub3A_124 = arith.constant 49 : i32
    %sub3A_125 = arith.subi %add3A_123, %sub3A_124 : i32
    "tpu.region"() ({
      %run_scoped3A = tpu.sem_alloc : memref<!tpu.dma_semaphore, #tpu.memory_space<semaphore_mem>>
      %dma_start3A_157 = arith.constant 0 : i32
      %dma_start3A_158 = arith.constant 0 : i32
      %dma_start3A_159 = tpu.memref_slice %arg10[%dma_start3A_157, %dma_start3A_158] : memref<64x128xf32, #tpu.memory_space<vmem>> -> memref<49x128xf32, #tpu.memory_space<vmem>>
      %dma_start3A_160 = arith.constant 0 : i32
      %dma_start3A_161 = tpu.memref_slice %arg12[%sub3A_125, %dma_start3A_160] : memref<10000x128xf32, #tpu.memory_space<vmem_shared>> -> memref<49x128xf32, #tpu.memory_space<vmem_shared>>
      %dma_start3A_162 = arith.constant 0 : i32
      %dma_start3A_163 = tpu.memref_slice %arg12[%sub3A_125, %dma_start3A_162] : memref<10000x128xf32, #tpu.memory_space<vmem_shared>> -> memref<49x128xf32, #tpu.memory_space<vmem_shared>>
      %dma_start3A_164 = arith.constant 0 : i32
      %dma_start3A_165 = arith.constant 0 : i32
      %dma_start3A_166 = tpu.memref_slice %arg10[%dma_start3A_164, %dma_start3A_165] : memref<64x128xf32, #tpu.memory_space<vmem>> -> memref<49x128xf32, #tpu.memory_space<vmem>>
      tpu.enqueue_dma source(%dma_start3A_166 : memref<49x128xf32, #tpu.memory_space<vmem>>) target(%dma_start3A_163 : memref<49x128xf32, #tpu.memory_space<vmem_shared>>) target_semaphore(%run_scoped3A : memref<!tpu.dma_semaphore, #tpu.memory_space<semaphore_mem>>)
      %dma_wait3A_167 = arith.constant 0 : i32
      %dma_wait3A_168 = arith.constant 0 : i32
      %dma_wait3A_169 = tpu.memref_slice %arg10[%dma_wait3A_167, %dma_wait3A_168] : memref<64x128xf32, #tpu.memory_space<vmem>> -> memref<49x128xf32, #tpu.memory_space<vmem>>
      %dma_wait3A_170 = arith.constant 0 : i32
      %dma_wait3A_171 = tpu.memref_slice %arg12[%sub3A_125, %dma_wait3A_170] : memref<10000x128xf32, #tpu.memory_space<vmem_shared>> -> memref<49x128xf32, #tpu.memory_space<vmem_shared>>
      %dma_wait3A_172 = arith.constant 0 : i32
      %dma_wait3A_173 = tpu.memref_slice %arg12[%sub3A_125, %dma_wait3A_172] : memref<10000x128xf32, #tpu.memory_space<vmem_shared>> -> memref<49x128xf32, #tpu.memory_space<vmem_shared>>
      %dma_wait3A_174 = arith.constant 0 : i32
      %dma_wait3A_175 = arith.constant 0 : i32
      %dma_wait3A_176 = tpu.memref_slice %arg10[%dma_wait3A_174, %dma_wait3A_175] : memref<64x128xf32, #tpu.memory_space<vmem>> -> memref<49x128xf32, #tpu.memory_space<vmem>>
      tpu.wait_dma2 semaphore(%run_scoped3A : memref<!tpu.dma_semaphore, #tpu.memory_space<semaphore_mem>>) src(%dma_wait3A_176 : memref<49x128xf32, #tpu.memory_space<vmem>>) dst(%dma_wait3A_173 : memref<49x128xf32, #tpu.memory_space<vmem_shared>>)
      tpu.yield
    }) : () -> ()
    "tpu.region"() ({
      %run_scoped3A = tpu.sem_alloc : memref<!tpu.dma_semaphore, #tpu.memory_space<semaphore_mem>>
      %dma_start3A_157 = arith.constant 0 : i32
      %dma_start3A_158 = tpu.memref_slice %arg3[%arg1, %dma_start3A_157] : memref<16x10240xi32, #tpu.memory_space<hbm>> -> memref<1x10240xi32, #tpu.memory_space<hbm>>
      %dma_start3A_159 = tpu.memref_squeeze %dma_start3A_158 : memref<1x10240xi32, #tpu.memory_space<hbm>> -> memref<10240xi32, #tpu.memory_space<hbm>>
      %dma_start3A_160 = arith.constant 0 : i32
      %dma_start3A_161 = tpu.memref_slice %arg3[%arg1, %dma_start3A_160] : memref<16x10240xi32, #tpu.memory_space<hbm>> -> memref<1x10240xi32, #tpu.memory_space<hbm>>
      %dma_start3A_162 = tpu.memref_squeeze %dma_start3A_161 : memref<1x10240xi32, #tpu.memory_space<hbm>> -> memref<10240xi32, #tpu.memory_space<hbm>>
      tpu.enqueue_dma source(%dma_start3A_162 : memref<10240xi32, #tpu.memory_space<hbm>>) target(%arg7 : memref<10240xi32, #tpu.memory_space<vmem>>) target_semaphore(%run_scoped3A : memref<!tpu.dma_semaphore, #tpu.memory_space<semaphore_mem>>)
      %dma_wait3A_163 = arith.constant 0 : i32
      %dma_wait3A_164 = tpu.memref_slice %arg3[%arg1, %dma_wait3A_163] : memref<16x10240xi32, #tpu.memory_space<hbm>> -> memref<1x10240xi32, #tpu.memory_space<hbm>>
      %dma_wait3A_165 = tpu.memref_squeeze %dma_wait3A_164 : memref<1x10240xi32, #tpu.memory_space<hbm>> -> memref<10240xi32, #tpu.memory_space<hbm>>
      %dma_wait3A_166 = arith.constant 0 : i32
      %dma_wait3A_167 = tpu.memref_slice %arg3[%arg1, %dma_wait3A_166] : memref<16x10240xi32, #tpu.memory_space<hbm>> -> memref<1x10240xi32, #tpu.memory_space<hbm>>
      %dma_wait3A_168 = tpu.memref_squeeze %dma_wait3A_167 : memref<1x10240xi32, #tpu.memory_space<hbm>> -> memref<10240xi32, #tpu.memory_space<hbm>>
      tpu.wait_dma2 semaphore(%run_scoped3A : memref<!tpu.dma_semaphore, #tpu.memory_space<semaphore_mem>>) src(%dma_wait3A_168 : memref<10240xi32, #tpu.memory_space<hbm>>) dst(%arg7 : memref<10240xi32, #tpu.memory_space<vmem>>)
      tpu.yield
    }) : () -> ()
    %scan3A_126 = arith.constant 0 : i32
    %scan3A_127 = arith.constant 640 : i32
    %scan3A_128 = arith.addi %scan3A_126, %scan3A_127 : i32
    %scan3A_129 = arith.constant 1 : i32
    scf.for %scan3A_157 = %scan3A_126 to %scan3A_128 step %scan3A_129  : i32 {
      %mul3A_158 = arith.constant 1 : i32
      %mul3A_159 = arith.muli %scan3A_157, %mul3A_158 : i32
      %add3A_160 = arith.constant 0 : i32
      %add3A_161 = arith.addi %add3A_160, %mul3A_159 : i32
      %mul3A_162 = arith.constant 16 : i32
      %mul3A_163 = arith.muli %add3A_161, %mul3A_162 : i32
      %get3A = arith.index_cast %mul3A_163 : i32 to index
      %get3A_164 = tpu.vector_load %arg7[%get3A] {strides = array<i32>} : memref<10240xi32, #tpu.memory_space<vmem>>, vector<16xi32>,
      %mul3A_165 = arith.constant 4 : i32
      %mul3A_166 = vector.broadcast %mul3A_165 : i32 to vector<16xi32>
      %mul3A_167 = arith.muli %get3A_164, %mul3A_166 : vector<16xi32>
      %add3A_168 = vector.broadcast %add3A_78 : i32 to vector<16xi32>
      %add3A_169 = arith.addi %mul3A_167, %add3A_168 : vector<16xi32>
      %swap3A = arith.index_cast %mul3A_163 : i32 to index
      %swap3A_170 = tpu.vector_load %arg7[%swap3A] {strides = array<i32>} : memref<10240xi32, #tpu.memory_space<vmem>>, vector<16xi32>,
      tpu.vector_store %arg7[%swap3A], %add3A_169 {strides = array<i32>} : memref<10240xi32, #tpu.memory_space<vmem>>, vector<16xi32>,
    }
    %scan3A_130 = arith.constant 640 : i32
    %dma_start3A_131 = arith.constant 0 : i32
    %dma_start3A_132 = tpu.memref_slice %arg7[%dma_start3A_131] : memref<10240xi32, #tpu.memory_space<vmem>> -> memref<64xi32, #tpu.memory_space<vmem>>
    %dma_start3A_133 = arith.constant 0 : i32
    %dma_start3A_134 = arith.constant 0 : i32
    %dma_start3A_135 = tpu.memref_slice %arg2[%dma_start3A_133, %dma_start3A_134] : memref<40000x128xf32, #tpu.memory_space<hbm>> -> memref<40000x128xf32, #tpu.memory_space<hbm>>
    tpu.enqueue_indirect_dma source(%dma_start3A_135 : memref<40000x128xf32, #tpu.memory_space<hbm>>) target(%arg10 : memref<64x128xf32, #tpu.memory_space<vmem>>) offsets(%dma_start3A_132 : memref<64xi32, #tpu.memory_space<vmem>>) semaphore(%arg13 : memref<!tpu.dma_semaphore, #tpu.memory_space<semaphore_mem>>)
    %barrier3A_136 = arith.constant 0 : index
    tpu.barrier barrier_id(%barrier3A_136)
    %scan3A_137 = arith.constant 0 : i32
    %scan3A_138 = arith.constant 80 : i32
    %scan3A_139 = arith.addi %scan3A_137, %scan3A_138 : i32
    %scan3A_140 = arith.constant 1 : i32
    scf.for %scan3A_157 = %scan3A_137 to %scan3A_139 step %scan3A_140  : i32 {
      %mul3A_158 = arith.constant 1 : i32
      %mul3A_159 = arith.muli %scan3A_157, %mul3A_158 : i32
      %add3A_160 = arith.constant 0 : i32
      %add3A_161 = arith.addi %add3A_160, %mul3A_159 : i32
      %mul3A_162 = arith.constant 2 : i32
      %mul3A_163 = arith.muli %add3A_161, %mul3A_162 : i32
      %add3A_164 = arith.constant 1 : i32
      %add3A_165 = arith.addi %mul3A_163, %add3A_164 : i32
      %gt3A = arith.constant 0 : i32
      %gt3A_166 = arith.cmpi sgt, %add3A_161, %gt3A : i32
      %convert_element_type3A = arith.extui %gt3A_166 : i1 to i32
      %cond3A = arith.constant 0 : i32
      %cond3A_167 = arith.cmpi ne, %convert_element_type3A, %cond3A : i32
      scf.if %cond3A_167 {
        %sub3A_220 = arith.constant 1 : i32
        %sub3A_221 = arith.subi %mul3A_163, %sub3A_220 : i32
        %dma_wait3A_222 = arith.constant 0 : i32
        %dma_wait3A_223 = tpu.memref_slice %arg8[%sub3A_221, %dma_wait3A_222] : memref<160x64xi32, #tpu.memory_space<vmem>> -> memref<1x64xi32, #tpu.memory_space<vmem>>
        %dma_wait3A_224 = tpu.memref_squeeze %dma_wait3A_223 : memref<1x64xi32, #tpu.memory_space<vmem>> -> memref<64xi32, #tpu.memory_space<vmem>>
        %dma_wait3A_225 = arith.constant 0 : i32
        %dma_wait3A_226 = arith.constant 0 : i32
        %dma_wait3A_227 = tpu.memref_slice %arg12[%dma_wait3A_225, %dma_wait3A_226] : memref<10000x128xf32, #tpu.memory_space<vmem_shared>> -> memref<10000x128xf32, #tpu.memory_space<vmem_shared>>
        tpu.wait_indirect_dma semaphore(%arg16 : memref<!tpu.dma_semaphore, #tpu.memory_space<semaphore_mem>>) src(%arg11 : memref<64x128xf32, #tpu.memory_space<vmem>>) dst(%dma_wait3A_227 : memref<10000x128xf32, #tpu.memory_space<vmem_shared>>)
      } else {
      }
      %mul3A_168 = arith.constant 64 : i32
      %mul3A_169 = arith.muli %add3A_165, %mul3A_168 : i32
      %dma_start3A_170 = tpu.memref_slice %arg7[%mul3A_169] : memref<10240xi32, #tpu.memory_space<vmem>> -> memref<64xi32, #tpu.memory_space<vmem>>
      %dma_start3A_171 = arith.constant 0 : i32
      %dma_start3A_172 = arith.constant 0 : i32
      %dma_start3A_173 = tpu.memref_slice %arg2[%dma_start3A_171, %dma_start3A_172] : memref<40000x128xf32, #tpu.memory_space<hbm>> -> memref<40000x128xf32, #tpu.memory_space<hbm>>
      tpu.enqueue_indirect_dma source(%dma_start3A_173 : memref<40000x128xf32, #tpu.memory_space<hbm>>) target(%arg11 : memref<64x128xf32, #tpu.memory_space<vmem>>) offsets(%dma_start3A_170 : memref<64xi32, #tpu.memory_space<vmem>>) semaphore(%arg14 : memref<!tpu.dma_semaphore, #tpu.memory_space<semaphore_mem>>)
      %mul3A_174 = arith.constant 64 : i32
      %mul3A_175 = arith.muli %mul3A_163, %mul3A_174 : i32
      %dma_wait3A_176 = tpu.memref_slice %arg7[%mul3A_175] : memref<10240xi32, #tpu.memory_space<vmem>> -> memref<64xi32, #tpu.memory_space<vmem>>
      %dma_wait3A_177 = arith.constant 0 : i32
      %dma_wait3A_178 = arith.constant 0 : i32
      %dma_wait3A_179 = tpu.memref_slice %arg2[%dma_wait3A_177, %dma_wait3A_178] : memref<40000x128xf32, #tpu.memory_space<hbm>> -> memref<40000x128xf32, #tpu.memory_space<hbm>>
      tpu.wait_indirect_dma semaphore(%arg13 : memref<!tpu.dma_semaphore, #tpu.memory_space<semaphore_mem>>) src(%dma_wait3A_179 : memref<40000x128xf32, #tpu.memory_space<hbm>>) dst(%arg10 : memref<64x128xf32, #tpu.memory_space<vmem>>)
      %scan3A_180 = arith.constant 0 : i32
      %scan3A_181 = arith.constant 64 : i32
      %scan3A_182 = arith.addi %scan3A_180, %scan3A_181 : i32
      %scan3A_183 = arith.constant 1 : i32
      scf.for %scan3A_220 = %scan3A_180 to %scan3A_182 step %scan3A_183  : i32 {
        %mul3A_221 = arith.constant 1 : i32
        %mul3A_222 = arith.muli %scan3A_220, %mul3A_221 : i32
        %add3A_223 = arith.constant 0 : i32
        %add3A_224 = arith.addi %add3A_223, %mul3A_222 : i32
        %mul3A_225 = arith.constant 64 : i32
        %mul3A_226 = arith.muli %mul3A_163, %mul3A_225 : i32
        %add3A_227 = arith.addi %mul3A_226, %add3A_224 : i32
        %broadcast_in_dim3A = vector.broadcast %add3A_227 : i32 to vector<16xi32>
        %gather3A = tpu.vector_load_idx %arg9[%broadcast_in_dim3A] : memref<10240xf32, #tpu.memory_space<vmem>>[vector<16xi32>], vector<16xf32>,
        %get3A = arith.index_cast %add3A_224 : i32 to index
        %get3A_228 = arith.constant 0 : index
        %get3A_229 = tpu.vector_load %arg10[%get3A, %get3A_228] {strides = array<i32>} : memref<64x128xf32, #tpu.memory_space<vmem>>, vector<16xf32>,
        %mul3A_230 = arith.mulf %get3A_229, %gather3A : vector<16xf32>
        %swap3A = arith.index_cast %add3A_224 : i32 to index
        %swap3A_231 = arith.constant 0 : index
        %swap3A_232 = tpu.vector_load %arg10[%swap3A, %swap3A_231] {strides = array<i32>} : memref<64x128xf32, #tpu.memory_space<vmem>>, vector<16xf32>,
        tpu.vector_store %arg10[%swap3A, %swap3A_231], %mul3A_230 {strides = array<i32>} : memref<64x128xf32, #tpu.memory_space<vmem>>, vector<16xf32>,
        %get3A_233 = arith.index_cast %add3A_224 : i32 to index
        %get3A_234 = arith.constant 16 : index
        %get3A_235 = tpu.vector_load %arg10[%get3A_233, %get3A_234] {strides = array<i32>} : memref<64x128xf32, #tpu.memory_space<vmem>>, vector<16xf32>,
        %mul3A_236 = arith.mulf %get3A_235, %gather3A : vector<16xf32>
        %swap3A_237 = arith.index_cast %add3A_224 : i32 to index
        %swap3A_238 = arith.constant 16 : index
        %swap3A_239 = tpu.vector_load %arg10[%swap3A_237, %swap3A_238] {strides = array<i32>} : memref<64x128xf32, #tpu.memory_space<vmem>>, vector<16xf32>,
        tpu.vector_store %arg10[%swap3A_237, %swap3A_238], %mul3A_236 {strides = array<i32>} : memref<64x128xf32, #tpu.memory_space<vmem>>, vector<16xf32>,
        %get3A_240 = arith.index_cast %add3A_224 : i32 to index
        %get3A_241 = arith.constant 32 : index
        %get3A_242 = tpu.vector_load %arg10[%get3A_240, %get3A_241] {strides = array<i32>} : memref<64x128xf32, #tpu.memory_space<vmem>>, vector<16xf32>,
        %mul3A_243 = arith.mulf %get3A_242, %gather3A : vector<16xf32>
        %swap3A_244 = arith.index_cast %add3A_224 : i32 to index
        %swap3A_245 = arith.constant 32 : index
        %swap3A_246 = tpu.vector_load %arg10[%swap3A_244, %swap3A_245] {strides = array<i32>} : memref<64x128xf32, #tpu.memory_space<vmem>>, vector<16xf32>,
        tpu.vector_store %arg10[%swap3A_244, %swap3A_245], %mul3A_243 {strides = array<i32>} : memref<64x128xf32, #tpu.memory_space<vmem>>, vector<16xf32>,
        %get3A_247 = arith.index_cast %add3A_224 : i32 to index
        %get3A_248 = arith.constant 48 : index
        %get3A_249 = tpu.vector_load %arg10[%get3A_247, %get3A_248] {strides = array<i32>} : memref<64x128xf32, #tpu.memory_space<vmem>>, vector<16xf32>,
        %mul3A_250 = arith.mulf %get3A_249, %gather3A : vector<16xf32>
        %swap3A_251 = arith.index_cast %add3A_224 : i32 to index
        %swap3A_252 = arith.constant 48 : index
        %swap3A_253 = tpu.vector_load %arg10[%swap3A_251, %swap3A_252] {strides = array<i32>} : memref<64x128xf32, #tpu.memory_space<vmem>>, vector<16xf32>,
        tpu.vector_store %arg10[%swap3A_251, %swap3A_252], %mul3A_250 {strides = array<i32>} : memref<64x128xf32, #tpu.memory_space<vmem>>, vector<16xf32>,
        %get3A_254 = arith.index_cast %add3A_224 : i32 to index
        %get3A_255 = arith.constant 64 : index
        %get3A_256 = tpu.vector_load %arg10[%get3A_254, %get3A_255] {strides = array<i32>} : memref<64x128xf32, #tpu.memory_space<vmem>>, vector<16xf32>,
        %mul3A_257 = arith.mulf %get3A_256, %gather3A : vector<16xf32>
        %swap3A_258 = arith.index_cast %add3A_224 : i32 to index
        %swap3A_259 = arith.constant 64 : index
        %swap3A_260 = tpu.vector_load %arg10[%swap3A_258, %swap3A_259] {strides = array<i32>} : memref<64x128xf32, #tpu.memory_space<vmem>>, vector<16xf32>,
        tpu.vector_store %arg10[%swap3A_258, %swap3A_259], %mul3A_257 {strides = array<i32>} : memref<64x128xf32, #tpu.memory_space<vmem>>, vector<16xf32>,
        %get3A_261 = arith.index_cast %add3A_224 : i32 to index
        %get3A_262 = arith.constant 80 : index
        %get3A_263 = tpu.vector_load %arg10[%get3A_261, %get3A_262] {strides = array<i32>} : memref<64x128xf32, #tpu.memory_space<vmem>>, vector<16xf32>,
        %mul3A_264 = arith.mulf %get3A_263, %gather3A : vector<16xf32>
        %swap3A_265 = arith.index_cast %add3A_224 : i32 to index
        %swap3A_266 = arith.constant 80 : index
        %swap3A_267 = tpu.vector_load %arg10[%swap3A_265, %swap3A_266] {strides = array<i32>} : memref<64x128xf32, #tpu.memory_space<vmem>>, vector<16xf32>,
        tpu.vector_store %arg10[%swap3A_265, %swap3A_266], %mul3A_264 {strides = array<i32>} : memref<64x128xf32, #tpu.memory_space<vmem>>, vector<16xf32>,
        %get3A_268 = arith.index_cast %add3A_224 : i32 to index
        %get3A_269 = arith.constant 96 : index
        %get3A_270 = tpu.vector_load %arg10[%get3A_268, %get3A_269] {strides = array<i32>} : memref<64x128xf32, #tpu.memory_space<vmem>>, vector<16xf32>,
        %mul3A_271 = arith.mulf %get3A_270, %gather3A : vector<16xf32>
        %swap3A_272 = arith.index_cast %add3A_224 : i32 to index
        %swap3A_273 = arith.constant 96 : index
        %swap3A_274 = tpu.vector_load %arg10[%swap3A_272, %swap3A_273] {strides = array<i32>} : memref<64x128xf32, #tpu.memory_space<vmem>>, vector<16xf32>,
        tpu.vector_store %arg10[%swap3A_272, %swap3A_273], %mul3A_271 {strides = array<i32>} : memref<64x128xf32, #tpu.memory_space<vmem>>, vector<16xf32>,
        %get3A_275 = arith.index_cast %add3A_224 : i32 to index
        %get3A_276 = arith.constant 112 : index
        %get3A_277 = tpu.vector_load %arg10[%get3A_275, %get3A_276] {strides = array<i32>} : memref<64x128xf32, #tpu.memory_space<vmem>>, vector<16xf32>,
        %mul3A_278 = arith.mulf %get3A_277, %gather3A : vector<16xf32>
        %swap3A_279 = arith.index_cast %add3A_224 : i32 to index
        %swap3A_280 = arith.constant 112 : index
        %swap3A_281 = tpu.vector_load %arg10[%swap3A_279, %swap3A_280] {strides = array<i32>} : memref<64x128xf32, #tpu.memory_space<vmem>>, vector<16xf32>,
        tpu.vector_store %arg10[%swap3A_279, %swap3A_280], %mul3A_278 {strides = array<i32>} : memref<64x128xf32, #tpu.memory_space<vmem>>, vector<16xf32>,
      }
      %scan3A_184 = arith.constant 64 : i32
      %dma_start3A_185 = arith.constant 0 : i32
      %dma_start3A_186 = tpu.memref_slice %arg8[%mul3A_163, %dma_start3A_185] : memref<160x64xi32, #tpu.memory_space<vmem>> -> memref<1x64xi32, #tpu.memory_space<vmem>>
      %dma_start3A_187 = tpu.memref_squeeze %dma_start3A_186 : memref<1x64xi32, #tpu.memory_space<vmem>> -> memref<64xi32, #tpu.memory_space<vmem>>
      %dma_start3A_188 = arith.constant 0 : i32
      %dma_start3A_189 = arith.constant 0 : i32
      %dma_start3A_190 = tpu.memref_slice %arg12[%dma_start3A_188, %dma_start3A_189] : memref<10000x128xf32, #tpu.memory_space<vmem_shared>> -> memref<10000x128xf32, #tpu.memory_space<vmem_shared>>
      tpu.enqueue_indirect_dma source(%arg10 : memref<64x128xf32, #tpu.memory_space<vmem>>) target(%dma_start3A_190 : memref<10000x128xf32, #tpu.memory_space<vmem_shared>>) offsets(%dma_start3A_187 : memref<64xi32, #tpu.memory_space<vmem>>) semaphore(%arg15 : memref<!tpu.dma_semaphore, #tpu.memory_space<semaphore_mem>>) {add = true}
      %mul3A_191 = arith.constant 64 : i32
      %mul3A_192 = arith.muli %add3A_165, %mul3A_191 : i32
      %dma_wait3A_193 = tpu.memref_slice %arg7[%mul3A_192] : memref<10240xi32, #tpu.memory_space<vmem>> -> memref<64xi32, #tpu.memory_space<vmem>>
      %dma_wait3A_194 = arith.constant 0 : i32
      %dma_wait3A_195 = arith.constant 0 : i32
      %dma_wait3A_196 = tpu.memref_slice %arg2[%dma_wait3A_194, %dma_wait3A_195] : memref<40000x128xf32, #tpu.memory_space<hbm>> -> memref<40000x128xf32, #tpu.memory_space<hbm>>
      tpu.wait_indirect_dma semaphore(%arg14 : memref<!tpu.dma_semaphore, #tpu.memory_space<semaphore_mem>>) src(%dma_wait3A_196 : memref<40000x128xf32, #tpu.memory_space<hbm>>) dst(%arg11 : memref<64x128xf32, #tpu.memory_space<vmem>>)
      %dma_wait3A_197 = arith.constant 0 : i32
      %dma_wait3A_198 = tpu.memref_slice %arg8[%mul3A_163, %dma_wait3A_197] : memref<160x64xi32, #tpu.memory_space<vmem>> -> memref<1x64xi32, #tpu.memory_space<vmem>>
      %dma_wait3A_199 = tpu.memref_squeeze %dma_wait3A_198 : memref<1x64xi32, #tpu.memory_space<vmem>> -> memref<64xi32, #tpu.memory_space<vmem>>
      %dma_wait3A_200 = arith.constant 0 : i32
      %dma_wait3A_201 = arith.constant 0 : i32
      %dma_wait3A_202 = tpu.memref_slice %arg12[%dma_wait3A_200, %dma_wait3A_201] : memref<10000x128xf32, #tpu.memory_space<vmem_shared>> -> memref<10000x128xf32, #tpu.memory_space<vmem_shared>>
      tpu.wait_indirect_dma semaphore(%arg15 : memref<!tpu.dma_semaphore, #tpu.memory_space<semaphore_mem>>) src(%arg10 : memref<64x128xf32, #tpu.memory_space<vmem>>) dst(%dma_wait3A_202 : memref<10000x128xf32, #tpu.memory_space<vmem_shared>>)
      %add3A_203 = arith.constant 1 : i32
      %add3A_204 = arith.addi %add3A_165, %add3A_203 : i32
      %lt3A = arith.constant 160 : i32
      %lt3A_205 = arith.cmpi slt, %add3A_204, %lt3A : i32
      %convert_element_type3A_206 = arith.extui %lt3A_205 : i1 to i32
      %cond3A_207 = arith.constant 0 : i32
      %cond3A_208 = arith.cmpi ne, %convert_element_type3A_206, %cond3A_207 : i32
      scf.if %cond3A_208 {
        %add3A_220 = arith.constant 1 : i32
        %add3A_221 = arith.addi %add3A_165, %add3A_220 : i32
        %mul3A_222 = arith.constant 64 : i32
        %mul3A_223 = arith.muli %add3A_221, %mul3A_222 : i32
        %dma_start3A_224 = tpu.memref_slice %arg7[%mul3A_223] : memref<10240xi32, #tpu.memory_space<vmem>> -> memref<64xi32, #tpu.memory_space<vmem>>
        %dma_start3A_225 = arith.constant 0 : i32
        %dma_start3A_226 = arith.constant 0 : i32
        %dma_start3A_227 = tpu.memref_slice %arg2[%dma_start3A_225, %dma_start3A_226] : memref<40000x128xf32, #tpu.memory_space<hbm>> -> memref<40000x128xf32, #tpu.memory_space<hbm>>
        tpu.enqueue_indirect_dma source(%dma_start3A_227 : memref<40000x128xf32, #tpu.memory_space<hbm>>) target(%arg10 : memref<64x128xf32, #tpu.memory_space<vmem>>) offsets(%dma_start3A_224 : memref<64xi32, #tpu.memory_space<vmem>>) semaphore(%arg13 : memref<!tpu.dma_semaphore, #tpu.memory_space<semaphore_mem>>)
      } else {
      }
      %scan3A_209 = arith.constant 0 : i32
      %scan3A_210 = arith.constant 64 : i32
      %scan3A_211 = arith.addi %scan3A_209, %scan3A_210 : i32
      %scan3A_212 = arith.constant 1 : i32
      scf.for %scan3A_220 = %scan3A_209 to %scan3A_211 step %scan3A_212  : i32 {
        %mul3A_221 = arith.constant 1 : i32
        %mul3A_222 = arith.muli %scan3A_220, %mul3A_221 : i32
        %add3A_223 = arith.constant 0 : i32
        %add3A_224 = arith.addi %add3A_223, %mul3A_222 : i32
        %mul3A_225 = arith.constant 64 : i32
        %mul3A_226 = arith.muli %add3A_165, %mul3A_225 : i32
        %add3A_227 = arith.addi %mul3A_226, %add3A_224 : i32
        %broadcast_in_dim3A = vector.broadcast %add3A_227 : i32 to vector<16xi32>
        %gather3A = tpu.vector_load_idx %arg9[%broadcast_in_dim3A] : memref<10240xf32, #tpu.memory_space<vmem>>[vector<16xi32>], vector<16xf32>,
        %get3A = arith.index_cast %add3A_224 : i32 to index
        %get3A_228 = arith.constant 0 : index
        %get3A_229 = tpu.vector_load %arg11[%get3A, %get3A_228] {strides = array<i32>} : memref<64x128xf32, #tpu.memory_space<vmem>>, vector<16xf32>,
        %mul3A_230 = arith.mulf %get3A_229, %gather3A : vector<16xf32>
        %swap3A = arith.index_cast %add3A_224 : i32 to index
        %swap3A_231 = arith.constant 0 : index
        %swap3A_232 = tpu.vector_load %arg11[%swap3A, %swap3A_231] {strides = array<i32>} : memref<64x128xf32, #tpu.memory_space<vmem>>, vector<16xf32>,
        tpu.vector_store %arg11[%swap3A, %swap3A_231], %mul3A_230 {strides = array<i32>} : memref<64x128xf32, #tpu.memory_space<vmem>>, vector<16xf32>,
        %get3A_233 = arith.index_cast %add3A_224 : i32 to index
        %get3A_234 = arith.constant 16 : index
        %get3A_235 = tpu.vector_load %arg11[%get3A_233, %get3A_234] {strides = array<i32>} : memref<64x128xf32, #tpu.memory_space<vmem>>, vector<16xf32>,
        %mul3A_236 = arith.mulf %get3A_235, %gather3A : vector<16xf32>
        %swap3A_237 = arith.index_cast %add3A_224 : i32 to index
        %swap3A_238 = arith.constant 16 : index
        %swap3A_239 = tpu.vector_load %arg11[%swap3A_237, %swap3A_238] {strides = array<i32>} : memref<64x128xf32, #tpu.memory_space<vmem>>, vector<16xf32>,
        tpu.vector_store %arg11[%swap3A_237, %swap3A_238], %mul3A_236 {strides = array<i32>} : memref<64x128xf32, #tpu.memory_space<vmem>>, vector<16xf32>,
        %get3A_240 = arith.index_cast %add3A_224 : i32 to index
        %get3A_241 = arith.constant 32 : index
        %get3A_242 = tpu.vector_load %arg11[%get3A_240, %get3A_241] {strides = array<i32>} : memref<64x128xf32, #tpu.memory_space<vmem>>, vector<16xf32>,
        %mul3A_243 = arith.mulf %get3A_242, %gather3A : vector<16xf32>
        %swap3A_244 = arith.index_cast %add3A_224 : i32 to index
        %swap3A_245 = arith.constant 32 : index
        %swap3A_246 = tpu.vector_load %arg11[%swap3A_244, %swap3A_245] {strides = array<i32>} : memref<64x128xf32, #tpu.memory_space<vmem>>, vector<16xf32>,
        tpu.vector_store %arg11[%swap3A_244, %swap3A_245], %mul3A_243 {strides = array<i32>} : memref<64x128xf32, #tpu.memory_space<vmem>>, vector<16xf32>,
        %get3A_247 = arith.index_cast %add3A_224 : i32 to index
        %get3A_248 = arith.constant 48 : index
        %get3A_249 = tpu.vector_load %arg11[%get3A_247, %get3A_248] {strides = array<i32>} : memref<64x128xf32, #tpu.memory_space<vmem>>, vector<16xf32>,
        %mul3A_250 = arith.mulf %get3A_249, %gather3A : vector<16xf32>
        %swap3A_251 = arith.index_cast %add3A_224 : i32 to index
        %swap3A_252 = arith.constant 48 : index
        %swap3A_253 = tpu.vector_load %arg11[%swap3A_251, %swap3A_252] {strides = array<i32>} : memref<64x128xf32, #tpu.memory_space<vmem>>, vector<16xf32>,
        tpu.vector_store %arg11[%swap3A_251, %swap3A_252], %mul3A_250 {strides = array<i32>} : memref<64x128xf32, #tpu.memory_space<vmem>>, vector<16xf32>,
        %get3A_254 = arith.index_cast %add3A_224 : i32 to index
        %get3A_255 = arith.constant 64 : index
        %get3A_256 = tpu.vector_load %arg11[%get3A_254, %get3A_255] {strides = array<i32>} : memref<64x128xf32, #tpu.memory_space<vmem>>, vector<16xf32>,
        %mul3A_257 = arith.mulf %get3A_256, %gather3A : vector<16xf32>
        %swap3A_258 = arith.index_cast %add3A_224 : i32 to index
        %swap3A_259 = arith.constant 64 : index
        %swap3A_260 = tpu.vector_load %arg11[%swap3A_258, %swap3A_259] {strides = array<i32>} : memref<64x128xf32, #tpu.memory_space<vmem>>, vector<16xf32>,
        tpu.vector_store %arg11[%swap3A_258, %swap3A_259], %mul3A_257 {strides = array<i32>} : memref<64x128xf32, #tpu.memory_space<vmem>>, vector<16xf32>,
        %get3A_261 = arith.index_cast %add3A_224 : i32 to index
        %get3A_262 = arith.constant 80 : index
        %get3A_263 = tpu.vector_load %arg11[%get3A_261, %get3A_262] {strides = array<i32>} : memref<64x128xf32, #tpu.memory_space<vmem>>, vector<16xf32>,
        %mul3A_264 = arith.mulf %get3A_263, %gather3A : vector<16xf32>
        %swap3A_265 = arith.index_cast %add3A_224 : i32 to index
        %swap3A_266 = arith.constant 80 : index
        %swap3A_267 = tpu.vector_load %arg11[%swap3A_265, %swap3A_266] {strides = array<i32>} : memref<64x128xf32, #tpu.memory_space<vmem>>, vector<16xf32>,
        tpu.vector_store %arg11[%swap3A_265, %swap3A_266], %mul3A_264 {strides = array<i32>} : memref<64x128xf32, #tpu.memory_space<vmem>>, vector<16xf32>,
        %get3A_268 = arith.index_cast %add3A_224 : i32 to index
        %get3A_269 = arith.constant 96 : index
        %get3A_270 = tpu.vector_load %arg11[%get3A_268, %get3A_269] {strides = array<i32>} : memref<64x128xf32, #tpu.memory_space<vmem>>, vector<16xf32>,
        %mul3A_271 = arith.mulf %get3A_270, %gather3A : vector<16xf32>
        %swap3A_272 = arith.index_cast %add3A_224 : i32 to index
        %swap3A_273 = arith.constant 96 : index
        %swap3A_274 = tpu.vector_load %arg11[%swap3A_272, %swap3A_273] {strides = array<i32>} : memref<64x128xf32, #tpu.memory_space<vmem>>, vector<16xf32>,
        tpu.vector_store %arg11[%swap3A_272, %swap3A_273], %mul3A_271 {strides = array<i32>} : memref<64x128xf32, #tpu.memory_space<vmem>>, vector<16xf32>,
        %get3A_275 = arith.index_cast %add3A_224 : i32 to index
        %get3A_276 = arith.constant 112 : index
        %get3A_277 = tpu.vector_load %arg11[%get3A_275, %get3A_276] {strides = array<i32>} : memref<64x128xf32, #tpu.memory_space<vmem>>, vector<16xf32>,
        %mul3A_278 = arith.mulf %get3A_277, %gather3A : vector<16xf32>
        %swap3A_279 = arith.index_cast %add3A_224 : i32 to index
        %swap3A_280 = arith.constant 112 : index
        %swap3A_281 = tpu.vector_load %arg11[%swap3A_279, %swap3A_280] {strides = array<i32>} : memref<64x128xf32, #tpu.memory_space<vmem>>, vector<16xf32>,
        tpu.vector_store %arg11[%swap3A_279, %swap3A_280], %mul3A_278 {strides = array<i32>} : memref<64x128xf32, #tpu.memory_space<vmem>>, vector<16xf32>,
      }
      %scan3A_213 = arith.constant 64 : i32
      %dma_start3A_214 = arith.constant 0 : i32
      %dma_start3A_215 = tpu.memref_slice %arg8[%add3A_165, %dma_start3A_214] : memref<160x64xi32, #tpu.memory_space<vmem>> -> memref<1x64xi32, #tpu.memory_space<vmem>>
      %dma_start3A_216 = tpu.memref_squeeze %dma_start3A_215 : memref<1x64xi32, #tpu.memory_space<vmem>> -> memref<64xi32, #tpu.memory_space<vmem>>
      %dma_start3A_217 = arith.constant 0 : i32
      %dma_start3A_218 = arith.constant 0 : i32
      %dma_start3A_219 = tpu.memref_slice %arg12[%dma_start3A_217, %dma_start3A_218] : memref<10000x128xf32, #tpu.memory_space<vmem_shared>> -> memref<10000x128xf32, #tpu.memory_space<vmem_shared>>
      tpu.enqueue_indirect_dma source(%arg11 : memref<64x128xf32, #tpu.memory_space<vmem>>) target(%dma_start3A_219 : memref<10000x128xf32, #tpu.memory_space<vmem_shared>>) offsets(%dma_start3A_216 : memref<64xi32, #tpu.memory_space<vmem>>) semaphore(%arg16 : memref<!tpu.dma_semaphore, #tpu.memory_space<semaphore_mem>>) {add = true}
    }
    %scan3A_141 = arith.constant 80 : i32
    %dma_wait3A_142 = arith.constant 159 : i32
    %dma_wait3A_143 = arith.constant 0 : i32
    %dma_wait3A_144 = tpu.memref_slice %arg8[%dma_wait3A_142, %dma_wait3A_143] : memref<160x64xi32, #tpu.memory_space<vmem>> -> memref<1x64xi32, #tpu.memory_space<vmem>>
    %dma_wait3A_145 = tpu.memref_squeeze %dma_wait3A_144 : memref<1x64xi32, #tpu.memory_space<vmem>> -> memref<64xi32, #tpu.memory_space<vmem>>
    %dma_wait3A_146 = arith.constant 0 : i32
    %dma_wait3A_147 = arith.constant 0 : i32
    %dma_wait3A_148 = tpu.memref_slice %arg12[%dma_wait3A_146, %dma_wait3A_147] : memref<10000x128xf32, #tpu.memory_space<vmem_shared>> -> memref<10000x128xf32, #tpu.memory_space<vmem_shared>>
    tpu.wait_indirect_dma semaphore(%arg16 : memref<!tpu.dma_semaphore, #tpu.memory_space<semaphore_mem>>) src(%arg11 : memref<64x128xf32, #tpu.memory_space<vmem>>) dst(%dma_wait3A_148 : memref<10000x128xf32, #tpu.memory_space<vmem_shared>>)
    %barrier3A_149 = arith.constant 0 : index
    tpu.barrier barrier_id(%barrier3A_149)
    %mul3A_150 = arith.constant 625 : i32
    %mul3A_151 = arith.muli %arg1, %mul3A_150 : i32
    %mul3A_152 = arith.constant 10000 : i32
    %mul3A_153 = arith.muli %add3A_78, %mul3A_152 : i32
    %mul3A_154 = arith.constant 625 : i32
    %mul3A_155 = arith.muli %arg1, %mul3A_154 : i32
    %add3A_156 = arith.addi %mul3A_153, %mul3A_155 : i32
    "tpu.region"() ({
      %run_scoped3A = tpu.sem_alloc : memref<!tpu.dma_semaphore, #tpu.memory_space<semaphore_mem>>
      %dma_start3A_157 = arith.constant 0 : i32
      %dma_start3A_158 = tpu.memref_slice %arg6[%add3A_156, %dma_start3A_157] : memref<40000x128xf32, #tpu.memory_space<hbm>> -> memref<625x128xf32, #tpu.memory_space<hbm>>
      %dma_start3A_159 = arith.constant 0 : i32
      %dma_start3A_160 = tpu.memref_slice %arg12[%mul3A_151, %dma_start3A_159] : memref<10000x128xf32, #tpu.memory_space<vmem_shared>> -> memref<625x128xf32, #tpu.memory_space<vmem_shared>>
      tpu.enqueue_dma source(%dma_start3A_160 : memref<625x128xf32, #tpu.memory_space<vmem_shared>>) target(%dma_start3A_158 : memref<625x128xf32, #tpu.memory_space<hbm>>) target_semaphore(%run_scoped3A : memref<!tpu.dma_semaphore, #tpu.memory_space<semaphore_mem>>)
      %dma_wait3A_161 = arith.constant 0 : i32
      %dma_wait3A_162 = tpu.memref_slice %arg6[%add3A_156, %dma_wait3A_161] : memref<40000x128xf32, #tpu.memory_space<hbm>> -> memref<625x128xf32, #tpu.memory_space<hbm>>
      %dma_wait3A_163 = arith.constant 0 : i32
      %dma_wait3A_164 = tpu.memref_slice %arg12[%mul3A_151, %dma_wait3A_163] : memref<10000x128xf32, #tpu.memory_space<vmem_shared>> -> memref<625x128xf32, #tpu.memory_space<vmem_shared>>
      tpu.wait_dma2 semaphore(%run_scoped3A : memref<!tpu.dma_semaphore, #tpu.memory_space<semaphore_mem>>) src(%dma_wait3A_164 : memref<625x128xf32, #tpu.memory_space<vmem_shared>>) dst(%dma_wait3A_162 : memref<625x128xf32, #tpu.memory_space<hbm>>)
      tpu.yield
    }) : () -> ()
    return
  }
}

module attributes {stable_mosaic.version = 14 : i64} {
  func.func @_prep_body(%arg0: i32, %arg1: memref<2000x256xf32, #tpu.memory_space<vmem>>, %arg2: memref<2000x32xf32, #tpu.memory_space<vmem>>, %arg3: memref<2000x32xf32, #tpu.memory_space<vmem>>, %arg4: memref<2000x256xf32, #tpu.memory_space<vmem>>, %arg5: memref<2000x1xf32, #tpu.memory_space<vmem>>, %arg6: memref<2000x1xf32, #tpu.memory_space<vmem>>) attributes {dimension_semantics = [#tpu.dimension_semantics<arbitrary>], iteration_bounds = array<i64: 5>, scalar_prefetch = 0 : i64, scratch_operands = 0 : i64, tpu.core_type = #tpu.core_type<tc>, window_params = [{transform_indices = @transform_0, window_bounds = array<i64: 2000, 256>}, {transform_indices = @transform_1, window_bounds = array<i64: 2000, 32>}, {transform_indices = @transform_2, window_bounds = array<i64: 2000, 32>}, {transform_indices = @transform_3, window_bounds = array<i64: 2000, 256>}, {transform_indices = @transform_4, window_bounds = array<i64: 2000, 1>}, {transform_indices = @transform_5, window_bounds = array<i64: 2000, 1>}]} {
    %get3A = arith.constant 0 : index
    %get3A_0 = arith.constant 0 : index
    %get3A_1 = vector.load %arg2[%get3A, %get3A_0] : memref<2000x32xf32, #tpu.memory_space<vmem>>, vector<2000x32xf32>
    %reduce_sum3A = arith.constant dense<0.000000e+00> : vector<2000xf32>
    %reduce_sum3A_2 = vector.multi_reduction <add>, %get3A_1, %reduce_sum3A [1] : vector<2000x32xf32> to vector<2000xf32>
    %broadcast_in_dim3A = vector.shape_cast %reduce_sum3A_2 : vector<2000xf32> to vector<2000x1xf32>
    %add3A = arith.constant 1.000000e+00 : f32
    %add3A_3 = vector.broadcast %add3A : f32 to vector<2000x1xf32>
    %add3A_4 = arith.addf %broadcast_in_dim3A, %add3A_3 : vector<2000x1xf32>
    %get3A_5 = arith.constant 0 : index
    %get3A_6 = arith.constant 0 : index
    %get3A_7 = vector.load %arg3[%get3A_5, %get3A_6] : memref<2000x32xf32, #tpu.memory_space<vmem>>, vector<2000x32xf32>
    %reduce_sum3A_8 = arith.constant dense<0.000000e+00> : vector<2000xf32>
    %reduce_sum3A_9 = vector.multi_reduction <add>, %get3A_7, %reduce_sum3A_8 [1] : vector<2000x32xf32> to vector<2000xf32>
    %broadcast_in_dim3A_10 = vector.shape_cast %reduce_sum3A_9 : vector<2000xf32> to vector<2000x1xf32>
    %add3A_11 = arith.constant 1.000000e+00 : f32
    %add3A_12 = vector.broadcast %add3A_11 : f32 to vector<2000x1xf32>
    %add3A_13 = arith.addf %broadcast_in_dim3A_10, %add3A_12 : vector<2000x1xf32>
    %gt3A = arith.constant 0.000000e+00 : f32
    %gt3A_14 = vector.broadcast %gt3A : f32 to vector<2000x1xf32>
    %gt3A_15 = arith.cmpf ogt, %add3A_4, %gt3A_14 : vector<2000x1xf32>
    %rsqrt3A = math.rsqrt %add3A_4 : vector<2000x1xf32>
    %jit3A = arith.constant 0.000000e+00 : f32
    %broadcast_in_dim3A_16 = vector.broadcast %jit3A : f32 to vector<2000x1xf32>
    %select_n3A = arith.select %gt3A_15, %rsqrt3A, %broadcast_in_dim3A_16 : vector<2000x1xi1>, vector<2000x1xf32>
    %swap3A = arith.constant 0 : index
    %swap3A_17 = arith.constant 0 : index
    %swap3A_18 = vector.load %arg5[%swap3A, %swap3A_17] : memref<2000x1xf32, #tpu.memory_space<vmem>>, vector<2000x1xf32>
    tpu.vector_store %arg5[%swap3A, %swap3A_17], %select_n3A {strides = array<i32>} : memref<2000x1xf32, #tpu.memory_space<vmem>>, vector<2000x1xf32>,
    %div3A = arith.divf %select_n3A, %add3A_13 : vector<2000x1xf32>
    %swap3A_19 = arith.constant 0 : index
    %swap3A_20 = arith.constant 0 : index
    %swap3A_21 = vector.load %arg6[%swap3A_19, %swap3A_20] : memref<2000x1xf32, #tpu.memory_space<vmem>>, vector<2000x1xf32>
    tpu.vector_store %arg6[%swap3A_19, %swap3A_20], %div3A {strides = array<i32>} : memref<2000x1xf32, #tpu.memory_space<vmem>>, vector<2000x1xf32>,
    %get3A_22 = arith.constant 0 : index
    %get3A_23 = arith.constant 0 : index
    %get3A_24 = vector.load %arg1[%get3A_22, %get3A_23] : memref<2000x256xf32, #tpu.memory_space<vmem>>, vector<2000x256xf32>
    %mul3A = vector.broadcast %select_n3A : vector<2000x1xf32> to vector<2000x256xf32>
    %mul3A_25 = arith.mulf %get3A_24, %mul3A : vector<2000x256xf32>
    %swap3A_26 = arith.constant 0 : index
    %swap3A_27 = arith.constant 0 : index
    %swap3A_28 = vector.load %arg4[%swap3A_26, %swap3A_27] : memref<2000x256xf32, #tpu.memory_space<vmem>>, vector<2000x256xf32>
    tpu.vector_store %arg4[%swap3A_26, %swap3A_27], %mul3A_25 {strides = array<i32>} : memref<2000x256xf32, #tpu.memory_space<vmem>>, vector<2000x256xf32>,
    return
  }
  func.func @transform_0(%arg0: i32) -> (i32, i32) {
    %c0_i32 = arith.constant 0 : i32
    %c0_i32_0 = arith.constant 0 : i32
    return %arg0, %c0_i32 : i32, i32
  }
  func.func @transform_1(%arg0: i32) -> (i32, i32) {
    %c0_i32 = arith.constant 0 : i32
    %c0_i32_0 = arith.constant 0 : i32
    return %arg0, %c0_i32 : i32, i32
  }
  func.func @transform_2(%arg0: i32) -> (i32, i32) {
    %c0_i32 = arith.constant 0 : i32
    %c0_i32_0 = arith.constant 0 : i32
    return %arg0, %c0_i32 : i32, i32
  }
  func.func @transform_3(%arg0: i32) -> (i32, i32) {
    %c0_i32 = arith.constant 0 : i32
    %c0_i32_0 = arith.constant 0 : i32
    return %arg0, %c0_i32 : i32, i32
  }
  func.func @transform_4(%arg0: i32) -> (i32, i32) {
    %c0_i32 = arith.constant 0 : i32
    %c0_i32_0 = arith.constant 0 : i32
    return %arg0, %c0_i32 : i32, i32
  }
  func.func @transform_5(%arg0: i32) -> (i32, i32) {
    %c0_i32 = arith.constant 0 : i32
    %c0_i32_0 = arith.constant 0 : i32
    return %arg0, %c0_i32 : i32, i32
  }
}

module attributes {stable_mosaic.version = 14 : i64} {
  func.func @body(%arg0: i32, %arg1: i32, %arg2: memref<1x2000x128xf32, #tpu.memory_space<vmem>>, %arg3: memref<2000x128xf32, #tpu.memory_space<vmem>>, %arg4: memref<2000x1xf32, #tpu.memory_space<vmem>>, %arg5: memref<1x128x512xf32, #tpu.memory_space<vmem>>, %arg6: memref<1x512xf32, #tpu.memory_space<vmem>>, %arg7: memref<1x1xf32, #tpu.memory_space<vmem>>, %arg8: memref<2000x1xf32, #tpu.memory_space<vmem>>, %arg9: memref<2000x512xf32, #tpu.memory_space<vmem>>) attributes {dimension_semantics = [#tpu.dimension_semantics<arbitrary>, #tpu.dimension_semantics<arbitrary>], iteration_bounds = array<i64: 5, 2>, scalar_prefetch = 0 : i64, scratch_operands = 0 : i64, tpu.core_type = #tpu.core_type<tc>, window_params = [{transform_indices = @transform_0, window_bounds = array<i64: 1, 2000, 128>}, {transform_indices = @transform_1, window_bounds = array<i64: 2000, 128>}, {transform_indices = @transform_2, window_bounds = array<i64: 2000, 1>}, {transform_indices = @transform_3, window_bounds = array<i64: 1, 128, 512>}, {pipeline_mode = #tpu.pipeline_mode<synchronous>, transform_indices = @transform_4, window_bounds = array<i64: 1, 512>}, {pipeline_mode = #tpu.pipeline_mode<synchronous>, transform_indices = @transform_5, window_bounds = array<i64: 1, 1>}, {transform_indices = @transform_6, window_bounds = array<i64: 2000, 1>}, {transform_indices = @transform_7, window_bounds = array<i64: 2000, 512>}]} {
    %get3A = arith.constant 0 : index
    %get3A_0 = arith.constant 0 : index
    %get3A_1 = arith.constant 0 : index
    %get3A_2 = vector.load %arg2[%get3A, %get3A_0, %get3A_1] : memref<1x2000x128xf32, #tpu.memory_space<vmem>>, vector<1x2000x128xf32>
    %get3A_3 = vector.shape_cast %get3A_2 : vector<1x2000x128xf32> to vector<2000x128xf32>
    %get3A_4 = arith.constant 0 : index
    %get3A_5 = arith.constant 0 : index
    %get3A_6 = vector.load %arg3[%get3A_4, %get3A_5] : memref<2000x128xf32, #tpu.memory_space<vmem>>, vector<2000x128xf32>
    %add3A = arith.addf %get3A_3, %get3A_6 : vector<2000x128xf32>
    %get3A_7 = arith.constant 0 : index
    %get3A_8 = arith.constant 0 : index
    %get3A_9 = vector.load %arg4[%get3A_7, %get3A_8] : memref<2000x1xf32, #tpu.memory_space<vmem>>, vector<2000x1xf32>
    %mul3A = vector.broadcast %get3A_9 : vector<2000x1xf32> to vector<2000x128xf32>
    %mul3A_10 = arith.mulf %add3A, %mul3A : vector<2000x128xf32>
    %get3A_11 = arith.constant 0 : index
    %get3A_12 = arith.constant 0 : index
    %get3A_13 = arith.constant 0 : index
    %get3A_14 = vector.load %arg5[%get3A_11, %get3A_12, %get3A_13] : memref<1x128x512xf32, #tpu.memory_space<vmem>>, vector<1x128x512xf32>
    %get3A_15 = vector.shape_cast %get3A_14 : vector<1x128x512xf32> to vector<128x512xf32>
    %dot_general3A = arith.constant dense<0.000000e+00> : vector<2000x512xf32>
    %dot_general3A_16 = tpu.matmul %mul3A_10, %get3A_15, %dot_general3A {dimension_numbers = #tpu.dot_dimension_numbers<[1], [0], [0], [1], [0, 0, 1, 1], [], []>, transpose_lhs_hint = false} : vector<2000x128xf32>, vector<128x512xf32>, vector<2000x512xf32> -> vector<2000x512xf32>
    %eq3A = arith.constant 0 : i32
    %eq3A_17 = arith.cmpi eq, %arg1, %eq3A : i32
    %convert_element_type3A = arith.extui %eq3A_17 : i1 to i32
    %cond3A = arith.constant 0 : i32
    %cond3A_18 = arith.cmpi ne, %convert_element_type3A, %cond3A : i32
    scf.if %cond3A_18 {
      %swap3A = arith.constant 0 : index
      %swap3A_28 = arith.constant 0 : index
      %swap3A_29 = vector.load %arg9[%swap3A, %swap3A_28] : memref<2000x512xf32, #tpu.memory_space<vmem>>, vector<2000x512xf32>
      tpu.vector_store %arg9[%swap3A, %swap3A_28], %dot_general3A_16 {strides = array<i32>} : memref<2000x512xf32, #tpu.memory_space<vmem>>, vector<2000x512xf32>,
    } else {
    }
    %gt3A = arith.constant 0 : i32
    %gt3A_19 = arith.cmpi sgt, %arg1, %gt3A : i32
    %convert_element_type3A_20 = arith.extui %gt3A_19 : i1 to i32
    %cond3A_21 = arith.constant 0 : i32
    %cond3A_22 = arith.cmpi ne, %convert_element_type3A_20, %cond3A_21 : i32
    scf.if %cond3A_22 {
      %get3A_28 = arith.constant 0 : index
      %get3A_29 = arith.constant 0 : index
      %get3A_30 = vector.load %arg9[%get3A_28, %get3A_29] : memref<2000x512xf32, #tpu.memory_space<vmem>>, vector<2000x512xf32>
      %add3A_31 = arith.addf %get3A_30, %dot_general3A_16 : vector<2000x512xf32>
      %swap3A = arith.constant 0 : index
      %swap3A_32 = arith.constant 0 : index
      %swap3A_33 = vector.load %arg9[%swap3A, %swap3A_32] : memref<2000x512xf32, #tpu.memory_space<vmem>>, vector<2000x512xf32>
      tpu.vector_store %arg9[%swap3A, %swap3A_32], %add3A_31 {strides = array<i32>} : memref<2000x512xf32, #tpu.memory_space<vmem>>, vector<2000x512xf32>,
    } else {
    }
    %eq3A_23 = arith.constant 1 : i32
    %eq3A_24 = arith.cmpi eq, %arg1, %eq3A_23 : i32
    %convert_element_type3A_25 = arith.extui %eq3A_24 : i1 to i32
    %cond3A_26 = arith.constant 0 : i32
    %cond3A_27 = arith.cmpi ne, %convert_element_type3A_25, %cond3A_26 : i32
    scf.if %cond3A_27 {
      %get3A_28 = arith.constant 0 : index
      %get3A_29 = arith.constant 0 : index
      %get3A_30 = vector.load %arg9[%get3A_28, %get3A_29] : memref<2000x512xf32, #tpu.memory_space<vmem>>, vector<2000x512xf32>
      %get3A_31 = arith.constant 0 : index
      %get3A_32 = arith.constant 0 : index
      %get3A_33 = vector.load %arg6[%get3A_31, %get3A_32] : memref<1x512xf32, #tpu.memory_space<vmem>>, vector<1x512xf32>
      %add3A_34 = vector.broadcast %get3A_33 : vector<1x512xf32> to vector<2000x512xf32>
      %add3A_35 = arith.addf %get3A_30, %add3A_34 : vector<2000x512xf32>
      %ge3A = arith.constant 0.000000e+00 : f32
      %ge3A_36 = vector.broadcast %ge3A : f32 to vector<2000x512xf32>
      %ge3A_37 = arith.cmpf oge, %add3A_35, %ge3A_36 : vector<2000x512xf32>
      %get3A_38 = arith.constant 0 : index
      %get3A_39 = arith.constant 0 : index
      %get3A_40 = vector.load %arg7[%get3A_38, %get3A_39] : memref<1x1xf32, #tpu.memory_space<vmem>>, vector<1x1xf32>
      %get3A_41 = vector.extract %get3A_40[0, 0] : f32 from vector<1x1xf32>
      %mul3A_42 = vector.broadcast %get3A_41 : f32 to vector<2000x512xf32>
      %mul3A_43 = arith.mulf %mul3A_42, %add3A_35 : vector<2000x512xf32>
      %select_n3A = arith.select %ge3A_37, %add3A_35, %mul3A_43 : vector<2000x512xi1>, vector<2000x512xf32>
      %get3A_44 = arith.constant 0 : index
      %get3A_45 = arith.constant 0 : index
      %get3A_46 = vector.load %arg8[%get3A_44, %get3A_45] : memref<2000x1xf32, #tpu.memory_space<vmem>>, vector<2000x1xf32>
      %mul3A_47 = vector.broadcast %get3A_46 : vector<2000x1xf32> to vector<2000x512xf32>
      %mul3A_48 = arith.mulf %select_n3A, %mul3A_47 : vector<2000x512xf32>
      %swap3A = arith.constant 0 : index
      %swap3A_49 = arith.constant 0 : index
      %swap3A_50 = vector.load %arg9[%swap3A, %swap3A_49] : memref<2000x512xf32, #tpu.memory_space<vmem>>, vector<2000x512xf32>
      tpu.vector_store %arg9[%swap3A, %swap3A_49], %mul3A_48 {strides = array<i32>} : memref<2000x512xf32, #tpu.memory_space<vmem>>, vector<2000x512xf32>,
    } else {
    }
    return
  }
  func.func @transform_0(%arg0: i32, %arg1: i32) -> (i32, i32, i32) {
    %c0_i32 = arith.constant 0 : i32
    %c0_i32_0 = arith.constant 0 : i32
    return %arg1, %arg0, %c0_i32 : i32, i32, i32
  }
  func.func @transform_1(%arg0: i32, %arg1: i32) -> (i32, i32) {
    %c0_i32 = arith.constant 0 : i32
    return %arg0, %arg1 : i32, i32
  }
  func.func @transform_2(%arg0: i32, %arg1: i32) -> (i32, i32) {
    %c0_i32 = arith.constant 0 : i32
    %c0_i32_0 = arith.constant 0 : i32
    return %arg0, %c0_i32 : i32, i32
  }
  func.func @transform_3(%arg0: i32, %arg1: i32) -> (i32, i32, i32) {
    %c0_i32 = arith.constant 0 : i32
    %c0_i32_0 = arith.constant 0 : i32
    %c0_i32_1 = arith.constant 0 : i32
    return %arg1, %c0_i32, %c0_i32_0 : i32, i32, i32
  }
  func.func @transform_4(%arg0: i32, %arg1: i32) -> (i32, i32) {
    %c0_i32 = arith.constant 0 : i32
    %c0_i32_0 = arith.constant 0 : i32
    %c0_i32_1 = arith.constant 0 : i32
    return %c0_i32, %c0_i32_0 : i32, i32
  }
  func.func @transform_5(%arg0: i32, %arg1: i32) -> (i32, i32) {
    %c0_i32 = arith.constant 0 : i32
    %c0_i32_0 = arith.constant 0 : i32
    %c0_i32_1 = arith.constant 0 : i32
    return %c0_i32, %c0_i32_0 : i32, i32
  }
  func.func @transform_6(%arg0: i32, %arg1: i32) -> (i32, i32) {
    %c0_i32 = arith.constant 0 : i32
    %c0_i32_0 = arith.constant 0 : i32
    return %arg0, %c0_i32 : i32, i32
  }
  func.func @transform_7(%arg0: i32, %arg1: i32) -> (i32, i32) {
    %c0_i32 = arith.constant 0 : i32
    %c0_i32_0 = arith.constant 0 : i32
    return %arg0, %c0_i32 : i32, i32
  }
}

module attributes {stable_mosaic.version = 14 : i64} {
  func.func @body(%arg0: i32, %arg1: i32, %arg2: memref<1x2000x128xf32, #tpu.memory_space<vmem>>, %arg3: memref<2000x128xf32, #tpu.memory_space<vmem>>, %arg4: memref<2000x1xf32, #tpu.memory_space<vmem>>, %arg5: memref<1x128x512xf32, #tpu.memory_space<vmem>>, %arg6: memref<1x512xf32, #tpu.memory_space<vmem>>, %arg7: memref<1x1xf32, #tpu.memory_space<vmem>>, %arg8: memref<2000x512xf32, #tpu.memory_space<vmem>>) attributes {dimension_semantics = [#tpu.dimension_semantics<arbitrary>, #tpu.dimension_semantics<arbitrary>], iteration_bounds = array<i64: 5, 4>, scalar_prefetch = 0 : i64, scratch_operands = 0 : i64, tpu.core_type = #tpu.core_type<tc>, window_params = [{transform_indices = @transform_0, window_bounds = array<i64: 1, 2000, 128>}, {transform_indices = @transform_1, window_bounds = array<i64: 2000, 128>}, {transform_indices = @transform_2, window_bounds = array<i64: 2000, 1>}, {transform_indices = @transform_3, window_bounds = array<i64: 1, 128, 512>}, {pipeline_mode = #tpu.pipeline_mode<synchronous>, transform_indices = @transform_4, window_bounds = array<i64: 1, 512>}, {pipeline_mode = #tpu.pipeline_mode<synchronous>, transform_indices = @transform_5, window_bounds = array<i64: 1, 1>}, {transform_indices = @transform_6, window_bounds = array<i64: 2000, 512>}]} {
    %get3A = arith.constant 0 : index
    %get3A_0 = arith.constant 0 : index
    %get3A_1 = arith.constant 0 : index
    %get3A_2 = vector.load %arg2[%get3A, %get3A_0, %get3A_1] : memref<1x2000x128xf32, #tpu.memory_space<vmem>>, vector<1x2000x128xf32>
    %get3A_3 = vector.shape_cast %get3A_2 : vector<1x2000x128xf32> to vector<2000x128xf32>
    %get3A_4 = arith.constant 0 : index
    %get3A_5 = arith.constant 0 : index
    %get3A_6 = vector.load %arg3[%get3A_4, %get3A_5] : memref<2000x128xf32, #tpu.memory_space<vmem>>, vector<2000x128xf32>
    %add3A = arith.addf %get3A_3, %get3A_6 : vector<2000x128xf32>
    %get3A_7 = arith.constant 0 : index
    %get3A_8 = arith.constant 0 : index
    %get3A_9 = vector.load %arg4[%get3A_7, %get3A_8] : memref<2000x1xf32, #tpu.memory_space<vmem>>, vector<2000x1xf32>
    %mul3A = vector.broadcast %get3A_9 : vector<2000x1xf32> to vector<2000x128xf32>
    %mul3A_10 = arith.mulf %add3A, %mul3A : vector<2000x128xf32>
    %get3A_11 = arith.constant 0 : index
    %get3A_12 = arith.constant 0 : index
    %get3A_13 = arith.constant 0 : index
    %get3A_14 = vector.load %arg5[%get3A_11, %get3A_12, %get3A_13] : memref<1x128x512xf32, #tpu.memory_space<vmem>>, vector<1x128x512xf32>
    %get3A_15 = vector.shape_cast %get3A_14 : vector<1x128x512xf32> to vector<128x512xf32>
    %dot_general3A = arith.constant dense<0.000000e+00> : vector<2000x512xf32>
    %dot_general3A_16 = tpu.matmul %mul3A_10, %get3A_15, %dot_general3A {dimension_numbers = #tpu.dot_dimension_numbers<[1], [0], [0], [1], [0, 0, 1, 1], [], []>, transpose_lhs_hint = false} : vector<2000x128xf32>, vector<128x512xf32>, vector<2000x512xf32> -> vector<2000x512xf32>
    %eq3A = arith.constant 0 : i32
    %eq3A_17 = arith.cmpi eq, %arg1, %eq3A : i32
    %convert_element_type3A = arith.extui %eq3A_17 : i1 to i32
    %cond3A = arith.constant 0 : i32
    %cond3A_18 = arith.cmpi ne, %convert_element_type3A, %cond3A : i32
    scf.if %cond3A_18 {
      %swap3A = arith.constant 0 : index
      %swap3A_28 = arith.constant 0 : index
      %swap3A_29 = vector.load %arg8[%swap3A, %swap3A_28] : memref<2000x512xf32, #tpu.memory_space<vmem>>, vector<2000x512xf32>
      tpu.vector_store %arg8[%swap3A, %swap3A_28], %dot_general3A_16 {strides = array<i32>} : memref<2000x512xf32, #tpu.memory_space<vmem>>, vector<2000x512xf32>,
    } else {
    }
    %gt3A = arith.constant 0 : i32
    %gt3A_19 = arith.cmpi sgt, %arg1, %gt3A : i32
    %convert_element_type3A_20 = arith.extui %gt3A_19 : i1 to i32
    %cond3A_21 = arith.constant 0 : i32
    %cond3A_22 = arith.cmpi ne, %convert_element_type3A_20, %cond3A_21 : i32
    scf.if %cond3A_22 {
      %get3A_28 = arith.constant 0 : index
      %get3A_29 = arith.constant 0 : index
      %get3A_30 = vector.load %arg8[%get3A_28, %get3A_29] : memref<2000x512xf32, #tpu.memory_space<vmem>>, vector<2000x512xf32>
      %add3A_31 = arith.addf %get3A_30, %dot_general3A_16 : vector<2000x512xf32>
      %swap3A = arith.constant 0 : index
      %swap3A_32 = arith.constant 0 : index
      %swap3A_33 = vector.load %arg8[%swap3A, %swap3A_32] : memref<2000x512xf32, #tpu.memory_space<vmem>>, vector<2000x512xf32>
      tpu.vector_store %arg8[%swap3A, %swap3A_32], %add3A_31 {strides = array<i32>} : memref<2000x512xf32, #tpu.memory_space<vmem>>, vector<2000x512xf32>,
    } else {
    }
    %eq3A_23 = arith.constant 3 : i32
    %eq3A_24 = arith.cmpi eq, %arg1, %eq3A_23 : i32
    %convert_element_type3A_25 = arith.extui %eq3A_24 : i1 to i32
    %cond3A_26 = arith.constant 0 : i32
    %cond3A_27 = arith.cmpi ne, %convert_element_type3A_25, %cond3A_26 : i32
    scf.if %cond3A_27 {
      %get3A_28 = arith.constant 0 : index
      %get3A_29 = arith.constant 0 : index
      %get3A_30 = vector.load %arg8[%get3A_28, %get3A_29] : memref<2000x512xf32, #tpu.memory_space<vmem>>, vector<2000x512xf32>
      %get3A_31 = arith.constant 0 : index
      %get3A_32 = arith.constant 0 : index
      %get3A_33 = vector.load %arg6[%get3A_31, %get3A_32] : memref<1x512xf32, #tpu.memory_space<vmem>>, vector<1x512xf32>
      %add3A_34 = vector.broadcast %get3A_33 : vector<1x512xf32> to vector<2000x512xf32>
      %add3A_35 = arith.addf %get3A_30, %add3A_34 : vector<2000x512xf32>
      %ge3A = arith.constant 0.000000e+00 : f32
      %ge3A_36 = vector.broadcast %ge3A : f32 to vector<2000x512xf32>
      %ge3A_37 = arith.cmpf oge, %add3A_35, %ge3A_36 : vector<2000x512xf32>
      %get3A_38 = arith.constant 0 : index
      %get3A_39 = arith.constant 0 : index
      %get3A_40 = vector.load %arg7[%get3A_38, %get3A_39] : memref<1x1xf32, #tpu.memory_space<vmem>>, vector<1x1xf32>
      %get3A_41 = vector.extract %get3A_40[0, 0] : f32 from vector<1x1xf32>
      %mul3A_42 = vector.broadcast %get3A_41 : f32 to vector<2000x512xf32>
      %mul3A_43 = arith.mulf %mul3A_42, %add3A_35 : vector<2000x512xf32>
      %select_n3A = arith.select %ge3A_37, %add3A_35, %mul3A_43 : vector<2000x512xi1>, vector<2000x512xf32>
      %swap3A = arith.constant 0 : index
      %swap3A_44 = arith.constant 0 : index
      %swap3A_45 = vector.load %arg8[%swap3A, %swap3A_44] : memref<2000x512xf32, #tpu.memory_space<vmem>>, vector<2000x512xf32>
      tpu.vector_store %arg8[%swap3A, %swap3A_44], %select_n3A {strides = array<i32>} : memref<2000x512xf32, #tpu.memory_space<vmem>>, vector<2000x512xf32>,
    } else {
    }
    return
  }
  func.func @transform_0(%arg0: i32, %arg1: i32) -> (i32, i32, i32) {
    %c0_i32 = arith.constant 0 : i32
    %c0_i32_0 = arith.constant 0 : i32
    return %arg1, %arg0, %c0_i32 : i32, i32, i32
  }
  func.func @transform_1(%arg0: i32, %arg1: i32) -> (i32, i32) {
    %c0_i32 = arith.constant 0 : i32
    return %arg0, %arg1 : i32, i32
  }
  func.func @transform_2(%arg0: i32, %arg1: i32) -> (i32, i32) {
    %c0_i32 = arith.constant 0 : i32
    %c0_i32_0 = arith.constant 0 : i32
    return %arg0, %c0_i32 : i32, i32
  }
  func.func @transform_3(%arg0: i32, %arg1: i32) -> (i32, i32, i32) {
    %c0_i32 = arith.constant 0 : i32
    %c0_i32_0 = arith.constant 0 : i32
    %c0_i32_1 = arith.constant 0 : i32
    return %arg1, %c0_i32, %c0_i32_0 : i32, i32, i32
  }
  func.func @transform_4(%arg0: i32, %arg1: i32) -> (i32, i32) {
    %c0_i32 = arith.constant 0 : i32
    %c0_i32_0 = arith.constant 0 : i32
    %c0_i32_1 = arith.constant 0 : i32
    return %c0_i32, %c0_i32_0 : i32, i32
  }
  func.func @transform_5(%arg0: i32, %arg1: i32) -> (i32, i32) {
    %c0_i32 = arith.constant 0 : i32
    %c0_i32_0 = arith.constant 0 : i32
    %c0_i32_1 = arith.constant 0 : i32
    return %c0_i32, %c0_i32_0 : i32, i32
  }
  func.func @transform_6(%arg0: i32, %arg1: i32) -> (i32, i32) {
    %c0_i32 = arith.constant 0 : i32
    %c0_i32_0 = arith.constant 0 : i32
    return %arg0, %c0_i32 : i32, i32
  }
}

module attributes {stable_mosaic.version = 14 : i64} {
  func.func @body(%arg0: i32, %arg1: i32, %arg2: memref<2000x128xf32, #tpu.memory_space<vmem>>, %arg3: memref<1x128x256xf32, #tpu.memory_space<vmem>>, %arg4: memref<2000x1xf32, #tpu.memory_space<vmem>>, %arg5: memref<2000x256xf32, #tpu.memory_space<vmem>>) attributes {dimension_semantics = [#tpu.dimension_semantics<arbitrary>, #tpu.dimension_semantics<arbitrary>], iteration_bounds = array<i64: 5, 4>, scalar_prefetch = 0 : i64, scratch_operands = 0 : i64, tpu.core_type = #tpu.core_type<tc>, window_params = [{transform_indices = @transform_0, window_bounds = array<i64: 2000, 128>}, {transform_indices = @transform_1, window_bounds = array<i64: 1, 128, 256>}, {transform_indices = @transform_2, window_bounds = array<i64: 2000, 1>}, {transform_indices = @transform_3, window_bounds = array<i64: 2000, 256>}]} {
    %get3A = arith.constant 0 : index
    %get3A_0 = arith.constant 0 : index
    %get3A_1 = vector.load %arg2[%get3A, %get3A_0] : memref<2000x128xf32, #tpu.memory_space<vmem>>, vector<2000x128xf32>
    %get3A_2 = arith.constant 0 : index
    %get3A_3 = arith.constant 0 : index
    %get3A_4 = arith.constant 0 : index
    %get3A_5 = vector.load %arg3[%get3A_2, %get3A_3, %get3A_4] : memref<1x128x256xf32, #tpu.memory_space<vmem>>, vector<1x128x256xf32>
    %get3A_6 = vector.shape_cast %get3A_5 : vector<1x128x256xf32> to vector<128x256xf32>
    %dot_general3A = arith.constant dense<0.000000e+00> : vector<2000x256xf32>
    %dot_general3A_7 = tpu.matmul %get3A_1, %get3A_6, %dot_general3A {dimension_numbers = #tpu.dot_dimension_numbers<[1], [0], [0], [1], [0, 0, 1, 1], [], []>, transpose_lhs_hint = false} : vector<2000x128xf32>, vector<128x256xf32>, vector<2000x256xf32> -> vector<2000x256xf32>
    %eq3A = arith.constant 0 : i32
    %eq3A_8 = arith.cmpi eq, %arg1, %eq3A : i32
    %convert_element_type3A = arith.extui %eq3A_8 : i1 to i32
    %cond3A = arith.constant 0 : i32
    %cond3A_9 = arith.cmpi ne, %convert_element_type3A, %cond3A : i32
    scf.if %cond3A_9 {
      %swap3A = arith.constant 0 : index
      %swap3A_19 = arith.constant 0 : index
      %swap3A_20 = vector.load %arg5[%swap3A, %swap3A_19] : memref<2000x256xf32, #tpu.memory_space<vmem>>, vector<2000x256xf32>
      tpu.vector_store %arg5[%swap3A, %swap3A_19], %dot_general3A_7 {strides = array<i32>} : memref<2000x256xf32, #tpu.memory_space<vmem>>, vector<2000x256xf32>,
    } else {
    }
    %gt3A = arith.constant 0 : i32
    %gt3A_10 = arith.cmpi sgt, %arg1, %gt3A : i32
    %convert_element_type3A_11 = arith.extui %gt3A_10 : i1 to i32
    %cond3A_12 = arith.constant 0 : i32
    %cond3A_13 = arith.cmpi ne, %convert_element_type3A_11, %cond3A_12 : i32
    scf.if %cond3A_13 {
      %get3A_19 = arith.constant 0 : index
      %get3A_20 = arith.constant 0 : index
      %get3A_21 = vector.load %arg5[%get3A_19, %get3A_20] : memref<2000x256xf32, #tpu.memory_space<vmem>>, vector<2000x256xf32>
      %add3A = arith.addf %get3A_21, %dot_general3A_7 : vector<2000x256xf32>
      %swap3A = arith.constant 0 : index
      %swap3A_22 = arith.constant 0 : index
      %swap3A_23 = vector.load %arg5[%swap3A, %swap3A_22] : memref<2000x256xf32, #tpu.memory_space<vmem>>, vector<2000x256xf32>
      tpu.vector_store %arg5[%swap3A, %swap3A_22], %add3A {strides = array<i32>} : memref<2000x256xf32, #tpu.memory_space<vmem>>, vector<2000x256xf32>,
    } else {
    }
    %eq3A_14 = arith.constant 3 : i32
    %eq3A_15 = arith.cmpi eq, %arg1, %eq3A_14 : i32
    %convert_element_type3A_16 = arith.extui %eq3A_15 : i1 to i32
    %cond3A_17 = arith.constant 0 : i32
    %cond3A_18 = arith.cmpi ne, %convert_element_type3A_16, %cond3A_17 : i32
    scf.if %cond3A_18 {
      %get3A_19 = arith.constant 0 : index
      %get3A_20 = arith.constant 0 : index
      %get3A_21 = vector.load %arg5[%get3A_19, %get3A_20] : memref<2000x256xf32, #tpu.memory_space<vmem>>, vector<2000x256xf32>
      %get3A_22 = arith.constant 0 : index
      %get3A_23 = arith.constant 0 : index
      %get3A_24 = vector.load %arg4[%get3A_22, %get3A_23] : memref<2000x1xf32, #tpu.memory_space<vmem>>, vector<2000x1xf32>
      %mul3A = vector.broadcast %get3A_24 : vector<2000x1xf32> to vector<2000x256xf32>
      %mul3A_25 = arith.mulf %get3A_21, %mul3A : vector<2000x256xf32>
      %swap3A = arith.constant 0 : index
      %swap3A_26 = arith.constant 0 : index
      %swap3A_27 = vector.load %arg5[%swap3A, %swap3A_26] : memref<2000x256xf32, #tpu.memory_space<vmem>>, vector<2000x256xf32>
      tpu.vector_store %arg5[%swap3A, %swap3A_26], %mul3A_25 {strides = array<i32>} : memref<2000x256xf32, #tpu.memory_space<vmem>>, vector<2000x256xf32>,
    } else {
    }
    return
  }
  func.func @transform_0(%arg0: i32, %arg1: i32) -> (i32, i32) {
    %c0_i32 = arith.constant 0 : i32
    return %arg0, %arg1 : i32, i32
  }
  func.func @transform_1(%arg0: i32, %arg1: i32) -> (i32, i32, i32) {
    %c0_i32 = arith.constant 0 : i32
    %c0_i32_0 = arith.constant 0 : i32
    %c0_i32_1 = arith.constant 0 : i32
    return %arg1, %c0_i32, %c0_i32_0 : i32, i32, i32
  }
  func.func @transform_2(%arg0: i32, %arg1: i32) -> (i32, i32) {
    %c0_i32 = arith.constant 0 : i32
    %c0_i32_0 = arith.constant 0 : i32
    return %arg0, %c0_i32 : i32, i32
  }
  func.func @transform_3(%arg0: i32, %arg1: i32) -> (i32, i32) {
    %c0_i32 = arith.constant 0 : i32
    %c0_i32_0 = arith.constant 0 : i32
    return %arg0, %c0_i32 : i32, i32
  }
}

module attributes {stable_mosaic.version = 14 : i64} {
  func.func @_final_body(%arg0: i32, %arg1: memref<2x2000x128xf32, #tpu.memory_space<vmem>>, %arg2: memref<2000x256xf32, #tpu.memory_space<vmem>>, %arg3: memref<2000x1xf32, #tpu.memory_space<vmem>>, %arg4: memref<1x256xf32, #tpu.memory_space<vmem>>, %arg5: memref<2000x256xf32, #tpu.memory_space<vmem>>) attributes {dimension_semantics = [#tpu.dimension_semantics<arbitrary>], iteration_bounds = array<i64: 5>, scalar_prefetch = 0 : i64, scratch_operands = 0 : i64, tpu.core_type = #tpu.core_type<tc>, window_params = [{transform_indices = @transform_0, window_bounds = array<i64: 2, 2000, 128>}, {transform_indices = @transform_1, window_bounds = array<i64: 2000, 256>}, {transform_indices = @transform_2, window_bounds = array<i64: 2000, 1>}, {pipeline_mode = #tpu.pipeline_mode<synchronous>, transform_indices = @transform_3, window_bounds = array<i64: 1, 256>}, {transform_indices = @transform_4, window_bounds = array<i64: 2000, 256>}]} {
    %get3A = arith.constant 0 : index
    %get3A_0 = arith.constant 0 : index
    %get3A_1 = arith.constant 0 : index
    %get3A_2 = vector.load %arg1[%get3A, %get3A_0, %get3A_1] : memref<2x2000x128xf32, #tpu.memory_space<vmem>>, vector<1x2000x128xf32>
    %get3A_3 = vector.shape_cast %get3A_2 : vector<1x2000x128xf32> to vector<2000x128xf32>
    %get3A_4 = arith.constant 1 : index
    %get3A_5 = arith.constant 0 : index
    %get3A_6 = arith.constant 0 : index
    %get3A_7 = vector.load %arg1[%get3A_4, %get3A_5, %get3A_6] : memref<2x2000x128xf32, #tpu.memory_space<vmem>>, vector<1x2000x128xf32>
    %get3A_8 = vector.shape_cast %get3A_7 : vector<1x2000x128xf32> to vector<2000x128xf32>
    %concatenate3A = tpu.concatenate %get3A_3, %get3A_8 in 1 : vector<2000x128xf32>, vector<2000x128xf32> -> vector<2000x256xf32>
    %get3A_9 = arith.constant 0 : index
    %get3A_10 = arith.constant 0 : index
    %get3A_11 = vector.load %arg2[%get3A_9, %get3A_10] : memref<2000x256xf32, #tpu.memory_space<vmem>>, vector<2000x256xf32>
    %add3A = arith.addf %concatenate3A, %get3A_11 : vector<2000x256xf32>
    %get3A_12 = arith.constant 0 : index
    %get3A_13 = arith.constant 0 : index
    %get3A_14 = vector.load %arg3[%get3A_12, %get3A_13] : memref<2000x1xf32, #tpu.memory_space<vmem>>, vector<2000x1xf32>
    %mul3A = vector.broadcast %get3A_14 : vector<2000x1xf32> to vector<2000x256xf32>
    %mul3A_15 = arith.mulf %add3A, %mul3A : vector<2000x256xf32>
    %get3A_16 = arith.constant 0 : index
    %get3A_17 = arith.constant 0 : index
    %get3A_18 = vector.load %arg4[%get3A_16, %get3A_17] : memref<1x256xf32, #tpu.memory_space<vmem>>, vector<1x256xf32>
    %add3A_19 = vector.broadcast %get3A_18 : vector<1x256xf32> to vector<2000x256xf32>
    %add3A_20 = arith.addf %mul3A_15, %add3A_19 : vector<2000x256xf32>
    %logistic3A = arith.negf %add3A_20 : vector<2000x256xf32>
    %logistic3A_21 = math.exp %logistic3A : vector<2000x256xf32>
    %logistic3A_22 = arith.constant 1.000000e+00 : f32
    %logistic3A_23 = vector.broadcast %logistic3A_22 : f32 to vector<2000x256xf32>
    %logistic3A_24 = arith.addf %logistic3A_23, %logistic3A_21 : vector<2000x256xf32>
    %logistic3A_25 = arith.divf %logistic3A_23, %logistic3A_24 : vector<2000x256xf32>
    %sub3A = arith.constant 5.000000e-01 : f32
    %sub3A_26 = vector.broadcast %sub3A : f32 to vector<2000x256xf32>
    %sub3A_27 = arith.subf %logistic3A_25, %sub3A_26 : vector<2000x256xf32>
    %mul3A_28 = arith.constant 2.000000e+00 : f32
    %mul3A_29 = vector.broadcast %mul3A_28 : f32 to vector<2000x256xf32>
    %mul3A_30 = arith.mulf %sub3A_27, %mul3A_29 : vector<2000x256xf32>
    %swap3A = arith.constant 0 : index
    %swap3A_31 = arith.constant 0 : index
    %swap3A_32 = vector.load %arg5[%swap3A, %swap3A_31] : memref<2000x256xf32, #tpu.memory_space<vmem>>, vector<2000x256xf32>
    tpu.vector_store %arg5[%swap3A, %swap3A_31], %mul3A_30 {strides = array<i32>} : memref<2000x256xf32, #tpu.memory_space<vmem>>, vector<2000x256xf32>,
    return
  }
  func.func @transform_0(%arg0: i32) -> (i32, i32, i32) {
    %c0_i32 = arith.constant 0 : i32
    %c0_i32_0 = arith.constant 0 : i32
    %c0_i32_1 = arith.constant 0 : i32
    return %c0_i32, %arg0, %c0_i32_0 : i32, i32, i32
  }
  func.func @transform_1(%arg0: i32) -> (i32, i32) {
    %c0_i32 = arith.constant 0 : i32
    %c0_i32_0 = arith.constant 0 : i32
    return %arg0, %c0_i32 : i32, i32
  }
  func.func @transform_2(%arg0: i32) -> (i32, i32) {
    %c0_i32 = arith.constant 0 : i32
    %c0_i32_0 = arith.constant 0 : i32
    return %arg0, %c0_i32 : i32, i32
  }
  func.func @transform_3(%arg0: i32) -> (i32, i32) {
    %c0_i32 = arith.constant 0 : i32
    %c0_i32_0 = arith.constant 0 : i32
    %c0_i32_1 = arith.constant 0 : i32
    return %c0_i32, %c0_i32_0 : i32, i32
  }
  func.func @transform_4(%arg0: i32) -> (i32, i32) {
    %c0_i32 = arith.constant 0 : i32
    %c0_i32_0 = arith.constant 0 : i32
    return %arg0, %c0_i32 : i32, i32
  }
}

</mosaic_0001>

<sc_bundles>
// kernel: kernel.11.cloned.1.call-start
scs
__scs_entry_jumppad:
0x0: {  	(pc) =	sbr.rel $0x88, $3  }
0x1: {  	(tag) =	ssettag $0x0;
	lr =	simm.s32 $0x1  }
0x2: {  	[smem:$0x3F96] =	sst lr;
	_ =	strace $0xD0000000  }
0x3: {  	_ = 	snop  }
0x4: {  	_ = 	snop  }
0x5: {  	_ = 	snop  }
0x6: {  	_ = 	snop  }
0x7: {  	_ = 	snop  }
__scs_overlays_trampoline_lowered:
0x8: {  	[smem:$0x3FA5] =	sst s0  }
0x9: {  	[smem:$0x3FA6] =	sst s1  }
0xa: {  	[smem:$0x3FA7] =	sst s2  }
0xb: {  	[smem:$0x3FA8] =	sst s3  }
0xc: {  	[smem:$0x3FA9] =	sst s4  }
0xd: {  	[smem:$0x3FAA] =	sst s5  }
0xe: {  	[smem:$0x3FAB] =	sst s6  }
0xf: {  	[smem:$0x3FAC] =	sst s7  }
0x10: {  	[smem:$0x3FAD] =	sst s8  }
0x11: {  	[smem:$0x3FAE] =	sst s9;
	s0 =	simm.s32 @!p0 $0x0  }
0x12: {  	s1 =	sld [smem:$0x3F94];
	s0 =	simm.s32 @p0 $0x1  }
0x13: {  	[smem:$0x3FAF] =	sst s0;
	s0 =	simm.s32 @!p1 $0x0  }
0x14: {  	s2 =	sld [smem:$0x3F93];
	s0 =	simm.s32 @p1 $0x1  }
0x15: {  	[smem:$0x3FB0] =	sst s0;
	s0 =	simm.s32 @!p2 $0x0  }
0x16: {  	s3 =	sld [smem:$0x3FDB];
	s0 =	simm.s32 @p2 $0x1  }
0x17: {  	s4 =	simm.s32 $0x1BF5;
	[smem:$0x3FB2] =	sst s0  }
0x18: {  	s0 =	sld [smem:$0x3F95];
	_ =	swait.ge [sflag:s4], $0x0  }
0x19: {  	s7 =	sld [smem:$0x3F96]  }
0x1a: {  	s8 =	sadd.s32 $0xFFFFE003, lr  }
0x1b: {  	s9 =	sadd.s32 $0xFFFFFEF7, lr;
	s5 =	simm.s32 $0xFFFFFFFF;
	p2 =	slt.u32 s8, $0xFFFFF086  }
0x1c: {  	p1 =	slt.u32 s9, $0xF7A;
	s5 =	simm.s32 @!p2 $0x0  }
0x1d: {  	s5 =	simm.s32 @p1 $0x1;
	p0 =	seq.s32 s7, s2  }
0x1e: {  	s7 =	smul.u32 @!p0 $0xF7A, s2;
	p2 =	seq.s32 @!p0 s5, $0x0  }
0x1f: {  	s9 =	smul.u32 $0xF7A, s1;
	s8 =	simm.s32 @!p0 $0x1BF5;
	p2 =	por !p2, p0  }
0x20: {  	[sflag:s8] =	ssyncset.s32 @!p0 $0xFFFFF086;
	s6 =	sadd.s32 @!p0 s3, s7;
	s7 =	simm.s32 @!p0 $0x108  }
0x21: {  	s3 =	sadd.s32 s3, s9;
	s6 =	sadd.s32 @!p0 $0x88, s6;
	s7 =	simm.s32 @p2 $0x1082  }
0x22: {  	[simem:s7], [sflag:s8] =	dma.local @!p0 [hbm:s6], $0xF7A  }
0x23: {  	s9 =	sor.u32 $0xD0000000, s2;
	s6 =	simm.s32 $0x108;
	_ =	swait.ge @!p0 [sflag:s8], $0x0  }
0x24: {  	s3 =	sadd.s32 $0x88, s3;
	s6 =	simm.s32 @!p1 $0x1082;
	[sflag:s4] =	ssyncset.s32 $0xFFFFF086  }
0x25: {  	[simem:s6], [sflag:s4] =	dma.local [hbm:s3], $0xF7A  }
0x26: {  	[smem:$0x3F96] =	sst s1;
	(tag) =	ssettag s2;
	_ =	strace s9  }
0x27: {  	s1 =	sld [smem:$0x3FA6]  }
0x28: {  	s2 =	sld [smem:$0x3FA7]  }
0x29: {  	s4 =	sld [smem:$0x3FA9]  }
0x2a: {  	p0 =	seq.s32 s5, $0x0;
	s5 =	sld [smem:$0x3FAA]  }
0x2b: {  	s6 =	sld [smem:$0x3FAB]  }
0x2c: {  	s7 =	sld [smem:$0x3FAC]  }
0x2d: {  	s3 =	simm.s32 $0x108;
	s8 =	sld [smem:$0x3FAD]  }
0x2e: {  	s3 =	simm.s32 @!p0 $0x1082;
	s9 =	sld [smem:$0x3FAE]  }
0x2f: {  	lr =	sadd.s32 s0, s3;
	s0 =	sld [smem:$0x3FA5]  }
0x30: {  	s3 =	sld [smem:$0x3FA8]  }
0x31: {  	[smem:$0x3FB1] =	sst s10  }
0x32: {  	s10 =	sld [smem:$0x3FAF];
	_ =	sdelay $0x3  }
0x33: {  	p0 =	seq.s32 s10, $0x1;
	s10 =	sld [smem:$0x3FB1];
	_ =	sdelay $0x3  }
0x34: {  	[smem:$0x3FB1] =	sst s10  }
0x35: {  	s10 =	sld [smem:$0x3FB0];
	_ =	sdelay $0x3  }
0x36: {  	p1 =	seq.s32 s10, $0x1;
	s10 =	sld [smem:$0x3FB1];
	_ =	sdelay $0x3  }
0x37: {  	[smem:$0x3FB1] =	sst s10  }
0x38: {  	s10 =	sld [smem:$0x3FB2]  }
0x39: {  	_ = 	snop;
	(pc) =	sbr.ind lr, $3  }
0x3a: {  	_ = 	snop  }
0x3b: {  	_ = 	snop  }
0x3c: {  	p2 =	seq.s32 s10, $0x1;
	s10 =	sld [smem:$0x3FB1]  }
0x3d: {  	_ =	shalt  }
0x3e: {  	_ =	shalt  }
0x3f: {  	_ =	shalt  }
0x40: {  	_ =	shalt  }
0x41: {  	_ =	shalt  }
0x42: {  	_ =	shalt  }
0x43: {  	_ =	shalt  }
0x44: {  	_ =	shalt  }
0x45: {  	_ =	shalt  }
0x46: {  	_ =	shalt  }
0x47: {  	_ =	shalt  }
0x48: {  	_ =	shalt  }
0x49: {  	_ =	shalt  }
0x4a: {  	_ =	shalt  }
0x4b: {  	_ =	shalt  }
0x4c: {  	_ =	shalt  }
0x4d: {  	_ =	shalt  }
0x4e: {  	_ =	shalt  }
0x4f: {  	_ =	shalt  }
0x50: {  	_ =	shalt  }
0x51: {  	_ =	shalt  }
0x52: {  	_ =	shalt  }
0x53: {  	_ =	shalt  }
0x54: {  	_ =	shalt  }
0x55: {  	_ =	shalt  }
0x56: {  	_ =	shalt  }
0x57: {  	_ =	shalt  }
0x58: {  	_ =	shalt  }
0x59: {  	_ =	shalt  }
0x5a: {  	_ =	shalt  }
0x5b: {  	_ =	shalt  }
0x5c: {  	_ =	shalt  }
0x5d: {  	_ =	shalt  }
0x5e: {  	_ =	shalt  }
0x5f: {  	_ =	shalt  }
0x60: {  	_ =	shalt  }
0x61: {  	_ =	shalt  }
0x62: {  	_ =	shalt  }
0x63: {  	_ =	shalt  }
0x64: {  	_ =	shalt  }
0x65: {  	_ =	shalt  }
0x66: {  	_ =	shalt  }
0x67: {  	_ =	shalt  }
0x68: {  	_ =	shalt  }
0x69: {  	_ =	shalt  }
0x6a: {  	_ =	shalt  }
0x6b: {  	_ =	shalt  }
0x6c: {  	_ =	shalt  }
0x6d: {  	_ =	shalt  }
0x6e: {  	_ =	shalt  }
0x6f: {  	_ =	shalt  }
0x70: {  	_ =	shalt  }
0x71: {  	_ =	shalt  }
0x72: {  	_ =	shalt  }
0x73: {  	_ =	shalt  }
0x74: {  	_ =	shalt  }
0x75: {  	_ =	shalt  }
0x76: {  	_ =	shalt  }
0x77: {  	_ =	shalt  }
0x78: {  	_ =	shalt  }
0x79: {  	_ =	shalt  }
0x7a: {  	_ =	shalt  }
0x7b: {  	_ =	shalt  }
0x7c: {  	_ =	shalt  }
0x7d: {  	_ =	shalt  }
0x7e: {  	_ =	shalt  }
0x7f: {  	_ =	shalt  }
0x80: {  	_ =	shalt  }
0x81: {  	_ =	shalt  }
0x82: {  	_ =	shalt  }
0x83: {  	_ =	shalt  }
0x84: {  	_ =	shalt  }
0x85: {  	_ =	shalt  }
0x86: {  	_ =	shalt  }
0x87: {  	_ =	shalt  }
.Lfunc_end0:
.L_simem_size_0:
called_computation_lowered:
.L_overlay_start_0:
0x88: {  	s2 =	sld [smem:$0x3FD9]  }
0x89: {  	s3 =	sld [smem:$0x3FFE];
	_ =	sdelay $0x1  }
0x8a: {  	s1 =	srdreg.scid  }
0x8b: {  	s0 =	sand.u32 $0x1, s1  }
0x8c: {  	s17 =	sshll.u32 s0, $0xA;
	s2 =	sadd.s32 s3, s2  }
0x8d: {  	s2 =	sadd.s32 s2, s17  }
0x8e: {  	[smem:$0x3FBD] =	sst s2  }
0x8f: {  	_ = 	snop  }
0x90: {  	s2 =	sld [smem:$0x3FD0];
	(tm) =	ssettm $0x1  }
0x91: {  	s18 =	sld [smem:$0x3FFB];
	_ =	sdelay $0x3  }
0x92: {  	_ =	strace s18  }
0x93: {  	s3 =	sld [smem:$0x3FFC];
	_ =	sdelay $0x3  }
0x94: {  	_ =	strace s3  }
0x95: {  	s3 =	sld [smem:$0x3FFD];
	_ =	sdelay $0x3  }
0x96: {  	_ =	strace s3  }
0x97: {  	_ =	strace $0x8FFFFFFF  }
0x98: {  	s19 =	sld [smem:$0x3FDB];
	_ =	sdelay $0x1  }
0x99: {  	s4 =	simm.s32 $_scs_section_size  }
0x9a: {  	s5 =	simm.s32 $_size__tile_overlayer_lowered;
	s6 =	simm.s32 $_tile_overlayer_lowered  }
0x9b: {  	s22 =	simm.s32 $0x1BFF;
	s21 =	sshll.u32 s6, $0x1;
	s3 =	sadd.s32 s4, s19  }
0x9c: {  	s7 =	simm.s32 $0x0;
	s20 =	sshll.u32 s5, $0x1;
	s5 =	sadd.s32 s21, s3  }
0x9d: {  	[timem:s7], [sflag:s22] =	dma.local [hbm:s5], s20  }
0x9e: {  	_ =	swait.ge [sflag:s22], s20  }
0x9f: {  	s4 =	ssub.s32 $0x0, s20;
	[sflag:s22] =	ssyncset.done $0x0  }
0xa0: {  	[sflag:s22] =	ssyncadd.s32 s4;
	_ =	sdelay $0x1  }
0xa1: {  	s23 =	simm.s32 $0x1B8B  }
0xa2: {  	_ =	swait.ge [sflag:s23], $0x1  }
0xa3: {  	[sflag:s23] =	ssyncset.done $0x0  }
0xa4: {  	s25 =	simm.s32 $0x1B8E;
	s24 =	sld [smem:$0x3FFE];
	[sflag:s23] =	ssyncadd.s32 $0xFFFFFFFF  }
0xa5: {  	s26 =	simm.s32 $execute0_lowered;
	[smem:$0x3FD2] =	sst s25  }
0xa6: {  	s5 =	sshll.u32 s26, $0x1;
	_ =	strace $0x80000046;
	[dreg:$0x1] =	wrdreg $0xFFFFFFFF  }
0xa7: {  	s28 =	simm.s32 $_size_execute0_lowered;
	s3 =	sadd.s32 s3, s5;
	[dreg:$0x0] =	wrdreg $0x0  }
0xa8: {  	s5 =	sshll.u32 s28, $0x1;
	[dreg:$0x2] =	wrdreg s3  }
0xa9: {  	[dreg:$0x3] =	wrdreg s5  }
0xaa: {  	[dreg:$0x4] =	wrdreg $0xC0  }
0xab: {  	_ =	task [dreg:s7], $0x5FFFF  }
0xac: {  	[dreg:$0x1] =	wrdreg $0xFFFFFFFF  }
0xad: {  	[dreg:$0x0] =	wrdreg $0x60  }
0xae: {  	[dreg:$0x2] =	wrdreg s24  }
0xaf: {  	[dreg:$0x3] =	wrdreg s2  }
0xb0: {  	[dreg:$0x4] =	wrdreg $0x9  }
0xb1: {  	_ =	task.clear_ibuf [dreg:s7], $0x5FFFF;
	_ =	strace $0x90000046  }
0xb2: {  	s29 =	simm.s32 $0x9;
	_ =	strace $0x80000048  }
0xb3: {  	_ =	swait.ge [sflag:s29], $0x1  }
0xb4: {  	[sflag:s29] =	ssyncadd.s32 $0xFFFFFFFF  }
0xb5: {  	_ =	strace $0x90000048  }
0xb6: {  	_ =	sfence  }
0xb7: {  	s30 =	sld [smem:$0x0];
	_ =	sdelay $0x2  }
0xb8: {  	s31 =	sshll.u32 s1, $0xD;
	s1 =	sshrl.u32 s1, $0x2  }
0xb9: {  	s3 =	sand.u32 $0x4000, s31;
	s1 =	sadd.s32 s1, s30  }
0xba: {  	s0 =	sor.u32 s3, s0;
	s1 =	sshll.u32 s1, $0x11  }
0xbb: {  	s0 =	sor.u32 s1, s0  }
0xbc: {  	s0 =	sadd.s32 $0x8F2B, s0  }
0xbd: {  	[sflag:s0] =	ssyncadd.remote.s32 $0x1  }
0xbe: {  	_ =	sfence.sel $0xFFFF  }
0xbf: {  	[dreg:$0x0] =	wrdreg $0xFFFFFFFF;
	(pc) =	sbr.abs _section_cstart, $3  }
0xc0: {  	[dreg:$0x1] =	wrdreg $0xFFFFFFFF  }
0xc1: {  	_ =	task.clear_ibuf [dreg:s7], $0x2FFFF;
	_ =	strace $0x9FFFFFFF  }
0xc2: {  	(tm) =	ssettm $0x7FFFFFFF  }
0xc3: {  	_ =	shalt  }
tec
execute0_lowered:
.L_overlay_start_1:
0x0: {  	(tag) =	ssettag $0x1  }
0x1: {  	s1 =	srdreg.scid  }
0x2: {  	s0 =	stileid.u32;
	s3 =	rddreg [dreg:$0x0]  }
0x3: {  	s6 =	rddreg [dreg:$0x1];
	s2 =	simm.s32 $0x0;
	s11 =	simm.s32 $0x2800  }
0x4: {  	s12 =	simm.s32 $0x3C00;
	s4 =	sand.u32 $0x1, s1;
	s30 =	sshll.u32 s0, $0x1  }
0x5: {  	s13 =	simm.s32 $0x6310;
	s14 =	simm.s32 $0x0;
	s5 =	sor.u32 s4, s30  }
0x6: {  	s1 =	rddreg [dreg:$0x2];
	s4 =	ssub.s32 $0x2, s4;
	s7 =	smul.u32 $0x280, s5  }
0x7: {  	[smem:$0x7FF] =	sst s2;
	s8 =	smul.u32 $0x4E2, s5;
	s31 =	sshrl.u32 s4, $0x1  }
0x8: {  	_ =	strace $0x80000047;
	s10 =	ssub.s32 s4, s31;
	s7 =	sadd.s32 s7, s3  }
0x9: {  	s9 =	sadd.s32 s8, s3;
	s6 =	sadd.s32 s6, s8;
	s8 =	smax.u32 s10, $0x1  }
0xa: {  	s10 =	simm.s32 $0x1400;
	s3 =	sadd.s32 $0xC000, s7;
	s4 =	sadd.s32 $0x2000, s7  }
0xb: {  	v0 =	vimm.f32 $0.0e+00;
	s5 =	sadd.s32 $0x7000, s7;
	s7 =	sadd.s32 $0x11000, s9;
	s9 =	simm.s32 $0x1  }
.LBB2_1:
0xc: {  	[tilespmem:s2], [sflag:$0x1] =	stream.linear.gather [hbm4b:s3+s2], $0x1400, $0x38;
	[tilespmem:$0x8A20] =	vst v63  }
0xd: {  	_ =	swait.ge [sflag:s9], $0x1400  }
0xe: {  	[sflag:s9] =	ssyncset.done $0x0  }
0xf: {  	[sflag:s9] =	ssyncadd.s32 $0xFFFFEC00  }
0x10: {  	[tilespmem:s10], [sflag:$0x1] =	stream.linear.gather [hbm4b:s4+s2], $0x1400, $0x38;
	[tilespmem:$0x8A20] =	vst v63  }
0x11: {  	_ =	swait.ge [sflag:s9], $0x1400  }
0x12: {  	[sflag:s9] =	ssyncset.done $0x0  }
0x13: {  	[sflag:s9] =	ssyncadd.s32 $0xFFFFEC00  }
0x14: {  	[tilespmem:s11], [sflag:$0x1] =	stream.linear.gather [hbm4b:s5+s2], $0x1400, $0x38;
	[tilespmem:$0x8A20] =	vst v63  }
0x15: {  	_ =	swait.ge [sflag:s9], $0x1400  }
0x16: {  	[sflag:s9] =	ssyncset.done $0x0  }
0x17: {  	s15 =	simm.s32 $0x0;
	[sflag:s9] =	ssyncadd.s32 $0xFFFFEC00  }
.LBB2_2:
0x18: {  	p0 =	sne.s32 s15, $0x9C00  }
.Ltmp0:
0x19: {  	_ = 	snop;
	(pc) =	sbr.rel @p0 .LBB2_2-.Ltmp0, $4  }
0x1a: {  	_ = 	snop  }
0x1b: {  	s16 =	sshra.s32 s15, $0x2  }
0x1c: {  	[tilespmem:s16+$0x3C00] =	vst v0  }
0x1d: {  	s15 =	sadd.s32 $0x40, s15;
	[tilespmem:s16+$0x6310] =	vst v0  }
0x1e: {  	s17 =	simm.s32 $0x0  }
0x1f: {  	v1 =	vld [tilespmem:s17+$0x0];
	_ =	sdelay $0x2  }
0x20: {  	v2 =	vld [tilespmem:s17+$0x1400];
	_ =	sdelay $0x4  }
0x21: {  	[tilespmem:v1+s12+$0x0] =	vst.idx.add.f32.msk $0xffff, v2  }
0x22: {  	s15 =	simm.s32 $0x40;
	s16 =	simm.s32 $0x80;
	v2 =	vld [tilespmem:s17+$0x2800]  }
.LBB2_4:
0x23: {  	_ =	sdelay $0x2  }
0x24: {  	p0 =	sne.s32 s16, $0x4FC0  }
0x25: {  	s17 =	sshra.s32 s15, $0x2;
	s15 =	smov.u32 s16;
	s16 =	sadd.s32 $0x40, s16;
	[tilespmem:v1+s13+$0x0] =	vst.idx.add.f32.msk $0xffff, v2  }
0x26: {  	v1 =	vld [tilespmem:s17+$0x0];
	_ =	sdelay $0x2  }
0x27: {  	v2 =	vld [tilespmem:s17+$0x1400];
	_ =	sdelay $0x1  }
.Ltmp1:
0x28: {  	(pc) =	sbr.rel @p0 .LBB2_4-.Ltmp1, $3  }
0x29: {  	_ =	sdelay $0x1  }
0x2a: {  	[tilespmem:v1+s12+$0x0] =	vst.idx.add.f32.msk $0xffff, v2  }
0x2b: {  	v2 =	vld [tilespmem:s17+$0x2800]  }
0x2c: {  	_ =	sdelay $0x3  }
0x2d: {  	s15 =	sshra.s32 s15, $0x2;
	[tilespmem:v1+s13+$0x0] =	vst.idx.add.f32.msk $0xffff, v2  }
0x2e: {  	v1 =	vld [tilespmem:s15+$0x0];
	_ =	sdelay $0x2  }
0x2f: {  	v2 =	vld [tilespmem:s15+$0x1400];
	_ =	sdelay $0x4  }
0x30: {  	[tilespmem:v1+s12+$0x0] =	vst.idx.add.f32.msk $0xffff, v2  }
0x31: {  	v2 =	vld [tilespmem:s15+$0x2800];
	_ =	sdelay $0x4  }
0x32: {  	[tilespmem:v1+s13+$0x0] =	vst.idx.add.f32.msk $0xffff, v2  }
0x33: {  	[hbm4b:s6+s2] =	stream.linear.scatter [tilespmem:s12], [sflag:$0x1], $0x2710, $0x38;
	[tilespmem:$0x8A20] =	vst v63  }
0x34: {  	s14 =	sadd.s32 $0x1, s14;
	_ =	swait.ge [sflag:s9], $0x2710  }
0x35: {  	p0 =	sne.s32 s14, s8;
	[sflag:s9] =	ssyncset.done $0x0  }
.Ltmp2:
0x36: {  	[sflag:s9] =	ssyncadd.s32 $0xFFFFD8F0;
	(pc) =	sbr.rel @p0 .LBB2_1-.Ltmp2, $4  }
0x37: {  	[hbm4b:s7+s2] =	stream.linear.scatter [tilespmem:s13], [sflag:$0x1], $0x2710, $0x38;
	[tilespmem:$0x8A20] =	vst v63  }
0x38: {  	_ =	swait.ge [sflag:s9], $0x2710  }
0x39: {  	[sflag:s9] =	ssyncset.done $0x0  }
0x3a: {  	[sflag:s9] =	ssyncadd.s32 $0xFFFFD8F0  }
0x3b: {  	_ =	sfence.sel $0x180000  }
0x3c: {  	[bflag:$0x0] =	sbarrier.arrive $0xFFFF  }
0x3d: {  	p0 =	sne.s32 s0, $0x0;
	_ =	strace $0x90000047  }
0x3e: {  	s0 =	sadd.s32 @!p0 $0x100000, s1;
	[bflag:$0x2] =	sbarrier.arrive $0xFFFF  }
0x3f: {  	[sflag:s0] =	ssyncadd.tile.s32 @!p0 $0x1;
	_ =	shalt  }
.Lfunc_end2:
_tile_overlayer_lowered:
.L_overlay_start_2:
0x40: {  	(tag) =	ssettag $0x2  }
0x41: {  	s0 =	rddreg [dreg:$0x0];
	s2 =	stileid.u32  }
0x42: {  	s1 =	rddreg [dreg:$0x1];
	p0 =	sne.s32 s2, $0x0  }
0x43: {  	s3 =	rddreg [dreg:$0x2];
	[bflag:$0x3] =	sbarrier.arrive $0xFFFF;
	s2 =	simm.s32 @!p0 $0x1C01  }
0x44: {  	[timem:s3], [sflag:s2] =	dma.local @!p0 [hbm:s0], s1  }
0x45: {  	s0 =	simm.s32 @!p0 $0x1  }
0x46: {  	_ =	swait.ge @!p0 [sflag:s0], s1  }
0x47: {  	s1 =	ssub.s32 @!p0 $0x0, s1;
	[sflag:s0] =	ssyncset.done @!p0 $0x0  }
0x48: {  	[sflag:s0] =	ssyncadd.s32 @!p0 s1  }
0x49: {  	[bflag:$0x3] =	sbarrier.arrive $0xFFFF  }
0x4a: {  	_ =	shalt  }

// kernel: kernel.14.cloned.1.call-start
scs
__scs_entry_jumppad:
0x0: {  	(pc) =	sbr.rel $0x88, $3  }
0x1: {  	(tag) =	ssettag $0x0;
	lr =	simm.s32 $0x1  }
0x2: {  	[smem:$0x3F96] =	sst lr;
	_ =	strace $0xD0000000  }
0x3: {  	_ = 	snop  }
0x4: {  	_ = 	snop  }
0x5: {  	_ = 	snop  }
0x6: {  	_ = 	snop  }
0x7: {  	_ = 	snop  }
__scs_overlays_trampoline_lowered:
0x8: {  	[smem:$0x3FA5] =	sst s0  }
0x9: {  	[smem:$0x3FA6] =	sst s1  }
0xa: {  	[smem:$0x3FA7] =	sst s2  }
0xb: {  	[smem:$0x3FA8] =	sst s3  }
0xc: {  	[smem:$0x3FA9] =	sst s4  }
0xd: {  	[smem:$0x3FAA] =	sst s5  }
0xe: {  	[smem:$0x3FAB] =	sst s6  }
0xf: {  	[smem:$0x3FAC] =	sst s7  }
0x10: {  	[smem:$0x3FAD] =	sst s8  }
0x11: {  	[smem:$0x3FAE] =	sst s9;
	s0 =	simm.s32 @!p0 $0x0  }
0x12: {  	s1 =	sld [smem:$0x3F94];
	s0 =	simm.s32 @p0 $0x1  }
0x13: {  	[smem:$0x3FAF] =	sst s0;
	s0 =	simm.s32 @!p1 $0x0  }
0x14: {  	s2 =	sld [smem:$0x3F93];
	s0 =	simm.s32 @p1 $0x1  }
0x15: {  	[smem:$0x3FB0] =	sst s0;
	s0 =	simm.s32 @!p2 $0x0  }
0x16: {  	s3 =	sld [smem:$0x3FDB];
	s0 =	simm.s32 @p2 $0x1  }
0x17: {  	s4 =	simm.s32 $0x1BF5;
	[smem:$0x3FB2] =	sst s0  }
0x18: {  	s0 =	sld [smem:$0x3F95];
	_ =	swait.ge [sflag:s4], $0x0  }
0x19: {  	s7 =	sld [smem:$0x3F96]  }
0x1a: {  	s8 =	sadd.s32 $0xFFFFE003, lr  }
0x1b: {  	s9 =	sadd.s32 $0xFFFFFEF7, lr;
	s5 =	simm.s32 $0xFFFFFFFF;
	p2 =	slt.u32 s8, $0xFFFFF086  }
0x1c: {  	p1 =	slt.u32 s9, $0xF7A;
	s5 =	simm.s32 @!p2 $0x0  }
0x1d: {  	s5 =	simm.s32 @p1 $0x1;
	p0 =	seq.s32 s7, s2  }
0x1e: {  	s7 =	smul.u32 @!p0 $0xF7A, s2;
	p2 =	seq.s32 @!p0 s5, $0x0  }
0x1f: {  	s9 =	smul.u32 $0xF7A, s1;
	s8 =	simm.s32 @!p0 $0x1BF5;
	p2 =	por !p2, p0  }
0x20: {  	[sflag:s8] =	ssyncset.s32 @!p0 $0xFFFFF086;
	s6 =	sadd.s32 @!p0 s3, s7;
	s7 =	simm.s32 @!p0 $0x108  }
0x21: {  	s3 =	sadd.s32 s3, s9;
	s6 =	sadd.s32 @!p0 $0x88, s6;
	s7 =	simm.s32 @p2 $0x1082  }
0x22: {  	[simem:s7], [sflag:s8] =	dma.local @!p0 [hbm:s6], $0xF7A  }
0x23: {  	s9 =	sor.u32 $0xD0000000, s2;
	s6 =	simm.s32 $0x108;
	_ =	swait.ge @!p0 [sflag:s8], $0x0  }
0x24: {  	s3 =	sadd.s32 $0x88, s3;
	s6 =	simm.s32 @!p1 $0x1082;
	[sflag:s4] =	ssyncset.s32 $0xFFFFF086  }
0x25: {  	[simem:s6], [sflag:s4] =	dma.local [hbm:s3], $0xF7A  }
0x26: {  	[smem:$0x3F96] =	sst s1;
	(tag) =	ssettag s2;
	_ =	strace s9  }
0x27: {  	s1 =	sld [smem:$0x3FA6]  }
0x28: {  	s2 =	sld [smem:$0x3FA7]  }
0x29: {  	s4 =	sld [smem:$0x3FA9]  }
0x2a: {  	p0 =	seq.s32 s5, $0x0;
	s5 =	sld [smem:$0x3FAA]  }
0x2b: {  	s6 =	sld [smem:$0x3FAB]  }
0x2c: {  	s7 =	sld [smem:$0x3FAC]  }
0x2d: {  	s3 =	simm.s32 $0x108;
	s8 =	sld [smem:$0x3FAD]  }
0x2e: {  	s3 =	simm.s32 @!p0 $0x1082;
	s9 =	sld [smem:$0x3FAE]  }
0x2f: {  	lr =	sadd.s32 s0, s3;
	s0 =	sld [smem:$0x3FA5]  }
0x30: {  	s3 =	sld [smem:$0x3FA8]  }
0x31: {  	[smem:$0x3FB1] =	sst s10  }
0x32: {  	s10 =	sld [smem:$0x3FAF];
	_ =	sdelay $0x3  }
0x33: {  	p0 =	seq.s32 s10, $0x1;
	s10 =	sld [smem:$0x3FB1];
	_ =	sdelay $0x3  }
0x34: {  	[smem:$0x3FB1] =	sst s10  }
0x35: {  	s10 =	sld [smem:$0x3FB0];
	_ =	sdelay $0x3  }
0x36: {  	p1 =	seq.s32 s10, $0x1;
	s10 =	sld [smem:$0x3FB1];
	_ =	sdelay $0x3  }
0x37: {  	[smem:$0x3FB1] =	sst s10  }
0x38: {  	s10 =	sld [smem:$0x3FB2]  }
0x39: {  	_ = 	snop;
	(pc) =	sbr.ind lr, $3  }
0x3a: {  	_ = 	snop  }
0x3b: {  	_ = 	snop  }
0x3c: {  	p2 =	seq.s32 s10, $0x1;
	s10 =	sld [smem:$0x3FB1]  }
0x3d: {  	_ =	shalt  }
0x3e: {  	_ =	shalt  }
0x3f: {  	_ =	shalt  }
0x40: {  	_ =	shalt  }
0x41: {  	_ =	shalt  }
0x42: {  	_ =	shalt  }
0x43: {  	_ =	shalt  }
0x44: {  	_ =	shalt  }
0x45: {  	_ =	shalt  }
0x46: {  	_ =	shalt  }
0x47: {  	_ =	shalt  }
0x48: {  	_ =	shalt  }
0x49: {  	_ =	shalt  }
0x4a: {  	_ =	shalt  }
0x4b: {  	_ =	shalt  }
0x4c: {  	_ =	shalt  }
0x4d: {  	_ =	shalt  }
0x4e: {  	_ =	shalt  }
0x4f: {  	_ =	shalt  }
0x50: {  	_ =	shalt  }
0x51: {  	_ =	shalt  }
0x52: {  	_ =	shalt  }
0x53: {  	_ =	shalt  }
0x54: {  	_ =	shalt  }
0x55: {  	_ =	shalt  }
0x56: {  	_ =	shalt  }
0x57: {  	_ =	shalt  }
0x58: {  	_ =	shalt  }
0x59: {  	_ =	shalt  }
0x5a: {  	_ =	shalt  }
0x5b: {  	_ =	shalt  }
0x5c: {  	_ =	shalt  }
0x5d: {  	_ =	shalt  }
0x5e: {  	_ =	shalt  }
0x5f: {  	_ =	shalt  }
0x60: {  	_ =	shalt  }
0x61: {  	_ =	shalt  }
0x62: {  	_ =	shalt  }
0x63: {  	_ =	shalt  }
0x64: {  	_ =	shalt  }
0x65: {  	_ =	shalt  }
0x66: {  	_ =	shalt  }
0x67: {  	_ =	shalt  }
0x68: {  	_ =	shalt  }
0x69: {  	_ =	shalt  }
0x6a: {  	_ =	shalt  }
0x6b: {  	_ =	shalt  }
0x6c: {  	_ =	shalt  }
0x6d: {  	_ =	shalt  }
0x6e: {  	_ =	shalt  }
0x6f: {  	_ =	shalt  }
0x70: {  	_ =	shalt  }
0x71: {  	_ =	shalt  }
0x72: {  	_ =	shalt  }
0x73: {  	_ =	shalt  }
0x74: {  	_ =	shalt  }
0x75: {  	_ =	shalt  }
0x76: {  	_ =	shalt  }
0x77: {  	_ =	shalt  }
0x78: {  	_ =	shalt  }
0x79: {  	_ =	shalt  }
0x7a: {  	_ =	shalt  }
0x7b: {  	_ =	shalt  }
0x7c: {  	_ =	shalt  }
0x7d: {  	_ =	shalt  }
0x7e: {  	_ =	shalt  }
0x7f: {  	_ =	shalt  }
0x80: {  	_ =	shalt  }
0x81: {  	_ =	shalt  }
0x82: {  	_ =	shalt  }
0x83: {  	_ =	shalt  }
0x84: {  	_ =	shalt  }
0x85: {  	_ =	shalt  }
0x86: {  	_ =	shalt  }
0x87: {  	_ =	shalt  }
.Lfunc_end0:
.L_simem_size_0:
called_computation.1_lowered:
.L_overlay_start_0:
0x88: {  	s2 =	sld [smem:$0x3FD9]  }
0x89: {  	s3 =	sld [smem:$0x3FFE];
	_ =	sdelay $0x1  }
0x8a: {  	s1 =	srdreg.scid  }
0x8b: {  	s0 =	sand.u32 $0x1, s1  }
0x8c: {  	s16 =	sshll.u32 s0, $0xA;
	s2 =	sadd.s32 s3, s2  }
0x8d: {  	s2 =	sadd.s32 s2, s16  }
0x8e: {  	[smem:$0x3FBD] =	sst s2  }
0x8f: {  	_ = 	snop  }
0x90: {  	(tm) =	ssettm $0x1  }
0x91: {  	s17 =	sld [smem:$0x3FFB];
	_ =	sdelay $0x3  }
0x92: {  	_ =	strace s17  }
0x93: {  	s2 =	sld [smem:$0x3FFC];
	_ =	sdelay $0x3  }
0x94: {  	_ =	strace s2  }
0x95: {  	s2 =	sld [smem:$0x3FFD];
	_ =	sdelay $0x3  }
0x96: {  	_ =	strace s2  }
0x97: {  	_ =	strace $0x8FFFFFFF  }
0x98: {  	s18 =	sld [smem:$0x3FDB];
	_ =	sdelay $0x1  }
0x99: {  	s19 =	simm.s32 $_scs_section_size  }
0x9a: {  	s4 =	simm.s32 $_size__tile_overlayer_lowered;
	s5 =	simm.s32 $_tile_overlayer_lowered  }
0x9b: {  	s22 =	simm.s32 $0x1BFF;
	s21 =	sshll.u32 s5, $0x1;
	s2 =	sadd.s32 s19, s18  }
0x9c: {  	s6 =	simm.s32 $0x0;
	s20 =	sshll.u32 s4, $0x1;
	s4 =	sadd.s32 s21, s2  }
0x9d: {  	[timem:s6], [sflag:s22] =	dma.local [hbm:s4], s20  }
0x9e: {  	_ =	swait.ge [sflag:s22], s20  }
0x9f: {  	s3 =	ssub.s32 $0x0, s20;
	[sflag:s22] =	ssyncset.done $0x0  }
0xa0: {  	[sflag:s22] =	ssyncadd.s32 s3;
	_ =	sdelay $0x1  }
0xa1: {  	s23 =	simm.s32 $0x1B8B  }
0xa2: {  	_ =	swait.ge [sflag:s23], $0x1  }
0xa3: {  	[sflag:s23] =	ssyncset.done $0x0  }
0xa4: {  	s25 =	simm.s32 $0x1B8E;
	s24 =	sld [smem:$0x3FFE];
	[sflag:s23] =	ssyncadd.s32 $0xFFFFFFFF  }
0xa5: {  	s26 =	simm.s32 $execute0_lowered;
	[smem:$0x3FD2] =	sst s25  }
0xa6: {  	s4 =	sshll.u32 s26, $0x1;
	_ =	strace $0x80000049;
	[dreg:$0x1] =	wrdreg $0xFFFFFFFF  }
0xa7: {  	s28 =	simm.s32 $_size_execute0_lowered;
	s2 =	sadd.s32 s2, s4;
	[dreg:$0x0] =	wrdreg $0x0  }
0xa8: {  	s4 =	sshll.u32 s28, $0x1;
	[dreg:$0x2] =	wrdreg s2  }
0xa9: {  	[dreg:$0x3] =	wrdreg s4  }
0xaa: {  	[dreg:$0x4] =	wrdreg $0xC0  }
0xab: {  	_ =	task [dreg:s6], $0x5FFFF  }
0xac: {  	[dreg:$0x1] =	wrdreg $0xFFFFFFFF  }
0xad: {  	[dreg:$0x0] =	wrdreg $0x60  }
0xae: {  	[dreg:$0x2] =	wrdreg s24  }
0xaf: {  	[dreg:$0x3] =	wrdreg $0xB8000  }
0xb0: {  	[dreg:$0x4] =	wrdreg $0x9  }
0xb1: {  	_ =	task.clear_ibuf [dreg:s6], $0x5FFFF;
	_ =	strace $0x90000049  }
0xb2: {  	s29 =	simm.s32 $0x9;
	_ =	strace $0x8000004B  }
0xb3: {  	_ =	swait.ge [sflag:s29], $0x1  }
0xb4: {  	[sflag:s29] =	ssyncadd.s32 $0xFFFFFFFF  }
0xb5: {  	_ =	strace $0x9000004B  }
0xb6: {  	_ =	sfence  }
0xb7: {  	s30 =	sld [smem:$0x0];
	_ =	sdelay $0x2  }
0xb8: {  	s31 =	sshll.u32 s1, $0xD;
	s1 =	sshrl.u32 s1, $0x2  }
0xb9: {  	s3 =	sand.u32 $0x4000, s31;
	s1 =	sadd.s32 s1, s30  }
0xba: {  	s0 =	sor.u32 s3, s0;
	s1 =	sshll.u32 s1, $0x11  }
0xbb: {  	s0 =	sor.u32 s1, s0  }
0xbc: {  	s0 =	sadd.s32 $0x8F2B, s0  }
0xbd: {  	[sflag:s0] =	ssyncadd.remote.s32 $0x1  }
0xbe: {  	_ =	sfence.sel $0xFFFF  }
0xbf: {  	[dreg:$0x0] =	wrdreg $0xFFFFFFFF;
	(pc) =	sbr.abs _section_cstart, $3  }
0xc0: {  	[dreg:$0x1] =	wrdreg $0xFFFFFFFF  }
0xc1: {  	_ =	task.clear_ibuf [dreg:s6], $0x2FFFF;
	_ =	strace $0x9FFFFFFF  }
0xc2: {  	(tm) =	ssettm $0x7FFFFFFF  }
0xc3: {  	_ =	shalt  }
tec
execute0_lowered:
.L_overlay_start_1:
0x0: {  	(tag) =	ssettag $0x1  }
0x1: {  	s0 =	rddreg [dreg:$0x0]  }
0x2: {  	s2 =	rddreg [dreg:$0x1]  }
0x3: {  	s7 =	stileid.u32;
	s3 =	srdreg.scid;
	s4 =	simm.s32 $0x0  }
0x4: {  	s28 =	simm.s32 $0x2;
	s29 =	simm.s32 $0x3;
	s1 =	smul.u32 $0x500, s7  }
0x5: {  	s30 =	simm.s32 $0x4;
	s31 =	simm.s32 $0x0;
	s5 =	smul.u32 $0x2710, s7  }
0x6: {  	s3 =	sand.u32 $0x1, s3;
	[smem:$0x7FF] =	sst s4;
	s7 =	smul.u32 $0x4E200, s7  }
0x7: {  	s4 =	sadd.s32 $0x1FE00, s0;
	s6 =	smul.u32 $0x27100, s3;
	s20 =	ssub.s32 $0x2, s3  }
0x8: {  	_ =	strace $0x8000004A;
	s1 =	sadd.s32 s1, s0;
	s21 =	sshrl.u32 s20, $0x1  }
0x9: {  	s7 =	sshrl.u32 s7, $0x2;
	s5 =	sadd.s32 s5, s6;
	s22 =	sadd.s32 $0xC000, s1  }
0xa: {  	s6 =	sadd.s32 s7, s2;
	s23 =	sadd.s32 $0x2000, s1;
	s17 =	sadd.s32 $0x1AE00, s1  }
0xb: {  	s0 =	sadd.s32 s5, s0;
	s5 =	ssub.s32 s20, s21;
	[dreg:$0x3] =	wrdreg s22  }
0xc: {  	[dreg:$0x4] =	wrdreg s23;
	s24 =	sadd.s32 $0x2000, s6;
	s25 =	sadd.s32 $0x4000, s6  }
0xd: {  	s26 =	sadd.s32 $0x6000, s6;
	s11 =	sadd.s32 $0x8000, s6;
	s12 =	sadd.s32 $0xA000, s6  }
0xe: {  	s13 =	sadd.s32 $0xC000, s6;
	s14 =	sadd.s32 $0xE000, s6;
	s15 =	sadd.s32 $0x10000, s6  }
0xf: {  	s16 =	sadd.s32 $0x12000, s6;
	s21 =	simm.s32 $0x5;
	[dreg:$0x5] =	wrdreg s24  }
0x10: {  	s22 =	simm.s32 $0x5000;
	s23 =	simm.s32 $0x7800;
	[dreg:$0x6] =	wrdreg s25  }
0x11: {  	[dreg:$0x7] =	wrdreg s26;
	s18 =	sadd.s32 $0x6E000, s0;
	s19 =	smax.u32 s5, $0x1  }
0x12: {  	v1 =	vimm.f32 $0.0e+00;
	v0 =	vmov s3;
	s24 =	simm.s32 $0x40;
	s25 =	simm.s32 $0x9800;
	s26 =	simm.s32 $0x1  }
.LBB2_1:
0x13: {  	s0 =	simm.s32 $0x0;
	s1 =	rddreg [dreg:$0x3];
	s3 =	simm.s32 $0x2800  }
0x14: {  	[tilespmem:s3], [sflag:$0x5] =	stream.linear.gather [hbm4b:s1+s0], $0x2800, $0x38;
	[tilespmem:$0x1F080] =	vst v63  }
0x15: {  	_ =	swait.ge [sflag:s21], $0x2800  }
0x16: {  	[sflag:s21] =	ssyncset.done $0x0  }
0x17: {  	s20 =	rddreg [dreg:$0x4];
	[sflag:s21] =	ssyncadd.s32 $0xFFFFD800  }
0x18: {  	[tilespmem:s22], [sflag:$0x5] =	stream.linear.gather [hbm4b:s20+s0], $0x2800, $0x38;
	[tilespmem:$0x1F080] =	vst v63  }
0x19: {  	_ =	swait.ge [sflag:s21], $0x2800  }
0x1a: {  	[sflag:s21] =	ssyncset.done $0x0  }
0x1b: {  	s1 =	simm.s32 $0x200;
	s0 =	simm.s32 $0x0;
	[sflag:s21] =	ssyncadd.s32 $0xFFFFD800  }
.LBB2_2:
0x1c: {  	p0 =	sne.s32 s1, $0x7E00;
	[tilespmem:s0+$0x7870] =	vst v1  }
0x1d: {  	[tilespmem:s0+$0x7800] =	vst v1  }
0x1e: {  	[tilespmem:s0+$0x7810] =	vst v1  }
.Ltmp0:
0x1f: {  	[tilespmem:s0+$0x7820] =	vst v1;
	(pc) =	sbr.rel @p0 .LBB2_2-.Ltmp0, $4  }
0x20: {  	[tilespmem:s0+$0x7830] =	vst v1  }
0x21: {  	[tilespmem:s0+$0x7840] =	vst v1  }
0x22: {  	[tilespmem:s0+$0x7850] =	vst v1  }
0x23: {  	[tilespmem:s0+$0x7860] =	vst v1;
	s0 =	sshra.s32 s1, $0x2;
	s1 =	sadd.s32 $0x200, s1  }
0x24: {  	[tilespmem:s0+$0x7870] =	vst v1  }
0x25: {  	[tilespmem:s0+$0x7800] =	vst v1  }
0x26: {  	[tilespmem:s0+$0x7810] =	vst v1  }
0x27: {  	[tilespmem:s0+$0x7820] =	vst v1  }
0x28: {  	[tilespmem:s0+$0x7830] =	vst v1  }
0x29: {  	[tilespmem:s0+$0x7840] =	vst v1  }
0x2a: {  	[tilespmem:s0+$0x7850] =	vst v1  }
0x2b: {  	[tilespmem:s0+$0x7860] =	vst v1  }
0x2c: {  	[spmem:s6] =	stream.linear.scatter [tilespmem:s23], [sflag:$0x5], $0x2000, $0x38;
	[tilespmem:$0x1F080] =	vst v63  }
0x2d: {  	_ =	swait.ge [sflag:s21], $0x2000  }
0x2e: {  	[sflag:s21] =	ssyncset.done $0x0  }
0x2f: {  	s8 =	rddreg [dreg:$0x5];
	[sflag:s21] =	ssyncadd.s32 $0xFFFFE000  }
0x30: {  	[spmem:s8] =	stream.linear.scatter [tilespmem:s23], [sflag:$0x5], $0x2000, $0x38;
	[tilespmem:$0x1F080] =	vst v63  }
0x31: {  	_ =	swait.ge [sflag:s21], $0x2000  }
0x32: {  	[sflag:s21] =	ssyncset.done $0x0  }
0x33: {  	s9 =	rddreg [dreg:$0x6];
	[sflag:s21] =	ssyncadd.s32 $0xFFFFE000  }
0x34: {  	[spmem:s9] =	stream.linear.scatter [tilespmem:s23], [sflag:$0x5], $0x2000, $0x38;
	[tilespmem:$0x1F080] =	vst v63  }
0x35: {  	_ =	swait.ge [sflag:s21], $0x2000  }
0x36: {  	[sflag:s21] =	ssyncset.done $0x0  }
0x37: {  	s10 =	rddreg [dreg:$0x7];
	[sflag:s21] =	ssyncadd.s32 $0xFFFFE000  }
0x38: {  	[spmem:s10] =	stream.linear.scatter [tilespmem:s23], [sflag:$0x5], $0x2000, $0x38;
	[tilespmem:$0x1F080] =	vst v63  }
0x39: {  	_ =	swait.ge [sflag:s21], $0x2000  }
0x3a: {  	[sflag:s21] =	ssyncset.done $0x0  }
0x3b: {  	[sflag:s21] =	ssyncadd.s32 $0xFFFFE000  }
0x3c: {  	[spmem:s11] =	stream.linear.scatter [tilespmem:s23], [sflag:$0x5], $0x2000, $0x38;
	[tilespmem:$0x1F080] =	vst v63  }
0x3d: {  	_ =	swait.ge [sflag:s21], $0x2000  }
0x3e: {  	[sflag:s21] =	ssyncset.done $0x0  }
0x3f: {  	[sflag:s21] =	ssyncadd.s32 $0xFFFFE000  }
0x40: {  	[spmem:s12] =	stream.linear.scatter [tilespmem:s23], [sflag:$0x5], $0x2000, $0x38;
	[tilespmem:$0x1F080] =	vst v63  }
0x41: {  	_ =	swait.ge [sflag:s21], $0x2000  }
0x42: {  	[sflag:s21] =	ssyncset.done $0x0  }
0x43: {  	[sflag:s21] =	ssyncadd.s32 $0xFFFFE000  }
0x44: {  	[spmem:s13] =	stream.linear.scatter [tilespmem:s23], [sflag:$0x5], $0x2000, $0x38;
	[tilespmem:$0x1F080] =	vst v63  }
0x45: {  	_ =	swait.ge [sflag:s21], $0x2000  }
0x46: {  	[sflag:s21] =	ssyncset.done $0x0  }
0x47: {  	[sflag:s21] =	ssyncadd.s32 $0xFFFFE000  }
0x48: {  	[spmem:s14] =	stream.linear.scatter [tilespmem:s23], [sflag:$0x5], $0x2000, $0x38;
	[tilespmem:$0x1F080] =	vst v63  }
0x49: {  	_ =	swait.ge [sflag:s21], $0x2000  }
0x4a: {  	[sflag:s21] =	ssyncset.done $0x0  }
0x4b: {  	[sflag:s21] =	ssyncadd.s32 $0xFFFFE000  }
0x4c: {  	[spmem:s15] =	stream.linear.scatter [tilespmem:s23], [sflag:$0x5], $0x2000, $0x38;
	[tilespmem:$0x1F080] =	vst v63  }
0x4d: {  	_ =	swait.ge [sflag:s21], $0x2000  }
0x4e: {  	[sflag:s21] =	ssyncset.done $0x0  }
0x4f: {  	[sflag:s21] =	ssyncadd.s32 $0xFFFFE000  }
0x50: {  	[spmem:s16] =	stream.linear.scatter [tilespmem:s23], [sflag:$0x5], $0x1880, $0x38;
	[tilespmem:$0x1F080] =	vst v63  }
0x51: {  	_ =	swait.ge [sflag:s21], $0x1880  }
0x52: {  	[sflag:s21] =	ssyncset.done $0x0  }
0x53: {  	s20 =	simm.s32 $0x0;
	[sflag:s21] =	ssyncadd.s32 $0xFFFFE780  }
0x54: {  	[tilespmem:s20], [sflag:$0x5] =	stream.linear.gather [hbm4b:s17+s20], $0x2800, $0x38;
	[tilespmem:$0x1F080] =	vst v63  }
0x55: {  	_ =	swait.ge [sflag:s21], $0x2800  }
0x56: {  	[sflag:s21] =	ssyncset.done $0x0  }
0x57: {  	s0 =	simm.s32 $0x0;
	s1 =	simm.s32 $0x40;
	[sflag:s21] =	ssyncadd.s32 $0xFFFFD800  }
.LBB2_4:
0x58: {  	p0 =	sne.s32 s1, $0x9FC0;
	v2 =	vld [tilespmem:s0+$0x0];
	_ =	sdelay $0x2  }
.Ltmp1:
0x59: {  	(pc) =	sbr.rel @p0 .LBB2_4-.Ltmp1, $4  }
0x5a: {  	_ = 	snop  }
0x5b: {  	v2 =	vshll.u32 v2, $0x1  }
0x5c: {  	v2 =	vor.u32 v0, v2  }
0x5d: {  	[tilespmem:s0+$0x0] =	vst v2;
	s0 =	sshra.s32 s1, $0x2;
	s1 =	sadd.s32 $0x40, s1  }
0x5e: {  	v2 =	vld [tilespmem:s0+$0x0];
	_ =	sdelay $0x4  }
0x5f: {  	v2 =	vshll.u32 v2, $0x1  }
0x60: {  	v2 =	vor.u32 v0, v2  }
0x61: {  	s20 =	simm.s32 $0x0;
	[tilespmem:s0+$0x0] =	vst v2;
	s0 =	simm.s32 $0x40  }
0x62: {  	[tilespmem:s23], [sflag:$0x1] =	stream.indirect.gather [hbm4b:s4+s0], $0x80, s20, s0, $0xb8;
	[tilespmem:$0x1F080] =	vst v63  }
0x63: {  	s1 =	simm.s32 $0x0;
	[bflag:$0x0] =	sbarrier.arrive $0xFFFF  }
.LBB2_6:
0x64: {  	p0 =	seq.s32 s1, $0x0  }
0x65: {  	s3 =	simm.s32 @!p0 $0x4  }
0x66: {  	_ =	swait.ge @!p0 [sflag:s3], $0x2000  }
0x67: {  	s5 =	sshll.u32 s1, $0x7;
	[sflag:s3] =	ssyncset.done @!p0 $0x0  }
0x68: {  	[sflag:s3] =	ssyncadd.s32 @!p0 $0xFFFFE000;
	s3 =	sor.u32 $0x40, s5  }
0x69: {  	[tilespmem:s25], [sflag:$0x2] =	stream.indirect.gather [hbm4b:s4+s24], $0x80, s3, s24, $0xb8;
	[tilespmem:$0x1F080] =	vst v63  }
0x6a: {  	s10 =	sadd.s32 $0x0, s20;
	_ =	swait.ge [sflag:s26], $0x2000  }
0x6b: {  	v2 =	vmov s10;
	[sflag:s26] =	ssyncset.done $0x0  }
0x6c: {  	s5 =	simm.s32 $0x7840;
	[sflag:s26] =	ssyncadd.s32 $0xFFFFE000  }
0x6d: {  	v6 =	vld [tilespmem:s5+$0x30]  }
0x6e: {  	v9 =	vld [tilespmem:s5+$0x10]  }
0x6f: {  	v7 =	vld [tilespmem:s5+$0xFFFFFFC0]  }
0x70: {  	v3 =	vld.idx.msk [tilespmem:v2+s22+$0x0], $0xffff  }
0x71: {  	v11 =	vld [tilespmem:s5+$0xFFFFFFE0]  }
0x72: {  	v2 =	vld [tilespmem:s5+$0xFFFFFFF0]  }
0x73: {  	v4 =	vld [tilespmem:s5+$0x20]  }
0x74: {  	v5 =	vld [tilespmem:s5+$0xFFFFFFD0]  }
0x75: {  	v10 =	vmul.f32 v6, v3;
	v6 =	vld [tilespmem:s5+$0x0]  }
0x76: {  	v8 =	vmul.f32 v7, v3  }
0x77: {  	s7 =	sshll.u32 s1, $0x9;
	s8 =	simm.s32 $0x1;
	s9 =	simm.s32 $0x7840;
	v7 =	vmul.f32 v11, v3;
	v9 =	vmul.f32 v9, v3  }
.LBB2_7:
0x78: {  	p0 =	sne.s32 s8, $0x3F  }
0x79: {  	v5 =	vmul.f32 v5, v3;
	v4 =	vmul.f32 v4, v3;
	[tilespmem:s5+$0x30] =	vst v10;
	s9 =	sadd.s32 $0x80, s9;
	s10 =	smov.u32 s8;
	s8 =	sadd.s32 $0x1, s8  }
0x7a: {  	[tilespmem:s5+$0xFFFFFFC0] =	vst v8;
	v8 =	vmul.f32 v2, v3;
	v3 =	vmul.f32 v6, v3  }
0x7b: {  	s10 =	sadd.s32 s10, s20;
	[tilespmem:s5+$0x10] =	vst v9  }
0x7c: {  	v6 =	vmov s10;
	[tilespmem:s5+$0xFFFFFFE0] =	vst v7  }
0x7d: {  	v2 =	vld [tilespmem:s9+$0xFFFFFFF0];
	[tilespmem:s5+$0xFFFFFFF0] =	vst v8  }
0x7e: {  	v7 =	vld [tilespmem:s9+$0x30];
	[tilespmem:s5+$0x0] =	vst v3  }
0x7f: {  	v9 =	vld [tilespmem:s9+$0x10];
	[tilespmem:s5+$0x20] =	vst v4  }
0x80: {  	v8 =	vld [tilespmem:s9+$0xFFFFFFC0];
	[tilespmem:s5+$0xFFFFFFD0] =	vst v5;
	s5 =	smov.u32 s9  }
0x81: {  	v3 =	vld.idx.msk [tilespmem:v6+s22+$0x0], $0xffff  }
0x82: {  	v11 =	vld [tilespmem:s9+$0xFFFFFFE0]  }
0x83: {  	v4 =	vld [tilespmem:s9+$0x20]  }
.Ltmp2:
0x84: {  	v5 =	vld [tilespmem:s9+$0xFFFFFFD0];
	(pc) =	sbr.rel @p0 .LBB2_7-.Ltmp2, $3  }
0x85: {  	v6 =	vld [tilespmem:s9+$0x0];
	_ =	sdelay $0x1  }
0x86: {  	v8 =	vmul.f32 v8, v3;
	v10 =	vmul.f32 v7, v3  }
0x87: {  	v9 =	vmul.f32 v9, v3;
	v7 =	vmul.f32 v11, v3  }
0x88: {  	[tilespmem:s5+$0x30] =	vst v10  }
0x89: {  	[tilespmem:s5+$0xFFFFFFC0] =	vst v8  }
0x8a: {  	v2 =	vmul.f32 v2, v3;
	[tilespmem:s5+$0x10] =	vst v9  }
0x8b: {  	v4 =	vmul.f32 v4, v3;
	[tilespmem:s5+$0xFFFFFFE0] =	vst v7  }
0x8c: {  	v6 =	vmul.f32 v6, v3;
	[tilespmem:s5+$0xFFFFFFF0] =	vst v2  }
0x8d: {  	v2 =	vmul.f32 v5, v3;
	[tilespmem:s5+$0x20] =	vst v4  }
0x8e: {  	s8 =	sshrl.u32 s7, $0x2;
	[tilespmem:s5+$0x0] =	vst v6  }
0x8f: {  	s10 =	sadd.s32 $0x2800, s8;
	[tilespmem:s5+$0xFFFFFFD0] =	vst v2  }
0x90: {  	[spmem:s2] =	stream.indirect.scatter.add.f32 [tilespmem:s23], [sflag:$0x3], $0x80, s10, s24, $0xb8;
	[tilespmem:$0x1F080] =	vst v63  }
0x91: {  	_ =	swait.ge [sflag:s28], $0x2000  }
0x92: {  	[sflag:s28] =	ssyncset.done $0x0  }
0x93: {  	[sflag:s28] =	ssyncadd.s32 $0xFFFFE000  }
0x94: {  	p0 =	seq.s32 s1, $0x4F;
	s9 =	sadd.s32 $0x0, s0;
	_ =	swait.ge [sflag:s29], $0x2000  }
0x95: {  	s8 =	simm.s32 @!p0 $0x7800;
	s5 =	sshrl.u32 @!p0 s7, $0x2;
	[sflag:s29] =	ssyncset.done $0x0  }
0x96: {  	s7 =	simm.s32 @!p0 $0x40;
	s5 =	sadd.s32 @!p0 $0x80, s5;
	[sflag:s29] =	ssyncadd.s32 $0xFFFFE000  }
0x97: {  	v2 =	vmov s9;
	[tilespmem:s8], [sflag:$0x1] =	stream.indirect.gather @!p0 [hbm4b:s4+s7], $0x80, s5, s7, $0xb8;
	[tilespmem:$0x1F080] =	vst v63  }
0x98: {  	s5 =	simm.s32 $0x9840  }
0x99: {  	v6 =	vld [tilespmem:s5+$0x30]  }
0x9a: {  	v9 =	vld [tilespmem:s5+$0x10]  }
0x9b: {  	v7 =	vld [tilespmem:s5+$0xFFFFFFC0]  }
0x9c: {  	v3 =	vld.idx.msk [tilespmem:v2+s22+$0x0], $0xffff  }
0x9d: {  	v11 =	vld [tilespmem:s5+$0xFFFFFFE0]  }
0x9e: {  	v2 =	vld [tilespmem:s5+$0xFFFFFFF0]  }
0x9f: {  	v4 =	vld [tilespmem:s5+$0x20]  }
0xa0: {  	v5 =	vld [tilespmem:s5+$0xFFFFFFD0]  }
0xa1: {  	v10 =	vmul.f32 v6, v3;
	v6 =	vld [tilespmem:s5+$0x0]  }
0xa2: {  	v8 =	vmul.f32 v7, v3  }
0xa3: {  	s7 =	simm.s32 $0x1;
	s8 =	simm.s32 $0x9840;
	v7 =	vmul.f32 v11, v3;
	v9 =	vmul.f32 v9, v3  }
.LBB2_9:
0xa4: {  	p0 =	sne.s32 s7, $0x3F  }
0xa5: {  	v5 =	vmul.f32 v5, v3;
	v4 =	vmul.f32 v4, v3;
	[tilespmem:s5+$0x30] =	vst v10;
	s8 =	sadd.s32 $0x80, s8;
	s9 =	smov.u32 s7;
	s7 =	sadd.s32 $0x1, s7  }
0xa6: {  	[tilespmem:s5+$0xFFFFFFC0] =	vst v8;
	v8 =	vmul.f32 v2, v3;
	v3 =	vmul.f32 v6, v3  }
0xa7: {  	s9 =	sadd.s32 s9, s0;
	[tilespmem:s5+$0x10] =	vst v9  }
0xa8: {  	v6 =	vmov s9;
	[tilespmem:s5+$0xFFFFFFE0] =	vst v7  }
0xa9: {  	v2 =	vld [tilespmem:s8+$0xFFFFFFF0];
	[tilespmem:s5+$0xFFFFFFF0] =	vst v8  }
0xaa: {  	v7 =	vld [tilespmem:s8+$0x30];
	[tilespmem:s5+$0x0] =	vst v3  }
0xab: {  	v9 =	vld [tilespmem:s8+$0x10];
	[tilespmem:s5+$0x20] =	vst v4  }
0xac: {  	v8 =	vld [tilespmem:s8+$0xFFFFFFC0];
	[tilespmem:s5+$0xFFFFFFD0] =	vst v5;
	s5 =	smov.u32 s8  }
0xad: {  	v3 =	vld.idx.msk [tilespmem:v6+s22+$0x0], $0xffff  }
0xae: {  	v11 =	vld [tilespmem:s8+$0xFFFFFFE0]  }
0xaf: {  	v4 =	vld [tilespmem:s8+$0x20]  }
.Ltmp3:
0xb0: {  	v5 =	vld [tilespmem:s8+$0xFFFFFFD0];
	(pc) =	sbr.rel @p0 .LBB2_9-.Ltmp3, $3  }
0xb1: {  	v6 =	vld [tilespmem:s8+$0x0];
	_ =	sdelay $0x1  }
0xb2: {  	v8 =	vmul.f32 v8, v3;
	v10 =	vmul.f32 v7, v3  }
0xb3: {  	v9 =	vmul.f32 v9, v3;
	v7 =	vmul.f32 v11, v3  }
0xb4: {  	[tilespmem:s5+$0x30] =	vst v10  }
0xb5: {  	[tilespmem:s5+$0xFFFFFFC0] =	vst v8  }
0xb6: {  	v2 =	vmul.f32 v2, v3;
	s1 =	sadd.s32 $0x1, s1;
	[tilespmem:s5+$0x10] =	vst v9  }
0xb7: {  	v4 =	vmul.f32 v4, v3;
	[tilespmem:s5+$0xFFFFFFE0] =	vst v7;
	p0 =	sne.s32 s1, $0x50  }
.Ltmp4:
0xb8: {  	v6 =	vmul.f32 v6, v3;
	[tilespmem:s5+$0xFFFFFFF0] =	vst v2;
	(pc) =	sbr.rel @p0 .LBB2_6-.Ltmp4, $4  }
0xb9: {  	v2 =	vmul.f32 v5, v3;
	[tilespmem:s5+$0x20] =	vst v4  }
0xba: {  	[tilespmem:s5+$0x0] =	vst v6  }
0xbb: {  	s3 =	sadd.s32 $0x2800, s3;
	s20 =	sadd.s32 $0x80, s20;
	s0 =	sadd.s32 $0x80, s0;
	[tilespmem:s5+$0xFFFFFFD0] =	vst v2  }
0xbc: {  	[spmem:s2] =	stream.indirect.scatter.add.f32 [tilespmem:s25], [sflag:$0x4], $0x80, s3, s24, $0xb8;
	[tilespmem:$0x1F080] =	vst v63  }
0xbd: {  	_ =	swait.ge [sflag:s30], $0x2000;
	s0 =	stileid.u32  }
0xbe: {  	s1 =	sshrl.u32 s6, $0x3;
	s31 =	sadd.s32 $0x1, s31;
	[sflag:s30] =	ssyncset.done $0x0  }
0xbf: {  	s0 =	sshll.u32 s0, $0x6;
	p0 =	sne.s32 s31, s19;
	[sflag:s30] =	ssyncadd.s32 $0xFFFFE000  }
.Ltmp5:
0xc0: {  	s0 =	sor.u32 $0x1C05, s0;
	[bflag:$0x0] =	sbarrier.arrive $0xFFFF;
	(pc) =	sbr.rel @p0 .LBB2_1-.Ltmp5, $4  }
0xc1: {  	[hbm:s18], [sflag:s0] =	dma.local [spmem:s1], $0x2710  }
0xc2: {  	_ =	swait.ge [sflag:s21], $0x2710  }
0xc3: {  	[sflag:s21] =	ssyncset.done $0x0  }
0xc4: {  	[sflag:s21] =	ssyncadd.s32 $0xFFFFD8F0  }
0xc5: {  	_ =	sfence.sel $0x180000  }
0xc6: {  	[bflag:$0x0] =	sbarrier.arrive $0xFFFF  }
0xc7: {  	_ =	strace $0x9000004A  }
0xc8: {  	s0 =	stileid.u32;
	[bflag:$0x2] =	sbarrier.arrive $0xFFFF  }
0xc9: {  	p0 =	sne.s32 s0, $0x0;
	s0 =	rddreg [dreg:$0x2]  }
0xca: {  	s0 =	sadd.s32 @!p0 $0x100000, s0  }
0xcb: {  	[sflag:s0] =	ssyncadd.tile.s32 @!p0 $0x1;
	_ =	shalt  }
.Lfunc_end2:
_tile_overlayer_lowered:
.L_overlay_start_2:
0xcc: {  	(tag) =	ssettag $0x2  }
0xcd: {  	s0 =	rddreg [dreg:$0x0];
	s2 =	stileid.u32  }
0xce: {  	s1 =	rddreg [dreg:$0x1];
	p0 =	sne.s32 s2, $0x0  }
0xcf: {  	s3 =	rddreg [dreg:$0x2];
	[bflag:$0x3] =	sbarrier.arrive $0xFFFF;
	s2 =	simm.s32 @!p0 $0x1C05  }
0xd0: {  	[timem:s3], [sflag:s2] =	dma.local @!p0 [hbm:s0], s1  }
0xd1: {  	s0 =	simm.s32 @!p0 $0x5  }
0xd2: {  	_ =	swait.ge @!p0 [sflag:s0], s1  }
0xd3: {  	s1 =	ssub.s32 @!p0 $0x0, s1;
	[sflag:s0] =	ssyncset.done @!p0 $0x0  }
0xd4: {  	[sflag:s0] =	ssyncadd.s32 @!p0 s1  }
0xd5: {  	[bflag:$0x3] =	sbarrier.arrive $0xFFFF  }
0xd6: {  	_ =	shalt  }

// kernel: kernel.17.cloned.1.call-start
scs
__scs_entry_jumppad:
0x0: {  	(pc) =	sbr.rel $0x88, $3  }
0x1: {  	(tag) =	ssettag $0x0;
	lr =	simm.s32 $0x1  }
0x2: {  	[smem:$0x3F96] =	sst lr;
	_ =	strace $0xD0000000  }
0x3: {  	_ = 	snop  }
0x4: {  	_ = 	snop  }
0x5: {  	_ = 	snop  }
0x6: {  	_ = 	snop  }
0x7: {  	_ = 	snop  }
__scs_overlays_trampoline_lowered:
0x8: {  	[smem:$0x3FA5] =	sst s0  }
0x9: {  	[smem:$0x3FA6] =	sst s1  }
0xa: {  	[smem:$0x3FA7] =	sst s2  }
0xb: {  	[smem:$0x3FA8] =	sst s3  }
0xc: {  	[smem:$0x3FA9] =	sst s4  }
0xd: {  	[smem:$0x3FAA] =	sst s5  }
0xe: {  	[smem:$0x3FAB] =	sst s6  }
0xf: {  	[smem:$0x3FAC] =	sst s7  }
0x10: {  	[smem:$0x3FAD] =	sst s8  }
0x11: {  	[smem:$0x3FAE] =	sst s9;
	s0 =	simm.s32 @!p0 $0x0  }
0x12: {  	s1 =	sld [smem:$0x3F94];
	s0 =	simm.s32 @p0 $0x1  }
0x13: {  	[smem:$0x3FAF] =	sst s0;
	s0 =	simm.s32 @!p1 $0x0  }
0x14: {  	s2 =	sld [smem:$0x3F93];
	s0 =	simm.s32 @p1 $0x1  }
0x15: {  	[smem:$0x3FB0] =	sst s0;
	s0 =	simm.s32 @!p2 $0x0  }
0x16: {  	s3 =	sld [smem:$0x3FDB];
	s0 =	simm.s32 @p2 $0x1  }
0x17: {  	s4 =	simm.s32 $0x1BF5;
	[smem:$0x3FB2] =	sst s0  }
0x18: {  	s0 =	sld [smem:$0x3F95];
	_ =	swait.ge [sflag:s4], $0x0  }
0x19: {  	s7 =	sld [smem:$0x3F96]  }
0x1a: {  	s8 =	sadd.s32 $0xFFFFE003, lr  }
0x1b: {  	s9 =	sadd.s32 $0xFFFFFEF7, lr;
	s5 =	simm.s32 $0xFFFFFFFF;
	p2 =	slt.u32 s8, $0xFFFFF086  }
0x1c: {  	p1 =	slt.u32 s9, $0xF7A;
	s5 =	simm.s32 @!p2 $0x0  }
0x1d: {  	s5 =	simm.s32 @p1 $0x1;
	p0 =	seq.s32 s7, s2  }
0x1e: {  	s7 =	smul.u32 @!p0 $0xF7A, s2;
	p2 =	seq.s32 @!p0 s5, $0x0  }
0x1f: {  	s9 =	smul.u32 $0xF7A, s1;
	s8 =	simm.s32 @!p0 $0x1BF5;
	p2 =	por !p2, p0  }
0x20: {  	[sflag:s8] =	ssyncset.s32 @!p0 $0xFFFFF086;
	s6 =	sadd.s32 @!p0 s3, s7;
	s7 =	simm.s32 @!p0 $0x108  }
0x21: {  	s3 =	sadd.s32 s3, s9;
	s6 =	sadd.s32 @!p0 $0x88, s6;
	s7 =	simm.s32 @p2 $0x1082  }
0x22: {  	[simem:s7], [sflag:s8] =	dma.local @!p0 [hbm:s6], $0xF7A  }
0x23: {  	s9 =	sor.u32 $0xD0000000, s2;
	s6 =	simm.s32 $0x108;
	_ =	swait.ge @!p0 [sflag:s8], $0x0  }
0x24: {  	s3 =	sadd.s32 $0x88, s3;
	s6 =	simm.s32 @!p1 $0x1082;
	[sflag:s4] =	ssyncset.s32 $0xFFFFF086  }
0x25: {  	[simem:s6], [sflag:s4] =	dma.local [hbm:s3], $0xF7A  }
0x26: {  	[smem:$0x3F96] =	sst s1;
	(tag) =	ssettag s2;
	_ =	strace s9  }
0x27: {  	s1 =	sld [smem:$0x3FA6]  }
0x28: {  	s2 =	sld [smem:$0x3FA7]  }
0x29: {  	s4 =	sld [smem:$0x3FA9]  }
0x2a: {  	p0 =	seq.s32 s5, $0x0;
	s5 =	sld [smem:$0x3FAA]  }
0x2b: {  	s6 =	sld [smem:$0x3FAB]  }
0x2c: {  	s7 =	sld [smem:$0x3FAC]  }
0x2d: {  	s3 =	simm.s32 $0x108;
	s8 =	sld [smem:$0x3FAD]  }
0x2e: {  	s3 =	simm.s32 @!p0 $0x1082;
	s9 =	sld [smem:$0x3FAE]  }
0x2f: {  	lr =	sadd.s32 s0, s3;
	s0 =	sld [smem:$0x3FA5]  }
0x30: {  	s3 =	sld [smem:$0x3FA8]  }
0x31: {  	[smem:$0x3FB1] =	sst s10  }
0x32: {  	s10 =	sld [smem:$0x3FAF];
	_ =	sdelay $0x3  }
0x33: {  	p0 =	seq.s32 s10, $0x1;
	s10 =	sld [smem:$0x3FB1];
	_ =	sdelay $0x3  }
0x34: {  	[smem:$0x3FB1] =	sst s10  }
0x35: {  	s10 =	sld [smem:$0x3FB0];
	_ =	sdelay $0x3  }
0x36: {  	p1 =	seq.s32 s10, $0x1;
	s10 =	sld [smem:$0x3FB1];
	_ =	sdelay $0x3  }
0x37: {  	[smem:$0x3FB1] =	sst s10  }
0x38: {  	s10 =	sld [smem:$0x3FB2]  }
0x39: {  	_ = 	snop;
	(pc) =	sbr.ind lr, $3  }
0x3a: {  	_ = 	snop  }
0x3b: {  	_ = 	snop  }
0x3c: {  	p2 =	seq.s32 s10, $0x1;
	s10 =	sld [smem:$0x3FB1]  }
0x3d: {  	_ =	shalt  }
0x3e: {  	_ =	shalt  }
0x3f: {  	_ =	shalt  }
0x40: {  	_ =	shalt  }
0x41: {  	_ =	shalt  }
0x42: {  	_ =	shalt  }
0x43: {  	_ =	shalt  }
0x44: {  	_ =	shalt  }
0x45: {  	_ =	shalt  }
0x46: {  	_ =	shalt  }
0x47: {  	_ =	shalt  }
0x48: {  	_ =	shalt  }
0x49: {  	_ =	shalt  }
0x4a: {  	_ =	shalt  }
0x4b: {  	_ =	shalt  }
0x4c: {  	_ =	shalt  }
0x4d: {  	_ =	shalt  }
0x4e: {  	_ =	shalt  }
0x4f: {  	_ =	shalt  }
0x50: {  	_ =	shalt  }
0x51: {  	_ =	shalt  }
0x52: {  	_ =	shalt  }
0x53: {  	_ =	shalt  }
0x54: {  	_ =	shalt  }
0x55: {  	_ =	shalt  }
0x56: {  	_ =	shalt  }
0x57: {  	_ =	shalt  }
0x58: {  	_ =	shalt  }
0x59: {  	_ =	shalt  }
0x5a: {  	_ =	shalt  }
0x5b: {  	_ =	shalt  }
0x5c: {  	_ =	shalt  }
0x5d: {  	_ =	shalt  }
0x5e: {  	_ =	shalt  }
0x5f: {  	_ =	shalt  }
0x60: {  	_ =	shalt  }
0x61: {  	_ =	shalt  }
0x62: {  	_ =	shalt  }
0x63: {  	_ =	shalt  }
0x64: {  	_ =	shalt  }
0x65: {  	_ =	shalt  }
0x66: {  	_ =	shalt  }
0x67: {  	_ =	shalt  }
0x68: {  	_ =	shalt  }
0x69: {  	_ =	shalt  }
0x6a: {  	_ =	shalt  }
0x6b: {  	_ =	shalt  }
0x6c: {  	_ =	shalt  }
0x6d: {  	_ =	shalt  }
0x6e: {  	_ =	shalt  }
0x6f: {  	_ =	shalt  }
0x70: {  	_ =	shalt  }
0x71: {  	_ =	shalt  }
0x72: {  	_ =	shalt  }
0x73: {  	_ =	shalt  }
0x74: {  	_ =	shalt  }
0x75: {  	_ =	shalt  }
0x76: {  	_ =	shalt  }
0x77: {  	_ =	shalt  }
0x78: {  	_ =	shalt  }
0x79: {  	_ =	shalt  }
0x7a: {  	_ =	shalt  }
0x7b: {  	_ =	shalt  }
0x7c: {  	_ =	shalt  }
0x7d: {  	_ =	shalt  }
0x7e: {  	_ =	shalt  }
0x7f: {  	_ =	shalt  }
0x80: {  	_ =	shalt  }
0x81: {  	_ =	shalt  }
0x82: {  	_ =	shalt  }
0x83: {  	_ =	shalt  }
0x84: {  	_ =	shalt  }
0x85: {  	_ =	shalt  }
0x86: {  	_ =	shalt  }
0x87: {  	_ =	shalt  }
.Lfunc_end0:
.L_simem_size_0:
called_computation.2_lowered:
.L_overlay_start_0:
0x88: {  	s2 =	sld [smem:$0x3FD9]  }
0x89: {  	s3 =	sld [smem:$0x3FFE];
	_ =	sdelay $0x1  }
0x8a: {  	s1 =	srdreg.scid  }
0x8b: {  	s0 =	sand.u32 $0x1, s1  }
0x8c: {  	s16 =	sshll.u32 s0, $0xA;
	s2 =	sadd.s32 s3, s2  }
0x8d: {  	s2 =	sadd.s32 s2, s16  }
0x8e: {  	[smem:$0x3FBD] =	sst s2  }
0x8f: {  	_ = 	snop  }
0x90: {  	(tm) =	ssettm $0x1  }
0x91: {  	s17 =	sld [smem:$0x3FFB];
	_ =	sdelay $0x3  }
0x92: {  	_ =	strace s17  }
0x93: {  	s2 =	sld [smem:$0x3FFC];
	_ =	sdelay $0x3  }
0x94: {  	_ =	strace s2  }
0x95: {  	s2 =	sld [smem:$0x3FFD];
	_ =	sdelay $0x3  }
0x96: {  	_ =	strace s2  }
0x97: {  	_ =	strace $0x8FFFFFFF  }
0x98: {  	s18 =	sld [smem:$0x3FDB];
	_ =	sdelay $0x1  }
0x99: {  	s19 =	simm.s32 $_scs_section_size  }
0x9a: {  	s4 =	simm.s32 $_size__tile_overlayer_lowered;
	s5 =	simm.s32 $_tile_overlayer_lowered  }
0x9b: {  	s22 =	simm.s32 $0x1BFF;
	s21 =	sshll.u32 s5, $0x1;
	s2 =	sadd.s32 s19, s18  }
0x9c: {  	s6 =	simm.s32 $0x0;
	s20 =	sshll.u32 s4, $0x1;
	s4 =	sadd.s32 s21, s2  }
0x9d: {  	[timem:s6], [sflag:s22] =	dma.local [hbm:s4], s20  }
0x9e: {  	_ =	swait.ge [sflag:s22], s20  }
0x9f: {  	s3 =	ssub.s32 $0x0, s20;
	[sflag:s22] =	ssyncset.done $0x0  }
0xa0: {  	[sflag:s22] =	ssyncadd.s32 s3;
	_ =	sdelay $0x1  }
0xa1: {  	s23 =	simm.s32 $0x1B8B  }
0xa2: {  	_ =	swait.ge [sflag:s23], $0x1  }
0xa3: {  	[sflag:s23] =	ssyncset.done $0x0  }
0xa4: {  	s25 =	simm.s32 $0x1B8E;
	s24 =	sld [smem:$0x3FFE];
	[sflag:s23] =	ssyncadd.s32 $0xFFFFFFFF  }
0xa5: {  	s26 =	simm.s32 $execute0_lowered;
	[smem:$0x3FD2] =	sst s25  }
0xa6: {  	s4 =	sshll.u32 s26, $0x1;
	_ =	strace $0x8000004C;
	[dreg:$0x1] =	wrdreg $0xFFFFFFFF  }
0xa7: {  	s28 =	simm.s32 $_size_execute0_lowered;
	s2 =	sadd.s32 s2, s4;
	[dreg:$0x0] =	wrdreg $0x0  }
0xa8: {  	s4 =	sshll.u32 s28, $0x1;
	[dreg:$0x2] =	wrdreg s2  }
0xa9: {  	[dreg:$0x3] =	wrdreg s4  }
0xaa: {  	[dreg:$0x4] =	wrdreg $0xC0  }
0xab: {  	_ =	task [dreg:s6], $0x5FFFF  }
0xac: {  	[dreg:$0x1] =	wrdreg $0xFFFFFFFF  }
0xad: {  	[dreg:$0x0] =	wrdreg $0x60  }
0xae: {  	[dreg:$0x2] =	wrdreg s24  }
0xaf: {  	[dreg:$0x3] =	wrdreg $0xB8000  }
0xb0: {  	[dreg:$0x4] =	wrdreg $0x9  }
0xb1: {  	_ =	task.clear_ibuf [dreg:s6], $0x5FFFF;
	_ =	strace $0x9000004C  }
0xb2: {  	s29 =	simm.s32 $0x9;
	_ =	strace $0x8000004E  }
0xb3: {  	_ =	swait.ge [sflag:s29], $0x1  }
0xb4: {  	[sflag:s29] =	ssyncadd.s32 $0xFFFFFFFF  }
0xb5: {  	_ =	strace $0x9000004E  }
0xb6: {  	_ =	sfence  }
0xb7: {  	s30 =	sld [smem:$0x0];
	_ =	sdelay $0x2  }
0xb8: {  	s31 =	sshll.u32 s1, $0xD;
	s1 =	sshrl.u32 s1, $0x2  }
0xb9: {  	s3 =	sand.u32 $0x4000, s31;
	s1 =	sadd.s32 s1, s30  }
0xba: {  	s0 =	sor.u32 s3, s0;
	s1 =	sshll.u32 s1, $0x11  }
0xbb: {  	s0 =	sor.u32 s1, s0  }
0xbc: {  	s0 =	sadd.s32 $0x8F2B, s0  }
0xbd: {  	[sflag:s0] =	ssyncadd.remote.s32 $0x1  }
0xbe: {  	_ =	sfence.sel $0xFFFF  }
0xbf: {  	[dreg:$0x0] =	wrdreg $0xFFFFFFFF;
	(pc) =	sbr.abs _section_cstart, $3  }
0xc0: {  	[dreg:$0x1] =	wrdreg $0xFFFFFFFF  }
0xc1: {  	_ =	task.clear_ibuf [dreg:s6], $0x2FFFF;
	_ =	strace $0x9FFFFFFF  }
0xc2: {  	(tm) =	ssettm $0x7FFFFFFF  }
0xc3: {  	_ =	shalt  }
tec
execute0_lowered:
.L_overlay_start_1:
0x0: {  	(tag) =	ssettag $0x1  }
0x1: {  	s0 =	rddreg [dreg:$0x0]  }
0x2: {  	s2 =	rddreg [dreg:$0x1];
	s3 =	simm.s32 $0x0  }
0x3: {  	s8 =	stileid.u32;
	s1 =	srdreg.scid;
	s22 =	simm.s32 $0x5  }
0x4: {  	s28 =	simm.s32 $0x1;
	s29 =	simm.s32 $0x2;
	s30 =	simm.s32 $0x3  }
0x5: {  	s31 =	simm.s32 $0x4;
	[smem:$0x7FF] =	sst s3;
	s18 =	smul.u32 $0x500, s8  }
0x6: {  	s1 =	sand.u32 $0x1, s1;
	s6 =	smul.u32 $0x4E200, s8;
	s4 =	sadd.s32 $0xBC200, s0  }
0x7: {  	s8 =	smul.u32 $0x271, s8;
	_ =	strace $0x8000004D;
	s5 =	ssub.s32 $0x2, s1  }
0x8: {  	s21 =	sshll.u32 s1, $0x1;
	s23 =	smul.u32 $0x4E20, s1;
	s1 =	sshllo.u32 s1, $0x1  }
0x9: {  	s3 =	sadd.s32 s18, s0;
	s7 =	sshrl.u32 s5, $0x1;
	s0 =	sadd.s32 $0x158600, s0  }
0xa: {  	s6 =	sshrl.u32 s6, $0x2;
	s16 =	smul.u32 $0x2710, s1;
	s19 =	sadd.s32 $0xC000, s3  }
0xb: {  	s5 =	ssub.s32 s5, s7;
	s20 =	sadd.s32 $0x2000, s3;
	[dreg:$0x3] =	wrdreg s19  }
0xc: {  	s7 =	sadd.s32 s6, s2;
	s17 =	sadd.s32 $0x1AE00, s3;
	[dreg:$0x4] =	wrdreg s20  }
0xd: {  	s10 =	sadd.s32 $0x2000, s7;
	s9 =	sadd.s32 $0x4000, s7;
	s11 =	sadd.s32 $0x6000, s7  }
0xe: {  	s24 =	sadd.s32 $0x8000, s7;
	s12 =	sadd.s32 $0xA000, s7;
	[dreg:$0x5] =	wrdreg s9  }
0xf: {  	s13 =	sadd.s32 $0xC000, s7;
	s14 =	sadd.s32 $0xE000, s7;
	[dreg:$0x6] =	wrdreg s11  }
0x10: {  	s15 =	sadd.s32 $0x10000, s7;
	s26 =	smax.u32 s5, $0x1;
	[dreg:$0x7] =	wrdreg s24  }
0x11: {  	s9 =	sadd.s32 s8, s23;
	s8 =	sadd.s32 s8, s16;
	s16 =	sadd.s32 $0x12000, s7  }
0x12: {  	[dreg:$0xa] =	wrdreg s26;
	s23 =	simm.s32 $0x5000;
	s9 =	sshll.u32 s9, $0x4  }
0x13: {  	s24 =	simm.s32 $0x7800;
	s8 =	sshll.u32 s8, $0x4;
	s25 =	sadd.s32 s0, s9  }
0x14: {  	s26 =	simm.s32 $0x9800;
	s0 =	sadd.s32 s0, s8;
	[dreg:$0x8] =	wrdreg s25  }
0x15: {  	v2 =	vimm.f32 $0.0e+00;
	v0 =	vmov s21;
	v1 =	vmov s1;
	[dreg:$0x9] =	wrdreg s0;
	s25 =	simm.s32 $0x40;
	s0 =	simm.s32 $0x0  }
.LBB2_1:
0x16: {  	s1 =	simm.s32 $0x0;
	s3 =	rddreg [dreg:$0x3];
	s5 =	simm.s32 $0x2800  }
0x17: {  	[tilespmem:s5], [sflag:$0x5] =	stream.linear.gather [hbm4b:s3+s1], $0x2800, $0x38;
	[tilespmem:$0x1F080] =	vst v63  }
0x18: {  	_ =	swait.ge [sflag:s22], $0x2800  }
0x19: {  	[sflag:s22] =	ssyncset.done $0x0  }
0x1a: {  	s21 =	rddreg [dreg:$0x4];
	[sflag:s22] =	ssyncadd.s32 $0xFFFFD800  }
0x1b: {  	[tilespmem:s23], [sflag:$0x5] =	stream.linear.gather [hbm4b:s21+s1], $0x2800, $0x38;
	[tilespmem:$0x1F080] =	vst v63  }
0x1c: {  	_ =	swait.ge [sflag:s22], $0x2800  }
0x1d: {  	[sflag:s22] =	ssyncset.done $0x0  }
0x1e: {  	s3 =	simm.s32 $0x200;
	s1 =	simm.s32 $0x0;
	[sflag:s22] =	ssyncadd.s32 $0xFFFFD800  }
.LBB2_2:
0x1f: {  	p0 =	sne.s32 s3, $0x7E00;
	[tilespmem:s1+$0x7870] =	vst v2  }
0x20: {  	[tilespmem:s1+$0x7800] =	vst v2  }
0x21: {  	[tilespmem:s1+$0x7810] =	vst v2  }
.Ltmp0:
0x22: {  	[tilespmem:s1+$0x7820] =	vst v2;
	(pc) =	sbr.rel @p0 .LBB2_2-.Ltmp0, $4  }
0x23: {  	[tilespmem:s1+$0x7830] =	vst v2  }
0x24: {  	[tilespmem:s1+$0x7840] =	vst v2  }
0x25: {  	[tilespmem:s1+$0x7850] =	vst v2  }
0x26: {  	[tilespmem:s1+$0x7860] =	vst v2;
	s1 =	sshra.s32 s3, $0x2;
	s3 =	sadd.s32 $0x200, s3  }
0x27: {  	[tilespmem:s1+$0x7870] =	vst v2  }
0x28: {  	[tilespmem:s1+$0x7800] =	vst v2  }
0x29: {  	[tilespmem:s1+$0x7810] =	vst v2  }
0x2a: {  	[tilespmem:s1+$0x7820] =	vst v2  }
0x2b: {  	[tilespmem:s1+$0x7830] =	vst v2  }
0x2c: {  	[tilespmem:s1+$0x7840] =	vst v2  }
0x2d: {  	[tilespmem:s1+$0x7850] =	vst v2  }
0x2e: {  	[tilespmem:s1+$0x7860] =	vst v2  }
0x2f: {  	[spmem:s7] =	stream.linear.scatter [tilespmem:s24], [sflag:$0x5], $0x2000, $0x38;
	[tilespmem:$0x1F080] =	vst v63  }
0x30: {  	_ =	swait.ge [sflag:s22], $0x2000  }
0x31: {  	[sflag:s22] =	ssyncset.done $0x0  }
0x32: {  	[sflag:s22] =	ssyncadd.s32 $0xFFFFE000  }
0x33: {  	[spmem:s10] =	stream.linear.scatter [tilespmem:s24], [sflag:$0x5], $0x2000, $0x38;
	[tilespmem:$0x1F080] =	vst v63  }
0x34: {  	_ =	swait.ge [sflag:s22], $0x2000  }
0x35: {  	[sflag:s22] =	ssyncset.done $0x0  }
0x36: {  	s18 =	rddreg [dreg:$0x5];
	[sflag:s22] =	ssyncadd.s32 $0xFFFFE000  }
0x37: {  	[spmem:s18] =	stream.linear.scatter [tilespmem:s24], [sflag:$0x5], $0x2000, $0x38;
	[tilespmem:$0x1F080] =	vst v63  }
0x38: {  	_ =	swait.ge [sflag:s22], $0x2000  }
0x39: {  	[sflag:s22] =	ssyncset.done $0x0  }
0x3a: {  	s19 =	rddreg [dreg:$0x6];
	[sflag:s22] =	ssyncadd.s32 $0xFFFFE000  }
0x3b: {  	[spmem:s19] =	stream.linear.scatter [tilespmem:s24], [sflag:$0x5], $0x2000, $0x38;
	[tilespmem:$0x1F080] =	vst v63  }
0x3c: {  	_ =	swait.ge [sflag:s22], $0x2000  }
0x3d: {  	[sflag:s22] =	ssyncset.done $0x0  }
0x3e: {  	s20 =	rddreg [dreg:$0x7];
	[sflag:s22] =	ssyncadd.s32 $0xFFFFE000  }
0x3f: {  	[spmem:s20] =	stream.linear.scatter [tilespmem:s24], [sflag:$0x5], $0x2000, $0x38;
	[tilespmem:$0x1F080] =	vst v63  }
0x40: {  	_ =	swait.ge [sflag:s22], $0x2000  }
0x41: {  	[sflag:s22] =	ssyncset.done $0x0  }
0x42: {  	[sflag:s22] =	ssyncadd.s32 $0xFFFFE000  }
0x43: {  	[spmem:s12] =	stream.linear.scatter [tilespmem:s24], [sflag:$0x5], $0x2000, $0x38;
	[tilespmem:$0x1F080] =	vst v63  }
0x44: {  	_ =	swait.ge [sflag:s22], $0x2000  }
0x45: {  	[sflag:s22] =	ssyncset.done $0x0  }
0x46: {  	[sflag:s22] =	ssyncadd.s32 $0xFFFFE000  }
0x47: {  	[spmem:s13] =	stream.linear.scatter [tilespmem:s24], [sflag:$0x5], $0x2000, $0x38;
	[tilespmem:$0x1F080] =	vst v63  }
0x48: {  	_ =	swait.ge [sflag:s22], $0x2000  }
0x49: {  	[sflag:s22] =	ssyncset.done $0x0  }
0x4a: {  	[sflag:s22] =	ssyncadd.s32 $0xFFFFE000  }
0x4b: {  	[spmem:s14] =	stream.linear.scatter [tilespmem:s24], [sflag:$0x5], $0x2000, $0x38;
	[tilespmem:$0x1F080] =	vst v63  }
0x4c: {  	_ =	swait.ge [sflag:s22], $0x2000  }
0x4d: {  	[sflag:s22] =	ssyncset.done $0x0  }
0x4e: {  	[sflag:s22] =	ssyncadd.s32 $0xFFFFE000  }
0x4f: {  	[spmem:s15] =	stream.linear.scatter [tilespmem:s24], [sflag:$0x5], $0x2000, $0x38;
	[tilespmem:$0x1F080] =	vst v63  }
0x50: {  	_ =	swait.ge [sflag:s22], $0x2000  }
0x51: {  	[sflag:s22] =	ssyncset.done $0x0  }
0x52: {  	[sflag:s22] =	ssyncadd.s32 $0xFFFFE000  }
0x53: {  	[spmem:s16] =	stream.linear.scatter [tilespmem:s24], [sflag:$0x5], $0x1880, $0x38;
	[tilespmem:$0x1F080] =	vst v63  }
0x54: {  	_ =	swait.ge [sflag:s22], $0x1880  }
0x55: {  	[sflag:s22] =	ssyncset.done $0x0  }
0x56: {  	s21 =	simm.s32 $0x0;
	[sflag:s22] =	ssyncadd.s32 $0xFFFFE780  }
0x57: {  	[tilespmem:s21], [sflag:$0x5] =	stream.linear.gather [hbm4b:s17+s21], $0x2800, $0x38;
	[tilespmem:$0x1F080] =	vst v63  }
0x58: {  	_ =	swait.ge [sflag:s22], $0x2800  }
0x59: {  	[sflag:s22] =	ssyncset.done $0x0  }
0x5a: {  	s1 =	simm.s32 $0x0;
	s3 =	simm.s32 $0x40;
	[sflag:s22] =	ssyncadd.s32 $0xFFFFD800  }
.LBB2_4:
0x5b: {  	p0 =	sne.s32 s3, $0x9FC0;
	v3 =	vld [tilespmem:s1+$0x0];
	_ =	sdelay $0x2  }
.Ltmp1:
0x5c: {  	(pc) =	sbr.rel @p0 .LBB2_4-.Ltmp1, $4  }
0x5d: {  	_ = 	snop  }
0x5e: {  	v3 =	vshll.u32 v3, $0x2  }
0x5f: {  	v3 =	vor.u32 v0, v3  }
0x60: {  	[tilespmem:s1+$0x0] =	vst v3;
	s1 =	sshra.s32 s3, $0x2;
	s3 =	sadd.s32 $0x40, s3  }
0x61: {  	v3 =	vld [tilespmem:s1+$0x0];
	_ =	sdelay $0x4  }
0x62: {  	v3 =	vshll.u32 v3, $0x2  }
0x63: {  	v3 =	vor.u32 v0, v3  }
0x64: {  	s3 =	simm.s32 $0x0;
	[tilespmem:s1+$0x0] =	vst v3;
	s1 =	simm.s32 $0x40  }
0x65: {  	[tilespmem:s24], [sflag:$0x1] =	stream.indirect.gather [hbm4b:s4+s1], $0x80, s3, s1, $0xb8;
	[tilespmem:$0x1F080] =	vst v63  }
0x66: {  	s5 =	simm.s32 $0x0;
	[bflag:$0x0] =	sbarrier.arrive $0xFFFF  }
.LBB2_6:
0x67: {  	p0 =	seq.s32 s5, $0x0  }
0x68: {  	s6 =	simm.s32 @!p0 $0x4  }
0x69: {  	_ =	swait.ge @!p0 [sflag:s6], $0x2000  }
0x6a: {  	s8 =	sshll.u32 s5, $0x7;
	[sflag:s6] =	ssyncset.done @!p0 $0x0  }
0x6b: {  	[sflag:s6] =	ssyncadd.s32 @!p0 $0xFFFFE000;
	s6 =	sor.u32 $0x40, s8  }
0x6c: {  	[tilespmem:s26], [sflag:$0x2] =	stream.indirect.gather [hbm4b:s4+s25], $0x80, s6, s25, $0xb8;
	[tilespmem:$0x1F080] =	vst v63  }
0x6d: {  	s21 =	sadd.s32 $0x0, s3;
	_ =	swait.ge [sflag:s28], $0x2000  }
0x6e: {  	v3 =	vmov s21;
	[sflag:s28] =	ssyncset.done $0x0  }
0x6f: {  	s18 =	simm.s32 $0x7840;
	[sflag:s28] =	ssyncadd.s32 $0xFFFFE000  }
0x70: {  	v7 =	vld [tilespmem:s18+$0x30]  }
0x71: {  	v10 =	vld [tilespmem:s18+$0x10]  }
0x72: {  	v8 =	vld [tilespmem:s18+$0xFFFFFFC0]  }
0x73: {  	v4 =	vld.idx.msk [tilespmem:v3+s23+$0x0], $0xffff  }
0x74: {  	v12 =	vld [tilespmem:s18+$0xFFFFFFE0]  }
0x75: {  	v3 =	vld [tilespmem:s18+$0xFFFFFFF0]  }
0x76: {  	v5 =	vld [tilespmem:s18+$0x20]  }
0x77: {  	v6 =	vld [tilespmem:s18+$0xFFFFFFD0]  }
0x78: {  	v11 =	vmul.f32 v7, v4;
	v7 =	vld [tilespmem:s18+$0x0]  }
0x79: {  	v9 =	vmul.f32 v8, v4  }
0x7a: {  	s19 =	sshll.u32 s5, $0x9;
	s20 =	simm.s32 $0x1;
	s8 =	simm.s32 $0x7840;
	v8 =	vmul.f32 v12, v4;
	v10 =	vmul.f32 v10, v4  }
.LBB2_7:
0x7b: {  	p0 =	sne.s32 s20, $0x3F  }
0x7c: {  	v6 =	vmul.f32 v6, v4;
	v5 =	vmul.f32 v5, v4;
	[tilespmem:s18+$0x30] =	vst v11;
	s8 =	sadd.s32 $0x80, s8;
	s9 =	smov.u32 s20;
	s20 =	sadd.s32 $0x1, s20  }
0x7d: {  	[tilespmem:s18+$0xFFFFFFC0] =	vst v9;
	v9 =	vmul.f32 v3, v4;
	v4 =	vmul.f32 v7, v4  }
0x7e: {  	s9 =	sadd.s32 s9, s3;
	[tilespmem:s18+$0x10] =	vst v10  }
0x7f: {  	v7 =	vmov s9;
	[tilespmem:s18+$0xFFFFFFE0] =	vst v8  }
0x80: {  	v3 =	vld [tilespmem:s8+$0xFFFFFFF0];
	[tilespmem:s18+$0xFFFFFFF0] =	vst v9  }
0x81: {  	v8 =	vld [tilespmem:s8+$0x30];
	[tilespmem:s18+$0x0] =	vst v4  }
0x82: {  	v10 =	vld [tilespmem:s8+$0x10];
	[tilespmem:s18+$0x20] =	vst v5  }
0x83: {  	v9 =	vld [tilespmem:s8+$0xFFFFFFC0];
	[tilespmem:s18+$0xFFFFFFD0] =	vst v6;
	s18 =	smov.u32 s8  }
0x84: {  	v4 =	vld.idx.msk [tilespmem:v7+s23+$0x0], $0xffff  }
0x85: {  	v12 =	vld [tilespmem:s8+$0xFFFFFFE0]  }
0x86: {  	v5 =	vld [tilespmem:s8+$0x20]  }
.Ltmp2:
0x87: {  	v6 =	vld [tilespmem:s8+$0xFFFFFFD0];
	(pc) =	sbr.rel @p0 .LBB2_7-.Ltmp2, $3  }
0x88: {  	v7 =	vld [tilespmem:s8+$0x0];
	_ =	sdelay $0x1  }
0x89: {  	v9 =	vmul.f32 v9, v4;
	v11 =	vmul.f32 v8, v4  }
0x8a: {  	v10 =	vmul.f32 v10, v4;
	v8 =	vmul.f32 v12, v4  }
0x8b: {  	[tilespmem:s18+$0x30] =	vst v11  }
0x8c: {  	[tilespmem:s18+$0xFFFFFFC0] =	vst v9  }
0x8d: {  	v3 =	vmul.f32 v3, v4;
	[tilespmem:s18+$0x10] =	vst v10  }
0x8e: {  	v5 =	vmul.f32 v5, v4;
	[tilespmem:s18+$0xFFFFFFE0] =	vst v8  }
0x8f: {  	v7 =	vmul.f32 v7, v4;
	[tilespmem:s18+$0xFFFFFFF0] =	vst v3  }
0x90: {  	v3 =	vmul.f32 v6, v4;
	[tilespmem:s18+$0x20] =	vst v5  }
0x91: {  	s8 =	sshrl.u32 s19, $0x2;
	[tilespmem:s18+$0x0] =	vst v7  }
0x92: {  	s8 =	sadd.s32 $0x2800, s8;
	[tilespmem:s18+$0xFFFFFFD0] =	vst v3  }
0x93: {  	[spmem:s2] =	stream.indirect.scatter.add.f32 [tilespmem:s24], [sflag:$0x3], $0x80, s8, s25, $0xb8;
	[tilespmem:$0x1F080] =	vst v63  }
0x94: {  	_ =	swait.ge [sflag:s29], $0x2000  }
0x95: {  	[sflag:s29] =	ssyncset.done $0x0  }
0x96: {  	[sflag:s29] =	ssyncadd.s32 $0xFFFFE000  }
0x97: {  	p0 =	seq.s32 s5, $0x4F;
	s21 =	sadd.s32 $0x0, s1;
	_ =	swait.ge [sflag:s30], $0x2000  }
0x98: {  	s9 =	simm.s32 @!p0 $0x40;
	s8 =	sshrl.u32 @!p0 s19, $0x2;
	[sflag:s30] =	ssyncset.done $0x0  }
0x99: {  	s18 =	simm.s32 @!p0 $0x7800;
	s8 =	sadd.s32 @!p0 $0x80, s8;
	[sflag:s30] =	ssyncadd.s32 $0xFFFFE000  }
0x9a: {  	v3 =	vmov s21;
	[tilespmem:s18], [sflag:$0x1] =	stream.indirect.gather @!p0 [hbm4b:s4+s9], $0x80, s8, s9, $0xb8;
	[tilespmem:$0x1F080] =	vst v63  }
0x9b: {  	s18 =	simm.s32 $0x9840  }
0x9c: {  	v7 =	vld [tilespmem:s18+$0x30]  }
0x9d: {  	v10 =	vld [tilespmem:s18+$0x10]  }
0x9e: {  	v8 =	vld [tilespmem:s18+$0xFFFFFFC0]  }
0x9f: {  	v4 =	vld.idx.msk [tilespmem:v3+s23+$0x0], $0xffff  }
0xa0: {  	v12 =	vld [tilespmem:s18+$0xFFFFFFE0]  }
0xa1: {  	v3 =	vld [tilespmem:s18+$0xFFFFFFF0]  }
0xa2: {  	v5 =	vld [tilespmem:s18+$0x20]  }
0xa3: {  	v6 =	vld [tilespmem:s18+$0xFFFFFFD0]  }
0xa4: {  	v11 =	vmul.f32 v7, v4;
	v7 =	vld [tilespmem:s18+$0x0]  }
0xa5: {  	v9 =	vmul.f32 v8, v4  }
0xa6: {  	s19 =	simm.s32 $0x1;
	s8 =	simm.s32 $0x9840;
	v8 =	vmul.f32 v12, v4;
	v10 =	vmul.f32 v10, v4  }
.LBB2_9:
0xa7: {  	p0 =	sne.s32 s19, $0x3F  }
0xa8: {  	v6 =	vmul.f32 v6, v4;
	v5 =	vmul.f32 v5, v4;
	[tilespmem:s18+$0x30] =	vst v11;
	s8 =	sadd.s32 $0x80, s8;
	s9 =	smov.u32 s19;
	s19 =	sadd.s32 $0x1, s19  }
0xa9: {  	[tilespmem:s18+$0xFFFFFFC0] =	vst v9;
	v9 =	vmul.f32 v3, v4;
	v4 =	vmul.f32 v7, v4  }
0xaa: {  	s9 =	sadd.s32 s9, s1;
	[tilespmem:s18+$0x10] =	vst v10  }
0xab: {  	v7 =	vmov s9;
	[tilespmem:s18+$0xFFFFFFE0] =	vst v8  }
0xac: {  	v3 =	vld [tilespmem:s8+$0xFFFFFFF0];
	[tilespmem:s18+$0xFFFFFFF0] =	vst v9  }
0xad: {  	v8 =	vld [tilespmem:s8+$0x30];
	[tilespmem:s18+$0x0] =	vst v4  }
0xae: {  	v10 =	vld [tilespmem:s8+$0x10];
	[tilespmem:s18+$0x20] =	vst v5  }
0xaf: {  	v9 =	vld [tilespmem:s8+$0xFFFFFFC0];
	[tilespmem:s18+$0xFFFFFFD0] =	vst v6;
	s18 =	smov.u32 s8  }
0xb0: {  	v4 =	vld.idx.msk [tilespmem:v7+s23+$0x0], $0xffff  }
0xb1: {  	v12 =	vld [tilespmem:s8+$0xFFFFFFE0]  }
0xb2: {  	v5 =	vld [tilespmem:s8+$0x20]  }
.Ltmp3:
0xb3: {  	v6 =	vld [tilespmem:s8+$0xFFFFFFD0];
	(pc) =	sbr.rel @p0 .LBB2_9-.Ltmp3, $3  }
0xb4: {  	v7 =	vld [tilespmem:s8+$0x0];
	_ =	sdelay $0x1  }
0xb5: {  	v9 =	vmul.f32 v9, v4;
	v11 =	vmul.f32 v8, v4  }
0xb6: {  	v10 =	vmul.f32 v10, v4;
	v8 =	vmul.f32 v12, v4  }
0xb7: {  	[tilespmem:s18+$0x30] =	vst v11  }
0xb8: {  	[tilespmem:s18+$0xFFFFFFC0] =	vst v9  }
0xb9: {  	v3 =	vmul.f32 v3, v4;
	s5 =	sadd.s32 $0x1, s5;
	[tilespmem:s18+$0x10] =	vst v10  }
0xba: {  	v5 =	vmul.f32 v5, v4;
	[tilespmem:s18+$0xFFFFFFE0] =	vst v8;
	p0 =	sne.s32 s5, $0x50  }
.Ltmp4:
0xbb: {  	v7 =	vmul.f32 v7, v4;
	[tilespmem:s18+$0xFFFFFFF0] =	vst v3;
	(pc) =	sbr.rel @p0 .LBB2_6-.Ltmp4, $4  }
0xbc: {  	v3 =	vmul.f32 v6, v4;
	[tilespmem:s18+$0x20] =	vst v5  }
0xbd: {  	[tilespmem:s18+$0x0] =	vst v7  }
0xbe: {  	s6 =	sadd.s32 $0x2800, s6;
	s3 =	sadd.s32 $0x80, s3;
	s1 =	sadd.s32 $0x80, s1;
	[tilespmem:s18+$0xFFFFFFD0] =	vst v3  }
0xbf: {  	[spmem:s2] =	stream.indirect.scatter.add.f32 [tilespmem:s26], [sflag:$0x4], $0x80, s6, s25, $0xb8;
	[tilespmem:$0x1F080] =	vst v63  }
0xc0: {  	_ =	swait.ge [sflag:s31], $0x2000  }
0xc1: {  	[sflag:s31] =	ssyncset.done $0x0  }
0xc2: {  	s1 =	stileid.u32;
	[sflag:s31] =	ssyncadd.s32 $0xFFFFE000  }
0xc3: {  	s1 =	sshll.u32 s1, $0x6;
	[bflag:$0x0] =	sbarrier.arrive $0xFFFF  }
0xc4: {  	s21 =	sor.u32 $0x1C05, s1;
	s1 =	sshrl.u32 s7, $0x3;
	s3 =	rddreg [dreg:$0x8]  }
0xc5: {  	[hbm:s3], [sflag:s21] =	dma.local [spmem:s1], $0x2710  }
0xc6: {  	_ =	swait.ge [sflag:s22], $0x2710  }
0xc7: {  	[sflag:s22] =	ssyncset.done $0x0  }
0xc8: {  	s5 =	simm.s32 $0x200;
	s3 =	simm.s32 $0x0;
	[sflag:s22] =	ssyncadd.s32 $0xFFFFD8F0  }
.LBB2_12:
0xc9: {  	p0 =	sne.s32 s5, $0x7E00;
	[tilespmem:s3+$0x7870] =	vst v2  }
0xca: {  	[tilespmem:s3+$0x7800] =	vst v2  }
0xcb: {  	[tilespmem:s3+$0x7810] =	vst v2  }
.Ltmp5:
0xcc: {  	[tilespmem:s3+$0x7820] =	vst v2;
	(pc) =	sbr.rel @p0 .LBB2_12-.Ltmp5, $4  }
0xcd: {  	[tilespmem:s3+$0x7830] =	vst v2  }
0xce: {  	[tilespmem:s3+$0x7840] =	vst v2  }
0xcf: {  	[tilespmem:s3+$0x7850] =	vst v2  }
0xd0: {  	[tilespmem:s3+$0x7860] =	vst v2;
	s3 =	sshra.s32 s5, $0x2;
	s5 =	sadd.s32 $0x200, s5  }
0xd1: {  	[tilespmem:s3+$0x7870] =	vst v2  }
0xd2: {  	[tilespmem:s3+$0x7800] =	vst v2  }
0xd3: {  	[tilespmem:s3+$0x7810] =	vst v2  }
0xd4: {  	[tilespmem:s3+$0x7820] =	vst v2  }
0xd5: {  	[tilespmem:s3+$0x7830] =	vst v2  }
0xd6: {  	[tilespmem:s3+$0x7840] =	vst v2  }
0xd7: {  	[tilespmem:s3+$0x7850] =	vst v2  }
0xd8: {  	[tilespmem:s3+$0x7860] =	vst v2  }
0xd9: {  	[spmem:s7] =	stream.linear.scatter [tilespmem:s24], [sflag:$0x5], $0x2000, $0x38;
	[tilespmem:$0x1F080] =	vst v63  }
0xda: {  	_ =	swait.ge [sflag:s22], $0x2000  }
0xdb: {  	[sflag:s22] =	ssyncset.done $0x0  }
0xdc: {  	[sflag:s22] =	ssyncadd.s32 $0xFFFFE000  }
0xdd: {  	[spmem:s10] =	stream.linear.scatter [tilespmem:s24], [sflag:$0x5], $0x2000, $0x38;
	[tilespmem:$0x1F080] =	vst v63  }
0xde: {  	_ =	swait.ge [sflag:s22], $0x2000  }
0xdf: {  	[sflag:s22] =	ssyncset.done $0x0  }
0xe0: {  	s11 =	smov.u32 s10;
	s10 =	rddreg [dreg:$0x5];
	[sflag:s22] =	ssyncadd.s32 $0xFFFFE000  }
0xe1: {  	[spmem:s10] =	stream.linear.scatter [tilespmem:s24], [sflag:$0x5], $0x2000, $0x38;
	[tilespmem:$0x1F080] =	vst v63  }
0xe2: {  	_ =	swait.ge [sflag:s22], $0x2000  }
0xe3: {  	[sflag:s22] =	ssyncset.done $0x0  }
0xe4: {  	s18 =	rddreg [dreg:$0x6];
	[sflag:s22] =	ssyncadd.s32 $0xFFFFE000  }
0xe5: {  	[spmem:s18] =	stream.linear.scatter [tilespmem:s24], [sflag:$0x5], $0x2000, $0x38;
	[tilespmem:$0x1F080] =	vst v63  }
0xe6: {  	_ =	swait.ge [sflag:s22], $0x2000  }
0xe7: {  	[sflag:s22] =	ssyncset.done $0x0  }
0xe8: {  	s19 =	rddreg [dreg:$0x7];
	[sflag:s22] =	ssyncadd.s32 $0xFFFFE000  }
0xe9: {  	[spmem:s19] =	stream.linear.scatter [tilespmem:s24], [sflag:$0x5], $0x2000, $0x38;
	[tilespmem:$0x1F080] =	vst v63  }
0xea: {  	_ =	swait.ge [sflag:s22], $0x2000  }
0xeb: {  	[sflag:s22] =	ssyncset.done $0x0  }
0xec: {  	[sflag:s22] =	ssyncadd.s32 $0xFFFFE000  }
0xed: {  	[spmem:s12] =	stream.linear.scatter [tilespmem:s24], [sflag:$0x5], $0x2000, $0x38;
	[tilespmem:$0x1F080] =	vst v63  }
0xee: {  	_ =	swait.ge [sflag:s22], $0x2000  }
0xef: {  	[sflag:s22] =	ssyncset.done $0x0  }
0xf0: {  	[sflag:s22] =	ssyncadd.s32 $0xFFFFE000  }
0xf1: {  	[spmem:s13] =	stream.linear.scatter [tilespmem:s24], [sflag:$0x5], $0x2000, $0x38;
	[tilespmem:$0x1F080] =	vst v63  }
0xf2: {  	_ =	swait.ge [sflag:s22], $0x2000  }
0xf3: {  	[sflag:s22] =	ssyncset.done $0x0  }
0xf4: {  	[sflag:s22] =	ssyncadd.s32 $0xFFFFE000  }
0xf5: {  	[spmem:s14] =	stream.linear.scatter [tilespmem:s24], [sflag:$0x5], $0x2000, $0x38;
	[tilespmem:$0x1F080] =	vst v63  }
0xf6: {  	_ =	swait.ge [sflag:s22], $0x2000  }
0xf7: {  	[sflag:s22] =	ssyncset.done $0x0  }
0xf8: {  	[sflag:s22] =	ssyncadd.s32 $0xFFFFE000  }
0xf9: {  	[spmem:s15] =	stream.linear.scatter [tilespmem:s24], [sflag:$0x5], $0x2000, $0x38;
	[tilespmem:$0x1F080] =	vst v63  }
0xfa: {  	_ =	swait.ge [sflag:s22], $0x2000  }
0xfb: {  	[sflag:s22] =	ssyncset.done $0x0  }
0xfc: {  	[sflag:s22] =	ssyncadd.s32 $0xFFFFE000  }
0xfd: {  	[spmem:s16] =	stream.linear.scatter [tilespmem:s24], [sflag:$0x5], $0x1880, $0x38;
	[tilespmem:$0x1F080] =	vst v63  }
0xfe: {  	_ =	swait.ge [sflag:s22], $0x1880  }
0xff: {  	[sflag:s22] =	ssyncset.done $0x0  }
0x100: {  	s20 =	simm.s32 $0x0;
	[sflag:s22] =	ssyncadd.s32 $0xFFFFE780  }
0x101: {  	[tilespmem:s20], [sflag:$0x5] =	stream.linear.gather [hbm4b:s17+s20], $0x2800, $0x38;
	[tilespmem:$0x1F080] =	vst v63  }
0x102: {  	_ =	swait.ge [sflag:s22], $0x2800  }
0x103: {  	[sflag:s22] =	ssyncset.done $0x0  }
0x104: {  	s3 =	simm.s32 $0x0;
	s5 =	simm.s32 $0x40;
	[sflag:s22] =	ssyncadd.s32 $0xFFFFD800  }
.LBB2_14:
0x105: {  	p0 =	sne.s32 s5, $0x9FC0;
	v3 =	vld [tilespmem:s3+$0x0];
	_ =	sdelay $0x2  }
.Ltmp6:
0x106: {  	(pc) =	sbr.rel @p0 .LBB2_14-.Ltmp6, $4  }
0x107: {  	_ = 	snop  }
0x108: {  	v3 =	vshll.u32 v3, $0x2  }
0x109: {  	v3 =	vor.u32 v1, v3  }
0x10a: {  	[tilespmem:s3+$0x0] =	vst v3;
	s3 =	sshra.s32 s5, $0x2;
	s5 =	sadd.s32 $0x40, s5  }
0x10b: {  	v3 =	vld [tilespmem:s3+$0x0];
	_ =	sdelay $0x4  }
0x10c: {  	v3 =	vshll.u32 v3, $0x2  }
0x10d: {  	v3 =	vor.u32 v1, v3  }
0x10e: {  	s5 =	simm.s32 $0x0;
	[tilespmem:s3+$0x0] =	vst v3;
	s3 =	simm.s32 $0x40  }
0x10f: {  	[tilespmem:s24], [sflag:$0x1] =	stream.indirect.gather [hbm4b:s4+s3], $0x80, s5, s3, $0xb8;
	[tilespmem:$0x1F080] =	vst v63  }
0x110: {  	s6 =	simm.s32 $0x0;
	[bflag:$0x0] =	sbarrier.arrive $0xFFFF  }
.LBB2_16:
0x111: {  	p0 =	seq.s32 s6, $0x0  }
0x112: {  	s8 =	simm.s32 @!p0 $0x4  }
0x113: {  	_ =	swait.ge @!p0 [sflag:s8], $0x2000  }
0x114: {  	s9 =	sshll.u32 s6, $0x7;
	[sflag:s8] =	ssyncset.done @!p0 $0x0  }
0x115: {  	s18 =	sor.u32 $0x40, s9;
	[sflag:s8] =	ssyncadd.s32 @!p0 $0xFFFFE000  }
0x116: {  	[tilespmem:s26], [sflag:$0x2] =	stream.indirect.gather [hbm4b:s4+s25], $0x80, s18, s25, $0xb8;
	[tilespmem:$0x1F080] =	vst v63  }
0x117: {  	s20 =	sadd.s32 $0x0, s5;
	_ =	swait.ge [sflag:s28], $0x2000  }
0x118: {  	v3 =	vmov s20;
	[sflag:s28] =	ssyncset.done $0x0  }
0x119: {  	s19 =	simm.s32 $0x7840;
	[sflag:s28] =	ssyncadd.s32 $0xFFFFE000  }
0x11a: {  	v7 =	vld [tilespmem:s19+$0x30]  }
0x11b: {  	v10 =	vld [tilespmem:s19+$0x10]  }
0x11c: {  	v8 =	vld [tilespmem:s19+$0xFFFFFFC0]  }
0x11d: {  	v4 =	vld.idx.msk [tilespmem:v3+s23+$0x0], $0xffff  }
0x11e: {  	v12 =	vld [tilespmem:s19+$0xFFFFFFE0]  }
0x11f: {  	v3 =	vld [tilespmem:s19+$0xFFFFFFF0]  }
0x120: {  	v5 =	vld [tilespmem:s19+$0x20]  }
0x121: {  	v6 =	vld [tilespmem:s19+$0xFFFFFFD0]  }
0x122: {  	v11 =	vmul.f32 v7, v4;
	v7 =	vld [tilespmem:s19+$0x0]  }
0x123: {  	v9 =	vmul.f32 v8, v4  }
0x124: {  	s20 =	sshll.u32 s6, $0x9;
	s9 =	simm.s32 $0x7840;
	s8 =	simm.s32 $0x1;
	v8 =	vmul.f32 v12, v4;
	v10 =	vmul.f32 v10, v4  }
.LBB2_17:
0x125: {  	p0 =	sne.s32 s8, $0x3F  }
0x126: {  	v6 =	vmul.f32 v6, v4;
	v5 =	vmul.f32 v5, v4;
	[tilespmem:s19+$0x30] =	vst v11;
	s9 =	sadd.s32 $0x80, s9;
	s10 =	smov.u32 s8;
	s8 =	sadd.s32 $0x1, s8  }
0x127: {  	[tilespmem:s19+$0xFFFFFFC0] =	vst v9;
	v9 =	vmul.f32 v3, v4;
	v4 =	vmul.f32 v7, v4  }
0x128: {  	s10 =	sadd.s32 s10, s5;
	[tilespmem:s19+$0x10] =	vst v10  }
0x129: {  	v7 =	vmov s10;
	[tilespmem:s19+$0xFFFFFFE0] =	vst v8  }
0x12a: {  	v3 =	vld [tilespmem:s9+$0xFFFFFFF0];
	[tilespmem:s19+$0xFFFFFFF0] =	vst v9  }
0x12b: {  	v8 =	vld [tilespmem:s9+$0x30];
	[tilespmem:s19+$0x0] =	vst v4  }
0x12c: {  	v10 =	vld [tilespmem:s9+$0x10];
	[tilespmem:s19+$0x20] =	vst v5  }
0x12d: {  	v9 =	vld [tilespmem:s9+$0xFFFFFFC0];
	[tilespmem:s19+$0xFFFFFFD0] =	vst v6;
	s19 =	smov.u32 s9  }
0x12e: {  	v4 =	vld.idx.msk [tilespmem:v7+s23+$0x0], $0xffff  }
0x12f: {  	v12 =	vld [tilespmem:s9+$0xFFFFFFE0]  }
0x130: {  	v5 =	vld [tilespmem:s9+$0x20]  }
.Ltmp7:
0x131: {  	v6 =	vld [tilespmem:s9+$0xFFFFFFD0];
	(pc) =	sbr.rel @p0 .LBB2_17-.Ltmp7, $3  }
0x132: {  	v7 =	vld [tilespmem:s9+$0x0];
	_ =	sdelay $0x1  }
0x133: {  	v9 =	vmul.f32 v9, v4;
	v11 =	vmul.f32 v8, v4  }
0x134: {  	v10 =	vmul.f32 v10, v4;
	v8 =	vmul.f32 v12, v4  }
0x135: {  	[tilespmem:s19+$0x30] =	vst v11  }
0x136: {  	[tilespmem:s19+$0xFFFFFFC0] =	vst v9  }
0x137: {  	v3 =	vmul.f32 v3, v4;
	[tilespmem:s19+$0x10] =	vst v10  }
0x138: {  	v5 =	vmul.f32 v5, v4;
	[tilespmem:s19+$0xFFFFFFE0] =	vst v8  }
0x139: {  	v7 =	vmul.f32 v7, v4;
	[tilespmem:s19+$0xFFFFFFF0] =	vst v3  }
0x13a: {  	v3 =	vmul.f32 v6, v4;
	[tilespmem:s19+$0x20] =	vst v5  }
0x13b: {  	s8 =	sshrl.u32 s20, $0x2;
	[tilespmem:s19+$0x0] =	vst v7  }
0x13c: {  	s8 =	sadd.s32 $0x2800, s8;
	[tilespmem:s19+$0xFFFFFFD0] =	vst v3  }
0x13d: {  	[spmem:s2] =	stream.indirect.scatter.add.f32 [tilespmem:s24], [sflag:$0x3], $0x80, s8, s25, $0xb8;
	[tilespmem:$0x1F080] =	vst v63  }
0x13e: {  	_ =	swait.ge [sflag:s29], $0x2000  }
0x13f: {  	[sflag:s29] =	ssyncset.done $0x0  }
0x140: {  	p0 =	seq.s32 s6, $0x4F;
	[sflag:s29] =	ssyncadd.s32 $0xFFFFE000  }
0x141: {  	s9 =	simm.s32 @!p0 $0x40;
	s10 =	simm.s32 @!p0 $0x7800;
	_ =	swait.ge [sflag:s30], $0x2000  }
0x142: {  	s8 =	sshrl.u32 @!p0 s20, $0x2;
	s20 =	sadd.s32 $0x0, s3;
	[sflag:s30] =	ssyncset.done $0x0  }
0x143: {  	s19 =	simm.s32 $0x9840;
	s8 =	sadd.s32 @!p0 $0x80, s8;
	v3 =	vmov s20;
	[sflag:s30] =	ssyncadd.s32 $0xFFFFE000  }
0x144: {  	[tilespmem:s10], [sflag:$0x1] =	stream.indirect.gather @!p0 [hbm4b:s4+s9], $0x80, s8, s9, $0xb8;
	[tilespmem:$0x1F080] =	vst v63  }
0x145: {  	v7 =	vld [tilespmem:s19+$0x30]  }
0x146: {  	v10 =	vld [tilespmem:s19+$0x10]  }
0x147: {  	v8 =	vld [tilespmem:s19+$0xFFFFFFC0]  }
0x148: {  	v4 =	vld.idx.msk [tilespmem:v3+s23+$0x0], $0xffff  }
0x149: {  	v12 =	vld [tilespmem:s19+$0xFFFFFFE0]  }
0x14a: {  	v3 =	vld [tilespmem:s19+$0xFFFFFFF0]  }
0x14b: {  	v5 =	vld [tilespmem:s19+$0x20]  }
0x14c: {  	v6 =	vld [tilespmem:s19+$0xFFFFFFD0]  }
0x14d: {  	v11 =	vmul.f32 v7, v4;
	v7 =	vld [tilespmem:s19+$0x0]  }
0x14e: {  	v9 =	vmul.f32 v8, v4  }
0x14f: {  	s8 =	simm.s32 $0x1;
	s9 =	simm.s32 $0x9840;
	v8 =	vmul.f32 v12, v4;
	v10 =	vmul.f32 v10, v4  }
.LBB2_19:
0x150: {  	p0 =	sne.s32 s8, $0x3F  }
0x151: {  	v6 =	vmul.f32 v6, v4;
	v5 =	vmul.f32 v5, v4;
	[tilespmem:s19+$0x30] =	vst v11;
	s9 =	sadd.s32 $0x80, s9;
	s10 =	smov.u32 s8;
	s8 =	sadd.s32 $0x1, s8  }
0x152: {  	[tilespmem:s19+$0xFFFFFFC0] =	vst v9;
	v9 =	vmul.f32 v3, v4;
	v4 =	vmul.f32 v7, v4  }
0x153: {  	s10 =	sadd.s32 s10, s3;
	[tilespmem:s19+$0x10] =	vst v10  }
0x154: {  	v7 =	vmov s10;
	[tilespmem:s19+$0xFFFFFFE0] =	vst v8  }
0x155: {  	v3 =	vld [tilespmem:s9+$0xFFFFFFF0];
	[tilespmem:s19+$0xFFFFFFF0] =	vst v9  }
0x156: {  	v8 =	vld [tilespmem:s9+$0x30];
	[tilespmem:s19+$0x0] =	vst v4  }
0x157: {  	v10 =	vld [tilespmem:s9+$0x10];
	[tilespmem:s19+$0x20] =	vst v5  }
0x158: {  	v9 =	vld [tilespmem:s9+$0xFFFFFFC0];
	[tilespmem:s19+$0xFFFFFFD0] =	vst v6;
	s19 =	smov.u32 s9  }
0x159: {  	v4 =	vld.idx.msk [tilespmem:v7+s23+$0x0], $0xffff  }
0x15a: {  	v12 =	vld [tilespmem:s9+$0xFFFFFFE0]  }
0x15b: {  	v5 =	vld [tilespmem:s9+$0x20]  }
.Ltmp8:
0x15c: {  	v6 =	vld [tilespmem:s9+$0xFFFFFFD0];
	(pc) =	sbr.rel @p0 .LBB2_19-.Ltmp8, $3  }
0x15d: {  	v7 =	vld [tilespmem:s9+$0x0];
	_ =	sdelay $0x1  }
0x15e: {  	v9 =	vmul.f32 v9, v4;
	v11 =	vmul.f32 v8, v4  }
0x15f: {  	v10 =	vmul.f32 v10, v4;
	v8 =	vmul.f32 v12, v4  }
0x160: {  	[tilespmem:s19+$0x30] =	vst v11  }
0x161: {  	[tilespmem:s19+$0xFFFFFFC0] =	vst v9  }
0x162: {  	v3 =	vmul.f32 v3, v4;
	s6 =	sadd.s32 $0x1, s6;
	[tilespmem:s19+$0x10] =	vst v10  }
0x163: {  	v5 =	vmul.f32 v5, v4;
	[tilespmem:s19+$0xFFFFFFE0] =	vst v8;
	p0 =	sne.s32 s6, $0x50  }
.Ltmp9:
0x164: {  	v7 =	vmul.f32 v7, v4;
	[tilespmem:s19+$0xFFFFFFF0] =	vst v3;
	(pc) =	sbr.rel @p0 .LBB2_16-.Ltmp9, $4  }
0x165: {  	v3 =	vmul.f32 v6, v4;
	[tilespmem:s19+$0x20] =	vst v5  }
0x166: {  	[tilespmem:s19+$0x0] =	vst v7  }
0x167: {  	s8 =	sadd.s32 $0x2800, s18;
	s5 =	sadd.s32 $0x80, s5;
	s3 =	sadd.s32 $0x80, s3;
	[tilespmem:s19+$0xFFFFFFD0] =	vst v3  }
0x168: {  	[spmem:s2] =	stream.indirect.scatter.add.f32 [tilespmem:s26], [sflag:$0x4], $0x80, s8, s25, $0xb8;
	[tilespmem:$0x1F080] =	vst v63  }
0x169: {  	_ =	swait.ge [sflag:s31], $0x2000  }
0x16a: {  	[sflag:s31] =	ssyncset.done $0x0  }
0x16b: {  	[sflag:s31] =	ssyncadd.s32 $0xFFFFE000  }
0x16c: {  	[bflag:$0x0] =	sbarrier.arrive $0xFFFF  }
0x16d: {  	s3 =	rddreg [dreg:$0x9]  }
0x16e: {  	[hbm:s3], [sflag:s21] =	dma.local [spmem:s1], $0x2710  }
0x16f: {  	_ =	swait.ge [sflag:s22], $0x2710  }
0x170: {  	s0 =	sadd.s32 $0x1, s0;
	s21 =	rddreg [dreg:$0xa]  }
0x171: {  	p0 =	sne.s32 s0, s21  }
.Ltmp10:
0x172: {  	_ = 	snop;
	(pc) =	sbr.rel @p0 .LBB2_1-.Ltmp10, $3  }
0x173: {  	_ =	sdelay $0x1  }
0x174: {  	[sflag:s22] =	ssyncset.done $0x0  }
0x175: {  	s10 =	smov.u32 s11;
	[sflag:s22] =	ssyncadd.s32 $0xFFFFD8F0  }
0x176: {  	_ =	sfence.sel $0x180000  }
0x177: {  	[bflag:$0x0] =	sbarrier.arrive $0xFFFF  }
0x178: {  	_ =	strace $0x9000004D  }
0x179: {  	s0 =	stileid.u32;
	[bflag:$0x2] =	sbarrier.arrive $0xFFFF  }
0x17a: {  	p0 =	sne.s32 s0, $0x0;
	s0 =	rddreg [dreg:$0x2]  }
0x17b: {  	s0 =	sadd.s32 @!p0 $0x100000, s0  }
0x17c: {  	[sflag:s0] =	ssyncadd.tile.s32 @!p0 $0x1;
	_ =	shalt  }
.Lfunc_end2:
_tile_overlayer_lowered:
.L_overlay_start_2:
0x17d: {  	(tag) =	ssettag $0x2  }
0x17e: {  	s0 =	rddreg [dreg:$0x0];
	s2 =	stileid.u32  }
0x17f: {  	s1 =	rddreg [dreg:$0x1];
	p0 =	sne.s32 s2, $0x0  }
0x180: {  	s3 =	rddreg [dreg:$0x2];
	[bflag:$0x3] =	sbarrier.arrive $0xFFFF;
	s2 =	simm.s32 @!p0 $0x1C05  }
0x181: {  	[timem:s3], [sflag:s2] =	dma.local @!p0 [hbm:s0], s1  }
0x182: {  	s0 =	simm.s32 @!p0 $0x5  }
0x183: {  	_ =	swait.ge @!p0 [sflag:s0], s1  }
0x184: {  	s1 =	ssub.s32 @!p0 $0x0, s1;
	[sflag:s0] =	ssyncset.done @!p0 $0x0  }
0x185: {  	[sflag:s0] =	ssyncadd.s32 @!p0 s1  }
0x186: {  	[bflag:$0x3] =	sbarrier.arrive $0xFFFF  }
0x187: {  	_ =	shalt  }

// kernel: kernel.20.cloned.1.call-start
scs
__scs_entry_jumppad:
0x0: {  	(pc) =	sbr.rel $0x88, $3  }
0x1: {  	(tag) =	ssettag $0x0;
	lr =	simm.s32 $0x1  }
0x2: {  	[smem:$0x3F96] =	sst lr;
	_ =	strace $0xD0000000  }
0x3: {  	_ = 	snop  }
0x4: {  	_ = 	snop  }
0x5: {  	_ = 	snop  }
0x6: {  	_ = 	snop  }
0x7: {  	_ = 	snop  }
__scs_overlays_trampoline_lowered:
0x8: {  	[smem:$0x3FA5] =	sst s0  }
0x9: {  	[smem:$0x3FA6] =	sst s1  }
0xa: {  	[smem:$0x3FA7] =	sst s2  }
0xb: {  	[smem:$0x3FA8] =	sst s3  }
0xc: {  	[smem:$0x3FA9] =	sst s4  }
0xd: {  	[smem:$0x3FAA] =	sst s5  }
0xe: {  	[smem:$0x3FAB] =	sst s6  }
0xf: {  	[smem:$0x3FAC] =	sst s7  }
0x10: {  	[smem:$0x3FAD] =	sst s8  }
0x11: {  	[smem:$0x3FAE] =	sst s9;
	s0 =	simm.s32 @!p0 $0x0  }
0x12: {  	s1 =	sld [smem:$0x3F94];
	s0 =	simm.s32 @p0 $0x1  }
0x13: {  	[smem:$0x3FAF] =	sst s0;
	s0 =	simm.s32 @!p1 $0x0  }
0x14: {  	s2 =	sld [smem:$0x3F93];
	s0 =	simm.s32 @p1 $0x1  }
0x15: {  	[smem:$0x3FB0] =	sst s0;
	s0 =	simm.s32 @!p2 $0x0  }
0x16: {  	s3 =	sld [smem:$0x3FDB];
	s0 =	simm.s32 @p2 $0x1  }
0x17: {  	s4 =	simm.s32 $0x1BF5;
	[smem:$0x3FB2] =	sst s0  }
0x18: {  	s0 =	sld [smem:$0x3F95];
	_ =	swait.ge [sflag:s4], $0x0  }
0x19: {  	s7 =	sld [smem:$0x3F96]  }
0x1a: {  	s8 =	sadd.s32 $0xFFFFE003, lr  }
0x1b: {  	s9 =	sadd.s32 $0xFFFFFEF7, lr;
	s5 =	simm.s32 $0xFFFFFFFF;
	p2 =	slt.u32 s8, $0xFFFFF086  }
0x1c: {  	p1 =	slt.u32 s9, $0xF7A;
	s5 =	simm.s32 @!p2 $0x0  }
0x1d: {  	s5 =	simm.s32 @p1 $0x1;
	p0 =	seq.s32 s7, s2  }
0x1e: {  	s7 =	smul.u32 @!p0 $0xF7A, s2;
	p2 =	seq.s32 @!p0 s5, $0x0  }
0x1f: {  	s9 =	smul.u32 $0xF7A, s1;
	s8 =	simm.s32 @!p0 $0x1BF5;
	p2 =	por !p2, p0  }
0x20: {  	[sflag:s8] =	ssyncset.s32 @!p0 $0xFFFFF086;
	s6 =	sadd.s32 @!p0 s3, s7;
	s7 =	simm.s32 @!p0 $0x108  }
0x21: {  	s3 =	sadd.s32 s3, s9;
	s6 =	sadd.s32 @!p0 $0x88, s6;
	s7 =	simm.s32 @p2 $0x1082  }
0x22: {  	[simem:s7], [sflag:s8] =	dma.local @!p0 [hbm:s6], $0xF7A  }
0x23: {  	s9 =	sor.u32 $0xD0000000, s2;
	s6 =	simm.s32 $0x108;
	_ =	swait.ge @!p0 [sflag:s8], $0x0  }
0x24: {  	s3 =	sadd.s32 $0x88, s3;
	s6 =	simm.s32 @!p1 $0x1082;
	[sflag:s4] =	ssyncset.s32 $0xFFFFF086  }
0x25: {  	[simem:s6], [sflag:s4] =	dma.local [hbm:s3], $0xF7A  }
0x26: {  	[smem:$0x3F96] =	sst s1;
	(tag) =	ssettag s2;
	_ =	strace s9  }
0x27: {  	s1 =	sld [smem:$0x3FA6]  }
0x28: {  	s2 =	sld [smem:$0x3FA7]  }
0x29: {  	s4 =	sld [smem:$0x3FA9]  }
0x2a: {  	p0 =	seq.s32 s5, $0x0;
	s5 =	sld [smem:$0x3FAA]  }
0x2b: {  	s6 =	sld [smem:$0x3FAB]  }
0x2c: {  	s7 =	sld [smem:$0x3FAC]  }
0x2d: {  	s3 =	simm.s32 $0x108;
	s8 =	sld [smem:$0x3FAD]  }
0x2e: {  	s3 =	simm.s32 @!p0 $0x1082;
	s9 =	sld [smem:$0x3FAE]  }
0x2f: {  	lr =	sadd.s32 s0, s3;
	s0 =	sld [smem:$0x3FA5]  }
0x30: {  	s3 =	sld [smem:$0x3FA8]  }
0x31: {  	[smem:$0x3FB1] =	sst s10  }
0x32: {  	s10 =	sld [smem:$0x3FAF];
	_ =	sdelay $0x3  }
0x33: {  	p0 =	seq.s32 s10, $0x1;
	s10 =	sld [smem:$0x3FB1];
	_ =	sdelay $0x3  }
0x34: {  	[smem:$0x3FB1] =	sst s10  }
0x35: {  	s10 =	sld [smem:$0x3FB0];
	_ =	sdelay $0x3  }
0x36: {  	p1 =	seq.s32 s10, $0x1;
	s10 =	sld [smem:$0x3FB1];
	_ =	sdelay $0x3  }
0x37: {  	[smem:$0x3FB1] =	sst s10  }
0x38: {  	s10 =	sld [smem:$0x3FB2]  }
0x39: {  	_ = 	snop;
	(pc) =	sbr.ind lr, $3  }
0x3a: {  	_ = 	snop  }
0x3b: {  	_ = 	snop  }
0x3c: {  	p2 =	seq.s32 s10, $0x1;
	s10 =	sld [smem:$0x3FB1]  }
0x3d: {  	_ =	shalt  }
0x3e: {  	_ =	shalt  }
0x3f: {  	_ =	shalt  }
0x40: {  	_ =	shalt  }
0x41: {  	_ =	shalt  }
0x42: {  	_ =	shalt  }
0x43: {  	_ =	shalt  }
0x44: {  	_ =	shalt  }
0x45: {  	_ =	shalt  }
0x46: {  	_ =	shalt  }
0x47: {  	_ =	shalt  }
0x48: {  	_ =	shalt  }
0x49: {  	_ =	shalt  }
0x4a: {  	_ =	shalt  }
0x4b: {  	_ =	shalt  }
0x4c: {  	_ =	shalt  }
0x4d: {  	_ =	shalt  }
0x4e: {  	_ =	shalt  }
0x4f: {  	_ =	shalt  }
0x50: {  	_ =	shalt  }
0x51: {  	_ =	shalt  }
0x52: {  	_ =	shalt  }
0x53: {  	_ =	shalt  }
0x54: {  	_ =	shalt  }
0x55: {  	_ =	shalt  }
0x56: {  	_ =	shalt  }
0x57: {  	_ =	shalt  }
0x58: {  	_ =	shalt  }
0x59: {  	_ =	shalt  }
0x5a: {  	_ =	shalt  }
0x5b: {  	_ =	shalt  }
0x5c: {  	_ =	shalt  }
0x5d: {  	_ =	shalt  }
0x5e: {  	_ =	shalt  }
0x5f: {  	_ =	shalt  }
0x60: {  	_ =	shalt  }
0x61: {  	_ =	shalt  }
0x62: {  	_ =	shalt  }
0x63: {  	_ =	shalt  }
0x64: {  	_ =	shalt  }
0x65: {  	_ =	shalt  }
0x66: {  	_ =	shalt  }
0x67: {  	_ =	shalt  }
0x68: {  	_ =	shalt  }
0x69: {  	_ =	shalt  }
0x6a: {  	_ =	shalt  }
0x6b: {  	_ =	shalt  }
0x6c: {  	_ =	shalt  }
0x6d: {  	_ =	shalt  }
0x6e: {  	_ =	shalt  }
0x6f: {  	_ =	shalt  }
0x70: {  	_ =	shalt  }
0x71: {  	_ =	shalt  }
0x72: {  	_ =	shalt  }
0x73: {  	_ =	shalt  }
0x74: {  	_ =	shalt  }
0x75: {  	_ =	shalt  }
0x76: {  	_ =	shalt  }
0x77: {  	_ =	shalt  }
0x78: {  	_ =	shalt  }
0x79: {  	_ =	shalt  }
0x7a: {  	_ =	shalt  }
0x7b: {  	_ =	shalt  }
0x7c: {  	_ =	shalt  }
0x7d: {  	_ =	shalt  }
0x7e: {  	_ =	shalt  }
0x7f: {  	_ =	shalt  }
0x80: {  	_ =	shalt  }
0x81: {  	_ =	shalt  }
0x82: {  	_ =	shalt  }
0x83: {  	_ =	shalt  }
0x84: {  	_ =	shalt  }
0x85: {  	_ =	shalt  }
0x86: {  	_ =	shalt  }
0x87: {  	_ =	shalt  }
.Lfunc_end0:
.L_simem_size_0:
called_computation.3_lowered:
.L_overlay_start_0:
0x88: {  	s2 =	sld [smem:$0x3FD9]  }
0x89: {  	s3 =	sld [smem:$0x3FFE];
	_ =	sdelay $0x1  }
0x8a: {  	s1 =	srdreg.scid  }
0x8b: {  	s0 =	sand.u32 $0x1, s1  }
0x8c: {  	s17 =	sshll.u32 s0, $0xA;
	s2 =	sadd.s32 s3, s2  }
0x8d: {  	s2 =	sadd.s32 s2, s17  }
0x8e: {  	[smem:$0x3FBD] =	sst s2  }
0x8f: {  	_ = 	snop  }
0x90: {  	s2 =	sld [smem:$0x3FD0];
	(tm) =	ssettm $0x1  }
0x91: {  	s18 =	sld [smem:$0x3FFB];
	_ =	sdelay $0x3  }
0x92: {  	_ =	strace s18  }
0x93: {  	s3 =	sld [smem:$0x3FFC];
	_ =	sdelay $0x3  }
0x94: {  	_ =	strace s3  }
0x95: {  	s3 =	sld [smem:$0x3FFD];
	_ =	sdelay $0x3  }
0x96: {  	_ =	strace s3  }
0x97: {  	_ =	strace $0x8FFFFFFF  }
0x98: {  	s19 =	sld [smem:$0x3FDB];
	_ =	sdelay $0x1  }
0x99: {  	s4 =	simm.s32 $_scs_section_size  }
0x9a: {  	s5 =	simm.s32 $_size__tile_overlayer_lowered;
	s6 =	simm.s32 $_tile_overlayer_lowered  }
0x9b: {  	s22 =	simm.s32 $0x1BFF;
	s21 =	sshll.u32 s6, $0x1;
	s3 =	sadd.s32 s4, s19  }
0x9c: {  	s7 =	simm.s32 $0x0;
	s20 =	sshll.u32 s5, $0x1;
	s5 =	sadd.s32 s21, s3  }
0x9d: {  	[timem:s7], [sflag:s22] =	dma.local [hbm:s5], s20  }
0x9e: {  	_ =	swait.ge [sflag:s22], s20  }
0x9f: {  	s4 =	ssub.s32 $0x0, s20;
	[sflag:s22] =	ssyncset.done $0x0  }
0xa0: {  	[sflag:s22] =	ssyncadd.s32 s4;
	_ =	sdelay $0x1  }
0xa1: {  	s23 =	simm.s32 $0x1B8B  }
0xa2: {  	_ =	swait.ge [sflag:s23], $0x1  }
0xa3: {  	[sflag:s23] =	ssyncset.done $0x0  }
0xa4: {  	s25 =	simm.s32 $0x1B8E;
	s24 =	sld [smem:$0x3FFE];
	[sflag:s23] =	ssyncadd.s32 $0xFFFFFFFF  }
0xa5: {  	s26 =	simm.s32 $execute0_lowered;
	[smem:$0x3FD2] =	sst s25  }
0xa6: {  	s5 =	sshll.u32 s26, $0x1;
	_ =	strace $0x8000004F;
	[dreg:$0x1] =	wrdreg $0xFFFFFFFF  }
0xa7: {  	s28 =	simm.s32 $_size_execute0_lowered;
	s3 =	sadd.s32 s3, s5;
	[dreg:$0x0] =	wrdreg $0x0  }
0xa8: {  	s5 =	sshll.u32 s28, $0x1;
	[dreg:$0x2] =	wrdreg s3  }
0xa9: {  	[dreg:$0x3] =	wrdreg s5  }
0xaa: {  	[dreg:$0x4] =	wrdreg $0xC0  }
0xab: {  	_ =	task [dreg:s7], $0x5FFFF  }
0xac: {  	[dreg:$0x1] =	wrdreg $0xFFFFFFFF  }
0xad: {  	[dreg:$0x0] =	wrdreg $0x60  }
0xae: {  	[dreg:$0x2] =	wrdreg s2  }
0xaf: {  	[dreg:$0x3] =	wrdreg s24  }
0xb0: {  	[dreg:$0x4] =	wrdreg $0xB8000  }
0xb1: {  	[dreg:$0x5] =	wrdreg $0x9  }
0xb2: {  	_ =	task.clear_ibuf [dreg:s7], $0x6FFFF;
	_ =	strace $0x9000004F  }
0xb3: {  	s29 =	simm.s32 $0x9;
	_ =	strace $0x80000051  }
0xb4: {  	_ =	swait.ge [sflag:s29], $0x1  }
0xb5: {  	[sflag:s29] =	ssyncadd.s32 $0xFFFFFFFF  }
0xb6: {  	_ =	strace $0x90000051  }
0xb7: {  	_ =	sfence  }
0xb8: {  	s30 =	sld [smem:$0x0];
	_ =	sdelay $0x2  }
0xb9: {  	s31 =	sshll.u32 s1, $0xD;
	s1 =	sshrl.u32 s1, $0x2  }
0xba: {  	s3 =	sand.u32 $0x4000, s31;
	s1 =	sadd.s32 s1, s30  }
0xbb: {  	s0 =	sor.u32 s3, s0;
	s1 =	sshll.u32 s1, $0x11  }
0xbc: {  	s0 =	sor.u32 s1, s0  }
0xbd: {  	s0 =	sadd.s32 $0x8F2B, s0  }
0xbe: {  	[sflag:s0] =	ssyncadd.remote.s32 $0x1  }
0xbf: {  	_ =	sfence.sel $0xFFFF  }
0xc0: {  	[dreg:$0x0] =	wrdreg $0xFFFFFFFF;
	(pc) =	sbr.abs _section_cstart, $3  }
0xc1: {  	[dreg:$0x1] =	wrdreg $0xFFFFFFFF  }
0xc2: {  	_ =	task.clear_ibuf [dreg:s7], $0x2FFFF;
	_ =	strace $0x9FFFFFFF  }
0xc3: {  	(tm) =	ssettm $0x7FFFFFFF  }
tec
execute0_lowered:
.L_overlay_start_1:
0x0: {  	(tag) =	ssettag $0x1  }
0x1: {  	s2 =	rddreg [dreg:$0x0]  }
0x2: {  	s0 =	rddreg [dreg:$0x1]  }
0x3: {  	s3 =	rddreg [dreg:$0x2]  }
0x4: {  	s7 =	stileid.u32;
	s4 =	srdreg.scid  }
0x5: {  	s6 =	simm.s32 $0x0;
	s28 =	simm.s32 $0x2;
	s1 =	smul.u32 $0x500, s7  }
0x6: {  	s29 =	simm.s32 $0x3;
	s30 =	simm.s32 $0x4;
	s5 =	smul.u32 $0x2710, s7  }
0x7: {  	s31 =	simm.s32 $0x0;
	s4 =	sand.u32 $0x1, s4;
	s7 =	smul.u32 $0x4E200, s7  }
0x8: {  	[smem:$0x7FF] =	sst s6;
	s19 =	smul.u32 $0x27100, s4;
	s20 =	ssub.s32 $0x2, s4  }
0x9: {  	_ =	strace $0x80000050;
	s1 =	sadd.s32 s1, s0;
	s21 =	sshrl.u32 s20, $0x1  }
0xa: {  	s7 =	sshrl.u32 s7, $0x2;
	s5 =	sadd.s32 s5, s19;
	s22 =	sadd.s32 $0xC000, s1  }
0xb: {  	s6 =	sadd.s32 s7, s3;
	s23 =	sadd.s32 $0x2000, s1;
	s17 =	sadd.s32 $0x1AE00, s1  }
0xc: {  	s0 =	sadd.s32 s5, s0;
	s5 =	ssub.s32 s20, s21;
	[dreg:$0x4] =	wrdreg s22  }
0xd: {  	[dreg:$0x5] =	wrdreg s23;
	s24 =	sadd.s32 $0x2000, s6;
	s25 =	sadd.s32 $0x4000, s6  }
0xe: {  	s26 =	sadd.s32 $0x6000, s6;
	s11 =	sadd.s32 $0x8000, s6;
	s12 =	sadd.s32 $0xA000, s6  }
0xf: {  	s13 =	sadd.s32 $0xC000, s6;
	s14 =	sadd.s32 $0xE000, s6;
	s15 =	sadd.s32 $0x10000, s6  }
0x10: {  	s16 =	sadd.s32 $0x12000, s6;
	s21 =	simm.s32 $0x5;
	[dreg:$0x6] =	wrdreg s24  }
0x11: {  	s22 =	simm.s32 $0x5000;
	s23 =	simm.s32 $0x7800;
	[dreg:$0x7] =	wrdreg s25  }
0x12: {  	[dreg:$0x8] =	wrdreg s26;
	s18 =	sadd.s32 $0x6E000, s0;
	s19 =	smax.u32 s5, $0x1  }
0x13: {  	v1 =	vimm.f32 $0.0e+00;
	v0 =	vmov s4;
	s24 =	simm.s32 $0x40;
	s25 =	simm.s32 $0x9800;
	s26 =	simm.s32 $0x1  }
.LBB2_1:
0x14: {  	s0 =	simm.s32 $0x0;
	s1 =	rddreg [dreg:$0x4];
	s4 =	simm.s32 $0x2800  }
0x15: {  	[tilespmem:s4], [sflag:$0x5] =	stream.linear.gather [hbm4b:s1+s0], $0x2800, $0x38;
	[tilespmem:$0x1F080] =	vst v63  }
0x16: {  	_ =	swait.ge [sflag:s21], $0x2800  }
0x17: {  	[sflag:s21] =	ssyncset.done $0x0  }
0x18: {  	s20 =	rddreg [dreg:$0x5];
	[sflag:s21] =	ssyncadd.s32 $0xFFFFD800  }
0x19: {  	[tilespmem:s22], [sflag:$0x5] =	stream.linear.gather [hbm4b:s20+s0], $0x2800, $0x38;
	[tilespmem:$0x1F080] =	vst v63  }
0x1a: {  	_ =	swait.ge [sflag:s21], $0x2800  }
0x1b: {  	[sflag:s21] =	ssyncset.done $0x0  }
0x1c: {  	s1 =	simm.s32 $0x200;
	s0 =	simm.s32 $0x0;
	[sflag:s21] =	ssyncadd.s32 $0xFFFFD800  }
.LBB2_2:
0x1d: {  	p0 =	sne.s32 s1, $0x7E00;
	[tilespmem:s0+$0x7870] =	vst v1  }
0x1e: {  	[tilespmem:s0+$0x7800] =	vst v1  }
0x1f: {  	[tilespmem:s0+$0x7810] =	vst v1  }
.Ltmp0:
0x20: {  	[tilespmem:s0+$0x7820] =	vst v1;
	(pc) =	sbr.rel @p0 .LBB2_2-.Ltmp0, $4  }
0x21: {  	[tilespmem:s0+$0x7830] =	vst v1  }
0x22: {  	[tilespmem:s0+$0x7840] =	vst v1  }
0x23: {  	[tilespmem:s0+$0x7850] =	vst v1  }
0x24: {  	[tilespmem:s0+$0x7860] =	vst v1;
	s0 =	sshra.s32 s1, $0x2;
	s1 =	sadd.s32 $0x200, s1  }
0x25: {  	[tilespmem:s0+$0x7870] =	vst v1  }
0x26: {  	[tilespmem:s0+$0x7800] =	vst v1  }
0x27: {  	[tilespmem:s0+$0x7810] =	vst v1  }
0x28: {  	[tilespmem:s0+$0x7820] =	vst v1  }
0x29: {  	[tilespmem:s0+$0x7830] =	vst v1  }
0x2a: {  	[tilespmem:s0+$0x7840] =	vst v1  }
0x2b: {  	[tilespmem:s0+$0x7850] =	vst v1  }
0x2c: {  	[tilespmem:s0+$0x7860] =	vst v1  }
0x2d: {  	[spmem:s6] =	stream.linear.scatter [tilespmem:s23], [sflag:$0x5], $0x2000, $0x38;
	[tilespmem:$0x1F080] =	vst v63  }
0x2e: {  	_ =	swait.ge [sflag:s21], $0x2000  }
0x2f: {  	[sflag:s21] =	ssyncset.done $0x0  }
0x30: {  	s8 =	rddreg [dreg:$0x6];
	[sflag:s21] =	ssyncadd.s32 $0xFFFFE000  }
0x31: {  	[spmem:s8] =	stream.linear.scatter [tilespmem:s23], [sflag:$0x5], $0x2000, $0x38;
	[tilespmem:$0x1F080] =	vst v63  }
0x32: {  	_ =	swait.ge [sflag:s21], $0x2000  }
0x33: {  	[sflag:s21] =	ssyncset.done $0x0  }
0x34: {  	s9 =	rddreg [dreg:$0x7];
	[sflag:s21] =	ssyncadd.s32 $0xFFFFE000  }
0x35: {  	[spmem:s9] =	stream.linear.scatter [tilespmem:s23], [sflag:$0x5], $0x2000, $0x38;
	[tilespmem:$0x1F080] =	vst v63  }
0x36: {  	_ =	swait.ge [sflag:s21], $0x2000  }
0x37: {  	[sflag:s21] =	ssyncset.done $0x0  }
0x38: {  	s10 =	rddreg [dreg:$0x8];
	[sflag:s21] =	ssyncadd.s32 $0xFFFFE000  }
0x39: {  	[spmem:s10] =	stream.linear.scatter [tilespmem:s23], [sflag:$0x5], $0x2000, $0x38;
	[tilespmem:$0x1F080] =	vst v63  }
0x3a: {  	_ =	swait.ge [sflag:s21], $0x2000  }
0x3b: {  	[sflag:s21] =	ssyncset.done $0x0  }
0x3c: {  	[sflag:s21] =	ssyncadd.s32 $0xFFFFE000  }
0x3d: {  	[spmem:s11] =	stream.linear.scatter [tilespmem:s23], [sflag:$0x5], $0x2000, $0x38;
	[tilespmem:$0x1F080] =	vst v63  }
0x3e: {  	_ =	swait.ge [sflag:s21], $0x2000  }
0x3f: {  	[sflag:s21] =	ssyncset.done $0x0  }
0x40: {  	[sflag:s21] =	ssyncadd.s32 $0xFFFFE000  }
0x41: {  	[spmem:s12] =	stream.linear.scatter [tilespmem:s23], [sflag:$0x5], $0x2000, $0x38;
	[tilespmem:$0x1F080] =	vst v63  }
0x42: {  	_ =	swait.ge [sflag:s21], $0x2000  }
0x43: {  	[sflag:s21] =	ssyncset.done $0x0  }
0x44: {  	[sflag:s21] =	ssyncadd.s32 $0xFFFFE000  }
0x45: {  	[spmem:s13] =	stream.linear.scatter [tilespmem:s23], [sflag:$0x5], $0x2000, $0x38;
	[tilespmem:$0x1F080] =	vst v63  }
0x46: {  	_ =	swait.ge [sflag:s21], $0x2000  }
0x47: {  	[sflag:s21] =	ssyncset.done $0x0  }
0x48: {  	[sflag:s21] =	ssyncadd.s32 $0xFFFFE000  }
0x49: {  	[spmem:s14] =	stream.linear.scatter [tilespmem:s23], [sflag:$0x5], $0x2000, $0x38;
	[tilespmem:$0x1F080] =	vst v63  }
0x4a: {  	_ =	swait.ge [sflag:s21], $0x2000  }
0x4b: {  	[sflag:s21] =	ssyncset.done $0x0  }
0x4c: {  	[sflag:s21] =	ssyncadd.s32 $0xFFFFE000  }
0x4d: {  	[spmem:s15] =	stream.linear.scatter [tilespmem:s23], [sflag:$0x5], $0x2000, $0x38;
	[tilespmem:$0x1F080] =	vst v63  }
0x4e: {  	_ =	swait.ge [sflag:s21], $0x2000  }
0x4f: {  	[sflag:s21] =	ssyncset.done $0x0  }
0x50: {  	[sflag:s21] =	ssyncadd.s32 $0xFFFFE000  }
0x51: {  	[spmem:s16] =	stream.linear.scatter [tilespmem:s23], [sflag:$0x5], $0x1880, $0x38;
	[tilespmem:$0x1F080] =	vst v63  }
0x52: {  	_ =	swait.ge [sflag:s21], $0x1880  }
0x53: {  	[sflag:s21] =	ssyncset.done $0x0  }
0x54: {  	s20 =	simm.s32 $0x0;
	[sflag:s21] =	ssyncadd.s32 $0xFFFFE780  }
0x55: {  	[tilespmem:s20], [sflag:$0x5] =	stream.linear.gather [hbm4b:s17+s20], $0x2800, $0x38;
	[tilespmem:$0x1F080] =	vst v63  }
0x56: {  	_ =	swait.ge [sflag:s21], $0x2800  }
0x57: {  	[sflag:s21] =	ssyncset.done $0x0  }
0x58: {  	s0 =	simm.s32 $0x0;
	s1 =	simm.s32 $0x40;
	[sflag:s21] =	ssyncadd.s32 $0xFFFFD800  }
.LBB2_4:
0x59: {  	p0 =	sne.s32 s1, $0x9FC0;
	v2 =	vld [tilespmem:s0+$0x0];
	_ =	sdelay $0x2  }
.Ltmp1:
0x5a: {  	(pc) =	sbr.rel @p0 .LBB2_4-.Ltmp1, $4  }
0x5b: {  	_ = 	snop  }
0x5c: {  	v2 =	vshll.u32 v2, $0x1  }
0x5d: {  	v2 =	vor.u32 v0, v2  }
0x5e: {  	[tilespmem:s0+$0x0] =	vst v2;
	s0 =	sshra.s32 s1, $0x2;
	s1 =	sadd.s32 $0x40, s1  }
0x5f: {  	v2 =	vld [tilespmem:s0+$0x0];
	_ =	sdelay $0x4  }
0x60: {  	v2 =	vshll.u32 v2, $0x1  }
0x61: {  	v2 =	vor.u32 v0, v2  }
0x62: {  	s20 =	simm.s32 $0x0;
	[tilespmem:s0+$0x0] =	vst v2;
	s0 =	simm.s32 $0x40  }
0x63: {  	[tilespmem:s23], [sflag:$0x1] =	stream.indirect.gather [hbm4b:s2+s0], $0x80, s20, s0, $0xb8;
	[tilespmem:$0x1F080] =	vst v63  }
0x64: {  	s1 =	simm.s32 $0x0;
	[bflag:$0x0] =	sbarrier.arrive $0xFFFF  }
.LBB2_6:
0x65: {  	p0 =	seq.s32 s1, $0x0  }
0x66: {  	s4 =	simm.s32 @!p0 $0x4  }
0x67: {  	_ =	swait.ge @!p0 [sflag:s4], $0x2000  }
0x68: {  	s5 =	sshll.u32 s1, $0x7;
	[sflag:s4] =	ssyncset.done @!p0 $0x0  }
0x69: {  	[sflag:s4] =	ssyncadd.s32 @!p0 $0xFFFFE000;
	s4 =	sor.u32 $0x40, s5  }
0x6a: {  	[tilespmem:s25], [sflag:$0x2] =	stream.indirect.gather [hbm4b:s2+s24], $0x80, s4, s24, $0xb8;
	[tilespmem:$0x1F080] =	vst v63  }
0x6b: {  	s10 =	sadd.s32 $0x0, s20;
	_ =	swait.ge [sflag:s26], $0x2000  }
0x6c: {  	v2 =	vmov s10;
	[sflag:s26] =	ssyncset.done $0x0  }
0x6d: {  	s5 =	simm.s32 $0x7840;
	[sflag:s26] =	ssyncadd.s32 $0xFFFFE000  }
0x6e: {  	v6 =	vld [tilespmem:s5+$0x30]  }
0x6f: {  	v9 =	vld [tilespmem:s5+$0x10]  }
0x70: {  	v7 =	vld [tilespmem:s5+$0xFFFFFFC0]  }
0x71: {  	v3 =	vld.idx.msk [tilespmem:v2+s22+$0x0], $0xffff  }
0x72: {  	v11 =	vld [tilespmem:s5+$0xFFFFFFE0]  }
0x73: {  	v2 =	vld [tilespmem:s5+$0xFFFFFFF0]  }
0x74: {  	v4 =	vld [tilespmem:s5+$0x20]  }
0x75: {  	v5 =	vld [tilespmem:s5+$0xFFFFFFD0]  }
0x76: {  	v10 =	vmul.f32 v6, v3;
	v6 =	vld [tilespmem:s5+$0x0]  }
0x77: {  	v8 =	vmul.f32 v7, v3  }
0x78: {  	s7 =	sshll.u32 s1, $0x9;
	s8 =	simm.s32 $0x1;
	s9 =	simm.s32 $0x7840;
	v7 =	vmul.f32 v11, v3;
	v9 =	vmul.f32 v9, v3  }
.LBB2_7:
0x79: {  	p0 =	sne.s32 s8, $0x3F  }
0x7a: {  	v5 =	vmul.f32 v5, v3;
	v4 =	vmul.f32 v4, v3;
	[tilespmem:s5+$0x30] =	vst v10;
	s9 =	sadd.s32 $0x80, s9;
	s10 =	smov.u32 s8;
	s8 =	sadd.s32 $0x1, s8  }
0x7b: {  	[tilespmem:s5+$0xFFFFFFC0] =	vst v8;
	v8 =	vmul.f32 v2, v3;
	v3 =	vmul.f32 v6, v3  }
0x7c: {  	s10 =	sadd.s32 s10, s20;
	[tilespmem:s5+$0x10] =	vst v9  }
0x7d: {  	v6 =	vmov s10;
	[tilespmem:s5+$0xFFFFFFE0] =	vst v7  }
0x7e: {  	v2 =	vld [tilespmem:s9+$0xFFFFFFF0];
	[tilespmem:s5+$0xFFFFFFF0] =	vst v8  }
0x7f: {  	v7 =	vld [tilespmem:s9+$0x30];
	[tilespmem:s5+$0x0] =	vst v3  }
0x80: {  	v9 =	vld [tilespmem:s9+$0x10];
	[tilespmem:s5+$0x20] =	vst v4  }
0x81: {  	v8 =	vld [tilespmem:s9+$0xFFFFFFC0];
	[tilespmem:s5+$0xFFFFFFD0] =	vst v5;
	s5 =	smov.u32 s9  }
0x82: {  	v3 =	vld.idx.msk [tilespmem:v6+s22+$0x0], $0xffff  }
0x83: {  	v11 =	vld [tilespmem:s9+$0xFFFFFFE0]  }
0x84: {  	v4 =	vld [tilespmem:s9+$0x20]  }
.Ltmp2:
0x85: {  	v5 =	vld [tilespmem:s9+$0xFFFFFFD0];
	(pc) =	sbr.rel @p0 .LBB2_7-.Ltmp2, $3  }
0x86: {  	v6 =	vld [tilespmem:s9+$0x0];
	_ =	sdelay $0x1  }
0x87: {  	v8 =	vmul.f32 v8, v3;
	v10 =	vmul.f32 v7, v3  }
0x88: {  	v9 =	vmul.f32 v9, v3;
	v7 =	vmul.f32 v11, v3  }
0x89: {  	[tilespmem:s5+$0x30] =	vst v10  }
0x8a: {  	[tilespmem:s5+$0xFFFFFFC0] =	vst v8  }
0x8b: {  	v2 =	vmul.f32 v2, v3;
	[tilespmem:s5+$0x10] =	vst v9  }
0x8c: {  	v4 =	vmul.f32 v4, v3;
	[tilespmem:s5+$0xFFFFFFE0] =	vst v7  }
0x8d: {  	v6 =	vmul.f32 v6, v3;
	[tilespmem:s5+$0xFFFFFFF0] =	vst v2  }
0x8e: {  	v2 =	vmul.f32 v5, v3;
	[tilespmem:s5+$0x20] =	vst v4  }
0x8f: {  	s8 =	sshrl.u32 s7, $0x2;
	[tilespmem:s5+$0x0] =	vst v6  }
0x90: {  	s10 =	sadd.s32 $0x2800, s8;
	[tilespmem:s5+$0xFFFFFFD0] =	vst v2  }
0x91: {  	[spmem:s3] =	stream.indirect.scatter.add.f32 [tilespmem:s23], [sflag:$0x3], $0x80, s10, s24, $0xb8;
	[tilespmem:$0x1F080] =	vst v63  }
0x92: {  	_ =	swait.ge [sflag:s28], $0x2000  }
0x93: {  	[sflag:s28] =	ssyncset.done $0x0  }
0x94: {  	[sflag:s28] =	ssyncadd.s32 $0xFFFFE000  }
0x95: {  	p0 =	seq.s32 s1, $0x4F;
	s9 =	sadd.s32 $0x0, s0;
	_ =	swait.ge [sflag:s29], $0x2000  }
0x96: {  	s8 =	simm.s32 @!p0 $0x7800;
	s5 =	sshrl.u32 @!p0 s7, $0x2;
	[sflag:s29] =	ssyncset.done $0x0  }
0x97: {  	s7 =	simm.s32 @!p0 $0x40;
	s5 =	sadd.s32 @!p0 $0x80, s5;
	[sflag:s29] =	ssyncadd.s32 $0xFFFFE000  }
0x98: {  	v2 =	vmov s9;
	[tilespmem:s8], [sflag:$0x1] =	stream.indirect.gather @!p0 [hbm4b:s2+s7], $0x80, s5, s7, $0xb8;
	[tilespmem:$0x1F080] =	vst v63  }
0x99: {  	s5 =	simm.s32 $0x9840  }
0x9a: {  	v6 =	vld [tilespmem:s5+$0x30]  }
0x9b: {  	v9 =	vld [tilespmem:s5+$0x10]  }
0x9c: {  	v7 =	vld [tilespmem:s5+$0xFFFFFFC0]  }
0x9d: {  	v3 =	vld.idx.msk [tilespmem:v2+s22+$0x0], $0xffff  }
0x9e: {  	v11 =	vld [tilespmem:s5+$0xFFFFFFE0]  }
0x9f: {  	v2 =	vld [tilespmem:s5+$0xFFFFFFF0]  }
0xa0: {  	v4 =	vld [tilespmem:s5+$0x20]  }
0xa1: {  	v5 =	vld [tilespmem:s5+$0xFFFFFFD0]  }
0xa2: {  	v10 =	vmul.f32 v6, v3;
	v6 =	vld [tilespmem:s5+$0x0]  }
0xa3: {  	v8 =	vmul.f32 v7, v3  }
0xa4: {  	s7 =	simm.s32 $0x1;
	s8 =	simm.s32 $0x9840;
	v7 =	vmul.f32 v11, v3;
	v9 =	vmul.f32 v9, v3  }
.LBB2_9:
0xa5: {  	p0 =	sne.s32 s7, $0x3F  }
0xa6: {  	v5 =	vmul.f32 v5, v3;
	v4 =	vmul.f32 v4, v3;
	[tilespmem:s5+$0x30] =	vst v10;
	s8 =	sadd.s32 $0x80, s8;
	s9 =	smov.u32 s7;
	s7 =	sadd.s32 $0x1, s7  }
0xa7: {  	[tilespmem:s5+$0xFFFFFFC0] =	vst v8;
	v8 =	vmul.f32 v2, v3;
	v3 =	vmul.f32 v6, v3  }
0xa8: {  	s9 =	sadd.s32 s9, s0;
	[tilespmem:s5+$0x10] =	vst v9  }
0xa9: {  	v6 =	vmov s9;
	[tilespmem:s5+$0xFFFFFFE0] =	vst v7  }
0xaa: {  	v2 =	vld [tilespmem:s8+$0xFFFFFFF0];
	[tilespmem:s5+$0xFFFFFFF0] =	vst v8  }
0xab: {  	v7 =	vld [tilespmem:s8+$0x30];
	[tilespmem:s5+$0x0] =	vst v3  }
0xac: {  	v9 =	vld [tilespmem:s8+$0x10];
	[tilespmem:s5+$0x20] =	vst v4  }
0xad: {  	v8 =	vld [tilespmem:s8+$0xFFFFFFC0];
	[tilespmem:s5+$0xFFFFFFD0] =	vst v5;
	s5 =	smov.u32 s8  }
0xae: {  	v3 =	vld.idx.msk [tilespmem:v6+s22+$0x0], $0xffff  }
0xaf: {  	v11 =	vld [tilespmem:s8+$0xFFFFFFE0]  }
0xb0: {  	v4 =	vld [tilespmem:s8+$0x20]  }
.Ltmp3:
0xb1: {  	v5 =	vld [tilespmem:s8+$0xFFFFFFD0];
	(pc) =	sbr.rel @p0 .LBB2_9-.Ltmp3, $3  }
0xb2: {  	v6 =	vld [tilespmem:s8+$0x0];
	_ =	sdelay $0x1  }
0xb3: {  	v8 =	vmul.f32 v8, v3;
	v10 =	vmul.f32 v7, v3  }
0xb4: {  	v9 =	vmul.f32 v9, v3;
	v7 =	vmul.f32 v11, v3  }
0xb5: {  	[tilespmem:s5+$0x30] =	vst v10  }
0xb6: {  	[tilespmem:s5+$0xFFFFFFC0] =	vst v8  }
0xb7: {  	v2 =	vmul.f32 v2, v3;
	s1 =	sadd.s32 $0x1, s1;
	[tilespmem:s5+$0x10] =	vst v9  }
0xb8: {  	v4 =	vmul.f32 v4, v3;
	[tilespmem:s5+$0xFFFFFFE0] =	vst v7;
	p0 =	sne.s32 s1, $0x50  }
.Ltmp4:
0xb9: {  	v6 =	vmul.f32 v6, v3;
	[tilespmem:s5+$0xFFFFFFF0] =	vst v2;
	(pc) =	sbr.rel @p0 .LBB2_6-.Ltmp4, $4  }
0xba: {  	v2 =	vmul.f32 v5, v3;
	[tilespmem:s5+$0x20] =	vst v4  }
0xbb: {  	[tilespmem:s5+$0x0] =	vst v6  }
0xbc: {  	s4 =	sadd.s32 $0x2800, s4;
	s20 =	sadd.s32 $0x80, s20;
	s0 =	sadd.s32 $0x80, s0;
	[tilespmem:s5+$0xFFFFFFD0] =	vst v2  }
0xbd: {  	[spmem:s3] =	stream.indirect.scatter.add.f32 [tilespmem:s25], [sflag:$0x4], $0x80, s4, s24, $0xb8;
	[tilespmem:$0x1F080] =	vst v63  }
0xbe: {  	_ =	swait.ge [sflag:s30], $0x2000;
	s0 =	stileid.u32  }
0xbf: {  	s1 =	sshrl.u32 s6, $0x3;
	s31 =	sadd.s32 $0x1, s31;
	[sflag:s30] =	ssyncset.done $0x0  }
0xc0: {  	s0 =	sshll.u32 s0, $0x6;
	p0 =	sne.s32 s31, s19;
	[sflag:s30] =	ssyncadd.s32 $0xFFFFE000  }
.Ltmp5:
0xc1: {  	s0 =	sor.u32 $0x1C05, s0;
	[bflag:$0x0] =	sbarrier.arrive $0xFFFF;
	(pc) =	sbr.rel @p0 .LBB2_1-.Ltmp5, $4  }
0xc2: {  	[hbm:s18], [sflag:s0] =	dma.local [spmem:s1], $0x2710  }
0xc3: {  	_ =	swait.ge [sflag:s21], $0x2710  }
0xc4: {  	[sflag:s21] =	ssyncset.done $0x0  }
0xc5: {  	[sflag:s21] =	ssyncadd.s32 $0xFFFFD8F0  }
0xc6: {  	_ =	sfence.sel $0x180000  }
0xc7: {  	[bflag:$0x0] =	sbarrier.arrive $0xFFFF  }
0xc8: {  	_ =	strace $0x90000050  }
0xc9: {  	s0 =	stileid.u32;
	[bflag:$0x2] =	sbarrier.arrive $0xFFFF  }
0xca: {  	p0 =	sne.s32 s0, $0x0;
	s0 =	rddreg [dreg:$0x3]  }
0xcb: {  	s0 =	sadd.s32 @!p0 $0x100000, s0  }
0xcc: {  	[sflag:s0] =	ssyncadd.tile.s32 @!p0 $0x1;
	_ =	shalt  }
.Lfunc_end2:
_tile_overlayer_lowered:
.L_overlay_start_2:
0xcd: {  	(tag) =	ssettag $0x2  }
0xce: {  	s0 =	rddreg [dreg:$0x0];
	s2 =	stileid.u32  }
0xcf: {  	s1 =	rddreg [dreg:$0x1];
	p0 =	sne.s32 s2, $0x0  }
0xd0: {  	s3 =	rddreg [dreg:$0x2];
	[bflag:$0x3] =	sbarrier.arrive $0xFFFF;
	s2 =	simm.s32 @!p0 $0x1C05  }
0xd1: {  	[timem:s3], [sflag:s2] =	dma.local @!p0 [hbm:s0], s1  }
0xd2: {  	s0 =	simm.s32 @!p0 $0x5  }
0xd3: {  	_ =	swait.ge @!p0 [sflag:s0], s1  }
0xd4: {  	s1 =	ssub.s32 @!p0 $0x0, s1;
	[sflag:s0] =	ssyncset.done @!p0 $0x0  }
0xd5: {  	[sflag:s0] =	ssyncadd.s32 @!p0 s1  }
0xd6: {  	[bflag:$0x3] =	sbarrier.arrive $0xFFFF  }
0xd7: {  	_ =	shalt  }

</sc_bundles>
